<compile_context>
chip_gen: v7x
topology: tpu7x:2x2x1
jax: 0.10.2.dev20260603
libtpu: 0.0.44.dev20260713+nightly
codegen_flags: <defaults>
</compile_context>

<pallas_src>
import functools

import jax
import jax.numpy as jnp
from jax import lax
from jax.experimental import pallas as pl
from jax.experimental.pallas import tpu as pltpu
from jax.experimental.pallas import tpu_sc as plsc

N = 10000
E = 320000
H = 128
G = 128
OUT = 128

NC = 2
NS = 16
NW = NC * NS
C = 128
NCH = 80
EPW = NCH * C
EP = NW * EPW
NBUF = 2
NG = NCH // NBUF
NSPL = 2
NP = 10240
RPS = NP // NS

_mesh = plsc.VectorSubcoreMesh(core_axis_name="c", subcore_axis_name="s")


@functools.partial(
    pl.kernel,
    out_type=jax.ShapeDtypeStruct((NC, NP, H), jnp.float32),
    mesh=_mesh,
    scratch_types=[
        pltpu.VMEM((NCH, C), jnp.int32),
        pltpu.VMEM((NCH // 2, C), jnp.int32),
        pltpu.VMEM((NBUF, C, H), jnp.float32),
        pltpu.VMEM_SHARED((NP, H), jnp.float32),
        pltpu.SemaphoreType.DMA((NBUF, NSPL)),
    ],
)
def _sc_aggregate(h_hbm, src_hbm, dst_hbm, out_hbm,
                  src_v, dst_v, rows_v, acc_sh, gsems):
    c = lax.axis_index("c")
    s = lax.axis_index("s")
    wid = s * NC + c

    pltpu.sync_copy(src_hbm.at[wid], src_v)
    pltpu.sync_copy(dst_hbm.at[wid].at[pl.ds(0, NCH // 2)], dst_v)

    CS = C // NSPL

    def _gather_start(j, b):
        for k in range(NSPL):
            pltpu.async_copy(h_hbm.at[src_v.at[j].at[pl.ds(k * CS, CS)]],
                             rows_v.at[b].at[pl.ds(k * CS, CS)],
                             gsems.at[b].at[k])

    def _gather_wait(j, b):
        for k in range(NSPL):
            pltpu.make_async_copy(h_hbm.at[src_v.at[j].at[pl.ds(k * CS, CS)]],
                                  rows_v.at[b].at[pl.ds(k * CS, CS)],
                                  gsems.at[b].at[k]).wait()

    def _scatter(j, b):
        pltpu.sync_copy(rows_v.at[b],
                        acc_sh.at[dst_v.at[lax.rem(j, NCH // 2)]], add=True)

    for b in range(1, NBUF):
        _gather_start(b, b)

    zvec = jnp.zeros((16,), jnp.float32)

    def _zrow(r, _):
        for j in range(H // 16):
            rows_v[0, r, pl.ds(j * 16, 16)] = zvec
        return 0

    lax.fori_loop(0, C, _zrow, 0)
    nz = RPS // C
    for k in range(nz):
        pltpu.async_copy(rows_v.at[0],
                         acc_sh.at[pl.ds(s * RPS + k * C, C)],
                         gsems.at[0].at[0])
    for k in range(nz):
        pltpu.make_async_copy(rows_v.at[0],
                              acc_sh.at[pl.ds(s * RPS + k * C, C)],
                              gsems.at[0].at[0]).wait()
    plsc.subcore_barrier()
    _gather_start(0, 0)

    def _outer(g, _):
        @pl.when(g == NG // 2)
        def _reload():
            pltpu.sync_copy(dst_hbm.at[wid].at[pl.ds(NCH // 2, NCH // 2)],
                            dst_v)

        for b in range(NBUF):
            j = g * NBUF + b
            _gather_wait(j, b)
            _scatter(j, b)
            _gather_start(j + NBUF, b)
        return 0

    lax.fori_loop(0, NG - 1, _outer, 0)
    for b in range(NBUF):
        j = (NG - 1) * NBUF + b
        _gather_wait(j, b)
        _scatter(j, b)
    plsc.subcore_barrier()

    r0 = s * RPS
    pltpu.sync_copy(acc_sh.at[pl.ds(r0, RPS)],
                    out_hbm.at[c].at[pl.ds(r0, RPS)])


BLK = 1000
NBLK = N // BLK


def _mlp_body(h_ref, p_ref, wa_ref, ba_ref, wb_ref, bb_ref, o_ref):
    t = h_ref[...] + p_ref[0] + p_ref[1]
    u = jnp.dot(t, wa_ref[...], preferred_element_type=jnp.float32) + ba_ref[...]
    u = jnp.maximum(u, 0.0)
    v = jnp.dot(u, wb_ref[...], preferred_element_type=jnp.float32) + bb_ref[...]
    o_ref[...] = jnp.maximum(v, 0.0)


def _tc_mlp(h, parts, wa, ba, wb, bb):
    return pl.pallas_call(
        _mlp_body,
        grid=(NBLK,),
        in_specs=[
            pl.BlockSpec((BLK, H), lambda i: (i, 0)),
            pl.BlockSpec((NC, BLK, H), lambda i: (0, i, 0)),
            pl.BlockSpec((H, H), lambda i: (0, 0)),
            pl.BlockSpec((1, H), lambda i: (0, 0)),
            pl.BlockSpec((H, H), lambda i: (0, 0)),
            pl.BlockSpec((1, H), lambda i: (0, 0)),
        ],
        out_specs=pl.BlockSpec((BLK, H), lambda i: (i, 0)),
        out_shape=jax.ShapeDtypeStruct((N, H), jnp.float32),
    )(h, parts, wa, ba, wb, bb)


def _pool_body(h_ref, b_ref, w1_ref, b1_ref, w2_ref, b2_ref, o_ref, acc_ref):
    i = pl.program_id(0)

    @pl.when(i == 0)
    def _init():
        acc_ref[...] = jnp.zeros_like(acc_ref)

    bvec = b_ref[0, 0, :]
    gids = lax.broadcasted_iota(jnp.int32, (G, BLK), 0)
    onehot = (bvec[None, :] == gids).astype(jnp.float32)
    acc_ref[...] += jnp.dot(onehot, h_ref[...],
                            preferred_element_type=jnp.float32)

    @pl.when(i == pl.num_programs(0) - 1)
    def _final():
        p = acc_ref[...]
        hh = jnp.dot(p, w1_ref[...], preferred_element_type=jnp.float32)
        hh = jnp.maximum(hh + b1_ref[...], 0.0)
        logits = jnp.dot(hh, w2_ref[...],
                         preferred_element_type=jnp.float32) + b2_ref[...]
        m = jnp.max(logits, axis=1, keepdims=True)
        lse = jnp.log(jnp.sum(jnp.exp(logits - m), axis=1, keepdims=True)) + m
        o_ref[...] = logits - lse


def _tc_pool(h, batch3d, w1, b1, w2, b2):
    return pl.pallas_call(
        _pool_body,
        grid=(NBLK,),
        in_specs=[
            pl.BlockSpec((BLK, H), lambda i: (i, 0)),
            pl.BlockSpec((1, 1, BLK), lambda i: (i, 0, 0)),
            pl.BlockSpec((H, H), lambda i: (0, 0)),
            pl.BlockSpec((1, H), lambda i: (0, 0)),
            pl.BlockSpec((H, OUT), lambda i: (0, 0)),
            pl.BlockSpec((1, OUT), lambda i: (0, 0)),
        ],
        out_specs=pl.BlockSpec((G, OUT), lambda i: (0, 0)),
        out_shape=jax.ShapeDtypeStruct((G, OUT), jnp.float32),
        scratch_shapes=[pltpu.VMEM((G, H), jnp.float32)],
    )(h, batch3d, w1, b1, w2, b2)


def kernel(x, edge_index, batch,
           Wc0a, bc0a, Wc0b, bc0b,
           Wc1a, bc1a, Wc1b, bc1b,
           Wc2a, bc2a, Wc2b, bc2b,
           Wl1, bl1, Wl2, bl2):
    ep = EP - E
    pad = jnp.arange(ep, dtype=jnp.int32)
    src = jnp.concatenate([edge_index[0], pad % N]).reshape(NW, NCH, C)
    dst = jnp.concatenate([edge_index[1], N + pad % (NP - N)]).reshape(
        NW, NCH, C)
    h = x
    for (wa, ba, wb, bb) in ((Wc0a, bc0a, Wc0b, bc0b),
                             (Wc1a, bc1a, Wc1b, bc1b),
                             (Wc2a, bc2a, Wc2b, bc2b)):
        parts = _sc_aggregate(h, src, dst)
        h = _tc_mlp(h, parts, wa, ba.reshape(1, H), wb, bb.reshape(1, H))
    return _tc_pool(h, batch.reshape(NBLK, 1, BLK),
                    Wl1, bl1.reshape(1, H), Wl2, bl2.reshape(1, OUT))

# --- scband reference (transcript-rebuilt; emitter-appended) ---
"""Pipeline reference for scband-gin-13305808683278 (READ-ONLY COPY).

The authoritative reference and input builder live on the scoring server;
editing this copy changes nothing except your own understanding.
"""

import jax, jax.numpy as jnp
import numpy as np

N = 10000
E = 320000
D = 128
H = 128
OUT = 128
G = 128


def setup_inputs(seed: int = 0) -> dict:
    key = jax.random.key(seed)
    ks = jax.random.split(key, 24)
    x = jax.random.normal(ks[0], (N, D), dtype=jnp.float32)
    edge_index = jax.random.randint(ks[1], (2, E), 0, N, dtype=jnp.int32)
    batch = jnp.sort(jax.random.randint(ks[2], (N,), 0, G, dtype=jnp.int32))
    s = 1.0 / np.sqrt(H)
    inp = {"x": x, "edge_index": edge_index, "batch": batch}
    # 3 GINConv MLPs: Linear(in,hid) -> ReLU -> Linear(hid,hid)
    dims_in = [D, H, H]
    ki = 3
    for i in range(3):
        inp[f"Wc{i}a"] = jax.random.normal(ks[ki], (dims_in[i], H), dtype=jnp.float32) * (1.0 / np.sqrt(dims_in[i])); ki += 1
        inp[f"bc{i}a"] = jnp.zeros((H,), dtype=jnp.float32)
        inp[f"Wc{i}b"] = jax.random.normal(ks[ki], (H, H), dtype=jnp.float32) * s; ki += 1
        inp[f"bc{i}b"] = jnp.zeros((H,), dtype=jnp.float32)
    inp["Wl1"] = jax.random.normal(ks[ki], (H, H), dtype=jnp.float32) * s; ki += 1
    inp["bl1"] = jnp.zeros((H,), dtype=jnp.float32)
    inp["Wl2"] = jax.random.normal(ks[ki], (H, OUT), dtype=jnp.float32) * s; ki += 1
    inp["bl2"] = jnp.zeros((OUT,), dtype=jnp.float32)
    return inp


def _gin_conv(x, src, dst, Wa, ba, Wb, bb):
    # GINConv with eps=0: mlp((1+eps)*x + sum_{j->i} x_j)
    msgs = x[src]
    agg = jax.ops.segment_sum(msgs, dst, num_segments=N)
    h = x + agg
    h = jnp.maximum(h @ Wa + ba, 0.0)
    h = h @ Wb + bb
    return h


def reference(x, edge_index, batch,
              Wc0a, bc0a, Wc0b, bc0b,
              Wc1a, bc1a, Wc1b, bc1b,
              Wc2a, bc2a, Wc2b, bc2b,
              Wl1, bl1, Wl2, bl2):
    src = edge_index[0]
    dst = edge_index[1]
    h = x
    convs = [(Wc0a, bc0a, Wc0b, bc0b), (Wc1a, bc1a, Wc1b, bc1b), (Wc2a, bc2a, Wc2b, bc2b)]
    for (Wa, ba, Wb, bb) in convs:
        h = _gin_conv(h, src, dst, Wa, ba, Wb, bb)
        h = jnp.maximum(h, 0.0)
    # global_add_pool over graph-batch assignment
    pooled = jax.ops.segment_sum(h, batch, num_segments=G)
    h = jnp.maximum(pooled @ Wl1 + bl1, 0.0)
    # dropout treated as identity (deterministic eval)
    logits = h @ Wl2 + bl2
    return jax.nn.log_softmax(logits, axis=1)

if __name__ == "__main__":
    import jax
    _d = setup_inputs()
    print(jax.jit(kernel)(*tuple(_d.values())))

</pallas_src>

<mosaic_0001>
#map = affine_map<(d0, d1) -> (0, 0)>
#map1 = affine_map<(d0, d1) -> (0, 0, 0)>
module attributes {stable_mosaic.version = 14 : i64} {
  func.func @_sc_aggregate(%arg0: i32, %arg1: i32, %arg2: memref<10000x128xf32, #tpu.memory_space<hbm>>, %arg3: memref<32x80x128xi32, #tpu.memory_space<hbm>>, %arg4: memref<32x80x128xi32, #tpu.memory_space<hbm>>, %arg5: memref<2x10240x128xf32, #tpu.memory_space<hbm>>, %arg6: memref<80x128xi32, #tpu.memory_space<vmem>>, %arg7: memref<40x128xi32, #tpu.memory_space<vmem>>, %arg8: memref<2x128x128xf32, #tpu.memory_space<vmem>>, %arg9: memref<10240x128xf32, #tpu.memory_space<vmem_shared>>, %arg10: memref<2x2x!tpu.dma_semaphore, #tpu.memory_space<semaphore_mem>>) attributes {dimension_semantics = [#tpu.dimension_semantics<core_parallel>, #tpu.dimension_semantics<subcore_parallel>], iteration_bounds = array<i64: 2, 16>, scalar_prefetch = 0 : i64, scratch_operands = 5 : i64, tpu.core_type = #tpu.core_type<sc_vector_subcore>, window_params = [{transform_indices = #map}, {transform_indices = #map1}, {transform_indices = #map1}, {transform_indices = #map1}]} {
    %mul3A = arith.constant 2 : i32
    %mul3A_0 = arith.muli %arg1, %mul3A : i32
    %add3A = arith.addi %mul3A_0, %arg0 : i32
    "tpu.region"() ({
      %run_scoped3A_454 = tpu.sem_alloc : memref<!tpu.dma_semaphore, #tpu.memory_space<semaphore_mem>>
      %dma_start3A_455 = arith.constant 0 : i32
      %dma_start3A_456 = arith.constant 0 : i32
      %dma_start3A_457 = tpu.memref_slice %arg3[%add3A, %dma_start3A_455, %dma_start3A_456] : memref<32x80x128xi32, #tpu.memory_space<hbm>> -> memref<1x80x128xi32, #tpu.memory_space<hbm>>
      %dma_start3A_458 = tpu.memref_squeeze %dma_start3A_457 : memref<1x80x128xi32, #tpu.memory_space<hbm>> -> memref<80x128xi32, #tpu.memory_space<hbm>>
      %dma_start3A_459 = arith.constant 0 : i32
      %dma_start3A_460 = arith.constant 0 : i32
      %dma_start3A_461 = tpu.memref_slice %arg3[%add3A, %dma_start3A_459, %dma_start3A_460] : memref<32x80x128xi32, #tpu.memory_space<hbm>> -> memref<1x80x128xi32, #tpu.memory_space<hbm>>
      %dma_start3A_462 = tpu.memref_squeeze %dma_start3A_461 : memref<1x80x128xi32, #tpu.memory_space<hbm>> -> memref<80x128xi32, #tpu.memory_space<hbm>>
      tpu.enqueue_dma source(%dma_start3A_462 : memref<80x128xi32, #tpu.memory_space<hbm>>) target(%arg6 : memref<80x128xi32, #tpu.memory_space<vmem>>) target_semaphore(%run_scoped3A_454 : memref<!tpu.dma_semaphore, #tpu.memory_space<semaphore_mem>>)
      %dma_wait3A_463 = arith.constant 0 : i32
      %dma_wait3A_464 = arith.constant 0 : i32
      %dma_wait3A_465 = tpu.memref_slice %arg3[%add3A, %dma_wait3A_463, %dma_wait3A_464] : memref<32x80x128xi32, #tpu.memory_space<hbm>> -> memref<1x80x128xi32, #tpu.memory_space<hbm>>
      %dma_wait3A_466 = tpu.memref_squeeze %dma_wait3A_465 : memref<1x80x128xi32, #tpu.memory_space<hbm>> -> memref<80x128xi32, #tpu.memory_space<hbm>>
      %dma_wait3A_467 = arith.constant 0 : i32
      %dma_wait3A_468 = arith.constant 0 : i32
      %dma_wait3A_469 = tpu.memref_slice %arg3[%add3A, %dma_wait3A_467, %dma_wait3A_468] : memref<32x80x128xi32, #tpu.memory_space<hbm>> -> memref<1x80x128xi32, #tpu.memory_space<hbm>>
      %dma_wait3A_470 = tpu.memref_squeeze %dma_wait3A_469 : memref<1x80x128xi32, #tpu.memory_space<hbm>> -> memref<80x128xi32, #tpu.memory_space<hbm>>
      tpu.wait_dma2 semaphore(%run_scoped3A_454 : memref<!tpu.dma_semaphore, #tpu.memory_space<semaphore_mem>>) src(%dma_wait3A_470 : memref<80x128xi32, #tpu.memory_space<hbm>>) dst(%arg6 : memref<80x128xi32, #tpu.memory_space<vmem>>)
      tpu.yield
    }) : () -> ()
    "tpu.region"() ({
      %run_scoped3A_454 = tpu.sem_alloc : memref<!tpu.dma_semaphore, #tpu.memory_space<semaphore_mem>>
      %dma_start3A_455 = arith.constant 0 : i32
      %dma_start3A_456 = arith.constant 0 : i32
      %dma_start3A_457 = tpu.memref_slice %arg4[%add3A, %dma_start3A_455, %dma_start3A_456] : memref<32x80x128xi32, #tpu.memory_space<hbm>> -> memref<1x80x128xi32, #tpu.memory_space<hbm>>
      %dma_start3A_458 = tpu.memref_squeeze %dma_start3A_457 : memref<1x80x128xi32, #tpu.memory_space<hbm>> -> memref<80x128xi32, #tpu.memory_space<hbm>>
      %dma_start3A_459 = arith.constant 0 : i32
      %dma_start3A_460 = arith.constant 0 : i32
      %dma_start3A_461 = tpu.memref_slice %dma_start3A_458[%dma_start3A_459, %dma_start3A_460] : memref<80x128xi32, #tpu.memory_space<hbm>> -> memref<40x128xi32, #tpu.memory_space<hbm>>
      %dma_start3A_462 = arith.constant 0 : i32
      %dma_start3A_463 = arith.constant 0 : i32
      %dma_start3A_464 = tpu.memref_slice %arg4[%add3A, %dma_start3A_462, %dma_start3A_463] : memref<32x80x128xi32, #tpu.memory_space<hbm>> -> memref<1x80x128xi32, #tpu.memory_space<hbm>>
      %dma_start3A_465 = tpu.memref_squeeze %dma_start3A_464 : memref<1x80x128xi32, #tpu.memory_space<hbm>> -> memref<80x128xi32, #tpu.memory_space<hbm>>
      %dma_start3A_466 = arith.constant 0 : i32
      %dma_start3A_467 = arith.constant 0 : i32
      %dma_start3A_468 = tpu.memref_slice %dma_start3A_465[%dma_start3A_466, %dma_start3A_467] : memref<80x128xi32, #tpu.memory_space<hbm>> -> memref<40x128xi32, #tpu.memory_space<hbm>>
      tpu.enqueue_dma source(%dma_start3A_468 : memref<40x128xi32, #tpu.memory_space<hbm>>) target(%arg7 : memref<40x128xi32, #tpu.memory_space<vmem>>) target_semaphore(%run_scoped3A_454 : memref<!tpu.dma_semaphore, #tpu.memory_space<semaphore_mem>>)
      %dma_wait3A_469 = arith.constant 0 : i32
      %dma_wait3A_470 = arith.constant 0 : i32
      %dma_wait3A_471 = tpu.memref_slice %arg4[%add3A, %dma_wait3A_469, %dma_wait3A_470] : memref<32x80x128xi32, #tpu.memory_space<hbm>> -> memref<1x80x128xi32, #tpu.memory_space<hbm>>
      %dma_wait3A_472 = tpu.memref_squeeze %dma_wait3A_471 : memref<1x80x128xi32, #tpu.memory_space<hbm>> -> memref<80x128xi32, #tpu.memory_space<hbm>>
      %dma_wait3A_473 = arith.constant 0 : i32
      %dma_wait3A_474 = arith.constant 0 : i32
      %dma_wait3A_475 = tpu.memref_slice %dma_wait3A_472[%dma_wait3A_473, %dma_wait3A_474] : memref<80x128xi32, #tpu.memory_space<hbm>> -> memref<40x128xi32, #tpu.memory_space<hbm>>
      %dma_wait3A_476 = arith.constant 0 : i32
      %dma_wait3A_477 = arith.constant 0 : i32
      %dma_wait3A_478 = tpu.memref_slice %arg4[%add3A, %dma_wait3A_476, %dma_wait3A_477] : memref<32x80x128xi32, #tpu.memory_space<hbm>> -> memref<1x80x128xi32, #tpu.memory_space<hbm>>
      %dma_wait3A_479 = tpu.memref_squeeze %dma_wait3A_478 : memref<1x80x128xi32, #tpu.memory_space<hbm>> -> memref<80x128xi32, #tpu.memory_space<hbm>>
      %dma_wait3A_480 = arith.constant 0 : i32
      %dma_wait3A_481 = arith.constant 0 : i32
      %dma_wait3A_482 = tpu.memref_slice %dma_wait3A_479[%dma_wait3A_480, %dma_wait3A_481] : memref<80x128xi32, #tpu.memory_space<hbm>> -> memref<40x128xi32, #tpu.memory_space<hbm>>
      tpu.wait_dma2 semaphore(%run_scoped3A_454 : memref<!tpu.dma_semaphore, #tpu.memory_space<semaphore_mem>>) src(%dma_wait3A_482 : memref<40x128xi32, #tpu.memory_space<hbm>>) dst(%arg7 : memref<40x128xi32, #tpu.memory_space<vmem>>)
      tpu.yield
    }) : () -> ()
    %dma_start3A = arith.constant 1 : i32
    %dma_start3A_1 = arith.constant 1 : i32
    %dma_start3A_2 = arith.constant 1 : i32
    %dma_start3A_3 = arith.constant 0 : i32
    %dma_start3A_4 = arith.constant 0 : i32
    %dma_start3A_5 = arith.constant 0 : i32
    %dma_start3A_6 = tpu.memref_slice %arg8[%dma_start3A_1, %dma_start3A_4, %dma_start3A_5] : memref<2x128x128xf32, #tpu.memory_space<vmem>> -> memref<1x128x128xf32, #tpu.memory_space<vmem>>
    %dma_start3A_7 = tpu.memref_squeeze %dma_start3A_6 : memref<1x128x128xf32, #tpu.memory_space<vmem>> -> memref<128x128xf32, #tpu.memory_space<vmem>>
    %dma_start3A_8 = arith.constant 0 : i32
    %dma_start3A_9 = arith.constant 0 : i32
    %dma_start3A_10 = tpu.memref_slice %dma_start3A_7[%dma_start3A_8, %dma_start3A_9] : memref<128x128xf32, #tpu.memory_space<vmem>> -> memref<64x128xf32, #tpu.memory_space<vmem>>
    %dma_start3A_11 = arith.constant 0 : i32
    %dma_start3A_12 = tpu.memref_slice %arg6[%dma_start3A, %dma_start3A_11] : memref<80x128xi32, #tpu.memory_space<vmem>> -> memref<1x128xi32, #tpu.memory_space<vmem>>
    %dma_start3A_13 = tpu.memref_squeeze %dma_start3A_12 : memref<1x128xi32, #tpu.memory_space<vmem>> -> memref<128xi32, #tpu.memory_space<vmem>>
    %dma_start3A_14 = arith.constant 0 : i32
    %dma_start3A_15 = tpu.memref_slice %dma_start3A_13[%dma_start3A_14] : memref<128xi32, #tpu.memory_space<vmem>> -> memref<64xi32, #tpu.memory_space<vmem>>
    %dma_start3A_16 = arith.constant 0 : i32
    %dma_start3A_17 = arith.constant 0 : i32
    %dma_start3A_18 = tpu.memref_slice %arg2[%dma_start3A_16, %dma_start3A_17] : memref<10000x128xf32, #tpu.memory_space<hbm>> -> memref<10000x128xf32, #tpu.memory_space<hbm>>
    %dma_start3A_19 = arith.constant 0 : i32
    %dma_start3A_20 = tpu.memref_slice %arg10[%dma_start3A_2, %dma_start3A_19] : memref<2x2x!tpu.dma_semaphore, #tpu.memory_space<semaphore_mem>> -> memref<1x2x!tpu.dma_semaphore, #tpu.memory_space<semaphore_mem>>
    %dma_start3A_21 = tpu.memref_squeeze %dma_start3A_20 : memref<1x2x!tpu.dma_semaphore, #tpu.memory_space<semaphore_mem>> -> memref<2x!tpu.dma_semaphore, #tpu.memory_space<semaphore_mem>>
    %dma_start3A_22 = tpu.memref_slice %dma_start3A_21[%dma_start3A_3] : memref<2x!tpu.dma_semaphore, #tpu.memory_space<semaphore_mem>> -> memref<1x!tpu.dma_semaphore, #tpu.memory_space<semaphore_mem>>
    %dma_start3A_23 = tpu.memref_squeeze %dma_start3A_22 : memref<1x!tpu.dma_semaphore, #tpu.memory_space<semaphore_mem>> -> memref<!tpu.dma_semaphore, #tpu.memory_space<semaphore_mem>>
    tpu.enqueue_indirect_dma source(%dma_start3A_18 : memref<10000x128xf32, #tpu.memory_space<hbm>>) target(%dma_start3A_10 : memref<64x128xf32, #tpu.memory_space<vmem>>) offsets(%dma_start3A_15 : memref<64xi32, #tpu.memory_space<vmem>>) semaphore(%dma_start3A_23 : memref<!tpu.dma_semaphore, #tpu.memory_space<semaphore_mem>>)
    %dma_start3A_24 = arith.constant 1 : i32
    %dma_start3A_25 = arith.constant 1 : i32
    %dma_start3A_26 = arith.constant 1 : i32
    %dma_start3A_27 = arith.constant 1 : i32
    %dma_start3A_28 = arith.constant 0 : i32
    %dma_start3A_29 = arith.constant 0 : i32
    %dma_start3A_30 = tpu.memref_slice %arg8[%dma_start3A_25, %dma_start3A_28, %dma_start3A_29] : memref<2x128x128xf32, #tpu.memory_space<vmem>> -> memref<1x128x128xf32, #tpu.memory_space<vmem>>
    %dma_start3A_31 = tpu.memref_squeeze %dma_start3A_30 : memref<1x128x128xf32, #tpu.memory_space<vmem>> -> memref<128x128xf32, #tpu.memory_space<vmem>>
    %dma_start3A_32 = arith.constant 64 : i32
    %dma_start3A_33 = arith.constant 0 : i32
    %dma_start3A_34 = tpu.memref_slice %dma_start3A_31[%dma_start3A_32, %dma_start3A_33] : memref<128x128xf32, #tpu.memory_space<vmem>> -> memref<64x128xf32, #tpu.memory_space<vmem>>
    %dma_start3A_35 = arith.constant 0 : i32
    %dma_start3A_36 = tpu.memref_slice %arg6[%dma_start3A_24, %dma_start3A_35] : memref<80x128xi32, #tpu.memory_space<vmem>> -> memref<1x128xi32, #tpu.memory_space<vmem>>
    %dma_start3A_37 = tpu.memref_squeeze %dma_start3A_36 : memref<1x128xi32, #tpu.memory_space<vmem>> -> memref<128xi32, #tpu.memory_space<vmem>>
    %dma_start3A_38 = arith.constant 64 : i32
    %dma_start3A_39 = tpu.memref_slice %dma_start3A_37[%dma_start3A_38] : memref<128xi32, #tpu.memory_space<vmem>> -> memref<64xi32, #tpu.memory_space<vmem>>
    %dma_start3A_40 = arith.constant 0 : i32
    %dma_start3A_41 = arith.constant 0 : i32
    %dma_start3A_42 = tpu.memref_slice %arg2[%dma_start3A_40, %dma_start3A_41] : memref<10000x128xf32, #tpu.memory_space<hbm>> -> memref<10000x128xf32, #tpu.memory_space<hbm>>
    %dma_start3A_43 = arith.constant 0 : i32
    %dma_start3A_44 = tpu.memref_slice %arg10[%dma_start3A_26, %dma_start3A_43] : memref<2x2x!tpu.dma_semaphore, #tpu.memory_space<semaphore_mem>> -> memref<1x2x!tpu.dma_semaphore, #tpu.memory_space<semaphore_mem>>
    %dma_start3A_45 = tpu.memref_squeeze %dma_start3A_44 : memref<1x2x!tpu.dma_semaphore, #tpu.memory_space<semaphore_mem>> -> memref<2x!tpu.dma_semaphore, #tpu.memory_space<semaphore_mem>>
    %dma_start3A_46 = tpu.memref_slice %dma_start3A_45[%dma_start3A_27] : memref<2x!tpu.dma_semaphore, #tpu.memory_space<semaphore_mem>> -> memref<1x!tpu.dma_semaphore, #tpu.memory_space<semaphore_mem>>
    %dma_start3A_47 = tpu.memref_squeeze %dma_start3A_46 : memref<1x!tpu.dma_semaphore, #tpu.memory_space<semaphore_mem>> -> memref<!tpu.dma_semaphore, #tpu.memory_space<semaphore_mem>>
    tpu.enqueue_indirect_dma source(%dma_start3A_42 : memref<10000x128xf32, #tpu.memory_space<hbm>>) target(%dma_start3A_34 : memref<64x128xf32, #tpu.memory_space<vmem>>) offsets(%dma_start3A_39 : memref<64xi32, #tpu.memory_space<vmem>>) semaphore(%dma_start3A_47 : memref<!tpu.dma_semaphore, #tpu.memory_space<semaphore_mem>>)
    %broadcast_in_dim3A = arith.constant 0.000000e+00 : f32
    %broadcast_in_dim3A_48 = vector.broadcast %broadcast_in_dim3A : f32 to vector<16xf32>
    %scan3A = arith.constant 0 : i32
    %scan3A_49 = arith.constant 0 : i32
    %scan3A_50 = arith.constant 128 : i32
    %scan3A_51 = arith.addi %scan3A_49, %scan3A_50 : i32
    %scan3A_52 = arith.constant 1 : i32
    %scan3A_53 = scf.for %scan3A_454 = %scan3A_49 to %scan3A_51 step %scan3A_52 iter_args(%scan3A_455 = %scan3A) -> (i32)  : i32 {
      %swap3A = arith.constant 0 : i32
      %swap3A_456 = arith.index_cast %swap3A : i32 to index
      %swap3A_457 = arith.index_cast %scan3A_454 : i32 to index
      %swap3A_458 = arith.constant 0 : index
      %swap3A_459 = tpu.vector_load %arg8[%swap3A_456, %swap3A_457, %swap3A_458] {strides = array<i32>} : memref<2x128x128xf32, #tpu.memory_space<vmem>>, vector<1x1x16xf32>,
      %swap3A_460 = vector.shape_cast %swap3A_459 : vector<1x1x16xf32> to vector<16xf32>
      %swap3A_461 = vector.shape_cast %broadcast_in_dim3A_48 : vector<16xf32> to vector<1x1x16xf32>
      tpu.vector_store %arg8[%swap3A_456, %swap3A_457, %swap3A_458], %swap3A_461 {strides = array<i32>} : memref<2x128x128xf32, #tpu.memory_space<vmem>>, vector<1x1x16xf32>,
      %swap3A_462 = arith.constant 0 : i32
      %swap3A_463 = arith.index_cast %swap3A_462 : i32 to index
      %swap3A_464 = arith.index_cast %scan3A_454 : i32 to index
      %swap3A_465 = arith.constant 16 : index
      %swap3A_466 = tpu.vector_load %arg8[%swap3A_463, %swap3A_464, %swap3A_465] {strides = array<i32>} : memref<2x128x128xf32, #tpu.memory_space<vmem>>, vector<1x1x16xf32>,
      %swap3A_467 = vector.shape_cast %swap3A_466 : vector<1x1x16xf32> to vector<16xf32>
      %swap3A_468 = vector.shape_cast %broadcast_in_dim3A_48 : vector<16xf32> to vector<1x1x16xf32>
      tpu.vector_store %arg8[%swap3A_463, %swap3A_464, %swap3A_465], %swap3A_468 {strides = array<i32>} : memref<2x128x128xf32, #tpu.memory_space<vmem>>, vector<1x1x16xf32>,
      %swap3A_469 = arith.constant 0 : i32
      %swap3A_470 = arith.index_cast %swap3A_469 : i32 to index
      %swap3A_471 = arith.index_cast %scan3A_454 : i32 to index
      %swap3A_472 = arith.constant 32 : index
      %swap3A_473 = tpu.vector_load %arg8[%swap3A_470, %swap3A_471, %swap3A_472] {strides = array<i32>} : memref<2x128x128xf32, #tpu.memory_space<vmem>>, vector<1x1x16xf32>,
      %swap3A_474 = vector.shape_cast %swap3A_473 : vector<1x1x16xf32> to vector<16xf32>
      %swap3A_475 = vector.shape_cast %broadcast_in_dim3A_48 : vector<16xf32> to vector<1x1x16xf32>
      tpu.vector_store %arg8[%swap3A_470, %swap3A_471, %swap3A_472], %swap3A_475 {strides = array<i32>} : memref<2x128x128xf32, #tpu.memory_space<vmem>>, vector<1x1x16xf32>,
      %swap3A_476 = arith.constant 0 : i32
      %swap3A_477 = arith.index_cast %swap3A_476 : i32 to index
      %swap3A_478 = arith.index_cast %scan3A_454 : i32 to index
      %swap3A_479 = arith.constant 48 : index
      %swap3A_480 = tpu.vector_load %arg8[%swap3A_477, %swap3A_478, %swap3A_479] {strides = array<i32>} : memref<2x128x128xf32, #tpu.memory_space<vmem>>, vector<1x1x16xf32>,
      %swap3A_481 = vector.shape_cast %swap3A_480 : vector<1x1x16xf32> to vector<16xf32>
      %swap3A_482 = vector.shape_cast %broadcast_in_dim3A_48 : vector<16xf32> to vector<1x1x16xf32>
      tpu.vector_store %arg8[%swap3A_477, %swap3A_478, %swap3A_479], %swap3A_482 {strides = array<i32>} : memref<2x128x128xf32, #tpu.memory_space<vmem>>, vector<1x1x16xf32>,
      %swap3A_483 = arith.constant 0 : i32
      %swap3A_484 = arith.index_cast %swap3A_483 : i32 to index
      %swap3A_485 = arith.index_cast %scan3A_454 : i32 to index
      %swap3A_486 = arith.constant 64 : index
      %swap3A_487 = tpu.vector_load %arg8[%swap3A_484, %swap3A_485, %swap3A_486] {strides = array<i32>} : memref<2x128x128xf32, #tpu.memory_space<vmem>>, vector<1x1x16xf32>,
      %swap3A_488 = vector.shape_cast %swap3A_487 : vector<1x1x16xf32> to vector<16xf32>
      %swap3A_489 = vector.shape_cast %broadcast_in_dim3A_48 : vector<16xf32> to vector<1x1x16xf32>
      tpu.vector_store %arg8[%swap3A_484, %swap3A_485, %swap3A_486], %swap3A_489 {strides = array<i32>} : memref<2x128x128xf32, #tpu.memory_space<vmem>>, vector<1x1x16xf32>,
      %swap3A_490 = arith.constant 0 : i32
      %swap3A_491 = arith.index_cast %swap3A_490 : i32 to index
      %swap3A_492 = arith.index_cast %scan3A_454 : i32 to index
      %swap3A_493 = arith.constant 80 : index
      %swap3A_494 = tpu.vector_load %arg8[%swap3A_491, %swap3A_492, %swap3A_493] {strides = array<i32>} : memref<2x128x128xf32, #tpu.memory_space<vmem>>, vector<1x1x16xf32>,
      %swap3A_495 = vector.shape_cast %swap3A_494 : vector<1x1x16xf32> to vector<16xf32>
      %swap3A_496 = vector.shape_cast %broadcast_in_dim3A_48 : vector<16xf32> to vector<1x1x16xf32>
      tpu.vector_store %arg8[%swap3A_491, %swap3A_492, %swap3A_493], %swap3A_496 {strides = array<i32>} : memref<2x128x128xf32, #tpu.memory_space<vmem>>, vector<1x1x16xf32>,
      %swap3A_497 = arith.constant 0 : i32
      %swap3A_498 = arith.index_cast %swap3A_497 : i32 to index
      %swap3A_499 = arith.index_cast %scan3A_454 : i32 to index
      %swap3A_500 = arith.constant 96 : index
      %swap3A_501 = tpu.vector_load %arg8[%swap3A_498, %swap3A_499, %swap3A_500] {strides = array<i32>} : memref<2x128x128xf32, #tpu.memory_space<vmem>>, vector<1x1x16xf32>,
      %swap3A_502 = vector.shape_cast %swap3A_501 : vector<1x1x16xf32> to vector<16xf32>
      %swap3A_503 = vector.shape_cast %broadcast_in_dim3A_48 : vector<16xf32> to vector<1x1x16xf32>
      tpu.vector_store %arg8[%swap3A_498, %swap3A_499, %swap3A_500], %swap3A_503 {strides = array<i32>} : memref<2x128x128xf32, #tpu.memory_space<vmem>>, vector<1x1x16xf32>,
      %swap3A_504 = arith.constant 0 : i32
      %swap3A_505 = arith.index_cast %swap3A_504 : i32 to index
      %swap3A_506 = arith.index_cast %scan3A_454 : i32 to index
      %swap3A_507 = arith.constant 112 : index
      %swap3A_508 = tpu.vector_load %arg8[%swap3A_505, %swap3A_506, %swap3A_507] {strides = array<i32>} : memref<2x128x128xf32, #tpu.memory_space<vmem>>, vector<1x1x16xf32>,
      %swap3A_509 = vector.shape_cast %swap3A_508 : vector<1x1x16xf32> to vector<16xf32>
      %swap3A_510 = vector.shape_cast %broadcast_in_dim3A_48 : vector<16xf32> to vector<1x1x16xf32>
      tpu.vector_store %arg8[%swap3A_505, %swap3A_506, %swap3A_507], %swap3A_510 {strides = array<i32>} : memref<2x128x128xf32, #tpu.memory_space<vmem>>, vector<1x1x16xf32>,
      %scan3A_511 = arith.constant 0 : i32
      scf.yield %scan3A_511 : i32
    }
    %scan3A_54 = arith.constant 128 : i32
    %mul3A_55 = arith.constant 640 : i32
    %mul3A_56 = arith.muli %arg1, %mul3A_55 : i32
    %add3A_57 = arith.constant 0 : i32
    %add3A_58 = arith.addi %mul3A_56, %add3A_57 : i32
    %dma_start3A_59 = arith.constant 0 : i32
    %dma_start3A_60 = arith.constant 0 : i32
    %dma_start3A_61 = arith.constant 0 : i32
    %dma_start3A_62 = arith.constant 0 : i32
    %dma_start3A_63 = arith.constant 0 : i32
    %dma_start3A_64 = tpu.memref_slice %arg8[%dma_start3A_59, %dma_start3A_62, %dma_start3A_63] : memref<2x128x128xf32, #tpu.memory_space<vmem>> -> memref<1x128x128xf32, #tpu.memory_space<vmem>>
    %dma_start3A_65 = tpu.memref_squeeze %dma_start3A_64 : memref<1x128x128xf32, #tpu.memory_space<vmem>> -> memref<128x128xf32, #tpu.memory_space<vmem>>
    %dma_start3A_66 = arith.constant 0 : i32
    %dma_start3A_67 = tpu.memref_slice %arg9[%add3A_58, %dma_start3A_66] : memref<10240x128xf32, #tpu.memory_space<vmem_shared>> -> memref<128x128xf32, #tpu.memory_space<vmem_shared>>
    %dma_start3A_68 = arith.constant 0 : i32
    %dma_start3A_69 = tpu.memref_slice %arg10[%dma_start3A_60, %dma_start3A_68] : memref<2x2x!tpu.dma_semaphore, #tpu.memory_space<semaphore_mem>> -> memref<1x2x!tpu.dma_semaphore, #tpu.memory_space<semaphore_mem>>
    %dma_start3A_70 = tpu.memref_squeeze %dma_start3A_69 : memref<1x2x!tpu.dma_semaphore, #tpu.memory_space<semaphore_mem>> -> memref<2x!tpu.dma_semaphore, #tpu.memory_space<semaphore_mem>>
    %dma_start3A_71 = tpu.memref_slice %dma_start3A_70[%dma_start3A_61] : memref<2x!tpu.dma_semaphore, #tpu.memory_space<semaphore_mem>> -> memref<1x!tpu.dma_semaphore, #tpu.memory_space<semaphore_mem>>
    %dma_start3A_72 = tpu.memref_squeeze %dma_start3A_71 : memref<1x!tpu.dma_semaphore, #tpu.memory_space<semaphore_mem>> -> memref<!tpu.dma_semaphore, #tpu.memory_space<semaphore_mem>>
    %dma_start3A_73 = arith.constant 0 : i32
    %dma_start3A_74 = tpu.memref_slice %arg9[%add3A_58, %dma_start3A_73] : memref<10240x128xf32, #tpu.memory_space<vmem_shared>> -> memref<128x128xf32, #tpu.memory_space<vmem_shared>>
    %dma_start3A_75 = arith.constant 0 : i32
    %dma_start3A_76 = arith.constant 0 : i32
    %dma_start3A_77 = tpu.memref_slice %arg8[%dma_start3A_59, %dma_start3A_75, %dma_start3A_76] : memref<2x128x128xf32, #tpu.memory_space<vmem>> -> memref<1x128x128xf32, #tpu.memory_space<vmem>>
    %dma_start3A_78 = tpu.memref_squeeze %dma_start3A_77 : memref<1x128x128xf32, #tpu.memory_space<vmem>> -> memref<128x128xf32, #tpu.memory_space<vmem>>
    tpu.enqueue_dma source(%dma_start3A_78 : memref<128x128xf32, #tpu.memory_space<vmem>>) target(%dma_start3A_74 : memref<128x128xf32, #tpu.memory_space<vmem_shared>>) target_semaphore(%dma_start3A_72 : memref<!tpu.dma_semaphore, #tpu.memory_space<semaphore_mem>>)
    %mul3A_79 = arith.constant 640 : i32
    %mul3A_80 = arith.muli %arg1, %mul3A_79 : i32
    %add3A_81 = arith.constant 128 : i32
    %add3A_82 = arith.addi %mul3A_80, %add3A_81 : i32
    %dma_start3A_83 = arith.constant 0 : i32
    %dma_start3A_84 = arith.constant 0 : i32
    %dma_start3A_85 = arith.constant 0 : i32
    %dma_start3A_86 = arith.constant 0 : i32
    %dma_start3A_87 = arith.constant 0 : i32
    %dma_start3A_88 = tpu.memref_slice %arg8[%dma_start3A_83, %dma_start3A_86, %dma_start3A_87] : memref<2x128x128xf32, #tpu.memory_space<vmem>> -> memref<1x128x128xf32, #tpu.memory_space<vmem>>
    %dma_start3A_89 = tpu.memref_squeeze %dma_start3A_88 : memref<1x128x128xf32, #tpu.memory_space<vmem>> -> memref<128x128xf32, #tpu.memory_space<vmem>>
    %dma_start3A_90 = arith.constant 0 : i32
    %dma_start3A_91 = tpu.memref_slice %arg9[%add3A_82, %dma_start3A_90] : memref<10240x128xf32, #tpu.memory_space<vmem_shared>> -> memref<128x128xf32, #tpu.memory_space<vmem_shared>>
    %dma_start3A_92 = arith.constant 0 : i32
    %dma_start3A_93 = tpu.memref_slice %arg10[%dma_start3A_84, %dma_start3A_92] : memref<2x2x!tpu.dma_semaphore, #tpu.memory_space<semaphore_mem>> -> memref<1x2x!tpu.dma_semaphore, #tpu.memory_space<semaphore_mem>>
    %dma_start3A_94 = tpu.memref_squeeze %dma_start3A_93 : memref<1x2x!tpu.dma_semaphore, #tpu.memory_space<semaphore_mem>> -> memref<2x!tpu.dma_semaphore, #tpu.memory_space<semaphore_mem>>
    %dma_start3A_95 = tpu.memref_slice %dma_start3A_94[%dma_start3A_85] : memref<2x!tpu.dma_semaphore, #tpu.memory_space<semaphore_mem>> -> memref<1x!tpu.dma_semaphore, #tpu.memory_space<semaphore_mem>>
    %dma_start3A_96 = tpu.memref_squeeze %dma_start3A_95 : memref<1x!tpu.dma_semaphore, #tpu.memory_space<semaphore_mem>> -> memref<!tpu.dma_semaphore, #tpu.memory_space<semaphore_mem>>
    %dma_start3A_97 = arith.constant 0 : i32
    %dma_start3A_98 = tpu.memref_slice %arg9[%add3A_82, %dma_start3A_97] : memref<10240x128xf32, #tpu.memory_space<vmem_shared>> -> memref<128x128xf32, #tpu.memory_space<vmem_shared>>
    %dma_start3A_99 = arith.constant 0 : i32
    %dma_start3A_100 = arith.constant 0 : i32
    %dma_start3A_101 = tpu.memref_slice %arg8[%dma_start3A_83, %dma_start3A_99, %dma_start3A_100] : memref<2x128x128xf32, #tpu.memory_space<vmem>> -> memref<1x128x128xf32, #tpu.memory_space<vmem>>
    %dma_start3A_102 = tpu.memref_squeeze %dma_start3A_101 : memref<1x128x128xf32, #tpu.memory_space<vmem>> -> memref<128x128xf32, #tpu.memory_space<vmem>>
    tpu.enqueue_dma source(%dma_start3A_102 : memref<128x128xf32, #tpu.memory_space<vmem>>) target(%dma_start3A_98 : memref<128x128xf32, #tpu.memory_space<vmem_shared>>) target_semaphore(%dma_start3A_96 : memref<!tpu.dma_semaphore, #tpu.memory_space<semaphore_mem>>)
    %mul3A_103 = arith.constant 640 : i32
    %mul3A_104 = arith.muli %arg1, %mul3A_103 : i32
    %add3A_105 = arith.constant 256 : i32
    %add3A_106 = arith.addi %mul3A_104, %add3A_105 : i32
    %dma_start3A_107 = arith.constant 0 : i32
    %dma_start3A_108 = arith.constant 0 : i32
    %dma_start3A_109 = arith.constant 0 : i32
    %dma_start3A_110 = arith.constant 0 : i32
    %dma_start3A_111 = arith.constant 0 : i32
    %dma_start3A_112 = tpu.memref_slice %arg8[%dma_start3A_107, %dma_start3A_110, %dma_start3A_111] : memref<2x128x128xf32, #tpu.memory_space<vmem>> -> memref<1x128x128xf32, #tpu.memory_space<vmem>>
    %dma_start3A_113 = tpu.memref_squeeze %dma_start3A_112 : memref<1x128x128xf32, #tpu.memory_space<vmem>> -> memref<128x128xf32, #tpu.memory_space<vmem>>
    %dma_start3A_114 = arith.constant 0 : i32
    %dma_start3A_115 = tpu.memref_slice %arg9[%add3A_106, %dma_start3A_114] : memref<10240x128xf32, #tpu.memory_space<vmem_shared>> -> memref<128x128xf32, #tpu.memory_space<vmem_shared>>
    %dma_start3A_116 = arith.constant 0 : i32
    %dma_start3A_117 = tpu.memref_slice %arg10[%dma_start3A_108, %dma_start3A_116] : memref<2x2x!tpu.dma_semaphore, #tpu.memory_space<semaphore_mem>> -> memref<1x2x!tpu.dma_semaphore, #tpu.memory_space<semaphore_mem>>
    %dma_start3A_118 = tpu.memref_squeeze %dma_start3A_117 : memref<1x2x!tpu.dma_semaphore, #tpu.memory_space<semaphore_mem>> -> memref<2x!tpu.dma_semaphore, #tpu.memory_space<semaphore_mem>>
    %dma_start3A_119 = tpu.memref_slice %dma_start3A_118[%dma_start3A_109] : memref<2x!tpu.dma_semaphore, #tpu.memory_space<semaphore_mem>> -> memref<1x!tpu.dma_semaphore, #tpu.memory_space<semaphore_mem>>
    %dma_start3A_120 = tpu.memref_squeeze %dma_start3A_119 : memref<1x!tpu.dma_semaphore, #tpu.memory_space<semaphore_mem>> -> memref<!tpu.dma_semaphore, #tpu.memory_space<semaphore_mem>>
    %dma_start3A_121 = arith.constant 0 : i32
    %dma_start3A_122 = tpu.memref_slice %arg9[%add3A_106, %dma_start3A_121] : memref<10240x128xf32, #tpu.memory_space<vmem_shared>> -> memref<128x128xf32, #tpu.memory_space<vmem_shared>>
    %dma_start3A_123 = arith.constant 0 : i32
    %dma_start3A_124 = arith.constant 0 : i32
    %dma_start3A_125 = tpu.memref_slice %arg8[%dma_start3A_107, %dma_start3A_123, %dma_start3A_124] : memref<2x128x128xf32, #tpu.memory_space<vmem>> -> memref<1x128x128xf32, #tpu.memory_space<vmem>>
    %dma_start3A_126 = tpu.memref_squeeze %dma_start3A_125 : memref<1x128x128xf32, #tpu.memory_space<vmem>> -> memref<128x128xf32, #tpu.memory_space<vmem>>
    tpu.enqueue_dma source(%dma_start3A_126 : memref<128x128xf32, #tpu.memory_space<vmem>>) target(%dma_start3A_122 : memref<128x128xf32, #tpu.memory_space<vmem_shared>>) target_semaphore(%dma_start3A_120 : memref<!tpu.dma_semaphore, #tpu.memory_space<semaphore_mem>>)
    %mul3A_127 = arith.constant 640 : i32
    %mul3A_128 = arith.muli %arg1, %mul3A_127 : i32
    %add3A_129 = arith.constant 384 : i32
    %add3A_130 = arith.addi %mul3A_128, %add3A_129 : i32
    %dma_start3A_131 = arith.constant 0 : i32
    %dma_start3A_132 = arith.constant 0 : i32
    %dma_start3A_133 = arith.constant 0 : i32
    %dma_start3A_134 = arith.constant 0 : i32
    %dma_start3A_135 = arith.constant 0 : i32
    %dma_start3A_136 = tpu.memref_slice %arg8[%dma_start3A_131, %dma_start3A_134, %dma_start3A_135] : memref<2x128x128xf32, #tpu.memory_space<vmem>> -> memref<1x128x128xf32, #tpu.memory_space<vmem>>
    %dma_start3A_137 = tpu.memref_squeeze %dma_start3A_136 : memref<1x128x128xf32, #tpu.memory_space<vmem>> -> memref<128x128xf32, #tpu.memory_space<vmem>>
    %dma_start3A_138 = arith.constant 0 : i32
    %dma_start3A_139 = tpu.memref_slice %arg9[%add3A_130, %dma_start3A_138] : memref<10240x128xf32, #tpu.memory_space<vmem_shared>> -> memref<128x128xf32, #tpu.memory_space<vmem_shared>>
    %dma_start3A_140 = arith.constant 0 : i32
    %dma_start3A_141 = tpu.memref_slice %arg10[%dma_start3A_132, %dma_start3A_140] : memref<2x2x!tpu.dma_semaphore, #tpu.memory_space<semaphore_mem>> -> memref<1x2x!tpu.dma_semaphore, #tpu.memory_space<semaphore_mem>>
    %dma_start3A_142 = tpu.memref_squeeze %dma_start3A_141 : memref<1x2x!tpu.dma_semaphore, #tpu.memory_space<semaphore_mem>> -> memref<2x!tpu.dma_semaphore, #tpu.memory_space<semaphore_mem>>
    %dma_start3A_143 = tpu.memref_slice %dma_start3A_142[%dma_start3A_133] : memref<2x!tpu.dma_semaphore, #tpu.memory_space<semaphore_mem>> -> memref<1x!tpu.dma_semaphore, #tpu.memory_space<semaphore_mem>>
    %dma_start3A_144 = tpu.memref_squeeze %dma_start3A_143 : memref<1x!tpu.dma_semaphore, #tpu.memory_space<semaphore_mem>> -> memref<!tpu.dma_semaphore, #tpu.memory_space<semaphore_mem>>
    %dma_start3A_145 = arith.constant 0 : i32
    %dma_start3A_146 = tpu.memref_slice %arg9[%add3A_130, %dma_start3A_145] : memref<10240x128xf32, #tpu.memory_space<vmem_shared>> -> memref<128x128xf32, #tpu.memory_space<vmem_shared>>
    %dma_start3A_147 = arith.constant 0 : i32
    %dma_start3A_148 = arith.constant 0 : i32
    %dma_start3A_149 = tpu.memref_slice %arg8[%dma_start3A_131, %dma_start3A_147, %dma_start3A_148] : memref<2x128x128xf32, #tpu.memory_space<vmem>> -> memref<1x128x128xf32, #tpu.memory_space<vmem>>
    %dma_start3A_150 = tpu.memref_squeeze %dma_start3A_149 : memref<1x128x128xf32, #tpu.memory_space<vmem>> -> memref<128x128xf32, #tpu.memory_space<vmem>>
    tpu.enqueue_dma source(%dma_start3A_150 : memref<128x128xf32, #tpu.memory_space<vmem>>) target(%dma_start3A_146 : memref<128x128xf32, #tpu.memory_space<vmem_shared>>) target_semaphore(%dma_start3A_144 : memref<!tpu.dma_semaphore, #tpu.memory_space<semaphore_mem>>)
    %mul3A_151 = arith.constant 640 : i32
    %mul3A_152 = arith.muli %arg1, %mul3A_151 : i32
    %add3A_153 = arith.constant 512 : i32
    %add3A_154 = arith.addi %mul3A_152, %add3A_153 : i32
    %dma_start3A_155 = arith.constant 0 : i32
    %dma_start3A_156 = arith.constant 0 : i32
    %dma_start3A_157 = arith.constant 0 : i32
    %dma_start3A_158 = arith.constant 0 : i32
    %dma_start3A_159 = arith.constant 0 : i32
    %dma_start3A_160 = tpu.memref_slice %arg8[%dma_start3A_155, %dma_start3A_158, %dma_start3A_159] : memref<2x128x128xf32, #tpu.memory_space<vmem>> -> memref<1x128x128xf32, #tpu.memory_space<vmem>>
    %dma_start3A_161 = tpu.memref_squeeze %dma_start3A_160 : memref<1x128x128xf32, #tpu.memory_space<vmem>> -> memref<128x128xf32, #tpu.memory_space<vmem>>
    %dma_start3A_162 = arith.constant 0 : i32
    %dma_start3A_163 = tpu.memref_slice %arg9[%add3A_154, %dma_start3A_162] : memref<10240x128xf32, #tpu.memory_space<vmem_shared>> -> memref<128x128xf32, #tpu.memory_space<vmem_shared>>
    %dma_start3A_164 = arith.constant 0 : i32
    %dma_start3A_165 = tpu.memref_slice %arg10[%dma_start3A_156, %dma_start3A_164] : memref<2x2x!tpu.dma_semaphore, #tpu.memory_space<semaphore_mem>> -> memref<1x2x!tpu.dma_semaphore, #tpu.memory_space<semaphore_mem>>
    %dma_start3A_166 = tpu.memref_squeeze %dma_start3A_165 : memref<1x2x!tpu.dma_semaphore, #tpu.memory_space<semaphore_mem>> -> memref<2x!tpu.dma_semaphore, #tpu.memory_space<semaphore_mem>>
    %dma_start3A_167 = tpu.memref_slice %dma_start3A_166[%dma_start3A_157] : memref<2x!tpu.dma_semaphore, #tpu.memory_space<semaphore_mem>> -> memref<1x!tpu.dma_semaphore, #tpu.memory_space<semaphore_mem>>
    %dma_start3A_168 = tpu.memref_squeeze %dma_start3A_167 : memref<1x!tpu.dma_semaphore, #tpu.memory_space<semaphore_mem>> -> memref<!tpu.dma_semaphore, #tpu.memory_space<semaphore_mem>>
    %dma_start3A_169 = arith.constant 0 : i32
    %dma_start3A_170 = tpu.memref_slice %arg9[%add3A_154, %dma_start3A_169] : memref<10240x128xf32, #tpu.memory_space<vmem_shared>> -> memref<128x128xf32, #tpu.memory_space<vmem_shared>>
    %dma_start3A_171 = arith.constant 0 : i32
    %dma_start3A_172 = arith.constant 0 : i32
    %dma_start3A_173 = tpu.memref_slice %arg8[%dma_start3A_155, %dma_start3A_171, %dma_start3A_172] : memref<2x128x128xf32, #tpu.memory_space<vmem>> -> memref<1x128x128xf32, #tpu.memory_space<vmem>>
    %dma_start3A_174 = tpu.memref_squeeze %dma_start3A_173 : memref<1x128x128xf32, #tpu.memory_space<vmem>> -> memref<128x128xf32, #tpu.memory_space<vmem>>
    tpu.enqueue_dma source(%dma_start3A_174 : memref<128x128xf32, #tpu.memory_space<vmem>>) target(%dma_start3A_170 : memref<128x128xf32, #tpu.memory_space<vmem_shared>>) target_semaphore(%dma_start3A_168 : memref<!tpu.dma_semaphore, #tpu.memory_space<semaphore_mem>>)
    %mul3A_175 = arith.constant 640 : i32
    %mul3A_176 = arith.muli %arg1, %mul3A_175 : i32
    %add3A_177 = arith.constant 0 : i32
    %add3A_178 = arith.addi %mul3A_176, %add3A_177 : i32
    %dma_wait3A = arith.constant 0 : i32
    %dma_wait3A_179 = arith.constant 0 : i32
    %dma_wait3A_180 = arith.constant 0 : i32
    %dma_wait3A_181 = arith.constant 0 : i32
    %dma_wait3A_182 = arith.constant 0 : i32
    %dma_wait3A_183 = tpu.memref_slice %arg8[%dma_wait3A, %dma_wait3A_181, %dma_wait3A_182] : memref<2x128x128xf32, #tpu.memory_space<vmem>> -> memref<1x128x128xf32, #tpu.memory_space<vmem>>
    %dma_wait3A_184 = tpu.memref_squeeze %dma_wait3A_183 : memref<1x128x128xf32, #tpu.memory_space<vmem>> -> memref<128x128xf32, #tpu.memory_space<vmem>>
    %dma_wait3A_185 = arith.constant 0 : i32
    %dma_wait3A_186 = tpu.memref_slice %arg9[%add3A_178, %dma_wait3A_185] : memref<10240x128xf32, #tpu.memory_space<vmem_shared>> -> memref<128x128xf32, #tpu.memory_space<vmem_shared>>
    %dma_wait3A_187 = arith.constant 0 : i32
    %dma_wait3A_188 = tpu.memref_slice %arg10[%dma_wait3A_179, %dma_wait3A_187] : memref<2x2x!tpu.dma_semaphore, #tpu.memory_space<semaphore_mem>> -> memref<1x2x!tpu.dma_semaphore, #tpu.memory_space<semaphore_mem>>
    %dma_wait3A_189 = tpu.memref_squeeze %dma_wait3A_188 : memref<1x2x!tpu.dma_semaphore, #tpu.memory_space<semaphore_mem>> -> memref<2x!tpu.dma_semaphore, #tpu.memory_space<semaphore_mem>>
    %dma_wait3A_190 = tpu.memref_slice %dma_wait3A_189[%dma_wait3A_180] : memref<2x!tpu.dma_semaphore, #tpu.memory_space<semaphore_mem>> -> memref<1x!tpu.dma_semaphore, #tpu.memory_space<semaphore_mem>>
    %dma_wait3A_191 = tpu.memref_squeeze %dma_wait3A_190 : memref<1x!tpu.dma_semaphore, #tpu.memory_space<semaphore_mem>> -> memref<!tpu.dma_semaphore, #tpu.memory_space<semaphore_mem>>
    %dma_wait3A_192 = arith.constant 0 : i32
    %dma_wait3A_193 = tpu.memref_slice %arg9[%add3A_178, %dma_wait3A_192] : memref<10240x128xf32, #tpu.memory_space<vmem_shared>> -> memref<128x128xf32, #tpu.memory_space<vmem_shared>>
    %dma_wait3A_194 = arith.constant 0 : i32
    %dma_wait3A_195 = arith.constant 0 : i32
    %dma_wait3A_196 = tpu.memref_slice %arg8[%dma_wait3A, %dma_wait3A_194, %dma_wait3A_195] : memref<2x128x128xf32, #tpu.memory_space<vmem>> -> memref<1x128x128xf32, #tpu.memory_space<vmem>>
    %dma_wait3A_197 = tpu.memref_squeeze %dma_wait3A_196 : memref<1x128x128xf32, #tpu.memory_space<vmem>> -> memref<128x128xf32, #tpu.memory_space<vmem>>
    tpu.wait_dma2 semaphore(%dma_wait3A_191 : memref<!tpu.dma_semaphore, #tpu.memory_space<semaphore_mem>>) src(%dma_wait3A_197 : memref<128x128xf32, #tpu.memory_space<vmem>>) dst(%dma_wait3A_193 : memref<128x128xf32, #tpu.memory_space<vmem_shared>>)
    %mul3A_198 = arith.constant 640 : i32
    %mul3A_199 = arith.muli %arg1, %mul3A_198 : i32
    %add3A_200 = arith.constant 128 : i32
    %add3A_201 = arith.addi %mul3A_199, %add3A_200 : i32
    %dma_wait3A_202 = arith.constant 0 : i32
    %dma_wait3A_203 = arith.constant 0 : i32
    %dma_wait3A_204 = arith.constant 0 : i32
    %dma_wait3A_205 = arith.constant 0 : i32
    %dma_wait3A_206 = arith.constant 0 : i32
    %dma_wait3A_207 = tpu.memref_slice %arg8[%dma_wait3A_202, %dma_wait3A_205, %dma_wait3A_206] : memref<2x128x128xf32, #tpu.memory_space<vmem>> -> memref<1x128x128xf32, #tpu.memory_space<vmem>>
    %dma_wait3A_208 = tpu.memref_squeeze %dma_wait3A_207 : memref<1x128x128xf32, #tpu.memory_space<vmem>> -> memref<128x128xf32, #tpu.memory_space<vmem>>
    %dma_wait3A_209 = arith.constant 0 : i32
    %dma_wait3A_210 = tpu.memref_slice %arg9[%add3A_201, %dma_wait3A_209] : memref<10240x128xf32, #tpu.memory_space<vmem_shared>> -> memref<128x128xf32, #tpu.memory_space<vmem_shared>>
    %dma_wait3A_211 = arith.constant 0 : i32
    %dma_wait3A_212 = tpu.memref_slice %arg10[%dma_wait3A_203, %dma_wait3A_211] : memref<2x2x!tpu.dma_semaphore, #tpu.memory_space<semaphore_mem>> -> memref<1x2x!tpu.dma_semaphore, #tpu.memory_space<semaphore_mem>>
    %dma_wait3A_213 = tpu.memref_squeeze %dma_wait3A_212 : memref<1x2x!tpu.dma_semaphore, #tpu.memory_space<semaphore_mem>> -> memref<2x!tpu.dma_semaphore, #tpu.memory_space<semaphore_mem>>
    %dma_wait3A_214 = tpu.memref_slice %dma_wait3A_213[%dma_wait3A_204] : memref<2x!tpu.dma_semaphore, #tpu.memory_space<semaphore_mem>> -> memref<1x!tpu.dma_semaphore, #tpu.memory_space<semaphore_mem>>
    %dma_wait3A_215 = tpu.memref_squeeze %dma_wait3A_214 : memref<1x!tpu.dma_semaphore, #tpu.memory_space<semaphore_mem>> -> memref<!tpu.dma_semaphore, #tpu.memory_space<semaphore_mem>>
    %dma_wait3A_216 = arith.constant 0 : i32
    %dma_wait3A_217 = tpu.memref_slice %arg9[%add3A_201, %dma_wait3A_216] : memref<10240x128xf32, #tpu.memory_space<vmem_shared>> -> memref<128x128xf32, #tpu.memory_space<vmem_shared>>
    %dma_wait3A_218 = arith.constant 0 : i32
    %dma_wait3A_219 = arith.constant 0 : i32
    %dma_wait3A_220 = tpu.memref_slice %arg8[%dma_wait3A_202, %dma_wait3A_218, %dma_wait3A_219] : memref<2x128x128xf32, #tpu.memory_space<vmem>> -> memref<1x128x128xf32, #tpu.memory_space<vmem>>
    %dma_wait3A_221 = tpu.memref_squeeze %dma_wait3A_220 : memref<1x128x128xf32, #tpu.memory_space<vmem>> -> memref<128x128xf32, #tpu.memory_space<vmem>>
    tpu.wait_dma2 semaphore(%dma_wait3A_215 : memref<!tpu.dma_semaphore, #tpu.memory_space<semaphore_mem>>) src(%dma_wait3A_221 : memref<128x128xf32, #tpu.memory_space<vmem>>) dst(%dma_wait3A_217 : memref<128x128xf32, #tpu.memory_space<vmem_shared>>)
    %mul3A_222 = arith.constant 640 : i32
    %mul3A_223 = arith.muli %arg1, %mul3A_222 : i32
    %add3A_224 = arith.constant 256 : i32
    %add3A_225 = arith.addi %mul3A_223, %add3A_224 : i32
    %dma_wait3A_226 = arith.constant 0 : i32
    %dma_wait3A_227 = arith.constant 0 : i32
    %dma_wait3A_228 = arith.constant 0 : i32
    %dma_wait3A_229 = arith.constant 0 : i32
    %dma_wait3A_230 = arith.constant 0 : i32
    %dma_wait3A_231 = tpu.memref_slice %arg8[%dma_wait3A_226, %dma_wait3A_229, %dma_wait3A_230] : memref<2x128x128xf32, #tpu.memory_space<vmem>> -> memref<1x128x128xf32, #tpu.memory_space<vmem>>
    %dma_wait3A_232 = tpu.memref_squeeze %dma_wait3A_231 : memref<1x128x128xf32, #tpu.memory_space<vmem>> -> memref<128x128xf32, #tpu.memory_space<vmem>>
    %dma_wait3A_233 = arith.constant 0 : i32
    %dma_wait3A_234 = tpu.memref_slice %arg9[%add3A_225, %dma_wait3A_233] : memref<10240x128xf32, #tpu.memory_space<vmem_shared>> -> memref<128x128xf32, #tpu.memory_space<vmem_shared>>
    %dma_wait3A_235 = arith.constant 0 : i32
    %dma_wait3A_236 = tpu.memref_slice %arg10[%dma_wait3A_227, %dma_wait3A_235] : memref<2x2x!tpu.dma_semaphore, #tpu.memory_space<semaphore_mem>> -> memref<1x2x!tpu.dma_semaphore, #tpu.memory_space<semaphore_mem>>
    %dma_wait3A_237 = tpu.memref_squeeze %dma_wait3A_236 : memref<1x2x!tpu.dma_semaphore, #tpu.memory_space<semaphore_mem>> -> memref<2x!tpu.dma_semaphore, #tpu.memory_space<semaphore_mem>>
    %dma_wait3A_238 = tpu.memref_slice %dma_wait3A_237[%dma_wait3A_228] : memref<2x!tpu.dma_semaphore, #tpu.memory_space<semaphore_mem>> -> memref<1x!tpu.dma_semaphore, #tpu.memory_space<semaphore_mem>>
    %dma_wait3A_239 = tpu.memref_squeeze %dma_wait3A_238 : memref<1x!tpu.dma_semaphore, #tpu.memory_space<semaphore_mem>> -> memref<!tpu.dma_semaphore, #tpu.memory_space<semaphore_mem>>
    %dma_wait3A_240 = arith.constant 0 : i32
    %dma_wait3A_241 = tpu.memref_slice %arg9[%add3A_225, %dma_wait3A_240] : memref<10240x128xf32, #tpu.memory_space<vmem_shared>> -> memref<128x128xf32, #tpu.memory_space<vmem_shared>>
    %dma_wait3A_242 = arith.constant 0 : i32
    %dma_wait3A_243 = arith.constant 0 : i32
    %dma_wait3A_244 = tpu.memref_slice %arg8[%dma_wait3A_226, %dma_wait3A_242, %dma_wait3A_243] : memref<2x128x128xf32, #tpu.memory_space<vmem>> -> memref<1x128x128xf32, #tpu.memory_space<vmem>>
    %dma_wait3A_245 = tpu.memref_squeeze %dma_wait3A_244 : memref<1x128x128xf32, #tpu.memory_space<vmem>> -> memref<128x128xf32, #tpu.memory_space<vmem>>
    tpu.wait_dma2 semaphore(%dma_wait3A_239 : memref<!tpu.dma_semaphore, #tpu.memory_space<semaphore_mem>>) src(%dma_wait3A_245 : memref<128x128xf32, #tpu.memory_space<vmem>>) dst(%dma_wait3A_241 : memref<128x128xf32, #tpu.memory_space<vmem_shared>>)
    %mul3A_246 = arith.constant 640 : i32
    %mul3A_247 = arith.muli %arg1, %mul3A_246 : i32
    %add3A_248 = arith.constant 384 : i32
    %add3A_249 = arith.addi %mul3A_247, %add3A_248 : i32
    %dma_wait3A_250 = arith.constant 0 : i32
    %dma_wait3A_251 = arith.constant 0 : i32
    %dma_wait3A_252 = arith.constant 0 : i32
    %dma_wait3A_253 = arith.constant 0 : i32
    %dma_wait3A_254 = arith.constant 0 : i32
    %dma_wait3A_255 = tpu.memref_slice %arg8[%dma_wait3A_250, %dma_wait3A_253, %dma_wait3A_254] : memref<2x128x128xf32, #tpu.memory_space<vmem>> -> memref<1x128x128xf32, #tpu.memory_space<vmem>>
    %dma_wait3A_256 = tpu.memref_squeeze %dma_wait3A_255 : memref<1x128x128xf32, #tpu.memory_space<vmem>> -> memref<128x128xf32, #tpu.memory_space<vmem>>
    %dma_wait3A_257 = arith.constant 0 : i32
    %dma_wait3A_258 = tpu.memref_slice %arg9[%add3A_249, %dma_wait3A_257] : memref<10240x128xf32, #tpu.memory_space<vmem_shared>> -> memref<128x128xf32, #tpu.memory_space<vmem_shared>>
    %dma_wait3A_259 = arith.constant 0 : i32
    %dma_wait3A_260 = tpu.memref_slice %arg10[%dma_wait3A_251, %dma_wait3A_259] : memref<2x2x!tpu.dma_semaphore, #tpu.memory_space<semaphore_mem>> -> memref<1x2x!tpu.dma_semaphore, #tpu.memory_space<semaphore_mem>>
    %dma_wait3A_261 = tpu.memref_squeeze %dma_wait3A_260 : memref<1x2x!tpu.dma_semaphore, #tpu.memory_space<semaphore_mem>> -> memref<2x!tpu.dma_semaphore, #tpu.memory_space<semaphore_mem>>
    %dma_wait3A_262 = tpu.memref_slice %dma_wait3A_261[%dma_wait3A_252] : memref<2x!tpu.dma_semaphore, #tpu.memory_space<semaphore_mem>> -> memref<1x!tpu.dma_semaphore, #tpu.memory_space<semaphore_mem>>
    %dma_wait3A_263 = tpu.memref_squeeze %dma_wait3A_262 : memref<1x!tpu.dma_semaphore, #tpu.memory_space<semaphore_mem>> -> memref<!tpu.dma_semaphore, #tpu.memory_space<semaphore_mem>>
    %dma_wait3A_264 = arith.constant 0 : i32
    %dma_wait3A_265 = tpu.memref_slice %arg9[%add3A_249, %dma_wait3A_264] : memref<10240x128xf32, #tpu.memory_space<vmem_shared>> -> memref<128x128xf32, #tpu.memory_space<vmem_shared>>
    %dma_wait3A_266 = arith.constant 0 : i32
    %dma_wait3A_267 = arith.constant 0 : i32
    %dma_wait3A_268 = tpu.memref_slice %arg8[%dma_wait3A_250, %dma_wait3A_266, %dma_wait3A_267] : memref<2x128x128xf32, #tpu.memory_space<vmem>> -> memref<1x128x128xf32, #tpu.memory_space<vmem>>
    %dma_wait3A_269 = tpu.memref_squeeze %dma_wait3A_268 : memref<1x128x128xf32, #tpu.memory_space<vmem>> -> memref<128x128xf32, #tpu.memory_space<vmem>>
    tpu.wait_dma2 semaphore(%dma_wait3A_263 : memref<!tpu.dma_semaphore, #tpu.memory_space<semaphore_mem>>) src(%dma_wait3A_269 : memref<128x128xf32, #tpu.memory_space<vmem>>) dst(%dma_wait3A_265 : memref<128x128xf32, #tpu.memory_space<vmem_shared>>)
    %mul3A_270 = arith.constant 640 : i32
    %mul3A_271 = arith.muli %arg1, %mul3A_270 : i32
    %add3A_272 = arith.constant 512 : i32
    %add3A_273 = arith.addi %mul3A_271, %add3A_272 : i32
    %dma_wait3A_274 = arith.constant 0 : i32
    %dma_wait3A_275 = arith.constant 0 : i32
    %dma_wait3A_276 = arith.constant 0 : i32
    %dma_wait3A_277 = arith.constant 0 : i32
    %dma_wait3A_278 = arith.constant 0 : i32
    %dma_wait3A_279 = tpu.memref_slice %arg8[%dma_wait3A_274, %dma_wait3A_277, %dma_wait3A_278] : memref<2x128x128xf32, #tpu.memory_space<vmem>> -> memref<1x128x128xf32, #tpu.memory_space<vmem>>
    %dma_wait3A_280 = tpu.memref_squeeze %dma_wait3A_279 : memref<1x128x128xf32, #tpu.memory_space<vmem>> -> memref<128x128xf32, #tpu.memory_space<vmem>>
    %dma_wait3A_281 = arith.constant 0 : i32
    %dma_wait3A_282 = tpu.memref_slice %arg9[%add3A_273, %dma_wait3A_281] : memref<10240x128xf32, #tpu.memory_space<vmem_shared>> -> memref<128x128xf32, #tpu.memory_space<vmem_shared>>
    %dma_wait3A_283 = arith.constant 0 : i32
    %dma_wait3A_284 = tpu.memref_slice %arg10[%dma_wait3A_275, %dma_wait3A_283] : memref<2x2x!tpu.dma_semaphore, #tpu.memory_space<semaphore_mem>> -> memref<1x2x!tpu.dma_semaphore, #tpu.memory_space<semaphore_mem>>
    %dma_wait3A_285 = tpu.memref_squeeze %dma_wait3A_284 : memref<1x2x!tpu.dma_semaphore, #tpu.memory_space<semaphore_mem>> -> memref<2x!tpu.dma_semaphore, #tpu.memory_space<semaphore_mem>>
    %dma_wait3A_286 = tpu.memref_slice %dma_wait3A_285[%dma_wait3A_276] : memref<2x!tpu.dma_semaphore, #tpu.memory_space<semaphore_mem>> -> memref<1x!tpu.dma_semaphore, #tpu.memory_space<semaphore_mem>>
    %dma_wait3A_287 = tpu.memref_squeeze %dma_wait3A_286 : memref<1x!tpu.dma_semaphore, #tpu.memory_space<semaphore_mem>> -> memref<!tpu.dma_semaphore, #tpu.memory_space<semaphore_mem>>
    %dma_wait3A_288 = arith.constant 0 : i32
    %dma_wait3A_289 = tpu.memref_slice %arg9[%add3A_273, %dma_wait3A_288] : memref<10240x128xf32, #tpu.memory_space<vmem_shared>> -> memref<128x128xf32, #tpu.memory_space<vmem_shared>>
    %dma_wait3A_290 = arith.constant 0 : i32
    %dma_wait3A_291 = arith.constant 0 : i32
    %dma_wait3A_292 = tpu.memref_slice %arg8[%dma_wait3A_274, %dma_wait3A_290, %dma_wait3A_291] : memref<2x128x128xf32, #tpu.memory_space<vmem>> -> memref<1x128x128xf32, #tpu.memory_space<vmem>>
    %dma_wait3A_293 = tpu.memref_squeeze %dma_wait3A_292 : memref<1x128x128xf32, #tpu.memory_space<vmem>> -> memref<128x128xf32, #tpu.memory_space<vmem>>
    tpu.wait_dma2 semaphore(%dma_wait3A_287 : memref<!tpu.dma_semaphore, #tpu.memory_space<semaphore_mem>>) src(%dma_wait3A_293 : memref<128x128xf32, #tpu.memory_space<vmem>>) dst(%dma_wait3A_289 : memref<128x128xf32, #tpu.memory_space<vmem_shared>>)
    %barrier3A = arith.constant 0 : index
    tpu.barrier barrier_id(%barrier3A)
    %dma_start3A_294 = arith.constant 0 : i32
    %dma_start3A_295 = arith.constant 0 : i32
    %dma_start3A_296 = arith.constant 0 : i32
    %dma_start3A_297 = arith.constant 0 : i32
    %dma_start3A_298 = arith.constant 0 : i32
    %dma_start3A_299 = arith.constant 0 : i32
    %dma_start3A_300 = tpu.memref_slice %arg8[%dma_start3A_295, %dma_start3A_298, %dma_start3A_299] : memref<2x128x128xf32, #tpu.memory_space<vmem>> -> memref<1x128x128xf32, #tpu.memory_space<vmem>>
    %dma_start3A_301 = tpu.memref_squeeze %dma_start3A_300 : memref<1x128x128xf32, #tpu.memory_space<vmem>> -> memref<128x128xf32, #tpu.memory_space<vmem>>
    %dma_start3A_302 = arith.constant 0 : i32
    %dma_start3A_303 = arith.constant 0 : i32
    %dma_start3A_304 = tpu.memref_slice %dma_start3A_301[%dma_start3A_302, %dma_start3A_303] : memref<128x128xf32, #tpu.memory_space<vmem>> -> memref<64x128xf32, #tpu.memory_space<vmem>>
    %dma_start3A_305 = arith.constant 0 : i32
    %dma_start3A_306 = tpu.memref_slice %arg6[%dma_start3A_294, %dma_start3A_305] : memref<80x128xi32, #tpu.memory_space<vmem>> -> memref<1x128xi32, #tpu.memory_space<vmem>>
    %dma_start3A_307 = tpu.memref_squeeze %dma_start3A_306 : memref<1x128xi32, #tpu.memory_space<vmem>> -> memref<128xi32, #tpu.memory_space<vmem>>
    %dma_start3A_308 = arith.constant 0 : i32
    %dma_start3A_309 = tpu.memref_slice %dma_start3A_307[%dma_start3A_308] : memref<128xi32, #tpu.memory_space<vmem>> -> memref<64xi32, #tpu.memory_space<vmem>>
    %dma_start3A_310 = arith.constant 0 : i32
    %dma_start3A_311 = arith.constant 0 : i32
    %dma_start3A_312 = tpu.memref_slice %arg2[%dma_start3A_310, %dma_start3A_311] : memref<10000x128xf32, #tpu.memory_space<hbm>> -> memref<10000x128xf32, #tpu.memory_space<hbm>>
    %dma_start3A_313 = arith.constant 0 : i32
    %dma_start3A_314 = tpu.memref_slice %arg10[%dma_start3A_296, %dma_start3A_313] : memref<2x2x!tpu.dma_semaphore, #tpu.memory_space<semaphore_mem>> -> memref<1x2x!tpu.dma_semaphore, #tpu.memory_space<semaphore_mem>>
    %dma_start3A_315 = tpu.memref_squeeze %dma_start3A_314 : memref<1x2x!tpu.dma_semaphore, #tpu.memory_space<semaphore_mem>> -> memref<2x!tpu.dma_semaphore, #tpu.memory_space<semaphore_mem>>
    %dma_start3A_316 = tpu.memref_slice %dma_start3A_315[%dma_start3A_297] : memref<2x!tpu.dma_semaphore, #tpu.memory_space<semaphore_mem>> -> memref<1x!tpu.dma_semaphore, #tpu.memory_space<semaphore_mem>>
    %dma_start3A_317 = tpu.memref_squeeze %dma_start3A_316 : memref<1x!tpu.dma_semaphore, #tpu.memory_space<semaphore_mem>> -> memref<!tpu.dma_semaphore, #tpu.memory_space<semaphore_mem>>
    tpu.enqueue_indirect_dma source(%dma_start3A_312 : memref<10000x128xf32, #tpu.memory_space<hbm>>) target(%dma_start3A_304 : memref<64x128xf32, #tpu.memory_space<vmem>>) offsets(%dma_start3A_309 : memref<64xi32, #tpu.memory_space<vmem>>) semaphore(%dma_start3A_317 : memref<!tpu.dma_semaphore, #tpu.memory_space<semaphore_mem>>)
    %dma_start3A_318 = arith.constant 0 : i32
    %dma_start3A_319 = arith.constant 0 : i32
    %dma_start3A_320 = arith.constant 0 : i32
    %dma_start3A_321 = arith.constant 1 : i32
    %dma_start3A_322 = arith.constant 0 : i32
    %dma_start3A_323 = arith.constant 0 : i32
    %dma_start3A_324 = tpu.memref_slice %arg8[%dma_start3A_319, %dma_start3A_322, %dma_start3A_323] : memref<2x128x128xf32, #tpu.memory_space<vmem>> -> memref<1x128x128xf32, #tpu.memory_space<vmem>>
    %dma_start3A_325 = tpu.memref_squeeze %dma_start3A_324 : memref<1x128x128xf32, #tpu.memory_space<vmem>> -> memref<128x128xf32, #tpu.memory_space<vmem>>
    %dma_start3A_326 = arith.constant 64 : i32
    %dma_start3A_327 = arith.constant 0 : i32
    %dma_start3A_328 = tpu.memref_slice %dma_start3A_325[%dma_start3A_326, %dma_start3A_327] : memref<128x128xf32, #tpu.memory_space<vmem>> -> memref<64x128xf32, #tpu.memory_space<vmem>>
    %dma_start3A_329 = arith.constant 0 : i32
    %dma_start3A_330 = tpu.memref_slice %arg6[%dma_start3A_318, %dma_start3A_329] : memref<80x128xi32, #tpu.memory_space<vmem>> -> memref<1x128xi32, #tpu.memory_space<vmem>>
    %dma_start3A_331 = tpu.memref_squeeze %dma_start3A_330 : memref<1x128xi32, #tpu.memory_space<vmem>> -> memref<128xi32, #tpu.memory_space<vmem>>
    %dma_start3A_332 = arith.constant 64 : i32
    %dma_start3A_333 = tpu.memref_slice %dma_start3A_331[%dma_start3A_332] : memref<128xi32, #tpu.memory_space<vmem>> -> memref<64xi32, #tpu.memory_space<vmem>>
    %dma_start3A_334 = arith.constant 0 : i32
    %dma_start3A_335 = arith.constant 0 : i32
    %dma_start3A_336 = tpu.memref_slice %arg2[%dma_start3A_334, %dma_start3A_335] : memref<10000x128xf32, #tpu.memory_space<hbm>> -> memref<10000x128xf32, #tpu.memory_space<hbm>>
    %dma_start3A_337 = arith.constant 0 : i32
    %dma_start3A_338 = tpu.memref_slice %arg10[%dma_start3A_320, %dma_start3A_337] : memref<2x2x!tpu.dma_semaphore, #tpu.memory_space<semaphore_mem>> -> memref<1x2x!tpu.dma_semaphore, #tpu.memory_space<semaphore_mem>>
    %dma_start3A_339 = tpu.memref_squeeze %dma_start3A_338 : memref<1x2x!tpu.dma_semaphore, #tpu.memory_space<semaphore_mem>> -> memref<2x!tpu.dma_semaphore, #tpu.memory_space<semaphore_mem>>
    %dma_start3A_340 = tpu.memref_slice %dma_start3A_339[%dma_start3A_321] : memref<2x!tpu.dma_semaphore, #tpu.memory_space<semaphore_mem>> -> memref<1x!tpu.dma_semaphore, #tpu.memory_space<semaphore_mem>>
    %dma_start3A_341 = tpu.memref_squeeze %dma_start3A_340 : memref<1x!tpu.dma_semaphore, #tpu.memory_space<semaphore_mem>> -> memref<!tpu.dma_semaphore, #tpu.memory_space<semaphore_mem>>
    tpu.enqueue_indirect_dma source(%dma_start3A_336 : memref<10000x128xf32, #tpu.memory_space<hbm>>) target(%dma_start3A_328 : memref<64x128xf32, #tpu.memory_space<vmem>>) offsets(%dma_start3A_333 : memref<64xi32, #tpu.memory_space<vmem>>) semaphore(%dma_start3A_341 : memref<!tpu.dma_semaphore, #tpu.memory_space<semaphore_mem>>)
    %scan3A_342 = arith.constant 0 : i32
    %scan3A_343 = arith.constant 0 : i32
    %scan3A_344 = arith.constant 39 : i32
    %scan3A_345 = arith.addi %scan3A_343, %scan3A_344 : i32
    %scan3A_346 = arith.constant 1 : i32
    %scan3A_347 = scf.for %scan3A_454 = %scan3A_343 to %scan3A_345 step %scan3A_346 iter_args(%scan3A_455 = %scan3A_342) -> (i32)  : i32 {
      %eq3A = arith.constant 20 : i32
      %eq3A_456 = arith.cmpi eq, %scan3A_454, %eq3A : i32
      %convert_element_type3A = arith.extui %eq3A_456 : i1 to i32
      %cond3A = arith.constant 0 : i32
      %cond3A_457 = arith.cmpi ne, %convert_element_type3A, %cond3A : i32
      scf.if %cond3A_457 {
        "tpu.region"() ({
          %run_scoped3A_661 = tpu.sem_alloc : memref<!tpu.dma_semaphore, #tpu.memory_space<semaphore_mem>>
          %dma_start3A_662 = arith.constant 0 : i32
          %dma_start3A_663 = arith.constant 0 : i32
          %dma_start3A_664 = tpu.memref_slice %arg4[%add3A, %dma_start3A_662, %dma_start3A_663] : memref<32x80x128xi32, #tpu.memory_space<hbm>> -> memref<1x80x128xi32, #tpu.memory_space<hbm>>
          %dma_start3A_665 = tpu.memref_squeeze %dma_start3A_664 : memref<1x80x128xi32, #tpu.memory_space<hbm>> -> memref<80x128xi32, #tpu.memory_space<hbm>>
          %dma_start3A_666 = arith.constant 40 : i32
          %dma_start3A_667 = arith.constant 0 : i32
          %dma_start3A_668 = tpu.memref_slice %dma_start3A_665[%dma_start3A_666, %dma_start3A_667] : memref<80x128xi32, #tpu.memory_space<hbm>> -> memref<40x128xi32, #tpu.memory_space<hbm>>
          %dma_start3A_669 = arith.constant 0 : i32
          %dma_start3A_670 = arith.constant 0 : i32
          %dma_start3A_671 = tpu.memref_slice %arg4[%add3A, %dma_start3A_669, %dma_start3A_670] : memref<32x80x128xi32, #tpu.memory_space<hbm>> -> memref<1x80x128xi32, #tpu.memory_space<hbm>>
          %dma_start3A_672 = tpu.memref_squeeze %dma_start3A_671 : memref<1x80x128xi32, #tpu.memory_space<hbm>> -> memref<80x128xi32, #tpu.memory_space<hbm>>
          %dma_start3A_673 = arith.constant 40 : i32
          %dma_start3A_674 = arith.constant 0 : i32
          %dma_start3A_675 = tpu.memref_slice %dma_start3A_672[%dma_start3A_673, %dma_start3A_674] : memref<80x128xi32, #tpu.memory_space<hbm>> -> memref<40x128xi32, #tpu.memory_space<hbm>>
          tpu.enqueue_dma source(%dma_start3A_675 : memref<40x128xi32, #tpu.memory_space<hbm>>) target(%arg7 : memref<40x128xi32, #tpu.memory_space<vmem>>) target_semaphore(%run_scoped3A_661 : memref<!tpu.dma_semaphore, #tpu.memory_space<semaphore_mem>>)
          %dma_wait3A_676 = arith.constant 0 : i32
          %dma_wait3A_677 = arith.constant 0 : i32
          %dma_wait3A_678 = tpu.memref_slice %arg4[%add3A, %dma_wait3A_676, %dma_wait3A_677] : memref<32x80x128xi32, #tpu.memory_space<hbm>> -> memref<1x80x128xi32, #tpu.memory_space<hbm>>
          %dma_wait3A_679 = tpu.memref_squeeze %dma_wait3A_678 : memref<1x80x128xi32, #tpu.memory_space<hbm>> -> memref<80x128xi32, #tpu.memory_space<hbm>>
          %dma_wait3A_680 = arith.constant 40 : i32
          %dma_wait3A_681 = arith.constant 0 : i32
          %dma_wait3A_682 = tpu.memref_slice %dma_wait3A_679[%dma_wait3A_680, %dma_wait3A_681] : memref<80x128xi32, #tpu.memory_space<hbm>> -> memref<40x128xi32, #tpu.memory_space<hbm>>
          %dma_wait3A_683 = arith.constant 0 : i32
          %dma_wait3A_684 = arith.constant 0 : i32
          %dma_wait3A_685 = tpu.memref_slice %arg4[%add3A, %dma_wait3A_683, %dma_wait3A_684] : memref<32x80x128xi32, #tpu.memory_space<hbm>> -> memref<1x80x128xi32, #tpu.memory_space<hbm>>
          %dma_wait3A_686 = tpu.memref_squeeze %dma_wait3A_685 : memref<1x80x128xi32, #tpu.memory_space<hbm>> -> memref<80x128xi32, #tpu.memory_space<hbm>>
          %dma_wait3A_687 = arith.constant 40 : i32
          %dma_wait3A_688 = arith.constant 0 : i32
          %dma_wait3A_689 = tpu.memref_slice %dma_wait3A_686[%dma_wait3A_687, %dma_wait3A_688] : memref<80x128xi32, #tpu.memory_space<hbm>> -> memref<40x128xi32, #tpu.memory_space<hbm>>
          tpu.wait_dma2 semaphore(%run_scoped3A_661 : memref<!tpu.dma_semaphore, #tpu.memory_space<semaphore_mem>>) src(%dma_wait3A_689 : memref<40x128xi32, #tpu.memory_space<hbm>>) dst(%arg7 : memref<40x128xi32, #tpu.memory_space<vmem>>)
          tpu.yield
        }) : () -> ()
      } else {
      }
      %mul3A_458 = arith.constant 2 : i32
      %mul3A_459 = arith.muli %scan3A_454, %mul3A_458 : i32
      %add3A_460 = arith.constant 0 : i32
      %add3A_461 = arith.addi %mul3A_459, %add3A_460 : i32
      %dma_wait3A_462 = arith.constant 0 : i32
      %dma_wait3A_463 = arith.constant 0 : i32
      %dma_wait3A_464 = arith.constant 0 : i32
      %dma_wait3A_465 = arith.constant 0 : i32
      %dma_wait3A_466 = arith.constant 0 : i32
      %dma_wait3A_467 = tpu.memref_slice %arg8[%dma_wait3A_462, %dma_wait3A_465, %dma_wait3A_466] : memref<2x128x128xf32, #tpu.memory_space<vmem>> -> memref<1x128x128xf32, #tpu.memory_space<vmem>>
      %dma_wait3A_468 = tpu.memref_squeeze %dma_wait3A_467 : memref<1x128x128xf32, #tpu.memory_space<vmem>> -> memref<128x128xf32, #tpu.memory_space<vmem>>
      %dma_wait3A_469 = arith.constant 0 : i32
      %dma_wait3A_470 = arith.constant 0 : i32
      %dma_wait3A_471 = tpu.memref_slice %dma_wait3A_468[%dma_wait3A_469, %dma_wait3A_470] : memref<128x128xf32, #tpu.memory_space<vmem>> -> memref<64x128xf32, #tpu.memory_space<vmem>>
      %dma_wait3A_472 = arith.constant 0 : i32
      %dma_wait3A_473 = tpu.memref_slice %arg6[%add3A_461, %dma_wait3A_472] : memref<80x128xi32, #tpu.memory_space<vmem>> -> memref<1x128xi32, #tpu.memory_space<vmem>>
      %dma_wait3A_474 = tpu.memref_squeeze %dma_wait3A_473 : memref<1x128xi32, #tpu.memory_space<vmem>> -> memref<128xi32, #tpu.memory_space<vmem>>
      %dma_wait3A_475 = arith.constant 0 : i32
      %dma_wait3A_476 = tpu.memref_slice %dma_wait3A_474[%dma_wait3A_475] : memref<128xi32, #tpu.memory_space<vmem>> -> memref<64xi32, #tpu.memory_space<vmem>>
      %dma_wait3A_477 = arith.constant 0 : i32
      %dma_wait3A_478 = arith.constant 0 : i32
      %dma_wait3A_479 = tpu.memref_slice %arg2[%dma_wait3A_477, %dma_wait3A_478] : memref<10000x128xf32, #tpu.memory_space<hbm>> -> memref<10000x128xf32, #tpu.memory_space<hbm>>
      %dma_wait3A_480 = arith.constant 0 : i32
      %dma_wait3A_481 = tpu.memref_slice %arg10[%dma_wait3A_463, %dma_wait3A_480] : memref<2x2x!tpu.dma_semaphore, #tpu.memory_space<semaphore_mem>> -> memref<1x2x!tpu.dma_semaphore, #tpu.memory_space<semaphore_mem>>
      %dma_wait3A_482 = tpu.memref_squeeze %dma_wait3A_481 : memref<1x2x!tpu.dma_semaphore, #tpu.memory_space<semaphore_mem>> -> memref<2x!tpu.dma_semaphore, #tpu.memory_space<semaphore_mem>>
      %dma_wait3A_483 = tpu.memref_slice %dma_wait3A_482[%dma_wait3A_464] : memref<2x!tpu.dma_semaphore, #tpu.memory_space<semaphore_mem>> -> memref<1x!tpu.dma_semaphore, #tpu.memory_space<semaphore_mem>>
      %dma_wait3A_484 = tpu.memref_squeeze %dma_wait3A_483 : memref<1x!tpu.dma_semaphore, #tpu.memory_space<semaphore_mem>> -> memref<!tpu.dma_semaphore, #tpu.memory_space<semaphore_mem>>
      tpu.wait_indirect_dma semaphore(%dma_wait3A_484 : memref<!tpu.dma_semaphore, #tpu.memory_space<semaphore_mem>>) src(%dma_wait3A_479 : memref<10000x128xf32, #tpu.memory_space<hbm>>) dst(%dma_wait3A_471 : memref<64x128xf32, #tpu.memory_space<vmem>>)
      %dma_wait3A_485 = arith.constant 0 : i32
      %dma_wait3A_486 = arith.constant 0 : i32
      %dma_wait3A_487 = arith.constant 1 : i32
      %dma_wait3A_488 = arith.constant 0 : i32
      %dma_wait3A_489 = arith.constant 0 : i32
      %dma_wait3A_490 = tpu.memref_slice %arg8[%dma_wait3A_485, %dma_wait3A_488, %dma_wait3A_489] : memref<2x128x128xf32, #tpu.memory_space<vmem>> -> memref<1x128x128xf32, #tpu.memory_space<vmem>>
      %dma_wait3A_491 = tpu.memref_squeeze %dma_wait3A_490 : memref<1x128x128xf32, #tpu.memory_space<vmem>> -> memref<128x128xf32, #tpu.memory_space<vmem>>
      %dma_wait3A_492 = arith.constant 64 : i32
      %dma_wait3A_493 = arith.constant 0 : i32
      %dma_wait3A_494 = tpu.memref_slice %dma_wait3A_491[%dma_wait3A_492, %dma_wait3A_493] : memref<128x128xf32, #tpu.memory_space<vmem>> -> memref<64x128xf32, #tpu.memory_space<vmem>>
      %dma_wait3A_495 = arith.constant 0 : i32
      %dma_wait3A_496 = tpu.memref_slice %arg6[%add3A_461, %dma_wait3A_495] : memref<80x128xi32, #tpu.memory_space<vmem>> -> memref<1x128xi32, #tpu.memory_space<vmem>>
      %dma_wait3A_497 = tpu.memref_squeeze %dma_wait3A_496 : memref<1x128xi32, #tpu.memory_space<vmem>> -> memref<128xi32, #tpu.memory_space<vmem>>
      %dma_wait3A_498 = arith.constant 64 : i32
      %dma_wait3A_499 = tpu.memref_slice %dma_wait3A_497[%dma_wait3A_498] : memref<128xi32, #tpu.memory_space<vmem>> -> memref<64xi32, #tpu.memory_space<vmem>>
      %dma_wait3A_500 = arith.constant 0 : i32
      %dma_wait3A_501 = arith.constant 0 : i32
      %dma_wait3A_502 = tpu.memref_slice %arg2[%dma_wait3A_500, %dma_wait3A_501] : memref<10000x128xf32, #tpu.memory_space<hbm>> -> memref<10000x128xf32, #tpu.memory_space<hbm>>
      %dma_wait3A_503 = arith.constant 0 : i32
      %dma_wait3A_504 = tpu.memref_slice %arg10[%dma_wait3A_486, %dma_wait3A_503] : memref<2x2x!tpu.dma_semaphore, #tpu.memory_space<semaphore_mem>> -> memref<1x2x!tpu.dma_semaphore, #tpu.memory_space<semaphore_mem>>
      %dma_wait3A_505 = tpu.memref_squeeze %dma_wait3A_504 : memref<1x2x!tpu.dma_semaphore, #tpu.memory_space<semaphore_mem>> -> memref<2x!tpu.dma_semaphore, #tpu.memory_space<semaphore_mem>>
      %dma_wait3A_506 = tpu.memref_slice %dma_wait3A_505[%dma_wait3A_487] : memref<2x!tpu.dma_semaphore, #tpu.memory_space<semaphore_mem>> -> memref<1x!tpu.dma_semaphore, #tpu.memory_space<semaphore_mem>>
      %dma_wait3A_507 = tpu.memref_squeeze %dma_wait3A_506 : memref<1x!tpu.dma_semaphore, #tpu.memory_space<semaphore_mem>> -> memref<!tpu.dma_semaphore, #tpu.memory_space<semaphore_mem>>
      tpu.wait_indirect_dma semaphore(%dma_wait3A_507 : memref<!tpu.dma_semaphore, #tpu.memory_space<semaphore_mem>>) src(%dma_wait3A_502 : memref<10000x128xf32, #tpu.memory_space<hbm>>) dst(%dma_wait3A_494 : memref<64x128xf32, #tpu.memory_space<vmem>>)
      %rem3A_508 = arith.constant 40 : i32
      %rem3A_509 = arith.remsi %add3A_461, %rem3A_508 : i32
      %run_scoped3A_510 = arith.constant 0 : i32
      "tpu.region"() ({
        %run_scoped3A_661 = tpu.sem_alloc : memref<!tpu.dma_semaphore, #tpu.memory_space<semaphore_mem>>
        %dma_start3A_662 = arith.constant 0 : i32
        %dma_start3A_663 = arith.constant 0 : i32
        %dma_start3A_664 = tpu.memref_slice %arg8[%run_scoped3A_510, %dma_start3A_662, %dma_start3A_663] : memref<2x128x128xf32, #tpu.memory_space<vmem>> -> memref<1x128x128xf32, #tpu.memory_space<vmem>>
        %dma_start3A_665 = tpu.memref_squeeze %dma_start3A_664 : memref<1x128x128xf32, #tpu.memory_space<vmem>> -> memref<128x128xf32, #tpu.memory_space<vmem>>
        %dma_start3A_666 = arith.constant 0 : i32
        %dma_start3A_667 = tpu.memref_slice %arg7[%rem3A_509, %dma_start3A_666] : memref<40x128xi32, #tpu.memory_space<vmem>> -> memref<1x128xi32, #tpu.memory_space<vmem>>
        %dma_start3A_668 = tpu.memref_squeeze %dma_start3A_667 : memref<1x128xi32, #tpu.memory_space<vmem>> -> memref<128xi32, #tpu.memory_space<vmem>>
        %dma_start3A_669 = arith.constant 0 : i32
        %dma_start3A_670 = arith.constant 0 : i32
        %dma_start3A_671 = tpu.memref_slice %arg9[%dma_start3A_669, %dma_start3A_670] : memref<10240x128xf32, #tpu.memory_space<vmem_shared>> -> memref<10240x128xf32, #tpu.memory_space<vmem_shared>>
        tpu.enqueue_indirect_dma source(%dma_start3A_665 : memref<128x128xf32, #tpu.memory_space<vmem>>) target(%dma_start3A_671 : memref<10240x128xf32, #tpu.memory_space<vmem_shared>>) offsets(%dma_start3A_668 : memref<128xi32, #tpu.memory_space<vmem>>) semaphore(%run_scoped3A_661 : memref<!tpu.dma_semaphore, #tpu.memory_space<semaphore_mem>>) {add = true}
        %dma_wait3A_672 = arith.constant 0 : i32
        %dma_wait3A_673 = arith.constant 0 : i32
        %dma_wait3A_674 = tpu.memref_slice %arg8[%run_scoped3A_510, %dma_wait3A_672, %dma_wait3A_673] : memref<2x128x128xf32, #tpu.memory_space<vmem>> -> memref<1x128x128xf32, #tpu.memory_space<vmem>>
        %dma_wait3A_675 = tpu.memref_squeeze %dma_wait3A_674 : memref<1x128x128xf32, #tpu.memory_space<vmem>> -> memref<128x128xf32, #tpu.memory_space<vmem>>
        %dma_wait3A_676 = arith.constant 0 : i32
        %dma_wait3A_677 = tpu.memref_slice %arg7[%rem3A_509, %dma_wait3A_676] : memref<40x128xi32, #tpu.memory_space<vmem>> -> memref<1x128xi32, #tpu.memory_space<vmem>>
        %dma_wait3A_678 = tpu.memref_squeeze %dma_wait3A_677 : memref<1x128xi32, #tpu.memory_space<vmem>> -> memref<128xi32, #tpu.memory_space<vmem>>
        %dma_wait3A_679 = arith.constant 0 : i32
        %dma_wait3A_680 = arith.constant 0 : i32
        %dma_wait3A_681 = tpu.memref_slice %arg9[%dma_wait3A_679, %dma_wait3A_680] : memref<10240x128xf32, #tpu.memory_space<vmem_shared>> -> memref<10240x128xf32, #tpu.memory_space<vmem_shared>>
        tpu.wait_indirect_dma semaphore(%run_scoped3A_661 : memref<!tpu.dma_semaphore, #tpu.memory_space<semaphore_mem>>) src(%dma_wait3A_675 : memref<128x128xf32, #tpu.memory_space<vmem>>) dst(%dma_wait3A_681 : memref<10240x128xf32, #tpu.memory_space<vmem_shared>>)
        tpu.yield
      }) : () -> ()
      %add3A_511 = arith.constant 2 : i32
      %add3A_512 = arith.addi %add3A_461, %add3A_511 : i32
      %dma_start3A_513 = arith.constant 0 : i32
      %dma_start3A_514 = arith.constant 0 : i32
      %dma_start3A_515 = arith.constant 0 : i32
      %dma_start3A_516 = arith.constant 0 : i32
      %dma_start3A_517 = arith.constant 0 : i32
      %dma_start3A_518 = tpu.memref_slice %arg8[%dma_start3A_513, %dma_start3A_516, %dma_start3A_517] : memref<2x128x128xf32, #tpu.memory_space<vmem>> -> memref<1x128x128xf32, #tpu.memory_space<vmem>>
      %dma_start3A_519 = tpu.memref_squeeze %dma_start3A_518 : memref<1x128x128xf32, #tpu.memory_space<vmem>> -> memref<128x128xf32, #tpu.memory_space<vmem>>
      %dma_start3A_520 = arith.constant 0 : i32
      %dma_start3A_521 = arith.constant 0 : i32
      %dma_start3A_522 = tpu.memref_slice %dma_start3A_519[%dma_start3A_520, %dma_start3A_521] : memref<128x128xf32, #tpu.memory_space<vmem>> -> memref<64x128xf32, #tpu.memory_space<vmem>>
      %dma_start3A_523 = arith.constant 0 : i32
      %dma_start3A_524 = tpu.memref_slice %arg6[%add3A_512, %dma_start3A_523] : memref<80x128xi32, #tpu.memory_space<vmem>> -> memref<1x128xi32, #tpu.memory_space<vmem>>
      %dma_start3A_525 = tpu.memref_squeeze %dma_start3A_524 : memref<1x128xi32, #tpu.memory_space<vmem>> -> memref<128xi32, #tpu.memory_space<vmem>>
      %dma_start3A_526 = arith.constant 0 : i32
      %dma_start3A_527 = tpu.memref_slice %dma_start3A_525[%dma_start3A_526] : memref<128xi32, #tpu.memory_space<vmem>> -> memref<64xi32, #tpu.memory_space<vmem>>
      %dma_start3A_528 = arith.constant 0 : i32
      %dma_start3A_529 = arith.constant 0 : i32
      %dma_start3A_530 = tpu.memref_slice %arg2[%dma_start3A_528, %dma_start3A_529] : memref<10000x128xf32, #tpu.memory_space<hbm>> -> memref<10000x128xf32, #tpu.memory_space<hbm>>
      %dma_start3A_531 = arith.constant 0 : i32
      %dma_start3A_532 = tpu.memref_slice %arg10[%dma_start3A_514, %dma_start3A_531] : memref<2x2x!tpu.dma_semaphore, #tpu.memory_space<semaphore_mem>> -> memref<1x2x!tpu.dma_semaphore, #tpu.memory_space<semaphore_mem>>
      %dma_start3A_533 = tpu.memref_squeeze %dma_start3A_532 : memref<1x2x!tpu.dma_semaphore, #tpu.memory_space<semaphore_mem>> -> memref<2x!tpu.dma_semaphore, #tpu.memory_space<semaphore_mem>>
      %dma_start3A_534 = tpu.memref_slice %dma_start3A_533[%dma_start3A_515] : memref<2x!tpu.dma_semaphore, #tpu.memory_space<semaphore_mem>> -> memref<1x!tpu.dma_semaphore, #tpu.memory_space<semaphore_mem>>
      %dma_start3A_535 = tpu.memref_squeeze %dma_start3A_534 : memref<1x!tpu.dma_semaphore, #tpu.memory_space<semaphore_mem>> -> memref<!tpu.dma_semaphore, #tpu.memory_space<semaphore_mem>>
      tpu.enqueue_indirect_dma source(%dma_start3A_530 : memref<10000x128xf32, #tpu.memory_space<hbm>>) target(%dma_start3A_522 : memref<64x128xf32, #tpu.memory_space<vmem>>) offsets(%dma_start3A_527 : memref<64xi32, #tpu.memory_space<vmem>>) semaphore(%dma_start3A_535 : memref<!tpu.dma_semaphore, #tpu.memory_space<semaphore_mem>>)
      %dma_start3A_536 = arith.constant 0 : i32
      %dma_start3A_537 = arith.constant 0 : i32
      %dma_start3A_538 = arith.constant 1 : i32
      %dma_start3A_539 = arith.constant 0 : i32
      %dma_start3A_540 = arith.constant 0 : i32
      %dma_start3A_541 = tpu.memref_slice %arg8[%dma_start3A_536, %dma_start3A_539, %dma_start3A_540] : memref<2x128x128xf32, #tpu.memory_space<vmem>> -> memref<1x128x128xf32, #tpu.memory_space<vmem>>
      %dma_start3A_542 = tpu.memref_squeeze %dma_start3A_541 : memref<1x128x128xf32, #tpu.memory_space<vmem>> -> memref<128x128xf32, #tpu.memory_space<vmem>>
      %dma_start3A_543 = arith.constant 64 : i32
      %dma_start3A_544 = arith.constant 0 : i32
      %dma_start3A_545 = tpu.memref_slice %dma_start3A_542[%dma_start3A_543, %dma_start3A_544] : memref<128x128xf32, #tpu.memory_space<vmem>> -> memref<64x128xf32, #tpu.memory_space<vmem>>
      %dma_start3A_546 = arith.constant 0 : i32
      %dma_start3A_547 = tpu.memref_slice %arg6[%add3A_512, %dma_start3A_546] : memref<80x128xi32, #tpu.memory_space<vmem>> -> memref<1x128xi32, #tpu.memory_space<vmem>>
      %dma_start3A_548 = tpu.memref_squeeze %dma_start3A_547 : memref<1x128xi32, #tpu.memory_space<vmem>> -> memref<128xi32, #tpu.memory_space<vmem>>
      %dma_start3A_549 = arith.constant 64 : i32
      %dma_start3A_550 = tpu.memref_slice %dma_start3A_548[%dma_start3A_549] : memref<128xi32, #tpu.memory_space<vmem>> -> memref<64xi32, #tpu.memory_space<vmem>>
      %dma_start3A_551 = arith.constant 0 : i32
      %dma_start3A_552 = arith.constant 0 : i32
      %dma_start3A_553 = tpu.memref_slice %arg2[%dma_start3A_551, %dma_start3A_552] : memref<10000x128xf32, #tpu.memory_space<hbm>> -> memref<10000x128xf32, #tpu.memory_space<hbm>>
      %dma_start3A_554 = arith.constant 0 : i32
      %dma_start3A_555 = tpu.memref_slice %arg10[%dma_start3A_537, %dma_start3A_554] : memref<2x2x!tpu.dma_semaphore, #tpu.memory_space<semaphore_mem>> -> memref<1x2x!tpu.dma_semaphore, #tpu.memory_space<semaphore_mem>>
      %dma_start3A_556 = tpu.memref_squeeze %dma_start3A_555 : memref<1x2x!tpu.dma_semaphore, #tpu.memory_space<semaphore_mem>> -> memref<2x!tpu.dma_semaphore, #tpu.memory_space<semaphore_mem>>
      %dma_start3A_557 = tpu.memref_slice %dma_start3A_556[%dma_start3A_538] : memref<2x!tpu.dma_semaphore, #tpu.memory_space<semaphore_mem>> -> memref<1x!tpu.dma_semaphore, #tpu.memory_space<semaphore_mem>>
      %dma_start3A_558 = tpu.memref_squeeze %dma_start3A_557 : memref<1x!tpu.dma_semaphore, #tpu.memory_space<semaphore_mem>> -> memref<!tpu.dma_semaphore, #tpu.memory_space<semaphore_mem>>
      tpu.enqueue_indirect_dma source(%dma_start3A_553 : memref<10000x128xf32, #tpu.memory_space<hbm>>) target(%dma_start3A_545 : memref<64x128xf32, #tpu.memory_space<vmem>>) offsets(%dma_start3A_550 : memref<64xi32, #tpu.memory_space<vmem>>) semaphore(%dma_start3A_558 : memref<!tpu.dma_semaphore, #tpu.memory_space<semaphore_mem>>)
      %mul3A_559 = arith.constant 2 : i32
      %mul3A_560 = arith.muli %scan3A_454, %mul3A_559 : i32
      %add3A_561 = arith.constant 1 : i32
      %add3A_562 = arith.addi %mul3A_560, %add3A_561 : i32
      %dma_wait3A_563 = arith.constant 1 : i32
      %dma_wait3A_564 = arith.constant 1 : i32
      %dma_wait3A_565 = arith.constant 0 : i32
      %dma_wait3A_566 = arith.constant 0 : i32
      %dma_wait3A_567 = arith.constant 0 : i32
      %dma_wait3A_568 = tpu.memref_slice %arg8[%dma_wait3A_563, %dma_wait3A_566, %dma_wait3A_567] : memref<2x128x128xf32, #tpu.memory_space<vmem>> -> memref<1x128x128xf32, #tpu.memory_space<vmem>>
      %dma_wait3A_569 = tpu.memref_squeeze %dma_wait3A_568 : memref<1x128x128xf32, #tpu.memory_space<vmem>> -> memref<128x128xf32, #tpu.memory_space<vmem>>
      %dma_wait3A_570 = arith.constant 0 : i32
      %dma_wait3A_571 = arith.constant 0 : i32
      %dma_wait3A_572 = tpu.memref_slice %dma_wait3A_569[%dma_wait3A_570, %dma_wait3A_571] : memref<128x128xf32, #tpu.memory_space<vmem>> -> memref<64x128xf32, #tpu.memory_space<vmem>>
      %dma_wait3A_573 = arith.constant 0 : i32
      %dma_wait3A_574 = tpu.memref_slice %arg6[%add3A_562, %dma_wait3A_573] : memref<80x128xi32, #tpu.memory_space<vmem>> -> memref<1x128xi32, #tpu.memory_space<vmem>>
      %dma_wait3A_575 = tpu.memref_squeeze %dma_wait3A_574 : memref<1x128xi32, #tpu.memory_space<vmem>> -> memref<128xi32, #tpu.memory_space<vmem>>
      %dma_wait3A_576 = arith.constant 0 : i32
      %dma_wait3A_577 = tpu.memref_slice %dma_wait3A_575[%dma_wait3A_576] : memref<128xi32, #tpu.memory_space<vmem>> -> memref<64xi32, #tpu.memory_space<vmem>>
      %dma_wait3A_578 = arith.constant 0 : i32
      %dma_wait3A_579 = arith.constant 0 : i32
      %dma_wait3A_580 = tpu.memref_slice %arg2[%dma_wait3A_578, %dma_wait3A_579] : memref<10000x128xf32, #tpu.memory_space<hbm>> -> memref<10000x128xf32, #tpu.memory_space<hbm>>
      %dma_wait3A_581 = arith.constant 0 : i32
      %dma_wait3A_582 = tpu.memref_slice %arg10[%dma_wait3A_564, %dma_wait3A_581] : memref<2x2x!tpu.dma_semaphore, #tpu.memory_space<semaphore_mem>> -> memref<1x2x!tpu.dma_semaphore, #tpu.memory_space<semaphore_mem>>
      %dma_wait3A_583 = tpu.memref_squeeze %dma_wait3A_582 : memref<1x2x!tpu.dma_semaphore, #tpu.memory_space<semaphore_mem>> -> memref<2x!tpu.dma_semaphore, #tpu.memory_space<semaphore_mem>>
      %dma_wait3A_584 = tpu.memref_slice %dma_wait3A_583[%dma_wait3A_565] : memref<2x!tpu.dma_semaphore, #tpu.memory_space<semaphore_mem>> -> memref<1x!tpu.dma_semaphore, #tpu.memory_space<semaphore_mem>>
      %dma_wait3A_585 = tpu.memref_squeeze %dma_wait3A_584 : memref<1x!tpu.dma_semaphore, #tpu.memory_space<semaphore_mem>> -> memref<!tpu.dma_semaphore, #tpu.memory_space<semaphore_mem>>
      tpu.wait_indirect_dma semaphore(%dma_wait3A_585 : memref<!tpu.dma_semaphore, #tpu.memory_space<semaphore_mem>>) src(%dma_wait3A_580 : memref<10000x128xf32, #tpu.memory_space<hbm>>) dst(%dma_wait3A_572 : memref<64x128xf32, #tpu.memory_space<vmem>>)
      %dma_wait3A_586 = arith.constant 1 : i32
      %dma_wait3A_587 = arith.constant 1 : i32
      %dma_wait3A_588 = arith.constant 1 : i32
      %dma_wait3A_589 = arith.constant 0 : i32
      %dma_wait3A_590 = arith.constant 0 : i32
      %dma_wait3A_591 = tpu.memref_slice %arg8[%dma_wait3A_586, %dma_wait3A_589, %dma_wait3A_590] : memref<2x128x128xf32, #tpu.memory_space<vmem>> -> memref<1x128x128xf32, #tpu.memory_space<vmem>>
      %dma_wait3A_592 = tpu.memref_squeeze %dma_wait3A_591 : memref<1x128x128xf32, #tpu.memory_space<vmem>> -> memref<128x128xf32, #tpu.memory_space<vmem>>
      %dma_wait3A_593 = arith.constant 64 : i32
      %dma_wait3A_594 = arith.constant 0 : i32
      %dma_wait3A_595 = tpu.memref_slice %dma_wait3A_592[%dma_wait3A_593, %dma_wait3A_594] : memref<128x128xf32, #tpu.memory_space<vmem>> -> memref<64x128xf32, #tpu.memory_space<vmem>>
      %dma_wait3A_596 = arith.constant 0 : i32
      %dma_wait3A_597 = tpu.memref_slice %arg6[%add3A_562, %dma_wait3A_596] : memref<80x128xi32, #tpu.memory_space<vmem>> -> memref<1x128xi32, #tpu.memory_space<vmem>>
      %dma_wait3A_598 = tpu.memref_squeeze %dma_wait3A_597 : memref<1x128xi32, #tpu.memory_space<vmem>> -> memref<128xi32, #tpu.memory_space<vmem>>
      %dma_wait3A_599 = arith.constant 64 : i32
      %dma_wait3A_600 = tpu.memref_slice %dma_wait3A_598[%dma_wait3A_599] : memref<128xi32, #tpu.memory_space<vmem>> -> memref<64xi32, #tpu.memory_space<vmem>>
      %dma_wait3A_601 = arith.constant 0 : i32
      %dma_wait3A_602 = arith.constant 0 : i32
      %dma_wait3A_603 = tpu.memref_slice %arg2[%dma_wait3A_601, %dma_wait3A_602] : memref<10000x128xf32, #tpu.memory_space<hbm>> -> memref<10000x128xf32, #tpu.memory_space<hbm>>
      %dma_wait3A_604 = arith.constant 0 : i32
      %dma_wait3A_605 = tpu.memref_slice %arg10[%dma_wait3A_587, %dma_wait3A_604] : memref<2x2x!tpu.dma_semaphore, #tpu.memory_space<semaphore_mem>> -> memref<1x2x!tpu.dma_semaphore, #tpu.memory_space<semaphore_mem>>
      %dma_wait3A_606 = tpu.memref_squeeze %dma_wait3A_605 : memref<1x2x!tpu.dma_semaphore, #tpu.memory_space<semaphore_mem>> -> memref<2x!tpu.dma_semaphore, #tpu.memory_space<semaphore_mem>>
      %dma_wait3A_607 = tpu.memref_slice %dma_wait3A_606[%dma_wait3A_588] : memref<2x!tpu.dma_semaphore, #tpu.memory_space<semaphore_mem>> -> memref<1x!tpu.dma_semaphore, #tpu.memory_space<semaphore_mem>>
      %dma_wait3A_608 = tpu.memref_squeeze %dma_wait3A_607 : memref<1x!tpu.dma_semaphore, #tpu.memory_space<semaphore_mem>> -> memref<!tpu.dma_semaphore, #tpu.memory_space<semaphore_mem>>
      tpu.wait_indirect_dma semaphore(%dma_wait3A_608 : memref<!tpu.dma_semaphore, #tpu.memory_space<semaphore_mem>>) src(%dma_wait3A_603 : memref<10000x128xf32, #tpu.memory_space<hbm>>) dst(%dma_wait3A_595 : memref<64x128xf32, #tpu.memory_space<vmem>>)
      %rem3A_609 = arith.constant 40 : i32
      %rem3A_610 = arith.remsi %add3A_562, %rem3A_609 : i32
      %run_scoped3A_611 = arith.constant 1 : i32
      "tpu.region"() ({
        %run_scoped3A_661 = tpu.sem_alloc : memref<!tpu.dma_semaphore, #tpu.memory_space<semaphore_mem>>
        %dma_start3A_662 = arith.constant 0 : i32
        %dma_start3A_663 = arith.constant 0 : i32
        %dma_start3A_664 = tpu.memref_slice %arg8[%run_scoped3A_611, %dma_start3A_662, %dma_start3A_663] : memref<2x128x128xf32, #tpu.memory_space<vmem>> -> memref<1x128x128xf32, #tpu.memory_space<vmem>>
        %dma_start3A_665 = tpu.memref_squeeze %dma_start3A_664 : memref<1x128x128xf32, #tpu.memory_space<vmem>> -> memref<128x128xf32, #tpu.memory_space<vmem>>
        %dma_start3A_666 = arith.constant 0 : i32
        %dma_start3A_667 = tpu.memref_slice %arg7[%rem3A_610, %dma_start3A_666] : memref<40x128xi32, #tpu.memory_space<vmem>> -> memref<1x128xi32, #tpu.memory_space<vmem>>
        %dma_start3A_668 = tpu.memref_squeeze %dma_start3A_667 : memref<1x128xi32, #tpu.memory_space<vmem>> -> memref<128xi32, #tpu.memory_space<vmem>>
        %dma_start3A_669 = arith.constant 0 : i32
        %dma_start3A_670 = arith.constant 0 : i32
        %dma_start3A_671 = tpu.memref_slice %arg9[%dma_start3A_669, %dma_start3A_670] : memref<10240x128xf32, #tpu.memory_space<vmem_shared>> -> memref<10240x128xf32, #tpu.memory_space<vmem_shared>>
        tpu.enqueue_indirect_dma source(%dma_start3A_665 : memref<128x128xf32, #tpu.memory_space<vmem>>) target(%dma_start3A_671 : memref<10240x128xf32, #tpu.memory_space<vmem_shared>>) offsets(%dma_start3A_668 : memref<128xi32, #tpu.memory_space<vmem>>) semaphore(%run_scoped3A_661 : memref<!tpu.dma_semaphore, #tpu.memory_space<semaphore_mem>>) {add = true}
        %dma_wait3A_672 = arith.constant 0 : i32
        %dma_wait3A_673 = arith.constant 0 : i32
        %dma_wait3A_674 = tpu.memref_slice %arg8[%run_scoped3A_611, %dma_wait3A_672, %dma_wait3A_673] : memref<2x128x128xf32, #tpu.memory_space<vmem>> -> memref<1x128x128xf32, #tpu.memory_space<vmem>>
        %dma_wait3A_675 = tpu.memref_squeeze %dma_wait3A_674 : memref<1x128x128xf32, #tpu.memory_space<vmem>> -> memref<128x128xf32, #tpu.memory_space<vmem>>
        %dma_wait3A_676 = arith.constant 0 : i32
        %dma_wait3A_677 = tpu.memref_slice %arg7[%rem3A_610, %dma_wait3A_676] : memref<40x128xi32, #tpu.memory_space<vmem>> -> memref<1x128xi32, #tpu.memory_space<vmem>>
        %dma_wait3A_678 = tpu.memref_squeeze %dma_wait3A_677 : memref<1x128xi32, #tpu.memory_space<vmem>> -> memref<128xi32, #tpu.memory_space<vmem>>
        %dma_wait3A_679 = arith.constant 0 : i32
        %dma_wait3A_680 = arith.constant 0 : i32
        %dma_wait3A_681 = tpu.memref_slice %arg9[%dma_wait3A_679, %dma_wait3A_680] : memref<10240x128xf32, #tpu.memory_space<vmem_shared>> -> memref<10240x128xf32, #tpu.memory_space<vmem_shared>>
        tpu.wait_indirect_dma semaphore(%run_scoped3A_661 : memref<!tpu.dma_semaphore, #tpu.memory_space<semaphore_mem>>) src(%dma_wait3A_675 : memref<128x128xf32, #tpu.memory_space<vmem>>) dst(%dma_wait3A_681 : memref<10240x128xf32, #tpu.memory_space<vmem_shared>>)
        tpu.yield
      }) : () -> ()
      %add3A_612 = arith.constant 2 : i32
      %add3A_613 = arith.addi %add3A_562, %add3A_612 : i32
      %dma_start3A_614 = arith.constant 1 : i32
      %dma_start3A_615 = arith.constant 1 : i32
      %dma_start3A_616 = arith.constant 0 : i32
      %dma_start3A_617 = arith.constant 0 : i32
      %dma_start3A_618 = arith.constant 0 : i32
      %dma_start3A_619 = tpu.memref_slice %arg8[%dma_start3A_614, %dma_start3A_617, %dma_start3A_618] : memref<2x128x128xf32, #tpu.memory_space<vmem>> -> memref<1x128x128xf32, #tpu.memory_space<vmem>>
      %dma_start3A_620 = tpu.memref_squeeze %dma_start3A_619 : memref<1x128x128xf32, #tpu.memory_space<vmem>> -> memref<128x128xf32, #tpu.memory_space<vmem>>
      %dma_start3A_621 = arith.constant 0 : i32
      %dma_start3A_622 = arith.constant 0 : i32
      %dma_start3A_623 = tpu.memref_slice %dma_start3A_620[%dma_start3A_621, %dma_start3A_622] : memref<128x128xf32, #tpu.memory_space<vmem>> -> memref<64x128xf32, #tpu.memory_space<vmem>>
      %dma_start3A_624 = arith.constant 0 : i32
      %dma_start3A_625 = tpu.memref_slice %arg6[%add3A_613, %dma_start3A_624] : memref<80x128xi32, #tpu.memory_space<vmem>> -> memref<1x128xi32, #tpu.memory_space<vmem>>
      %dma_start3A_626 = tpu.memref_squeeze %dma_start3A_625 : memref<1x128xi32, #tpu.memory_space<vmem>> -> memref<128xi32, #tpu.memory_space<vmem>>
      %dma_start3A_627 = arith.constant 0 : i32
      %dma_start3A_628 = tpu.memref_slice %dma_start3A_626[%dma_start3A_627] : memref<128xi32, #tpu.memory_space<vmem>> -> memref<64xi32, #tpu.memory_space<vmem>>
      %dma_start3A_629 = arith.constant 0 : i32
      %dma_start3A_630 = arith.constant 0 : i32
      %dma_start3A_631 = tpu.memref_slice %arg2[%dma_start3A_629, %dma_start3A_630] : memref<10000x128xf32, #tpu.memory_space<hbm>> -> memref<10000x128xf32, #tpu.memory_space<hbm>>
      %dma_start3A_632 = arith.constant 0 : i32
      %dma_start3A_633 = tpu.memref_slice %arg10[%dma_start3A_615, %dma_start3A_632] : memref<2x2x!tpu.dma_semaphore, #tpu.memory_space<semaphore_mem>> -> memref<1x2x!tpu.dma_semaphore, #tpu.memory_space<semaphore_mem>>
      %dma_start3A_634 = tpu.memref_squeeze %dma_start3A_633 : memref<1x2x!tpu.dma_semaphore, #tpu.memory_space<semaphore_mem>> -> memref<2x!tpu.dma_semaphore, #tpu.memory_space<semaphore_mem>>
      %dma_start3A_635 = tpu.memref_slice %dma_start3A_634[%dma_start3A_616] : memref<2x!tpu.dma_semaphore, #tpu.memory_space<semaphore_mem>> -> memref<1x!tpu.dma_semaphore, #tpu.memory_space<semaphore_mem>>
      %dma_start3A_636 = tpu.memref_squeeze %dma_start3A_635 : memref<1x!tpu.dma_semaphore, #tpu.memory_space<semaphore_mem>> -> memref<!tpu.dma_semaphore, #tpu.memory_space<semaphore_mem>>
      tpu.enqueue_indirect_dma source(%dma_start3A_631 : memref<10000x128xf32, #tpu.memory_space<hbm>>) target(%dma_start3A_623 : memref<64x128xf32, #tpu.memory_space<vmem>>) offsets(%dma_start3A_628 : memref<64xi32, #tpu.memory_space<vmem>>) semaphore(%dma_start3A_636 : memref<!tpu.dma_semaphore, #tpu.memory_space<semaphore_mem>>)
      %dma_start3A_637 = arith.constant 1 : i32
      %dma_start3A_638 = arith.constant 1 : i32
      %dma_start3A_639 = arith.constant 1 : i32
      %dma_start3A_640 = arith.constant 0 : i32
      %dma_start3A_641 = arith.constant 0 : i32
      %dma_start3A_642 = tpu.memref_slice %arg8[%dma_start3A_637, %dma_start3A_640, %dma_start3A_641] : memref<2x128x128xf32, #tpu.memory_space<vmem>> -> memref<1x128x128xf32, #tpu.memory_space<vmem>>
      %dma_start3A_643 = tpu.memref_squeeze %dma_start3A_642 : memref<1x128x128xf32, #tpu.memory_space<vmem>> -> memref<128x128xf32, #tpu.memory_space<vmem>>
      %dma_start3A_644 = arith.constant 64 : i32
      %dma_start3A_645 = arith.constant 0 : i32
      %dma_start3A_646 = tpu.memref_slice %dma_start3A_643[%dma_start3A_644, %dma_start3A_645] : memref<128x128xf32, #tpu.memory_space<vmem>> -> memref<64x128xf32, #tpu.memory_space<vmem>>
      %dma_start3A_647 = arith.constant 0 : i32
      %dma_start3A_648 = tpu.memref_slice %arg6[%add3A_613, %dma_start3A_647] : memref<80x128xi32, #tpu.memory_space<vmem>> -> memref<1x128xi32, #tpu.memory_space<vmem>>
      %dma_start3A_649 = tpu.memref_squeeze %dma_start3A_648 : memref<1x128xi32, #tpu.memory_space<vmem>> -> memref<128xi32, #tpu.memory_space<vmem>>
      %dma_start3A_650 = arith.constant 64 : i32
      %dma_start3A_651 = tpu.memref_slice %dma_start3A_649[%dma_start3A_650] : memref<128xi32, #tpu.memory_space<vmem>> -> memref<64xi32, #tpu.memory_space<vmem>>
      %dma_start3A_652 = arith.constant 0 : i32
      %dma_start3A_653 = arith.constant 0 : i32
      %dma_start3A_654 = tpu.memref_slice %arg2[%dma_start3A_652, %dma_start3A_653] : memref<10000x128xf32, #tpu.memory_space<hbm>> -> memref<10000x128xf32, #tpu.memory_space<hbm>>
      %dma_start3A_655 = arith.constant 0 : i32
      %dma_start3A_656 = tpu.memref_slice %arg10[%dma_start3A_638, %dma_start3A_655] : memref<2x2x!tpu.dma_semaphore, #tpu.memory_space<semaphore_mem>> -> memref<1x2x!tpu.dma_semaphore, #tpu.memory_space<semaphore_mem>>
      %dma_start3A_657 = tpu.memref_squeeze %dma_start3A_656 : memref<1x2x!tpu.dma_semaphore, #tpu.memory_space<semaphore_mem>> -> memref<2x!tpu.dma_semaphore, #tpu.memory_space<semaphore_mem>>
      %dma_start3A_658 = tpu.memref_slice %dma_start3A_657[%dma_start3A_639] : memref<2x!tpu.dma_semaphore, #tpu.memory_space<semaphore_mem>> -> memref<1x!tpu.dma_semaphore, #tpu.memory_space<semaphore_mem>>
      %dma_start3A_659 = tpu.memref_squeeze %dma_start3A_658 : memref<1x!tpu.dma_semaphore, #tpu.memory_space<semaphore_mem>> -> memref<!tpu.dma_semaphore, #tpu.memory_space<semaphore_mem>>
      tpu.enqueue_indirect_dma source(%dma_start3A_654 : memref<10000x128xf32, #tpu.memory_space<hbm>>) target(%dma_start3A_646 : memref<64x128xf32, #tpu.memory_space<vmem>>) offsets(%dma_start3A_651 : memref<64xi32, #tpu.memory_space<vmem>>) semaphore(%dma_start3A_659 : memref<!tpu.dma_semaphore, #tpu.memory_space<semaphore_mem>>)
      %scan3A_660 = arith.constant 0 : i32
      scf.yield %scan3A_660 : i32
    }
    %scan3A_348 = arith.constant 39 : i32
    %dma_wait3A_349 = arith.constant 78 : i32
    %dma_wait3A_350 = arith.constant 0 : i32
    %dma_wait3A_351 = arith.constant 0 : i32
    %dma_wait3A_352 = arith.constant 0 : i32
    %dma_wait3A_353 = arith.constant 0 : i32
    %dma_wait3A_354 = arith.constant 0 : i32
    %dma_wait3A_355 = tpu.memref_slice %arg8[%dma_wait3A_350, %dma_wait3A_353, %dma_wait3A_354] : memref<2x128x128xf32, #tpu.memory_space<vmem>> -> memref<1x128x128xf32, #tpu.memory_space<vmem>>
    %dma_wait3A_356 = tpu.memref_squeeze %dma_wait3A_355 : memref<1x128x128xf32, #tpu.memory_space<vmem>> -> memref<128x128xf32, #tpu.memory_space<vmem>>
    %dma_wait3A_357 = arith.constant 0 : i32
    %dma_wait3A_358 = arith.constant 0 : i32
    %dma_wait3A_359 = tpu.memref_slice %dma_wait3A_356[%dma_wait3A_357, %dma_wait3A_358] : memref<128x128xf32, #tpu.memory_space<vmem>> -> memref<64x128xf32, #tpu.memory_space<vmem>>
    %dma_wait3A_360 = arith.constant 0 : i32
    %dma_wait3A_361 = tpu.memref_slice %arg6[%dma_wait3A_349, %dma_wait3A_360] : memref<80x128xi32, #tpu.memory_space<vmem>> -> memref<1x128xi32, #tpu.memory_space<vmem>>
    %dma_wait3A_362 = tpu.memref_squeeze %dma_wait3A_361 : memref<1x128xi32, #tpu.memory_space<vmem>> -> memref<128xi32, #tpu.memory_space<vmem>>
    %dma_wait3A_363 = arith.constant 0 : i32
    %dma_wait3A_364 = tpu.memref_slice %dma_wait3A_362[%dma_wait3A_363] : memref<128xi32, #tpu.memory_space<vmem>> -> memref<64xi32, #tpu.memory_space<vmem>>
    %dma_wait3A_365 = arith.constant 0 : i32
    %dma_wait3A_366 = arith.constant 0 : i32
    %dma_wait3A_367 = tpu.memref_slice %arg2[%dma_wait3A_365, %dma_wait3A_366] : memref<10000x128xf32, #tpu.memory_space<hbm>> -> memref<10000x128xf32, #tpu.memory_space<hbm>>
    %dma_wait3A_368 = arith.constant 0 : i32
    %dma_wait3A_369 = tpu.memref_slice %arg10[%dma_wait3A_351, %dma_wait3A_368] : memref<2x2x!tpu.dma_semaphore, #tpu.memory_space<semaphore_mem>> -> memref<1x2x!tpu.dma_semaphore, #tpu.memory_space<semaphore_mem>>
    %dma_wait3A_370 = tpu.memref_squeeze %dma_wait3A_369 : memref<1x2x!tpu.dma_semaphore, #tpu.memory_space<semaphore_mem>> -> memref<2x!tpu.dma_semaphore, #tpu.memory_space<semaphore_mem>>
    %dma_wait3A_371 = tpu.memref_slice %dma_wait3A_370[%dma_wait3A_352] : memref<2x!tpu.dma_semaphore, #tpu.memory_space<semaphore_mem>> -> memref<1x!tpu.dma_semaphore, #tpu.memory_space<semaphore_mem>>
    %dma_wait3A_372 = tpu.memref_squeeze %dma_wait3A_371 : memref<1x!tpu.dma_semaphore, #tpu.memory_space<semaphore_mem>> -> memref<!tpu.dma_semaphore, #tpu.memory_space<semaphore_mem>>
    tpu.wait_indirect_dma semaphore(%dma_wait3A_372 : memref<!tpu.dma_semaphore, #tpu.memory_space<semaphore_mem>>) src(%dma_wait3A_367 : memref<10000x128xf32, #tpu.memory_space<hbm>>) dst(%dma_wait3A_359 : memref<64x128xf32, #tpu.memory_space<vmem>>)
    %dma_wait3A_373 = arith.constant 78 : i32
    %dma_wait3A_374 = arith.constant 0 : i32
    %dma_wait3A_375 = arith.constant 0 : i32
    %dma_wait3A_376 = arith.constant 1 : i32
    %dma_wait3A_377 = arith.constant 0 : i32
    %dma_wait3A_378 = arith.constant 0 : i32
    %dma_wait3A_379 = tpu.memref_slice %arg8[%dma_wait3A_374, %dma_wait3A_377, %dma_wait3A_378] : memref<2x128x128xf32, #tpu.memory_space<vmem>> -> memref<1x128x128xf32, #tpu.memory_space<vmem>>
    %dma_wait3A_380 = tpu.memref_squeeze %dma_wait3A_379 : memref<1x128x128xf32, #tpu.memory_space<vmem>> -> memref<128x128xf32, #tpu.memory_space<vmem>>
    %dma_wait3A_381 = arith.constant 64 : i32
    %dma_wait3A_382 = arith.constant 0 : i32
    %dma_wait3A_383 = tpu.memref_slice %dma_wait3A_380[%dma_wait3A_381, %dma_wait3A_382] : memref<128x128xf32, #tpu.memory_space<vmem>> -> memref<64x128xf32, #tpu.memory_space<vmem>>
    %dma_wait3A_384 = arith.constant 0 : i32
    %dma_wait3A_385 = tpu.memref_slice %arg6[%dma_wait3A_373, %dma_wait3A_384] : memref<80x128xi32, #tpu.memory_space<vmem>> -> memref<1x128xi32, #tpu.memory_space<vmem>>
    %dma_wait3A_386 = tpu.memref_squeeze %dma_wait3A_385 : memref<1x128xi32, #tpu.memory_space<vmem>> -> memref<128xi32, #tpu.memory_space<vmem>>
    %dma_wait3A_387 = arith.constant 64 : i32
    %dma_wait3A_388 = tpu.memref_slice %dma_wait3A_386[%dma_wait3A_387] : memref<128xi32, #tpu.memory_space<vmem>> -> memref<64xi32, #tpu.memory_space<vmem>>
    %dma_wait3A_389 = arith.constant 0 : i32
    %dma_wait3A_390 = arith.constant 0 : i32
    %dma_wait3A_391 = tpu.memref_slice %arg2[%dma_wait3A_389, %dma_wait3A_390] : memref<10000x128xf32, #tpu.memory_space<hbm>> -> memref<10000x128xf32, #tpu.memory_space<hbm>>
    %dma_wait3A_392 = arith.constant 0 : i32
    %dma_wait3A_393 = tpu.memref_slice %arg10[%dma_wait3A_375, %dma_wait3A_392] : memref<2x2x!tpu.dma_semaphore, #tpu.memory_space<semaphore_mem>> -> memref<1x2x!tpu.dma_semaphore, #tpu.memory_space<semaphore_mem>>
    %dma_wait3A_394 = tpu.memref_squeeze %dma_wait3A_393 : memref<1x2x!tpu.dma_semaphore, #tpu.memory_space<semaphore_mem>> -> memref<2x!tpu.dma_semaphore, #tpu.memory_space<semaphore_mem>>
    %dma_wait3A_395 = tpu.memref_slice %dma_wait3A_394[%dma_wait3A_376] : memref<2x!tpu.dma_semaphore, #tpu.memory_space<semaphore_mem>> -> memref<1x!tpu.dma_semaphore, #tpu.memory_space<semaphore_mem>>
    %dma_wait3A_396 = tpu.memref_squeeze %dma_wait3A_395 : memref<1x!tpu.dma_semaphore, #tpu.memory_space<semaphore_mem>> -> memref<!tpu.dma_semaphore, #tpu.memory_space<semaphore_mem>>
    tpu.wait_indirect_dma semaphore(%dma_wait3A_396 : memref<!tpu.dma_semaphore, #tpu.memory_space<semaphore_mem>>) src(%dma_wait3A_391 : memref<10000x128xf32, #tpu.memory_space<hbm>>) dst(%dma_wait3A_383 : memref<64x128xf32, #tpu.memory_space<vmem>>)
    %rem3A = arith.constant 78 : i32
    %rem3A_397 = arith.constant 40 : i32
    %rem3A_398 = arith.remsi %rem3A, %rem3A_397 : i32
    %run_scoped3A = arith.constant 0 : i32
    "tpu.region"() ({
      %run_scoped3A_454 = tpu.sem_alloc : memref<!tpu.dma_semaphore, #tpu.memory_space<semaphore_mem>>
      %dma_start3A_455 = arith.constant 0 : i32
      %dma_start3A_456 = arith.constant 0 : i32
      %dma_start3A_457 = tpu.memref_slice %arg8[%run_scoped3A, %dma_start3A_455, %dma_start3A_456] : memref<2x128x128xf32, #tpu.memory_space<vmem>> -> memref<1x128x128xf32, #tpu.memory_space<vmem>>
      %dma_start3A_458 = tpu.memref_squeeze %dma_start3A_457 : memref<1x128x128xf32, #tpu.memory_space<vmem>> -> memref<128x128xf32, #tpu.memory_space<vmem>>
      %dma_start3A_459 = arith.constant 0 : i32
      %dma_start3A_460 = tpu.memref_slice %arg7[%rem3A_398, %dma_start3A_459] : memref<40x128xi32, #tpu.memory_space<vmem>> -> memref<1x128xi32, #tpu.memory_space<vmem>>
      %dma_start3A_461 = tpu.memref_squeeze %dma_start3A_460 : memref<1x128xi32, #tpu.memory_space<vmem>> -> memref<128xi32, #tpu.memory_space<vmem>>
      %dma_start3A_462 = arith.constant 0 : i32
      %dma_start3A_463 = arith.constant 0 : i32
      %dma_start3A_464 = tpu.memref_slice %arg9[%dma_start3A_462, %dma_start3A_463] : memref<10240x128xf32, #tpu.memory_space<vmem_shared>> -> memref<10240x128xf32, #tpu.memory_space<vmem_shared>>
      tpu.enqueue_indirect_dma source(%dma_start3A_458 : memref<128x128xf32, #tpu.memory_space<vmem>>) target(%dma_start3A_464 : memref<10240x128xf32, #tpu.memory_space<vmem_shared>>) offsets(%dma_start3A_461 : memref<128xi32, #tpu.memory_space<vmem>>) semaphore(%run_scoped3A_454 : memref<!tpu.dma_semaphore, #tpu.memory_space<semaphore_mem>>) {add = true}
      %dma_wait3A_465 = arith.constant 0 : i32
      %dma_wait3A_466 = arith.constant 0 : i32
      %dma_wait3A_467 = tpu.memref_slice %arg8[%run_scoped3A, %dma_wait3A_465, %dma_wait3A_466] : memref<2x128x128xf32, #tpu.memory_space<vmem>> -> memref<1x128x128xf32, #tpu.memory_space<vmem>>
      %dma_wait3A_468 = tpu.memref_squeeze %dma_wait3A_467 : memref<1x128x128xf32, #tpu.memory_space<vmem>> -> memref<128x128xf32, #tpu.memory_space<vmem>>
      %dma_wait3A_469 = arith.constant 0 : i32
      %dma_wait3A_470 = tpu.memref_slice %arg7[%rem3A_398, %dma_wait3A_469] : memref<40x128xi32, #tpu.memory_space<vmem>> -> memref<1x128xi32, #tpu.memory_space<vmem>>
      %dma_wait3A_471 = tpu.memref_squeeze %dma_wait3A_470 : memref<1x128xi32, #tpu.memory_space<vmem>> -> memref<128xi32, #tpu.memory_space<vmem>>
      %dma_wait3A_472 = arith.constant 0 : i32
      %dma_wait3A_473 = arith.constant 0 : i32
      %dma_wait3A_474 = tpu.memref_slice %arg9[%dma_wait3A_472, %dma_wait3A_473] : memref<10240x128xf32, #tpu.memory_space<vmem_shared>> -> memref<10240x128xf32, #tpu.memory_space<vmem_shared>>
      tpu.wait_indirect_dma semaphore(%run_scoped3A_454 : memref<!tpu.dma_semaphore, #tpu.memory_space<semaphore_mem>>) src(%dma_wait3A_468 : memref<128x128xf32, #tpu.memory_space<vmem>>) dst(%dma_wait3A_474 : memref<10240x128xf32, #tpu.memory_space<vmem_shared>>)
      tpu.yield
    }) : () -> ()
    %dma_wait3A_399 = arith.constant 79 : i32
    %dma_wait3A_400 = arith.constant 1 : i32
    %dma_wait3A_401 = arith.constant 1 : i32
    %dma_wait3A_402 = arith.constant 0 : i32
    %dma_wait3A_403 = arith.constant 0 : i32
    %dma_wait3A_404 = arith.constant 0 : i32
    %dma_wait3A_405 = tpu.memref_slice %arg8[%dma_wait3A_400, %dma_wait3A_403, %dma_wait3A_404] : memref<2x128x128xf32, #tpu.memory_space<vmem>> -> memref<1x128x128xf32, #tpu.memory_space<vmem>>
    %dma_wait3A_406 = tpu.memref_squeeze %dma_wait3A_405 : memref<1x128x128xf32, #tpu.memory_space<vmem>> -> memref<128x128xf32, #tpu.memory_space<vmem>>
    %dma_wait3A_407 = arith.constant 0 : i32
    %dma_wait3A_408 = arith.constant 0 : i32
    %dma_wait3A_409 = tpu.memref_slice %dma_wait3A_406[%dma_wait3A_407, %dma_wait3A_408] : memref<128x128xf32, #tpu.memory_space<vmem>> -> memref<64x128xf32, #tpu.memory_space<vmem>>
    %dma_wait3A_410 = arith.constant 0 : i32
    %dma_wait3A_411 = tpu.memref_slice %arg6[%dma_wait3A_399, %dma_wait3A_410] : memref<80x128xi32, #tpu.memory_space<vmem>> -> memref<1x128xi32, #tpu.memory_space<vmem>>
    %dma_wait3A_412 = tpu.memref_squeeze %dma_wait3A_411 : memref<1x128xi32, #tpu.memory_space<vmem>> -> memref<128xi32, #tpu.memory_space<vmem>>
    %dma_wait3A_413 = arith.constant 0 : i32
    %dma_wait3A_414 = tpu.memref_slice %dma_wait3A_412[%dma_wait3A_413] : memref<128xi32, #tpu.memory_space<vmem>> -> memref<64xi32, #tpu.memory_space<vmem>>
    %dma_wait3A_415 = arith.constant 0 : i32
    %dma_wait3A_416 = arith.constant 0 : i32
    %dma_wait3A_417 = tpu.memref_slice %arg2[%dma_wait3A_415, %dma_wait3A_416] : memref<10000x128xf32, #tpu.memory_space<hbm>> -> memref<10000x128xf32, #tpu.memory_space<hbm>>
    %dma_wait3A_418 = arith.constant 0 : i32
    %dma_wait3A_419 = tpu.memref_slice %arg10[%dma_wait3A_401, %dma_wait3A_418] : memref<2x2x!tpu.dma_semaphore, #tpu.memory_space<semaphore_mem>> -> memref<1x2x!tpu.dma_semaphore, #tpu.memory_space<semaphore_mem>>
    %dma_wait3A_420 = tpu.memref_squeeze %dma_wait3A_419 : memref<1x2x!tpu.dma_semaphore, #tpu.memory_space<semaphore_mem>> -> memref<2x!tpu.dma_semaphore, #tpu.memory_space<semaphore_mem>>
    %dma_wait3A_421 = tpu.memref_slice %dma_wait3A_420[%dma_wait3A_402] : memref<2x!tpu.dma_semaphore, #tpu.memory_space<semaphore_mem>> -> memref<1x!tpu.dma_semaphore, #tpu.memory_space<semaphore_mem>>
    %dma_wait3A_422 = tpu.memref_squeeze %dma_wait3A_421 : memref<1x!tpu.dma_semaphore, #tpu.memory_space<semaphore_mem>> -> memref<!tpu.dma_semaphore, #tpu.memory_space<semaphore_mem>>
    tpu.wait_indirect_dma semaphore(%dma_wait3A_422 : memref<!tpu.dma_semaphore, #tpu.memory_space<semaphore_mem>>) src(%dma_wait3A_417 : memref<10000x128xf32, #tpu.memory_space<hbm>>) dst(%dma_wait3A_409 : memref<64x128xf32, #tpu.memory_space<vmem>>)
    %dma_wait3A_423 = arith.constant 79 : i32
    %dma_wait3A_424 = arith.constant 1 : i32
    %dma_wait3A_425 = arith.constant 1 : i32
    %dma_wait3A_426 = arith.constant 1 : i32
    %dma_wait3A_427 = arith.constant 0 : i32
    %dma_wait3A_428 = arith.constant 0 : i32
    %dma_wait3A_429 = tpu.memref_slice %arg8[%dma_wait3A_424, %dma_wait3A_427, %dma_wait3A_428] : memref<2x128x128xf32, #tpu.memory_space<vmem>> -> memref<1x128x128xf32, #tpu.memory_space<vmem>>
    %dma_wait3A_430 = tpu.memref_squeeze %dma_wait3A_429 : memref<1x128x128xf32, #tpu.memory_space<vmem>> -> memref<128x128xf32, #tpu.memory_space<vmem>>
    %dma_wait3A_431 = arith.constant 64 : i32
    %dma_wait3A_432 = arith.constant 0 : i32
    %dma_wait3A_433 = tpu.memref_slice %dma_wait3A_430[%dma_wait3A_431, %dma_wait3A_432] : memref<128x128xf32, #tpu.memory_space<vmem>> -> memref<64x128xf32, #tpu.memory_space<vmem>>
    %dma_wait3A_434 = arith.constant 0 : i32
    %dma_wait3A_435 = tpu.memref_slice %arg6[%dma_wait3A_423, %dma_wait3A_434] : memref<80x128xi32, #tpu.memory_space<vmem>> -> memref<1x128xi32, #tpu.memory_space<vmem>>
    %dma_wait3A_436 = tpu.memref_squeeze %dma_wait3A_435 : memref<1x128xi32, #tpu.memory_space<vmem>> -> memref<128xi32, #tpu.memory_space<vmem>>
    %dma_wait3A_437 = arith.constant 64 : i32
    %dma_wait3A_438 = tpu.memref_slice %dma_wait3A_436[%dma_wait3A_437] : memref<128xi32, #tpu.memory_space<vmem>> -> memref<64xi32, #tpu.memory_space<vmem>>
    %dma_wait3A_439 = arith.constant 0 : i32
    %dma_wait3A_440 = arith.constant 0 : i32
    %dma_wait3A_441 = tpu.memref_slice %arg2[%dma_wait3A_439, %dma_wait3A_440] : memref<10000x128xf32, #tpu.memory_space<hbm>> -> memref<10000x128xf32, #tpu.memory_space<hbm>>
    %dma_wait3A_442 = arith.constant 0 : i32
    %dma_wait3A_443 = tpu.memref_slice %arg10[%dma_wait3A_425, %dma_wait3A_442] : memref<2x2x!tpu.dma_semaphore, #tpu.memory_space<semaphore_mem>> -> memref<1x2x!tpu.dma_semaphore, #tpu.memory_space<semaphore_mem>>
    %dma_wait3A_444 = tpu.memref_squeeze %dma_wait3A_443 : memref<1x2x!tpu.dma_semaphore, #tpu.memory_space<semaphore_mem>> -> memref<2x!tpu.dma_semaphore, #tpu.memory_space<semaphore_mem>>
    %dma_wait3A_445 = tpu.memref_slice %dma_wait3A_444[%dma_wait3A_426] : memref<2x!tpu.dma_semaphore, #tpu.memory_space<semaphore_mem>> -> memref<1x!tpu.dma_semaphore, #tpu.memory_space<semaphore_mem>>
    %dma_wait3A_446 = tpu.memref_squeeze %dma_wait3A_445 : memref<1x!tpu.dma_semaphore, #tpu.memory_space<semaphore_mem>> -> memref<!tpu.dma_semaphore, #tpu.memory_space<semaphore_mem>>
    tpu.wait_indirect_dma semaphore(%dma_wait3A_446 : memref<!tpu.dma_semaphore, #tpu.memory_space<semaphore_mem>>) src(%dma_wait3A_441 : memref<10000x128xf32, #tpu.memory_space<hbm>>) dst(%dma_wait3A_433 : memref<64x128xf32, #tpu.memory_space<vmem>>)
    %rem3A_447 = arith.constant 79 : i32
    %rem3A_448 = arith.constant 40 : i32
    %rem3A_449 = arith.remsi %rem3A_447, %rem3A_448 : i32
    %run_scoped3A_450 = arith.constant 1 : i32
    "tpu.region"() ({
      %run_scoped3A_454 = tpu.sem_alloc : memref<!tpu.dma_semaphore, #tpu.memory_space<semaphore_mem>>
      %dma_start3A_455 = arith.constant 0 : i32
      %dma_start3A_456 = arith.constant 0 : i32
      %dma_start3A_457 = tpu.memref_slice %arg8[%run_scoped3A_450, %dma_start3A_455, %dma_start3A_456] : memref<2x128x128xf32, #tpu.memory_space<vmem>> -> memref<1x128x128xf32, #tpu.memory_space<vmem>>
      %dma_start3A_458 = tpu.memref_squeeze %dma_start3A_457 : memref<1x128x128xf32, #tpu.memory_space<vmem>> -> memref<128x128xf32, #tpu.memory_space<vmem>>
      %dma_start3A_459 = arith.constant 0 : i32
      %dma_start3A_460 = tpu.memref_slice %arg7[%rem3A_449, %dma_start3A_459] : memref<40x128xi32, #tpu.memory_space<vmem>> -> memref<1x128xi32, #tpu.memory_space<vmem>>
      %dma_start3A_461 = tpu.memref_squeeze %dma_start3A_460 : memref<1x128xi32, #tpu.memory_space<vmem>> -> memref<128xi32, #tpu.memory_space<vmem>>
      %dma_start3A_462 = arith.constant 0 : i32
      %dma_start3A_463 = arith.constant 0 : i32
      %dma_start3A_464 = tpu.memref_slice %arg9[%dma_start3A_462, %dma_start3A_463] : memref<10240x128xf32, #tpu.memory_space<vmem_shared>> -> memref<10240x128xf32, #tpu.memory_space<vmem_shared>>
      tpu.enqueue_indirect_dma source(%dma_start3A_458 : memref<128x128xf32, #tpu.memory_space<vmem>>) target(%dma_start3A_464 : memref<10240x128xf32, #tpu.memory_space<vmem_shared>>) offsets(%dma_start3A_461 : memref<128xi32, #tpu.memory_space<vmem>>) semaphore(%run_scoped3A_454 : memref<!tpu.dma_semaphore, #tpu.memory_space<semaphore_mem>>) {add = true}
      %dma_wait3A_465 = arith.constant 0 : i32
      %dma_wait3A_466 = arith.constant 0 : i32
      %dma_wait3A_467 = tpu.memref_slice %arg8[%run_scoped3A_450, %dma_wait3A_465, %dma_wait3A_466] : memref<2x128x128xf32, #tpu.memory_space<vmem>> -> memref<1x128x128xf32, #tpu.memory_space<vmem>>
      %dma_wait3A_468 = tpu.memref_squeeze %dma_wait3A_467 : memref<1x128x128xf32, #tpu.memory_space<vmem>> -> memref<128x128xf32, #tpu.memory_space<vmem>>
      %dma_wait3A_469 = arith.constant 0 : i32
      %dma_wait3A_470 = tpu.memref_slice %arg7[%rem3A_449, %dma_wait3A_469] : memref<40x128xi32, #tpu.memory_space<vmem>> -> memref<1x128xi32, #tpu.memory_space<vmem>>
      %dma_wait3A_471 = tpu.memref_squeeze %dma_wait3A_470 : memref<1x128xi32, #tpu.memory_space<vmem>> -> memref<128xi32, #tpu.memory_space<vmem>>
      %dma_wait3A_472 = arith.constant 0 : i32
      %dma_wait3A_473 = arith.constant 0 : i32
      %dma_wait3A_474 = tpu.memref_slice %arg9[%dma_wait3A_472, %dma_wait3A_473] : memref<10240x128xf32, #tpu.memory_space<vmem_shared>> -> memref<10240x128xf32, #tpu.memory_space<vmem_shared>>
      tpu.wait_indirect_dma semaphore(%run_scoped3A_454 : memref<!tpu.dma_semaphore, #tpu.memory_space<semaphore_mem>>) src(%dma_wait3A_468 : memref<128x128xf32, #tpu.memory_space<vmem>>) dst(%dma_wait3A_474 : memref<10240x128xf32, #tpu.memory_space<vmem_shared>>)
      tpu.yield
    }) : () -> ()
    %barrier3A_451 = arith.constant 0 : index
    tpu.barrier barrier_id(%barrier3A_451)
    %mul3A_452 = arith.constant 640 : i32
    %mul3A_453 = arith.muli %arg1, %mul3A_452 : i32
    "tpu.region"() ({
      %run_scoped3A_454 = tpu.sem_alloc : memref<!tpu.dma_semaphore, #tpu.memory_space<semaphore_mem>>
      %dma_start3A_455 = arith.constant 0 : i32
      %dma_start3A_456 = arith.constant 0 : i32
      %dma_start3A_457 = tpu.memref_slice %arg5[%arg0, %dma_start3A_455, %dma_start3A_456] : memref<2x10240x128xf32, #tpu.memory_space<hbm>> -> memref<1x10240x128xf32, #tpu.memory_space<hbm>>
      %dma_start3A_458 = tpu.memref_squeeze %dma_start3A_457 : memref<1x10240x128xf32, #tpu.memory_space<hbm>> -> memref<10240x128xf32, #tpu.memory_space<hbm>>
      %dma_start3A_459 = arith.constant 0 : i32
      %dma_start3A_460 = tpu.memref_slice %dma_start3A_458[%mul3A_453, %dma_start3A_459] : memref<10240x128xf32, #tpu.memory_space<hbm>> -> memref<640x128xf32, #tpu.memory_space<hbm>>
      %dma_start3A_461 = arith.constant 0 : i32
      %dma_start3A_462 = tpu.memref_slice %arg9[%mul3A_453, %dma_start3A_461] : memref<10240x128xf32, #tpu.memory_space<vmem_shared>> -> memref<640x128xf32, #tpu.memory_space<vmem_shared>>
      tpu.enqueue_dma source(%dma_start3A_462 : memref<640x128xf32, #tpu.memory_space<vmem_shared>>) target(%dma_start3A_460 : memref<640x128xf32, #tpu.memory_space<hbm>>) target_semaphore(%run_scoped3A_454 : memref<!tpu.dma_semaphore, #tpu.memory_space<semaphore_mem>>)
      %dma_wait3A_463 = arith.constant 0 : i32
      %dma_wait3A_464 = arith.constant 0 : i32
      %dma_wait3A_465 = tpu.memref_slice %arg5[%arg0, %dma_wait3A_463, %dma_wait3A_464] : memref<2x10240x128xf32, #tpu.memory_space<hbm>> -> memref<1x10240x128xf32, #tpu.memory_space<hbm>>
      %dma_wait3A_466 = tpu.memref_squeeze %dma_wait3A_465 : memref<1x10240x128xf32, #tpu.memory_space<hbm>> -> memref<10240x128xf32, #tpu.memory_space<hbm>>
      %dma_wait3A_467 = arith.constant 0 : i32
      %dma_wait3A_468 = tpu.memref_slice %dma_wait3A_466[%mul3A_453, %dma_wait3A_467] : memref<10240x128xf32, #tpu.memory_space<hbm>> -> memref<640x128xf32, #tpu.memory_space<hbm>>
      %dma_wait3A_469 = arith.constant 0 : i32
      %dma_wait3A_470 = tpu.memref_slice %arg9[%mul3A_453, %dma_wait3A_469] : memref<10240x128xf32, #tpu.memory_space<vmem_shared>> -> memref<640x128xf32, #tpu.memory_space<vmem_shared>>
      tpu.wait_dma2 semaphore(%run_scoped3A_454 : memref<!tpu.dma_semaphore, #tpu.memory_space<semaphore_mem>>) src(%dma_wait3A_470 : memref<640x128xf32, #tpu.memory_space<vmem_shared>>) dst(%dma_wait3A_468 : memref<640x128xf32, #tpu.memory_space<hbm>>)
      tpu.yield
    }) : () -> ()
    return
  }
}

#map = affine_map<(d0, d1) -> (0, 0)>
#map1 = affine_map<(d0, d1) -> (0, 0, 0)>
module attributes {stable_mosaic.version = 14 : i64} {
  func.func @_sc_aggregate(%arg0: i32, %arg1: i32, %arg2: memref<10000x128xf32, #tpu.memory_space<hbm>>, %arg3: memref<32x80x128xi32, #tpu.memory_space<hbm>>, %arg4: memref<32x80x128xi32, #tpu.memory_space<hbm>>, %arg5: memref<2x10240x128xf32, #tpu.memory_space<hbm>>, %arg6: memref<80x128xi32, #tpu.memory_space<vmem>>, %arg7: memref<40x128xi32, #tpu.memory_space<vmem>>, %arg8: memref<2x128x128xf32, #tpu.memory_space<vmem>>, %arg9: memref<10240x128xf32, #tpu.memory_space<vmem_shared>>, %arg10: memref<2x2x!tpu.dma_semaphore, #tpu.memory_space<semaphore_mem>>) attributes {dimension_semantics = [#tpu.dimension_semantics<core_parallel>, #tpu.dimension_semantics<subcore_parallel>], iteration_bounds = array<i64: 2, 16>, scalar_prefetch = 0 : i64, scratch_operands = 5 : i64, tpu.core_type = #tpu.core_type<sc_vector_subcore>, window_params = [{transform_indices = #map}, {transform_indices = #map1}, {transform_indices = #map1}, {transform_indices = #map1}]} {
    %mul3A = arith.constant 2 : i32
    %mul3A_0 = arith.muli %arg1, %mul3A : i32
    %add3A = arith.addi %mul3A_0, %arg0 : i32
    "tpu.region"() ({
      %run_scoped3A_454 = tpu.sem_alloc : memref<!tpu.dma_semaphore, #tpu.memory_space<semaphore_mem>>
      %dma_start3A_455 = arith.constant 0 : i32
      %dma_start3A_456 = arith.constant 0 : i32
      %dma_start3A_457 = tpu.memref_slice %arg3[%add3A, %dma_start3A_455, %dma_start3A_456] : memref<32x80x128xi32, #tpu.memory_space<hbm>> -> memref<1x80x128xi32, #tpu.memory_space<hbm>>
      %dma_start3A_458 = tpu.memref_squeeze %dma_start3A_457 : memref<1x80x128xi32, #tpu.memory_space<hbm>> -> memref<80x128xi32, #tpu.memory_space<hbm>>
      %dma_start3A_459 = arith.constant 0 : i32
      %dma_start3A_460 = arith.constant 0 : i32
      %dma_start3A_461 = tpu.memref_slice %arg3[%add3A, %dma_start3A_459, %dma_start3A_460] : memref<32x80x128xi32, #tpu.memory_space<hbm>> -> memref<1x80x128xi32, #tpu.memory_space<hbm>>
      %dma_start3A_462 = tpu.memref_squeeze %dma_start3A_461 : memref<1x80x128xi32, #tpu.memory_space<hbm>> -> memref<80x128xi32, #tpu.memory_space<hbm>>
      tpu.enqueue_dma source(%dma_start3A_462 : memref<80x128xi32, #tpu.memory_space<hbm>>) target(%arg6 : memref<80x128xi32, #tpu.memory_space<vmem>>) target_semaphore(%run_scoped3A_454 : memref<!tpu.dma_semaphore, #tpu.memory_space<semaphore_mem>>)
      %dma_wait3A_463 = arith.constant 0 : i32
      %dma_wait3A_464 = arith.constant 0 : i32
      %dma_wait3A_465 = tpu.memref_slice %arg3[%add3A, %dma_wait3A_463, %dma_wait3A_464] : memref<32x80x128xi32, #tpu.memory_space<hbm>> -> memref<1x80x128xi32, #tpu.memory_space<hbm>>
      %dma_wait3A_466 = tpu.memref_squeeze %dma_wait3A_465 : memref<1x80x128xi32, #tpu.memory_space<hbm>> -> memref<80x128xi32, #tpu.memory_space<hbm>>
      %dma_wait3A_467 = arith.constant 0 : i32
      %dma_wait3A_468 = arith.constant 0 : i32
      %dma_wait3A_469 = tpu.memref_slice %arg3[%add3A, %dma_wait3A_467, %dma_wait3A_468] : memref<32x80x128xi32, #tpu.memory_space<hbm>> -> memref<1x80x128xi32, #tpu.memory_space<hbm>>
      %dma_wait3A_470 = tpu.memref_squeeze %dma_wait3A_469 : memref<1x80x128xi32, #tpu.memory_space<hbm>> -> memref<80x128xi32, #tpu.memory_space<hbm>>
      tpu.wait_dma2 semaphore(%run_scoped3A_454 : memref<!tpu.dma_semaphore, #tpu.memory_space<semaphore_mem>>) src(%dma_wait3A_470 : memref<80x128xi32, #tpu.memory_space<hbm>>) dst(%arg6 : memref<80x128xi32, #tpu.memory_space<vmem>>)
      tpu.yield
    }) : () -> ()
    "tpu.region"() ({
      %run_scoped3A_454 = tpu.sem_alloc : memref<!tpu.dma_semaphore, #tpu.memory_space<semaphore_mem>>
      %dma_start3A_455 = arith.constant 0 : i32
      %dma_start3A_456 = arith.constant 0 : i32
      %dma_start3A_457 = tpu.memref_slice %arg4[%add3A, %dma_start3A_455, %dma_start3A_456] : memref<32x80x128xi32, #tpu.memory_space<hbm>> -> memref<1x80x128xi32, #tpu.memory_space<hbm>>
      %dma_start3A_458 = tpu.memref_squeeze %dma_start3A_457 : memref<1x80x128xi32, #tpu.memory_space<hbm>> -> memref<80x128xi32, #tpu.memory_space<hbm>>
      %dma_start3A_459 = arith.constant 0 : i32
      %dma_start3A_460 = arith.constant 0 : i32
      %dma_start3A_461 = tpu.memref_slice %dma_start3A_458[%dma_start3A_459, %dma_start3A_460] : memref<80x128xi32, #tpu.memory_space<hbm>> -> memref<40x128xi32, #tpu.memory_space<hbm>>
      %dma_start3A_462 = arith.constant 0 : i32
      %dma_start3A_463 = arith.constant 0 : i32
      %dma_start3A_464 = tpu.memref_slice %arg4[%add3A, %dma_start3A_462, %dma_start3A_463] : memref<32x80x128xi32, #tpu.memory_space<hbm>> -> memref<1x80x128xi32, #tpu.memory_space<hbm>>
      %dma_start3A_465 = tpu.memref_squeeze %dma_start3A_464 : memref<1x80x128xi32, #tpu.memory_space<hbm>> -> memref<80x128xi32, #tpu.memory_space<hbm>>
      %dma_start3A_466 = arith.constant 0 : i32
      %dma_start3A_467 = arith.constant 0 : i32
      %dma_start3A_468 = tpu.memref_slice %dma_start3A_465[%dma_start3A_466, %dma_start3A_467] : memref<80x128xi32, #tpu.memory_space<hbm>> -> memref<40x128xi32, #tpu.memory_space<hbm>>
      tpu.enqueue_dma source(%dma_start3A_468 : memref<40x128xi32, #tpu.memory_space<hbm>>) target(%arg7 : memref<40x128xi32, #tpu.memory_space<vmem>>) target_semaphore(%run_scoped3A_454 : memref<!tpu.dma_semaphore, #tpu.memory_space<semaphore_mem>>)
      %dma_wait3A_469 = arith.constant 0 : i32
      %dma_wait3A_470 = arith.constant 0 : i32
      %dma_wait3A_471 = tpu.memref_slice %arg4[%add3A, %dma_wait3A_469, %dma_wait3A_470] : memref<32x80x128xi32, #tpu.memory_space<hbm>> -> memref<1x80x128xi32, #tpu.memory_space<hbm>>
      %dma_wait3A_472 = tpu.memref_squeeze %dma_wait3A_471 : memref<1x80x128xi32, #tpu.memory_space<hbm>> -> memref<80x128xi32, #tpu.memory_space<hbm>>
      %dma_wait3A_473 = arith.constant 0 : i32
      %dma_wait3A_474 = arith.constant 0 : i32
      %dma_wait3A_475 = tpu.memref_slice %dma_wait3A_472[%dma_wait3A_473, %dma_wait3A_474] : memref<80x128xi32, #tpu.memory_space<hbm>> -> memref<40x128xi32, #tpu.memory_space<hbm>>
      %dma_wait3A_476 = arith.constant 0 : i32
      %dma_wait3A_477 = arith.constant 0 : i32
      %dma_wait3A_478 = tpu.memref_slice %arg4[%add3A, %dma_wait3A_476, %dma_wait3A_477] : memref<32x80x128xi32, #tpu.memory_space<hbm>> -> memref<1x80x128xi32, #tpu.memory_space<hbm>>
      %dma_wait3A_479 = tpu.memref_squeeze %dma_wait3A_478 : memref<1x80x128xi32, #tpu.memory_space<hbm>> -> memref<80x128xi32, #tpu.memory_space<hbm>>
      %dma_wait3A_480 = arith.constant 0 : i32
      %dma_wait3A_481 = arith.constant 0 : i32
      %dma_wait3A_482 = tpu.memref_slice %dma_wait3A_479[%dma_wait3A_480, %dma_wait3A_481] : memref<80x128xi32, #tpu.memory_space<hbm>> -> memref<40x128xi32, #tpu.memory_space<hbm>>
      tpu.wait_dma2 semaphore(%run_scoped3A_454 : memref<!tpu.dma_semaphore, #tpu.memory_space<semaphore_mem>>) src(%dma_wait3A_482 : memref<40x128xi32, #tpu.memory_space<hbm>>) dst(%arg7 : memref<40x128xi32, #tpu.memory_space<vmem>>)
      tpu.yield
    }) : () -> ()
    %dma_start3A = arith.constant 1 : i32
    %dma_start3A_1 = arith.constant 1 : i32
    %dma_start3A_2 = arith.constant 1 : i32
    %dma_start3A_3 = arith.constant 0 : i32
    %dma_start3A_4 = arith.constant 0 : i32
    %dma_start3A_5 = arith.constant 0 : i32
    %dma_start3A_6 = tpu.memref_slice %arg8[%dma_start3A_1, %dma_start3A_4, %dma_start3A_5] : memref<2x128x128xf32, #tpu.memory_space<vmem>> -> memref<1x128x128xf32, #tpu.memory_space<vmem>>
    %dma_start3A_7 = tpu.memref_squeeze %dma_start3A_6 : memref<1x128x128xf32, #tpu.memory_space<vmem>> -> memref<128x128xf32, #tpu.memory_space<vmem>>
    %dma_start3A_8 = arith.constant 0 : i32
    %dma_start3A_9 = arith.constant 0 : i32
    %dma_start3A_10 = tpu.memref_slice %dma_start3A_7[%dma_start3A_8, %dma_start3A_9] : memref<128x128xf32, #tpu.memory_space<vmem>> -> memref<64x128xf32, #tpu.memory_space<vmem>>
    %dma_start3A_11 = arith.constant 0 : i32
    %dma_start3A_12 = tpu.memref_slice %arg6[%dma_start3A, %dma_start3A_11] : memref<80x128xi32, #tpu.memory_space<vmem>> -> memref<1x128xi32, #tpu.memory_space<vmem>>
    %dma_start3A_13 = tpu.memref_squeeze %dma_start3A_12 : memref<1x128xi32, #tpu.memory_space<vmem>> -> memref<128xi32, #tpu.memory_space<vmem>>
    %dma_start3A_14 = arith.constant 0 : i32
    %dma_start3A_15 = tpu.memref_slice %dma_start3A_13[%dma_start3A_14] : memref<128xi32, #tpu.memory_space<vmem>> -> memref<64xi32, #tpu.memory_space<vmem>>
    %dma_start3A_16 = arith.constant 0 : i32
    %dma_start3A_17 = arith.constant 0 : i32
    %dma_start3A_18 = tpu.memref_slice %arg2[%dma_start3A_16, %dma_start3A_17] : memref<10000x128xf32, #tpu.memory_space<hbm>> -> memref<10000x128xf32, #tpu.memory_space<hbm>>
    %dma_start3A_19 = arith.constant 0 : i32
    %dma_start3A_20 = tpu.memref_slice %arg10[%dma_start3A_2, %dma_start3A_19] : memref<2x2x!tpu.dma_semaphore, #tpu.memory_space<semaphore_mem>> -> memref<1x2x!tpu.dma_semaphore, #tpu.memory_space<semaphore_mem>>
    %dma_start3A_21 = tpu.memref_squeeze %dma_start3A_20 : memref<1x2x!tpu.dma_semaphore, #tpu.memory_space<semaphore_mem>> -> memref<2x!tpu.dma_semaphore, #tpu.memory_space<semaphore_mem>>
    %dma_start3A_22 = tpu.memref_slice %dma_start3A_21[%dma_start3A_3] : memref<2x!tpu.dma_semaphore, #tpu.memory_space<semaphore_mem>> -> memref<1x!tpu.dma_semaphore, #tpu.memory_space<semaphore_mem>>
    %dma_start3A_23 = tpu.memref_squeeze %dma_start3A_22 : memref<1x!tpu.dma_semaphore, #tpu.memory_space<semaphore_mem>> -> memref<!tpu.dma_semaphore, #tpu.memory_space<semaphore_mem>>
    tpu.enqueue_indirect_dma source(%dma_start3A_18 : memref<10000x128xf32, #tpu.memory_space<hbm>>) target(%dma_start3A_10 : memref<64x128xf32, #tpu.memory_space<vmem>>) offsets(%dma_start3A_15 : memref<64xi32, #tpu.memory_space<vmem>>) semaphore(%dma_start3A_23 : memref<!tpu.dma_semaphore, #tpu.memory_space<semaphore_mem>>)
    %dma_start3A_24 = arith.constant 1 : i32
    %dma_start3A_25 = arith.constant 1 : i32
    %dma_start3A_26 = arith.constant 1 : i32
    %dma_start3A_27 = arith.constant 1 : i32
    %dma_start3A_28 = arith.constant 0 : i32
    %dma_start3A_29 = arith.constant 0 : i32
    %dma_start3A_30 = tpu.memref_slice %arg8[%dma_start3A_25, %dma_start3A_28, %dma_start3A_29] : memref<2x128x128xf32, #tpu.memory_space<vmem>> -> memref<1x128x128xf32, #tpu.memory_space<vmem>>
    %dma_start3A_31 = tpu.memref_squeeze %dma_start3A_30 : memref<1x128x128xf32, #tpu.memory_space<vmem>> -> memref<128x128xf32, #tpu.memory_space<vmem>>
    %dma_start3A_32 = arith.constant 64 : i32
    %dma_start3A_33 = arith.constant 0 : i32
    %dma_start3A_34 = tpu.memref_slice %dma_start3A_31[%dma_start3A_32, %dma_start3A_33] : memref<128x128xf32, #tpu.memory_space<vmem>> -> memref<64x128xf32, #tpu.memory_space<vmem>>
    %dma_start3A_35 = arith.constant 0 : i32
    %dma_start3A_36 = tpu.memref_slice %arg6[%dma_start3A_24, %dma_start3A_35] : memref<80x128xi32, #tpu.memory_space<vmem>> -> memref<1x128xi32, #tpu.memory_space<vmem>>
    %dma_start3A_37 = tpu.memref_squeeze %dma_start3A_36 : memref<1x128xi32, #tpu.memory_space<vmem>> -> memref<128xi32, #tpu.memory_space<vmem>>
    %dma_start3A_38 = arith.constant 64 : i32
    %dma_start3A_39 = tpu.memref_slice %dma_start3A_37[%dma_start3A_38] : memref<128xi32, #tpu.memory_space<vmem>> -> memref<64xi32, #tpu.memory_space<vmem>>
    %dma_start3A_40 = arith.constant 0 : i32
    %dma_start3A_41 = arith.constant 0 : i32
    %dma_start3A_42 = tpu.memref_slice %arg2[%dma_start3A_40, %dma_start3A_41] : memref<10000x128xf32, #tpu.memory_space<hbm>> -> memref<10000x128xf32, #tpu.memory_space<hbm>>
    %dma_start3A_43 = arith.constant 0 : i32
    %dma_start3A_44 = tpu.memref_slice %arg10[%dma_start3A_26, %dma_start3A_43] : memref<2x2x!tpu.dma_semaphore, #tpu.memory_space<semaphore_mem>> -> memref<1x2x!tpu.dma_semaphore, #tpu.memory_space<semaphore_mem>>
    %dma_start3A_45 = tpu.memref_squeeze %dma_start3A_44 : memref<1x2x!tpu.dma_semaphore, #tpu.memory_space<semaphore_mem>> -> memref<2x!tpu.dma_semaphore, #tpu.memory_space<semaphore_mem>>
    %dma_start3A_46 = tpu.memref_slice %dma_start3A_45[%dma_start3A_27] : memref<2x!tpu.dma_semaphore, #tpu.memory_space<semaphore_mem>> -> memref<1x!tpu.dma_semaphore, #tpu.memory_space<semaphore_mem>>
    %dma_start3A_47 = tpu.memref_squeeze %dma_start3A_46 : memref<1x!tpu.dma_semaphore, #tpu.memory_space<semaphore_mem>> -> memref<!tpu.dma_semaphore, #tpu.memory_space<semaphore_mem>>
    tpu.enqueue_indirect_dma source(%dma_start3A_42 : memref<10000x128xf32, #tpu.memory_space<hbm>>) target(%dma_start3A_34 : memref<64x128xf32, #tpu.memory_space<vmem>>) offsets(%dma_start3A_39 : memref<64xi32, #tpu.memory_space<vmem>>) semaphore(%dma_start3A_47 : memref<!tpu.dma_semaphore, #tpu.memory_space<semaphore_mem>>)
    %broadcast_in_dim3A = arith.constant 0.000000e+00 : f32
    %broadcast_in_dim3A_48 = vector.broadcast %broadcast_in_dim3A : f32 to vector<16xf32>
    %scan3A = arith.constant 0 : i32
    %scan3A_49 = arith.constant 0 : i32
    %scan3A_50 = arith.constant 128 : i32
    %scan3A_51 = arith.addi %scan3A_49, %scan3A_50 : i32
    %scan3A_52 = arith.constant 1 : i32
    %scan3A_53 = scf.for %scan3A_454 = %scan3A_49 to %scan3A_51 step %scan3A_52 iter_args(%scan3A_455 = %scan3A) -> (i32)  : i32 {
      %swap3A = arith.constant 0 : i32
      %swap3A_456 = arith.index_cast %swap3A : i32 to index
      %swap3A_457 = arith.index_cast %scan3A_454 : i32 to index
      %swap3A_458 = arith.constant 0 : index
      %swap3A_459 = tpu.vector_load %arg8[%swap3A_456, %swap3A_457, %swap3A_458] {strides = array<i32>} : memref<2x128x128xf32, #tpu.memory_space<vmem>>, vector<1x1x16xf32>,
      %swap3A_460 = vector.shape_cast %swap3A_459 : vector<1x1x16xf32> to vector<16xf32>
      %swap3A_461 = vector.shape_cast %broadcast_in_dim3A_48 : vector<16xf32> to vector<1x1x16xf32>
      tpu.vector_store %arg8[%swap3A_456, %swap3A_457, %swap3A_458], %swap3A_461 {strides = array<i32>} : memref<2x128x128xf32, #tpu.memory_space<vmem>>, vector<1x1x16xf32>,
      %swap3A_462 = arith.constant 0 : i32
      %swap3A_463 = arith.index_cast %swap3A_462 : i32 to index
      %swap3A_464 = arith.index_cast %scan3A_454 : i32 to index
      %swap3A_465 = arith.constant 16 : index
      %swap3A_466 = tpu.vector_load %arg8[%swap3A_463, %swap3A_464, %swap3A_465] {strides = array<i32>} : memref<2x128x128xf32, #tpu.memory_space<vmem>>, vector<1x1x16xf32>,
      %swap3A_467 = vector.shape_cast %swap3A_466 : vector<1x1x16xf32> to vector<16xf32>
      %swap3A_468 = vector.shape_cast %broadcast_in_dim3A_48 : vector<16xf32> to vector<1x1x16xf32>
      tpu.vector_store %arg8[%swap3A_463, %swap3A_464, %swap3A_465], %swap3A_468 {strides = array<i32>} : memref<2x128x128xf32, #tpu.memory_space<vmem>>, vector<1x1x16xf32>,
      %swap3A_469 = arith.constant 0 : i32
      %swap3A_470 = arith.index_cast %swap3A_469 : i32 to index
      %swap3A_471 = arith.index_cast %scan3A_454 : i32 to index
      %swap3A_472 = arith.constant 32 : index
      %swap3A_473 = tpu.vector_load %arg8[%swap3A_470, %swap3A_471, %swap3A_472] {strides = array<i32>} : memref<2x128x128xf32, #tpu.memory_space<vmem>>, vector<1x1x16xf32>,
      %swap3A_474 = vector.shape_cast %swap3A_473 : vector<1x1x16xf32> to vector<16xf32>
      %swap3A_475 = vector.shape_cast %broadcast_in_dim3A_48 : vector<16xf32> to vector<1x1x16xf32>
      tpu.vector_store %arg8[%swap3A_470, %swap3A_471, %swap3A_472], %swap3A_475 {strides = array<i32>} : memref<2x128x128xf32, #tpu.memory_space<vmem>>, vector<1x1x16xf32>,
      %swap3A_476 = arith.constant 0 : i32
      %swap3A_477 = arith.index_cast %swap3A_476 : i32 to index
      %swap3A_478 = arith.index_cast %scan3A_454 : i32 to index
      %swap3A_479 = arith.constant 48 : index
      %swap3A_480 = tpu.vector_load %arg8[%swap3A_477, %swap3A_478, %swap3A_479] {strides = array<i32>} : memref<2x128x128xf32, #tpu.memory_space<vmem>>, vector<1x1x16xf32>,
      %swap3A_481 = vector.shape_cast %swap3A_480 : vector<1x1x16xf32> to vector<16xf32>
      %swap3A_482 = vector.shape_cast %broadcast_in_dim3A_48 : vector<16xf32> to vector<1x1x16xf32>
      tpu.vector_store %arg8[%swap3A_477, %swap3A_478, %swap3A_479], %swap3A_482 {strides = array<i32>} : memref<2x128x128xf32, #tpu.memory_space<vmem>>, vector<1x1x16xf32>,
      %swap3A_483 = arith.constant 0 : i32
      %swap3A_484 = arith.index_cast %swap3A_483 : i32 to index
      %swap3A_485 = arith.index_cast %scan3A_454 : i32 to index
      %swap3A_486 = arith.constant 64 : index
      %swap3A_487 = tpu.vector_load %arg8[%swap3A_484, %swap3A_485, %swap3A_486] {strides = array<i32>} : memref<2x128x128xf32, #tpu.memory_space<vmem>>, vector<1x1x16xf32>,
      %swap3A_488 = vector.shape_cast %swap3A_487 : vector<1x1x16xf32> to vector<16xf32>
      %swap3A_489 = vector.shape_cast %broadcast_in_dim3A_48 : vector<16xf32> to vector<1x1x16xf32>
      tpu.vector_store %arg8[%swap3A_484, %swap3A_485, %swap3A_486], %swap3A_489 {strides = array<i32>} : memref<2x128x128xf32, #tpu.memory_space<vmem>>, vector<1x1x16xf32>,
      %swap3A_490 = arith.constant 0 : i32
      %swap3A_491 = arith.index_cast %swap3A_490 : i32 to index
      %swap3A_492 = arith.index_cast %scan3A_454 : i32 to index
      %swap3A_493 = arith.constant 80 : index
      %swap3A_494 = tpu.vector_load %arg8[%swap3A_491, %swap3A_492, %swap3A_493] {strides = array<i32>} : memref<2x128x128xf32, #tpu.memory_space<vmem>>, vector<1x1x16xf32>,
      %swap3A_495 = vector.shape_cast %swap3A_494 : vector<1x1x16xf32> to vector<16xf32>
      %swap3A_496 = vector.shape_cast %broadcast_in_dim3A_48 : vector<16xf32> to vector<1x1x16xf32>
      tpu.vector_store %arg8[%swap3A_491, %swap3A_492, %swap3A_493], %swap3A_496 {strides = array<i32>} : memref<2x128x128xf32, #tpu.memory_space<vmem>>, vector<1x1x16xf32>,
      %swap3A_497 = arith.constant 0 : i32
      %swap3A_498 = arith.index_cast %swap3A_497 : i32 to index
      %swap3A_499 = arith.index_cast %scan3A_454 : i32 to index
      %swap3A_500 = arith.constant 96 : index
      %swap3A_501 = tpu.vector_load %arg8[%swap3A_498, %swap3A_499, %swap3A_500] {strides = array<i32>} : memref<2x128x128xf32, #tpu.memory_space<vmem>>, vector<1x1x16xf32>,
      %swap3A_502 = vector.shape_cast %swap3A_501 : vector<1x1x16xf32> to vector<16xf32>
      %swap3A_503 = vector.shape_cast %broadcast_in_dim3A_48 : vector<16xf32> to vector<1x1x16xf32>
      tpu.vector_store %arg8[%swap3A_498, %swap3A_499, %swap3A_500], %swap3A_503 {strides = array<i32>} : memref<2x128x128xf32, #tpu.memory_space<vmem>>, vector<1x1x16xf32>,
      %swap3A_504 = arith.constant 0 : i32
      %swap3A_505 = arith.index_cast %swap3A_504 : i32 to index
      %swap3A_506 = arith.index_cast %scan3A_454 : i32 to index
      %swap3A_507 = arith.constant 112 : index
      %swap3A_508 = tpu.vector_load %arg8[%swap3A_505, %swap3A_506, %swap3A_507] {strides = array<i32>} : memref<2x128x128xf32, #tpu.memory_space<vmem>>, vector<1x1x16xf32>,
      %swap3A_509 = vector.shape_cast %swap3A_508 : vector<1x1x16xf32> to vector<16xf32>
      %swap3A_510 = vector.shape_cast %broadcast_in_dim3A_48 : vector<16xf32> to vector<1x1x16xf32>
      tpu.vector_store %arg8[%swap3A_505, %swap3A_506, %swap3A_507], %swap3A_510 {strides = array<i32>} : memref<2x128x128xf32, #tpu.memory_space<vmem>>, vector<1x1x16xf32>,
      %scan3A_511 = arith.constant 0 : i32
      scf.yield %scan3A_511 : i32
    }
    %scan3A_54 = arith.constant 128 : i32
    %mul3A_55 = arith.constant 640 : i32
    %mul3A_56 = arith.muli %arg1, %mul3A_55 : i32
    %add3A_57 = arith.constant 0 : i32
    %add3A_58 = arith.addi %mul3A_56, %add3A_57 : i32
    %dma_start3A_59 = arith.constant 0 : i32
    %dma_start3A_60 = arith.constant 0 : i32
    %dma_start3A_61 = arith.constant 0 : i32
    %dma_start3A_62 = arith.constant 0 : i32
    %dma_start3A_63 = arith.constant 0 : i32
    %dma_start3A_64 = tpu.memref_slice %arg8[%dma_start3A_59, %dma_start3A_62, %dma_start3A_63] : memref<2x128x128xf32, #tpu.memory_space<vmem>> -> memref<1x128x128xf32, #tpu.memory_space<vmem>>
    %dma_start3A_65 = tpu.memref_squeeze %dma_start3A_64 : memref<1x128x128xf32, #tpu.memory_space<vmem>> -> memref<128x128xf32, #tpu.memory_space<vmem>>
    %dma_start3A_66 = arith.constant 0 : i32
    %dma_start3A_67 = tpu.memref_slice %arg9[%add3A_58, %dma_start3A_66] : memref<10240x128xf32, #tpu.memory_space<vmem_shared>> -> memref<128x128xf32, #tpu.memory_space<vmem_shared>>
    %dma_start3A_68 = arith.constant 0 : i32
    %dma_start3A_69 = tpu.memref_slice %arg10[%dma_start3A_60, %dma_start3A_68] : memref<2x2x!tpu.dma_semaphore, #tpu.memory_space<semaphore_mem>> -> memref<1x2x!tpu.dma_semaphore, #tpu.memory_space<semaphore_mem>>
    %dma_start3A_70 = tpu.memref_squeeze %dma_start3A_69 : memref<1x2x!tpu.dma_semaphore, #tpu.memory_space<semaphore_mem>> -> memref<2x!tpu.dma_semaphore, #tpu.memory_space<semaphore_mem>>
    %dma_start3A_71 = tpu.memref_slice %dma_start3A_70[%dma_start3A_61] : memref<2x!tpu.dma_semaphore, #tpu.memory_space<semaphore_mem>> -> memref<1x!tpu.dma_semaphore, #tpu.memory_space<semaphore_mem>>
    %dma_start3A_72 = tpu.memref_squeeze %dma_start3A_71 : memref<1x!tpu.dma_semaphore, #tpu.memory_space<semaphore_mem>> -> memref<!tpu.dma_semaphore, #tpu.memory_space<semaphore_mem>>
    %dma_start3A_73 = arith.constant 0 : i32
    %dma_start3A_74 = tpu.memref_slice %arg9[%add3A_58, %dma_start3A_73] : memref<10240x128xf32, #tpu.memory_space<vmem_shared>> -> memref<128x128xf32, #tpu.memory_space<vmem_shared>>
    %dma_start3A_75 = arith.constant 0 : i32
    %dma_start3A_76 = arith.constant 0 : i32
    %dma_start3A_77 = tpu.memref_slice %arg8[%dma_start3A_59, %dma_start3A_75, %dma_start3A_76] : memref<2x128x128xf32, #tpu.memory_space<vmem>> -> memref<1x128x128xf32, #tpu.memory_space<vmem>>
    %dma_start3A_78 = tpu.memref_squeeze %dma_start3A_77 : memref<1x128x128xf32, #tpu.memory_space<vmem>> -> memref<128x128xf32, #tpu.memory_space<vmem>>
    tpu.enqueue_dma source(%dma_start3A_78 : memref<128x128xf32, #tpu.memory_space<vmem>>) target(%dma_start3A_74 : memref<128x128xf32, #tpu.memory_space<vmem_shared>>) target_semaphore(%dma_start3A_72 : memref<!tpu.dma_semaphore, #tpu.memory_space<semaphore_mem>>)
    %mul3A_79 = arith.constant 640 : i32
    %mul3A_80 = arith.muli %arg1, %mul3A_79 : i32
    %add3A_81 = arith.constant 128 : i32
    %add3A_82 = arith.addi %mul3A_80, %add3A_81 : i32
    %dma_start3A_83 = arith.constant 0 : i32
    %dma_start3A_84 = arith.constant 0 : i32
    %dma_start3A_85 = arith.constant 0 : i32
    %dma_start3A_86 = arith.constant 0 : i32
    %dma_start3A_87 = arith.constant 0 : i32
    %dma_start3A_88 = tpu.memref_slice %arg8[%dma_start3A_83, %dma_start3A_86, %dma_start3A_87] : memref<2x128x128xf32, #tpu.memory_space<vmem>> -> memref<1x128x128xf32, #tpu.memory_space<vmem>>
    %dma_start3A_89 = tpu.memref_squeeze %dma_start3A_88 : memref<1x128x128xf32, #tpu.memory_space<vmem>> -> memref<128x128xf32, #tpu.memory_space<vmem>>
    %dma_start3A_90 = arith.constant 0 : i32
    %dma_start3A_91 = tpu.memref_slice %arg9[%add3A_82, %dma_start3A_90] : memref<10240x128xf32, #tpu.memory_space<vmem_shared>> -> memref<128x128xf32, #tpu.memory_space<vmem_shared>>
    %dma_start3A_92 = arith.constant 0 : i32
    %dma_start3A_93 = tpu.memref_slice %arg10[%dma_start3A_84, %dma_start3A_92] : memref<2x2x!tpu.dma_semaphore, #tpu.memory_space<semaphore_mem>> -> memref<1x2x!tpu.dma_semaphore, #tpu.memory_space<semaphore_mem>>
    %dma_start3A_94 = tpu.memref_squeeze %dma_start3A_93 : memref<1x2x!tpu.dma_semaphore, #tpu.memory_space<semaphore_mem>> -> memref<2x!tpu.dma_semaphore, #tpu.memory_space<semaphore_mem>>
    %dma_start3A_95 = tpu.memref_slice %dma_start3A_94[%dma_start3A_85] : memref<2x!tpu.dma_semaphore, #tpu.memory_space<semaphore_mem>> -> memref<1x!tpu.dma_semaphore, #tpu.memory_space<semaphore_mem>>
    %dma_start3A_96 = tpu.memref_squeeze %dma_start3A_95 : memref<1x!tpu.dma_semaphore, #tpu.memory_space<semaphore_mem>> -> memref<!tpu.dma_semaphore, #tpu.memory_space<semaphore_mem>>
    %dma_start3A_97 = arith.constant 0 : i32
    %dma_start3A_98 = tpu.memref_slice %arg9[%add3A_82, %dma_start3A_97] : memref<10240x128xf32, #tpu.memory_space<vmem_shared>> -> memref<128x128xf32, #tpu.memory_space<vmem_shared>>
    %dma_start3A_99 = arith.constant 0 : i32
    %dma_start3A_100 = arith.constant 0 : i32
    %dma_start3A_101 = tpu.memref_slice %arg8[%dma_start3A_83, %dma_start3A_99, %dma_start3A_100] : memref<2x128x128xf32, #tpu.memory_space<vmem>> -> memref<1x128x128xf32, #tpu.memory_space<vmem>>
    %dma_start3A_102 = tpu.memref_squeeze %dma_start3A_101 : memref<1x128x128xf32, #tpu.memory_space<vmem>> -> memref<128x128xf32, #tpu.memory_space<vmem>>
    tpu.enqueue_dma source(%dma_start3A_102 : memref<128x128xf32, #tpu.memory_space<vmem>>) target(%dma_start3A_98 : memref<128x128xf32, #tpu.memory_space<vmem_shared>>) target_semaphore(%dma_start3A_96 : memref<!tpu.dma_semaphore, #tpu.memory_space<semaphore_mem>>)
    %mul3A_103 = arith.constant 640 : i32
    %mul3A_104 = arith.muli %arg1, %mul3A_103 : i32
    %add3A_105 = arith.constant 256 : i32
    %add3A_106 = arith.addi %mul3A_104, %add3A_105 : i32
    %dma_start3A_107 = arith.constant 0 : i32
    %dma_start3A_108 = arith.constant 0 : i32
    %dma_start3A_109 = arith.constant 0 : i32
    %dma_start3A_110 = arith.constant 0 : i32
    %dma_start3A_111 = arith.constant 0 : i32
    %dma_start3A_112 = tpu.memref_slice %arg8[%dma_start3A_107, %dma_start3A_110, %dma_start3A_111] : memref<2x128x128xf32, #tpu.memory_space<vmem>> -> memref<1x128x128xf32, #tpu.memory_space<vmem>>
    %dma_start3A_113 = tpu.memref_squeeze %dma_start3A_112 : memref<1x128x128xf32, #tpu.memory_space<vmem>> -> memref<128x128xf32, #tpu.memory_space<vmem>>
    %dma_start3A_114 = arith.constant 0 : i32
    %dma_start3A_115 = tpu.memref_slice %arg9[%add3A_106, %dma_start3A_114] : memref<10240x128xf32, #tpu.memory_space<vmem_shared>> -> memref<128x128xf32, #tpu.memory_space<vmem_shared>>
    %dma_start3A_116 = arith.constant 0 : i32
    %dma_start3A_117 = tpu.memref_slice %arg10[%dma_start3A_108, %dma_start3A_116] : memref<2x2x!tpu.dma_semaphore, #tpu.memory_space<semaphore_mem>> -> memref<1x2x!tpu.dma_semaphore, #tpu.memory_space<semaphore_mem>>
    %dma_start3A_118 = tpu.memref_squeeze %dma_start3A_117 : memref<1x2x!tpu.dma_semaphore, #tpu.memory_space<semaphore_mem>> -> memref<2x!tpu.dma_semaphore, #tpu.memory_space<semaphore_mem>>
    %dma_start3A_119 = tpu.memref_slice %dma_start3A_118[%dma_start3A_109] : memref<2x!tpu.dma_semaphore, #tpu.memory_space<semaphore_mem>> -> memref<1x!tpu.dma_semaphore, #tpu.memory_space<semaphore_mem>>
    %dma_start3A_120 = tpu.memref_squeeze %dma_start3A_119 : memref<1x!tpu.dma_semaphore, #tpu.memory_space<semaphore_mem>> -> memref<!tpu.dma_semaphore, #tpu.memory_space<semaphore_mem>>
    %dma_start3A_121 = arith.constant 0 : i32
    %dma_start3A_122 = tpu.memref_slice %arg9[%add3A_106, %dma_start3A_121] : memref<10240x128xf32, #tpu.memory_space<vmem_shared>> -> memref<128x128xf32, #tpu.memory_space<vmem_shared>>
    %dma_start3A_123 = arith.constant 0 : i32
    %dma_start3A_124 = arith.constant 0 : i32
    %dma_start3A_125 = tpu.memref_slice %arg8[%dma_start3A_107, %dma_start3A_123, %dma_start3A_124] : memref<2x128x128xf32, #tpu.memory_space<vmem>> -> memref<1x128x128xf32, #tpu.memory_space<vmem>>
    %dma_start3A_126 = tpu.memref_squeeze %dma_start3A_125 : memref<1x128x128xf32, #tpu.memory_space<vmem>> -> memref<128x128xf32, #tpu.memory_space<vmem>>
    tpu.enqueue_dma source(%dma_start3A_126 : memref<128x128xf32, #tpu.memory_space<vmem>>) target(%dma_start3A_122 : memref<128x128xf32, #tpu.memory_space<vmem_shared>>) target_semaphore(%dma_start3A_120 : memref<!tpu.dma_semaphore, #tpu.memory_space<semaphore_mem>>)
    %mul3A_127 = arith.constant 640 : i32
    %mul3A_128 = arith.muli %arg1, %mul3A_127 : i32
    %add3A_129 = arith.constant 384 : i32
    %add3A_130 = arith.addi %mul3A_128, %add3A_129 : i32
    %dma_start3A_131 = arith.constant 0 : i32
    %dma_start3A_132 = arith.constant 0 : i32
    %dma_start3A_133 = arith.constant 0 : i32
    %dma_start3A_134 = arith.constant 0 : i32
    %dma_start3A_135 = arith.constant 0 : i32
    %dma_start3A_136 = tpu.memref_slice %arg8[%dma_start3A_131, %dma_start3A_134, %dma_start3A_135] : memref<2x128x128xf32, #tpu.memory_space<vmem>> -> memref<1x128x128xf32, #tpu.memory_space<vmem>>
    %dma_start3A_137 = tpu.memref_squeeze %dma_start3A_136 : memref<1x128x128xf32, #tpu.memory_space<vmem>> -> memref<128x128xf32, #tpu.memory_space<vmem>>
    %dma_start3A_138 = arith.constant 0 : i32
    %dma_start3A_139 = tpu.memref_slice %arg9[%add3A_130, %dma_start3A_138] : memref<10240x128xf32, #tpu.memory_space<vmem_shared>> -> memref<128x128xf32, #tpu.memory_space<vmem_shared>>
    %dma_start3A_140 = arith.constant 0 : i32
    %dma_start3A_141 = tpu.memref_slice %arg10[%dma_start3A_132, %dma_start3A_140] : memref<2x2x!tpu.dma_semaphore, #tpu.memory_space<semaphore_mem>> -> memref<1x2x!tpu.dma_semaphore, #tpu.memory_space<semaphore_mem>>
    %dma_start3A_142 = tpu.memref_squeeze %dma_start3A_141 : memref<1x2x!tpu.dma_semaphore, #tpu.memory_space<semaphore_mem>> -> memref<2x!tpu.dma_semaphore, #tpu.memory_space<semaphore_mem>>
    %dma_start3A_143 = tpu.memref_slice %dma_start3A_142[%dma_start3A_133] : memref<2x!tpu.dma_semaphore, #tpu.memory_space<semaphore_mem>> -> memref<1x!tpu.dma_semaphore, #tpu.memory_space<semaphore_mem>>
    %dma_start3A_144 = tpu.memref_squeeze %dma_start3A_143 : memref<1x!tpu.dma_semaphore, #tpu.memory_space<semaphore_mem>> -> memref<!tpu.dma_semaphore, #tpu.memory_space<semaphore_mem>>
    %dma_start3A_145 = arith.constant 0 : i32
    %dma_start3A_146 = tpu.memref_slice %arg9[%add3A_130, %dma_start3A_145] : memref<10240x128xf32, #tpu.memory_space<vmem_shared>> -> memref<128x128xf32, #tpu.memory_space<vmem_shared>>
    %dma_start3A_147 = arith.constant 0 : i32
    %dma_start3A_148 = arith.constant 0 : i32
    %dma_start3A_149 = tpu.memref_slice %arg8[%dma_start3A_131, %dma_start3A_147, %dma_start3A_148] : memref<2x128x128xf32, #tpu.memory_space<vmem>> -> memref<1x128x128xf32, #tpu.memory_space<vmem>>
    %dma_start3A_150 = tpu.memref_squeeze %dma_start3A_149 : memref<1x128x128xf32, #tpu.memory_space<vmem>> -> memref<128x128xf32, #tpu.memory_space<vmem>>
    tpu.enqueue_dma source(%dma_start3A_150 : memref<128x128xf32, #tpu.memory_space<vmem>>) target(%dma_start3A_146 : memref<128x128xf32, #tpu.memory_space<vmem_shared>>) target_semaphore(%dma_start3A_144 : memref<!tpu.dma_semaphore, #tpu.memory_space<semaphore_mem>>)
    %mul3A_151 = arith.constant 640 : i32
    %mul3A_152 = arith.muli %arg1, %mul3A_151 : i32
    %add3A_153 = arith.constant 512 : i32
    %add3A_154 = arith.addi %mul3A_152, %add3A_153 : i32
    %dma_start3A_155 = arith.constant 0 : i32
    %dma_start3A_156 = arith.constant 0 : i32
    %dma_start3A_157 = arith.constant 0 : i32
    %dma_start3A_158 = arith.constant 0 : i32
    %dma_start3A_159 = arith.constant 0 : i32
    %dma_start3A_160 = tpu.memref_slice %arg8[%dma_start3A_155, %dma_start3A_158, %dma_start3A_159] : memref<2x128x128xf32, #tpu.memory_space<vmem>> -> memref<1x128x128xf32, #tpu.memory_space<vmem>>
    %dma_start3A_161 = tpu.memref_squeeze %dma_start3A_160 : memref<1x128x128xf32, #tpu.memory_space<vmem>> -> memref<128x128xf32, #tpu.memory_space<vmem>>
    %dma_start3A_162 = arith.constant 0 : i32
    %dma_start3A_163 = tpu.memref_slice %arg9[%add3A_154, %dma_start3A_162] : memref<10240x128xf32, #tpu.memory_space<vmem_shared>> -> memref<128x128xf32, #tpu.memory_space<vmem_shared>>
    %dma_start3A_164 = arith.constant 0 : i32
    %dma_start3A_165 = tpu.memref_slice %arg10[%dma_start3A_156, %dma_start3A_164] : memref<2x2x!tpu.dma_semaphore, #tpu.memory_space<semaphore_mem>> -> memref<1x2x!tpu.dma_semaphore, #tpu.memory_space<semaphore_mem>>
    %dma_start3A_166 = tpu.memref_squeeze %dma_start3A_165 : memref<1x2x!tpu.dma_semaphore, #tpu.memory_space<semaphore_mem>> -> memref<2x!tpu.dma_semaphore, #tpu.memory_space<semaphore_mem>>
    %dma_start3A_167 = tpu.memref_slice %dma_start3A_166[%dma_start3A_157] : memref<2x!tpu.dma_semaphore, #tpu.memory_space<semaphore_mem>> -> memref<1x!tpu.dma_semaphore, #tpu.memory_space<semaphore_mem>>
    %dma_start3A_168 = tpu.memref_squeeze %dma_start3A_167 : memref<1x!tpu.dma_semaphore, #tpu.memory_space<semaphore_mem>> -> memref<!tpu.dma_semaphore, #tpu.memory_space<semaphore_mem>>
    %dma_start3A_169 = arith.constant 0 : i32
    %dma_start3A_170 = tpu.memref_slice %arg9[%add3A_154, %dma_start3A_169] : memref<10240x128xf32, #tpu.memory_space<vmem_shared>> -> memref<128x128xf32, #tpu.memory_space<vmem_shared>>
    %dma_start3A_171 = arith.constant 0 : i32
    %dma_start3A_172 = arith.constant 0 : i32
    %dma_start3A_173 = tpu.memref_slice %arg8[%dma_start3A_155, %dma_start3A_171, %dma_start3A_172] : memref<2x128x128xf32, #tpu.memory_space<vmem>> -> memref<1x128x128xf32, #tpu.memory_space<vmem>>
    %dma_start3A_174 = tpu.memref_squeeze %dma_start3A_173 : memref<1x128x128xf32, #tpu.memory_space<vmem>> -> memref<128x128xf32, #tpu.memory_space<vmem>>
    tpu.enqueue_dma source(%dma_start3A_174 : memref<128x128xf32, #tpu.memory_space<vmem>>) target(%dma_start3A_170 : memref<128x128xf32, #tpu.memory_space<vmem_shared>>) target_semaphore(%dma_start3A_168 : memref<!tpu.dma_semaphore, #tpu.memory_space<semaphore_mem>>)
    %mul3A_175 = arith.constant 640 : i32
    %mul3A_176 = arith.muli %arg1, %mul3A_175 : i32
    %add3A_177 = arith.constant 0 : i32
    %add3A_178 = arith.addi %mul3A_176, %add3A_177 : i32
    %dma_wait3A = arith.constant 0 : i32
    %dma_wait3A_179 = arith.constant 0 : i32
    %dma_wait3A_180 = arith.constant 0 : i32
    %dma_wait3A_181 = arith.constant 0 : i32
    %dma_wait3A_182 = arith.constant 0 : i32
    %dma_wait3A_183 = tpu.memref_slice %arg8[%dma_wait3A, %dma_wait3A_181, %dma_wait3A_182] : memref<2x128x128xf32, #tpu.memory_space<vmem>> -> memref<1x128x128xf32, #tpu.memory_space<vmem>>
    %dma_wait3A_184 = tpu.memref_squeeze %dma_wait3A_183 : memref<1x128x128xf32, #tpu.memory_space<vmem>> -> memref<128x128xf32, #tpu.memory_space<vmem>>
    %dma_wait3A_185 = arith.constant 0 : i32
    %dma_wait3A_186 = tpu.memref_slice %arg9[%add3A_178, %dma_wait3A_185] : memref<10240x128xf32, #tpu.memory_space<vmem_shared>> -> memref<128x128xf32, #tpu.memory_space<vmem_shared>>
    %dma_wait3A_187 = arith.constant 0 : i32
    %dma_wait3A_188 = tpu.memref_slice %arg10[%dma_wait3A_179, %dma_wait3A_187] : memref<2x2x!tpu.dma_semaphore, #tpu.memory_space<semaphore_mem>> -> memref<1x2x!tpu.dma_semaphore, #tpu.memory_space<semaphore_mem>>
    %dma_wait3A_189 = tpu.memref_squeeze %dma_wait3A_188 : memref<1x2x!tpu.dma_semaphore, #tpu.memory_space<semaphore_mem>> -> memref<2x!tpu.dma_semaphore, #tpu.memory_space<semaphore_mem>>
    %dma_wait3A_190 = tpu.memref_slice %dma_wait3A_189[%dma_wait3A_180] : memref<2x!tpu.dma_semaphore, #tpu.memory_space<semaphore_mem>> -> memref<1x!tpu.dma_semaphore, #tpu.memory_space<semaphore_mem>>
    %dma_wait3A_191 = tpu.memref_squeeze %dma_wait3A_190 : memref<1x!tpu.dma_semaphore, #tpu.memory_space<semaphore_mem>> -> memref<!tpu.dma_semaphore, #tpu.memory_space<semaphore_mem>>
    %dma_wait3A_192 = arith.constant 0 : i32
    %dma_wait3A_193 = tpu.memref_slice %arg9[%add3A_178, %dma_wait3A_192] : memref<10240x128xf32, #tpu.memory_space<vmem_shared>> -> memref<128x128xf32, #tpu.memory_space<vmem_shared>>
    %dma_wait3A_194 = arith.constant 0 : i32
    %dma_wait3A_195 = arith.constant 0 : i32
    %dma_wait3A_196 = tpu.memref_slice %arg8[%dma_wait3A, %dma_wait3A_194, %dma_wait3A_195] : memref<2x128x128xf32, #tpu.memory_space<vmem>> -> memref<1x128x128xf32, #tpu.memory_space<vmem>>
    %dma_wait3A_197 = tpu.memref_squeeze %dma_wait3A_196 : memref<1x128x128xf32, #tpu.memory_space<vmem>> -> memref<128x128xf32, #tpu.memory_space<vmem>>
    tpu.wait_dma2 semaphore(%dma_wait3A_191 : memref<!tpu.dma_semaphore, #tpu.memory_space<semaphore_mem>>) src(%dma_wait3A_197 : memref<128x128xf32, #tpu.memory_space<vmem>>) dst(%dma_wait3A_193 : memref<128x128xf32, #tpu.memory_space<vmem_shared>>)
    %mul3A_198 = arith.constant 640 : i32
    %mul3A_199 = arith.muli %arg1, %mul3A_198 : i32
    %add3A_200 = arith.constant 128 : i32
    %add3A_201 = arith.addi %mul3A_199, %add3A_200 : i32
    %dma_wait3A_202 = arith.constant 0 : i32
    %dma_wait3A_203 = arith.constant 0 : i32
    %dma_wait3A_204 = arith.constant 0 : i32
    %dma_wait3A_205 = arith.constant 0 : i32
    %dma_wait3A_206 = arith.constant 0 : i32
    %dma_wait3A_207 = tpu.memref_slice %arg8[%dma_wait3A_202, %dma_wait3A_205, %dma_wait3A_206] : memref<2x128x128xf32, #tpu.memory_space<vmem>> -> memref<1x128x128xf32, #tpu.memory_space<vmem>>
    %dma_wait3A_208 = tpu.memref_squeeze %dma_wait3A_207 : memref<1x128x128xf32, #tpu.memory_space<vmem>> -> memref<128x128xf32, #tpu.memory_space<vmem>>
    %dma_wait3A_209 = arith.constant 0 : i32
    %dma_wait3A_210 = tpu.memref_slice %arg9[%add3A_201, %dma_wait3A_209] : memref<10240x128xf32, #tpu.memory_space<vmem_shared>> -> memref<128x128xf32, #tpu.memory_space<vmem_shared>>
    %dma_wait3A_211 = arith.constant 0 : i32
    %dma_wait3A_212 = tpu.memref_slice %arg10[%dma_wait3A_203, %dma_wait3A_211] : memref<2x2x!tpu.dma_semaphore, #tpu.memory_space<semaphore_mem>> -> memref<1x2x!tpu.dma_semaphore, #tpu.memory_space<semaphore_mem>>
    %dma_wait3A_213 = tpu.memref_squeeze %dma_wait3A_212 : memref<1x2x!tpu.dma_semaphore, #tpu.memory_space<semaphore_mem>> -> memref<2x!tpu.dma_semaphore, #tpu.memory_space<semaphore_mem>>
    %dma_wait3A_214 = tpu.memref_slice %dma_wait3A_213[%dma_wait3A_204] : memref<2x!tpu.dma_semaphore, #tpu.memory_space<semaphore_mem>> -> memref<1x!tpu.dma_semaphore, #tpu.memory_space<semaphore_mem>>
    %dma_wait3A_215 = tpu.memref_squeeze %dma_wait3A_214 : memref<1x!tpu.dma_semaphore, #tpu.memory_space<semaphore_mem>> -> memref<!tpu.dma_semaphore, #tpu.memory_space<semaphore_mem>>
    %dma_wait3A_216 = arith.constant 0 : i32
    %dma_wait3A_217 = tpu.memref_slice %arg9[%add3A_201, %dma_wait3A_216] : memref<10240x128xf32, #tpu.memory_space<vmem_shared>> -> memref<128x128xf32, #tpu.memory_space<vmem_shared>>
    %dma_wait3A_218 = arith.constant 0 : i32
    %dma_wait3A_219 = arith.constant 0 : i32
    %dma_wait3A_220 = tpu.memref_slice %arg8[%dma_wait3A_202, %dma_wait3A_218, %dma_wait3A_219] : memref<2x128x128xf32, #tpu.memory_space<vmem>> -> memref<1x128x128xf32, #tpu.memory_space<vmem>>
    %dma_wait3A_221 = tpu.memref_squeeze %dma_wait3A_220 : memref<1x128x128xf32, #tpu.memory_space<vmem>> -> memref<128x128xf32, #tpu.memory_space<vmem>>
    tpu.wait_dma2 semaphore(%dma_wait3A_215 : memref<!tpu.dma_semaphore, #tpu.memory_space<semaphore_mem>>) src(%dma_wait3A_221 : memref<128x128xf32, #tpu.memory_space<vmem>>) dst(%dma_wait3A_217 : memref<128x128xf32, #tpu.memory_space<vmem_shared>>)
    %mul3A_222 = arith.constant 640 : i32
    %mul3A_223 = arith.muli %arg1, %mul3A_222 : i32
    %add3A_224 = arith.constant 256 : i32
    %add3A_225 = arith.addi %mul3A_223, %add3A_224 : i32
    %dma_wait3A_226 = arith.constant 0 : i32
    %dma_wait3A_227 = arith.constant 0 : i32
    %dma_wait3A_228 = arith.constant 0 : i32
    %dma_wait3A_229 = arith.constant 0 : i32
    %dma_wait3A_230 = arith.constant 0 : i32
    %dma_wait3A_231 = tpu.memref_slice %arg8[%dma_wait3A_226, %dma_wait3A_229, %dma_wait3A_230] : memref<2x128x128xf32, #tpu.memory_space<vmem>> -> memref<1x128x128xf32, #tpu.memory_space<vmem>>
    %dma_wait3A_232 = tpu.memref_squeeze %dma_wait3A_231 : memref<1x128x128xf32, #tpu.memory_space<vmem>> -> memref<128x128xf32, #tpu.memory_space<vmem>>
    %dma_wait3A_233 = arith.constant 0 : i32
    %dma_wait3A_234 = tpu.memref_slice %arg9[%add3A_225, %dma_wait3A_233] : memref<10240x128xf32, #tpu.memory_space<vmem_shared>> -> memref<128x128xf32, #tpu.memory_space<vmem_shared>>
    %dma_wait3A_235 = arith.constant 0 : i32
    %dma_wait3A_236 = tpu.memref_slice %arg10[%dma_wait3A_227, %dma_wait3A_235] : memref<2x2x!tpu.dma_semaphore, #tpu.memory_space<semaphore_mem>> -> memref<1x2x!tpu.dma_semaphore, #tpu.memory_space<semaphore_mem>>
    %dma_wait3A_237 = tpu.memref_squeeze %dma_wait3A_236 : memref<1x2x!tpu.dma_semaphore, #tpu.memory_space<semaphore_mem>> -> memref<2x!tpu.dma_semaphore, #tpu.memory_space<semaphore_mem>>
    %dma_wait3A_238 = tpu.memref_slice %dma_wait3A_237[%dma_wait3A_228] : memref<2x!tpu.dma_semaphore, #tpu.memory_space<semaphore_mem>> -> memref<1x!tpu.dma_semaphore, #tpu.memory_space<semaphore_mem>>
    %dma_wait3A_239 = tpu.memref_squeeze %dma_wait3A_238 : memref<1x!tpu.dma_semaphore, #tpu.memory_space<semaphore_mem>> -> memref<!tpu.dma_semaphore, #tpu.memory_space<semaphore_mem>>
    %dma_wait3A_240 = arith.constant 0 : i32
    %dma_wait3A_241 = tpu.memref_slice %arg9[%add3A_225, %dma_wait3A_240] : memref<10240x128xf32, #tpu.memory_space<vmem_shared>> -> memref<128x128xf32, #tpu.memory_space<vmem_shared>>
    %dma_wait3A_242 = arith.constant 0 : i32
    %dma_wait3A_243 = arith.constant 0 : i32
    %dma_wait3A_244 = tpu.memref_slice %arg8[%dma_wait3A_226, %dma_wait3A_242, %dma_wait3A_243] : memref<2x128x128xf32, #tpu.memory_space<vmem>> -> memref<1x128x128xf32, #tpu.memory_space<vmem>>
    %dma_wait3A_245 = tpu.memref_squeeze %dma_wait3A_244 : memref<1x128x128xf32, #tpu.memory_space<vmem>> -> memref<128x128xf32, #tpu.memory_space<vmem>>
    tpu.wait_dma2 semaphore(%dma_wait3A_239 : memref<!tpu.dma_semaphore, #tpu.memory_space<semaphore_mem>>) src(%dma_wait3A_245 : memref<128x128xf32, #tpu.memory_space<vmem>>) dst(%dma_wait3A_241 : memref<128x128xf32, #tpu.memory_space<vmem_shared>>)
    %mul3A_246 = arith.constant 640 : i32
    %mul3A_247 = arith.muli %arg1, %mul3A_246 : i32
    %add3A_248 = arith.constant 384 : i32
    %add3A_249 = arith.addi %mul3A_247, %add3A_248 : i32
    %dma_wait3A_250 = arith.constant 0 : i32
    %dma_wait3A_251 = arith.constant 0 : i32
    %dma_wait3A_252 = arith.constant 0 : i32
    %dma_wait3A_253 = arith.constant 0 : i32
    %dma_wait3A_254 = arith.constant 0 : i32
    %dma_wait3A_255 = tpu.memref_slice %arg8[%dma_wait3A_250, %dma_wait3A_253, %dma_wait3A_254] : memref<2x128x128xf32, #tpu.memory_space<vmem>> -> memref<1x128x128xf32, #tpu.memory_space<vmem>>
    %dma_wait3A_256 = tpu.memref_squeeze %dma_wait3A_255 : memref<1x128x128xf32, #tpu.memory_space<vmem>> -> memref<128x128xf32, #tpu.memory_space<vmem>>
    %dma_wait3A_257 = arith.constant 0 : i32
    %dma_wait3A_258 = tpu.memref_slice %arg9[%add3A_249, %dma_wait3A_257] : memref<10240x128xf32, #tpu.memory_space<vmem_shared>> -> memref<128x128xf32, #tpu.memory_space<vmem_shared>>
    %dma_wait3A_259 = arith.constant 0 : i32
    %dma_wait3A_260 = tpu.memref_slice %arg10[%dma_wait3A_251, %dma_wait3A_259] : memref<2x2x!tpu.dma_semaphore, #tpu.memory_space<semaphore_mem>> -> memref<1x2x!tpu.dma_semaphore, #tpu.memory_space<semaphore_mem>>
    %dma_wait3A_261 = tpu.memref_squeeze %dma_wait3A_260 : memref<1x2x!tpu.dma_semaphore, #tpu.memory_space<semaphore_mem>> -> memref<2x!tpu.dma_semaphore, #tpu.memory_space<semaphore_mem>>
    %dma_wait3A_262 = tpu.memref_slice %dma_wait3A_261[%dma_wait3A_252] : memref<2x!tpu.dma_semaphore, #tpu.memory_space<semaphore_mem>> -> memref<1x!tpu.dma_semaphore, #tpu.memory_space<semaphore_mem>>
    %dma_wait3A_263 = tpu.memref_squeeze %dma_wait3A_262 : memref<1x!tpu.dma_semaphore, #tpu.memory_space<semaphore_mem>> -> memref<!tpu.dma_semaphore, #tpu.memory_space<semaphore_mem>>
    %dma_wait3A_264 = arith.constant 0 : i32
    %dma_wait3A_265 = tpu.memref_slice %arg9[%add3A_249, %dma_wait3A_264] : memref<10240x128xf32, #tpu.memory_space<vmem_shared>> -> memref<128x128xf32, #tpu.memory_space<vmem_shared>>
    %dma_wait3A_266 = arith.constant 0 : i32
    %dma_wait3A_267 = arith.constant 0 : i32
    %dma_wait3A_268 = tpu.memref_slice %arg8[%dma_wait3A_250, %dma_wait3A_266, %dma_wait3A_267] : memref<2x128x128xf32, #tpu.memory_space<vmem>> -> memref<1x128x128xf32, #tpu.memory_space<vmem>>
    %dma_wait3A_269 = tpu.memref_squeeze %dma_wait3A_268 : memref<1x128x128xf32, #tpu.memory_space<vmem>> -> memref<128x128xf32, #tpu.memory_space<vmem>>
    tpu.wait_dma2 semaphore(%dma_wait3A_263 : memref<!tpu.dma_semaphore, #tpu.memory_space<semaphore_mem>>) src(%dma_wait3A_269 : memref<128x128xf32, #tpu.memory_space<vmem>>) dst(%dma_wait3A_265 : memref<128x128xf32, #tpu.memory_space<vmem_shared>>)
    %mul3A_270 = arith.constant 640 : i32
    %mul3A_271 = arith.muli %arg1, %mul3A_270 : i32
    %add3A_272 = arith.constant 512 : i32
    %add3A_273 = arith.addi %mul3A_271, %add3A_272 : i32
    %dma_wait3A_274 = arith.constant 0 : i32
    %dma_wait3A_275 = arith.constant 0 : i32
    %dma_wait3A_276 = arith.constant 0 : i32
    %dma_wait3A_277 = arith.constant 0 : i32
    %dma_wait3A_278 = arith.constant 0 : i32
    %dma_wait3A_279 = tpu.memref_slice %arg8[%dma_wait3A_274, %dma_wait3A_277, %dma_wait3A_278] : memref<2x128x128xf32, #tpu.memory_space<vmem>> -> memref<1x128x128xf32, #tpu.memory_space<vmem>>
    %dma_wait3A_280 = tpu.memref_squeeze %dma_wait3A_279 : memref<1x128x128xf32, #tpu.memory_space<vmem>> -> memref<128x128xf32, #tpu.memory_space<vmem>>
    %dma_wait3A_281 = arith.constant 0 : i32
    %dma_wait3A_282 = tpu.memref_slice %arg9[%add3A_273, %dma_wait3A_281] : memref<10240x128xf32, #tpu.memory_space<vmem_shared>> -> memref<128x128xf32, #tpu.memory_space<vmem_shared>>
    %dma_wait3A_283 = arith.constant 0 : i32
    %dma_wait3A_284 = tpu.memref_slice %arg10[%dma_wait3A_275, %dma_wait3A_283] : memref<2x2x!tpu.dma_semaphore, #tpu.memory_space<semaphore_mem>> -> memref<1x2x!tpu.dma_semaphore, #tpu.memory_space<semaphore_mem>>
    %dma_wait3A_285 = tpu.memref_squeeze %dma_wait3A_284 : memref<1x2x!tpu.dma_semaphore, #tpu.memory_space<semaphore_mem>> -> memref<2x!tpu.dma_semaphore, #tpu.memory_space<semaphore_mem>>
    %dma_wait3A_286 = tpu.memref_slice %dma_wait3A_285[%dma_wait3A_276] : memref<2x!tpu.dma_semaphore, #tpu.memory_space<semaphore_mem>> -> memref<1x!tpu.dma_semaphore, #tpu.memory_space<semaphore_mem>>
    %dma_wait3A_287 = tpu.memref_squeeze %dma_wait3A_286 : memref<1x!tpu.dma_semaphore, #tpu.memory_space<semaphore_mem>> -> memref<!tpu.dma_semaphore, #tpu.memory_space<semaphore_mem>>
    %dma_wait3A_288 = arith.constant 0 : i32
    %dma_wait3A_289 = tpu.memref_slice %arg9[%add3A_273, %dma_wait3A_288] : memref<10240x128xf32, #tpu.memory_space<vmem_shared>> -> memref<128x128xf32, #tpu.memory_space<vmem_shared>>
    %dma_wait3A_290 = arith.constant 0 : i32
    %dma_wait3A_291 = arith.constant 0 : i32
    %dma_wait3A_292 = tpu.memref_slice %arg8[%dma_wait3A_274, %dma_wait3A_290, %dma_wait3A_291] : memref<2x128x128xf32, #tpu.memory_space<vmem>> -> memref<1x128x128xf32, #tpu.memory_space<vmem>>
    %dma_wait3A_293 = tpu.memref_squeeze %dma_wait3A_292 : memref<1x128x128xf32, #tpu.memory_space<vmem>> -> memref<128x128xf32, #tpu.memory_space<vmem>>
    tpu.wait_dma2 semaphore(%dma_wait3A_287 : memref<!tpu.dma_semaphore, #tpu.memory_space<semaphore_mem>>) src(%dma_wait3A_293 : memref<128x128xf32, #tpu.memory_space<vmem>>) dst(%dma_wait3A_289 : memref<128x128xf32, #tpu.memory_space<vmem_shared>>)
    %barrier3A = arith.constant 0 : index
    tpu.barrier barrier_id(%barrier3A)
    %dma_start3A_294 = arith.constant 0 : i32
    %dma_start3A_295 = arith.constant 0 : i32
    %dma_start3A_296 = arith.constant 0 : i32
    %dma_start3A_297 = arith.constant 0 : i32
    %dma_start3A_298 = arith.constant 0 : i32
    %dma_start3A_299 = arith.constant 0 : i32
    %dma_start3A_300 = tpu.memref_slice %arg8[%dma_start3A_295, %dma_start3A_298, %dma_start3A_299] : memref<2x128x128xf32, #tpu.memory_space<vmem>> -> memref<1x128x128xf32, #tpu.memory_space<vmem>>
    %dma_start3A_301 = tpu.memref_squeeze %dma_start3A_300 : memref<1x128x128xf32, #tpu.memory_space<vmem>> -> memref<128x128xf32, #tpu.memory_space<vmem>>
    %dma_start3A_302 = arith.constant 0 : i32
    %dma_start3A_303 = arith.constant 0 : i32
    %dma_start3A_304 = tpu.memref_slice %dma_start3A_301[%dma_start3A_302, %dma_start3A_303] : memref<128x128xf32, #tpu.memory_space<vmem>> -> memref<64x128xf32, #tpu.memory_space<vmem>>
    %dma_start3A_305 = arith.constant 0 : i32
    %dma_start3A_306 = tpu.memref_slice %arg6[%dma_start3A_294, %dma_start3A_305] : memref<80x128xi32, #tpu.memory_space<vmem>> -> memref<1x128xi32, #tpu.memory_space<vmem>>
    %dma_start3A_307 = tpu.memref_squeeze %dma_start3A_306 : memref<1x128xi32, #tpu.memory_space<vmem>> -> memref<128xi32, #tpu.memory_space<vmem>>
    %dma_start3A_308 = arith.constant 0 : i32
    %dma_start3A_309 = tpu.memref_slice %dma_start3A_307[%dma_start3A_308] : memref<128xi32, #tpu.memory_space<vmem>> -> memref<64xi32, #tpu.memory_space<vmem>>
    %dma_start3A_310 = arith.constant 0 : i32
    %dma_start3A_311 = arith.constant 0 : i32
    %dma_start3A_312 = tpu.memref_slice %arg2[%dma_start3A_310, %dma_start3A_311] : memref<10000x128xf32, #tpu.memory_space<hbm>> -> memref<10000x128xf32, #tpu.memory_space<hbm>>
    %dma_start3A_313 = arith.constant 0 : i32
    %dma_start3A_314 = tpu.memref_slice %arg10[%dma_start3A_296, %dma_start3A_313] : memref<2x2x!tpu.dma_semaphore, #tpu.memory_space<semaphore_mem>> -> memref<1x2x!tpu.dma_semaphore, #tpu.memory_space<semaphore_mem>>
    %dma_start3A_315 = tpu.memref_squeeze %dma_start3A_314 : memref<1x2x!tpu.dma_semaphore, #tpu.memory_space<semaphore_mem>> -> memref<2x!tpu.dma_semaphore, #tpu.memory_space<semaphore_mem>>
    %dma_start3A_316 = tpu.memref_slice %dma_start3A_315[%dma_start3A_297] : memref<2x!tpu.dma_semaphore, #tpu.memory_space<semaphore_mem>> -> memref<1x!tpu.dma_semaphore, #tpu.memory_space<semaphore_mem>>
    %dma_start3A_317 = tpu.memref_squeeze %dma_start3A_316 : memref<1x!tpu.dma_semaphore, #tpu.memory_space<semaphore_mem>> -> memref<!tpu.dma_semaphore, #tpu.memory_space<semaphore_mem>>
    tpu.enqueue_indirect_dma source(%dma_start3A_312 : memref<10000x128xf32, #tpu.memory_space<hbm>>) target(%dma_start3A_304 : memref<64x128xf32, #tpu.memory_space<vmem>>) offsets(%dma_start3A_309 : memref<64xi32, #tpu.memory_space<vmem>>) semaphore(%dma_start3A_317 : memref<!tpu.dma_semaphore, #tpu.memory_space<semaphore_mem>>)
    %dma_start3A_318 = arith.constant 0 : i32
    %dma_start3A_319 = arith.constant 0 : i32
    %dma_start3A_320 = arith.constant 0 : i32
    %dma_start3A_321 = arith.constant 1 : i32
    %dma_start3A_322 = arith.constant 0 : i32
    %dma_start3A_323 = arith.constant 0 : i32
    %dma_start3A_324 = tpu.memref_slice %arg8[%dma_start3A_319, %dma_start3A_322, %dma_start3A_323] : memref<2x128x128xf32, #tpu.memory_space<vmem>> -> memref<1x128x128xf32, #tpu.memory_space<vmem>>
    %dma_start3A_325 = tpu.memref_squeeze %dma_start3A_324 : memref<1x128x128xf32, #tpu.memory_space<vmem>> -> memref<128x128xf32, #tpu.memory_space<vmem>>
    %dma_start3A_326 = arith.constant 64 : i32
    %dma_start3A_327 = arith.constant 0 : i32
    %dma_start3A_328 = tpu.memref_slice %dma_start3A_325[%dma_start3A_326, %dma_start3A_327] : memref<128x128xf32, #tpu.memory_space<vmem>> -> memref<64x128xf32, #tpu.memory_space<vmem>>
    %dma_start3A_329 = arith.constant 0 : i32
    %dma_start3A_330 = tpu.memref_slice %arg6[%dma_start3A_318, %dma_start3A_329] : memref<80x128xi32, #tpu.memory_space<vmem>> -> memref<1x128xi32, #tpu.memory_space<vmem>>
    %dma_start3A_331 = tpu.memref_squeeze %dma_start3A_330 : memref<1x128xi32, #tpu.memory_space<vmem>> -> memref<128xi32, #tpu.memory_space<vmem>>
    %dma_start3A_332 = arith.constant 64 : i32
    %dma_start3A_333 = tpu.memref_slice %dma_start3A_331[%dma_start3A_332] : memref<128xi32, #tpu.memory_space<vmem>> -> memref<64xi32, #tpu.memory_space<vmem>>
    %dma_start3A_334 = arith.constant 0 : i32
    %dma_start3A_335 = arith.constant 0 : i32
    %dma_start3A_336 = tpu.memref_slice %arg2[%dma_start3A_334, %dma_start3A_335] : memref<10000x128xf32, #tpu.memory_space<hbm>> -> memref<10000x128xf32, #tpu.memory_space<hbm>>
    %dma_start3A_337 = arith.constant 0 : i32
    %dma_start3A_338 = tpu.memref_slice %arg10[%dma_start3A_320, %dma_start3A_337] : memref<2x2x!tpu.dma_semaphore, #tpu.memory_space<semaphore_mem>> -> memref<1x2x!tpu.dma_semaphore, #tpu.memory_space<semaphore_mem>>
    %dma_start3A_339 = tpu.memref_squeeze %dma_start3A_338 : memref<1x2x!tpu.dma_semaphore, #tpu.memory_space<semaphore_mem>> -> memref<2x!tpu.dma_semaphore, #tpu.memory_space<semaphore_mem>>
    %dma_start3A_340 = tpu.memref_slice %dma_start3A_339[%dma_start3A_321] : memref<2x!tpu.dma_semaphore, #tpu.memory_space<semaphore_mem>> -> memref<1x!tpu.dma_semaphore, #tpu.memory_space<semaphore_mem>>
    %dma_start3A_341 = tpu.memref_squeeze %dma_start3A_340 : memref<1x!tpu.dma_semaphore, #tpu.memory_space<semaphore_mem>> -> memref<!tpu.dma_semaphore, #tpu.memory_space<semaphore_mem>>
    tpu.enqueue_indirect_dma source(%dma_start3A_336 : memref<10000x128xf32, #tpu.memory_space<hbm>>) target(%dma_start3A_328 : memref<64x128xf32, #tpu.memory_space<vmem>>) offsets(%dma_start3A_333 : memref<64xi32, #tpu.memory_space<vmem>>) semaphore(%dma_start3A_341 : memref<!tpu.dma_semaphore, #tpu.memory_space<semaphore_mem>>)
    %scan3A_342 = arith.constant 0 : i32
    %scan3A_343 = arith.constant 0 : i32
    %scan3A_344 = arith.constant 39 : i32
    %scan3A_345 = arith.addi %scan3A_343, %scan3A_344 : i32
    %scan3A_346 = arith.constant 1 : i32
    %scan3A_347 = scf.for %scan3A_454 = %scan3A_343 to %scan3A_345 step %scan3A_346 iter_args(%scan3A_455 = %scan3A_342) -> (i32)  : i32 {
      %eq3A = arith.constant 20 : i32
      %eq3A_456 = arith.cmpi eq, %scan3A_454, %eq3A : i32
      %convert_element_type3A = arith.extui %eq3A_456 : i1 to i32
      %cond3A = arith.constant 0 : i32
      %cond3A_457 = arith.cmpi ne, %convert_element_type3A, %cond3A : i32
      scf.if %cond3A_457 {
        "tpu.region"() ({
          %run_scoped3A_661 = tpu.sem_alloc : memref<!tpu.dma_semaphore, #tpu.memory_space<semaphore_mem>>
          %dma_start3A_662 = arith.constant 0 : i32
          %dma_start3A_663 = arith.constant 0 : i32
          %dma_start3A_664 = tpu.memref_slice %arg4[%add3A, %dma_start3A_662, %dma_start3A_663] : memref<32x80x128xi32, #tpu.memory_space<hbm>> -> memref<1x80x128xi32, #tpu.memory_space<hbm>>
          %dma_start3A_665 = tpu.memref_squeeze %dma_start3A_664 : memref<1x80x128xi32, #tpu.memory_space<hbm>> -> memref<80x128xi32, #tpu.memory_space<hbm>>
          %dma_start3A_666 = arith.constant 40 : i32
          %dma_start3A_667 = arith.constant 0 : i32
          %dma_start3A_668 = tpu.memref_slice %dma_start3A_665[%dma_start3A_666, %dma_start3A_667] : memref<80x128xi32, #tpu.memory_space<hbm>> -> memref<40x128xi32, #tpu.memory_space<hbm>>
          %dma_start3A_669 = arith.constant 0 : i32
          %dma_start3A_670 = arith.constant 0 : i32
          %dma_start3A_671 = tpu.memref_slice %arg4[%add3A, %dma_start3A_669, %dma_start3A_670] : memref<32x80x128xi32, #tpu.memory_space<hbm>> -> memref<1x80x128xi32, #tpu.memory_space<hbm>>
          %dma_start3A_672 = tpu.memref_squeeze %dma_start3A_671 : memref<1x80x128xi32, #tpu.memory_space<hbm>> -> memref<80x128xi32, #tpu.memory_space<hbm>>
          %dma_start3A_673 = arith.constant 40 : i32
          %dma_start3A_674 = arith.constant 0 : i32
          %dma_start3A_675 = tpu.memref_slice %dma_start3A_672[%dma_start3A_673, %dma_start3A_674] : memref<80x128xi32, #tpu.memory_space<hbm>> -> memref<40x128xi32, #tpu.memory_space<hbm>>
          tpu.enqueue_dma source(%dma_start3A_675 : memref<40x128xi32, #tpu.memory_space<hbm>>) target(%arg7 : memref<40x128xi32, #tpu.memory_space<vmem>>) target_semaphore(%run_scoped3A_661 : memref<!tpu.dma_semaphore, #tpu.memory_space<semaphore_mem>>)
          %dma_wait3A_676 = arith.constant 0 : i32
          %dma_wait3A_677 = arith.constant 0 : i32
          %dma_wait3A_678 = tpu.memref_slice %arg4[%add3A, %dma_wait3A_676, %dma_wait3A_677] : memref<32x80x128xi32, #tpu.memory_space<hbm>> -> memref<1x80x128xi32, #tpu.memory_space<hbm>>
          %dma_wait3A_679 = tpu.memref_squeeze %dma_wait3A_678 : memref<1x80x128xi32, #tpu.memory_space<hbm>> -> memref<80x128xi32, #tpu.memory_space<hbm>>
          %dma_wait3A_680 = arith.constant 40 : i32
          %dma_wait3A_681 = arith.constant 0 : i32
          %dma_wait3A_682 = tpu.memref_slice %dma_wait3A_679[%dma_wait3A_680, %dma_wait3A_681] : memref<80x128xi32, #tpu.memory_space<hbm>> -> memref<40x128xi32, #tpu.memory_space<hbm>>
          %dma_wait3A_683 = arith.constant 0 : i32
          %dma_wait3A_684 = arith.constant 0 : i32
          %dma_wait3A_685 = tpu.memref_slice %arg4[%add3A, %dma_wait3A_683, %dma_wait3A_684] : memref<32x80x128xi32, #tpu.memory_space<hbm>> -> memref<1x80x128xi32, #tpu.memory_space<hbm>>
          %dma_wait3A_686 = tpu.memref_squeeze %dma_wait3A_685 : memref<1x80x128xi32, #tpu.memory_space<hbm>> -> memref<80x128xi32, #tpu.memory_space<hbm>>
          %dma_wait3A_687 = arith.constant 40 : i32
          %dma_wait3A_688 = arith.constant 0 : i32
          %dma_wait3A_689 = tpu.memref_slice %dma_wait3A_686[%dma_wait3A_687, %dma_wait3A_688] : memref<80x128xi32, #tpu.memory_space<hbm>> -> memref<40x128xi32, #tpu.memory_space<hbm>>
          tpu.wait_dma2 semaphore(%run_scoped3A_661 : memref<!tpu.dma_semaphore, #tpu.memory_space<semaphore_mem>>) src(%dma_wait3A_689 : memref<40x128xi32, #tpu.memory_space<hbm>>) dst(%arg7 : memref<40x128xi32, #tpu.memory_space<vmem>>)
          tpu.yield
        }) : () -> ()
      } else {
      }
      %mul3A_458 = arith.constant 2 : i32
      %mul3A_459 = arith.muli %scan3A_454, %mul3A_458 : i32
      %add3A_460 = arith.constant 0 : i32
      %add3A_461 = arith.addi %mul3A_459, %add3A_460 : i32
      %dma_wait3A_462 = arith.constant 0 : i32
      %dma_wait3A_463 = arith.constant 0 : i32
      %dma_wait3A_464 = arith.constant 0 : i32
      %dma_wait3A_465 = arith.constant 0 : i32
      %dma_wait3A_466 = arith.constant 0 : i32
      %dma_wait3A_467 = tpu.memref_slice %arg8[%dma_wait3A_462, %dma_wait3A_465, %dma_wait3A_466] : memref<2x128x128xf32, #tpu.memory_space<vmem>> -> memref<1x128x128xf32, #tpu.memory_space<vmem>>
      %dma_wait3A_468 = tpu.memref_squeeze %dma_wait3A_467 : memref<1x128x128xf32, #tpu.memory_space<vmem>> -> memref<128x128xf32, #tpu.memory_space<vmem>>
      %dma_wait3A_469 = arith.constant 0 : i32
      %dma_wait3A_470 = arith.constant 0 : i32
      %dma_wait3A_471 = tpu.memref_slice %dma_wait3A_468[%dma_wait3A_469, %dma_wait3A_470] : memref<128x128xf32, #tpu.memory_space<vmem>> -> memref<64x128xf32, #tpu.memory_space<vmem>>
      %dma_wait3A_472 = arith.constant 0 : i32
      %dma_wait3A_473 = tpu.memref_slice %arg6[%add3A_461, %dma_wait3A_472] : memref<80x128xi32, #tpu.memory_space<vmem>> -> memref<1x128xi32, #tpu.memory_space<vmem>>
      %dma_wait3A_474 = tpu.memref_squeeze %dma_wait3A_473 : memref<1x128xi32, #tpu.memory_space<vmem>> -> memref<128xi32, #tpu.memory_space<vmem>>
      %dma_wait3A_475 = arith.constant 0 : i32
      %dma_wait3A_476 = tpu.memref_slice %dma_wait3A_474[%dma_wait3A_475] : memref<128xi32, #tpu.memory_space<vmem>> -> memref<64xi32, #tpu.memory_space<vmem>>
      %dma_wait3A_477 = arith.constant 0 : i32
      %dma_wait3A_478 = arith.constant 0 : i32
      %dma_wait3A_479 = tpu.memref_slice %arg2[%dma_wait3A_477, %dma_wait3A_478] : memref<10000x128xf32, #tpu.memory_space<hbm>> -> memref<10000x128xf32, #tpu.memory_space<hbm>>
      %dma_wait3A_480 = arith.constant 0 : i32
      %dma_wait3A_481 = tpu.memref_slice %arg10[%dma_wait3A_463, %dma_wait3A_480] : memref<2x2x!tpu.dma_semaphore, #tpu.memory_space<semaphore_mem>> -> memref<1x2x!tpu.dma_semaphore, #tpu.memory_space<semaphore_mem>>
      %dma_wait3A_482 = tpu.memref_squeeze %dma_wait3A_481 : memref<1x2x!tpu.dma_semaphore, #tpu.memory_space<semaphore_mem>> -> memref<2x!tpu.dma_semaphore, #tpu.memory_space<semaphore_mem>>
      %dma_wait3A_483 = tpu.memref_slice %dma_wait3A_482[%dma_wait3A_464] : memref<2x!tpu.dma_semaphore, #tpu.memory_space<semaphore_mem>> -> memref<1x!tpu.dma_semaphore, #tpu.memory_space<semaphore_mem>>
      %dma_wait3A_484 = tpu.memref_squeeze %dma_wait3A_483 : memref<1x!tpu.dma_semaphore, #tpu.memory_space<semaphore_mem>> -> memref<!tpu.dma_semaphore, #tpu.memory_space<semaphore_mem>>
      tpu.wait_indirect_dma semaphore(%dma_wait3A_484 : memref<!tpu.dma_semaphore, #tpu.memory_space<semaphore_mem>>) src(%dma_wait3A_479 : memref<10000x128xf32, #tpu.memory_space<hbm>>) dst(%dma_wait3A_471 : memref<64x128xf32, #tpu.memory_space<vmem>>)
      %dma_wait3A_485 = arith.constant 0 : i32
      %dma_wait3A_486 = arith.constant 0 : i32
      %dma_wait3A_487 = arith.constant 1 : i32
      %dma_wait3A_488 = arith.constant 0 : i32
      %dma_wait3A_489 = arith.constant 0 : i32
      %dma_wait3A_490 = tpu.memref_slice %arg8[%dma_wait3A_485, %dma_wait3A_488, %dma_wait3A_489] : memref<2x128x128xf32, #tpu.memory_space<vmem>> -> memref<1x128x128xf32, #tpu.memory_space<vmem>>
      %dma_wait3A_491 = tpu.memref_squeeze %dma_wait3A_490 : memref<1x128x128xf32, #tpu.memory_space<vmem>> -> memref<128x128xf32, #tpu.memory_space<vmem>>
      %dma_wait3A_492 = arith.constant 64 : i32
      %dma_wait3A_493 = arith.constant 0 : i32
      %dma_wait3A_494 = tpu.memref_slice %dma_wait3A_491[%dma_wait3A_492, %dma_wait3A_493] : memref<128x128xf32, #tpu.memory_space<vmem>> -> memref<64x128xf32, #tpu.memory_space<vmem>>
      %dma_wait3A_495 = arith.constant 0 : i32
      %dma_wait3A_496 = tpu.memref_slice %arg6[%add3A_461, %dma_wait3A_495] : memref<80x128xi32, #tpu.memory_space<vmem>> -> memref<1x128xi32, #tpu.memory_space<vmem>>
      %dma_wait3A_497 = tpu.memref_squeeze %dma_wait3A_496 : memref<1x128xi32, #tpu.memory_space<vmem>> -> memref<128xi32, #tpu.memory_space<vmem>>
      %dma_wait3A_498 = arith.constant 64 : i32
      %dma_wait3A_499 = tpu.memref_slice %dma_wait3A_497[%dma_wait3A_498] : memref<128xi32, #tpu.memory_space<vmem>> -> memref<64xi32, #tpu.memory_space<vmem>>
      %dma_wait3A_500 = arith.constant 0 : i32
      %dma_wait3A_501 = arith.constant 0 : i32
      %dma_wait3A_502 = tpu.memref_slice %arg2[%dma_wait3A_500, %dma_wait3A_501] : memref<10000x128xf32, #tpu.memory_space<hbm>> -> memref<10000x128xf32, #tpu.memory_space<hbm>>
      %dma_wait3A_503 = arith.constant 0 : i32
      %dma_wait3A_504 = tpu.memref_slice %arg10[%dma_wait3A_486, %dma_wait3A_503] : memref<2x2x!tpu.dma_semaphore, #tpu.memory_space<semaphore_mem>> -> memref<1x2x!tpu.dma_semaphore, #tpu.memory_space<semaphore_mem>>
      %dma_wait3A_505 = tpu.memref_squeeze %dma_wait3A_504 : memref<1x2x!tpu.dma_semaphore, #tpu.memory_space<semaphore_mem>> -> memref<2x!tpu.dma_semaphore, #tpu.memory_space<semaphore_mem>>
      %dma_wait3A_506 = tpu.memref_slice %dma_wait3A_505[%dma_wait3A_487] : memref<2x!tpu.dma_semaphore, #tpu.memory_space<semaphore_mem>> -> memref<1x!tpu.dma_semaphore, #tpu.memory_space<semaphore_mem>>
      %dma_wait3A_507 = tpu.memref_squeeze %dma_wait3A_506 : memref<1x!tpu.dma_semaphore, #tpu.memory_space<semaphore_mem>> -> memref<!tpu.dma_semaphore, #tpu.memory_space<semaphore_mem>>
      tpu.wait_indirect_dma semaphore(%dma_wait3A_507 : memref<!tpu.dma_semaphore, #tpu.memory_space<semaphore_mem>>) src(%dma_wait3A_502 : memref<10000x128xf32, #tpu.memory_space<hbm>>) dst(%dma_wait3A_494 : memref<64x128xf32, #tpu.memory_space<vmem>>)
      %rem3A_508 = arith.constant 40 : i32
      %rem3A_509 = arith.remsi %add3A_461, %rem3A_508 : i32
      %run_scoped3A_510 = arith.constant 0 : i32
      "tpu.region"() ({
        %run_scoped3A_661 = tpu.sem_alloc : memref<!tpu.dma_semaphore, #tpu.memory_space<semaphore_mem>>
        %dma_start3A_662 = arith.constant 0 : i32
        %dma_start3A_663 = arith.constant 0 : i32
        %dma_start3A_664 = tpu.memref_slice %arg8[%run_scoped3A_510, %dma_start3A_662, %dma_start3A_663] : memref<2x128x128xf32, #tpu.memory_space<vmem>> -> memref<1x128x128xf32, #tpu.memory_space<vmem>>
        %dma_start3A_665 = tpu.memref_squeeze %dma_start3A_664 : memref<1x128x128xf32, #tpu.memory_space<vmem>> -> memref<128x128xf32, #tpu.memory_space<vmem>>
        %dma_start3A_666 = arith.constant 0 : i32
        %dma_start3A_667 = tpu.memref_slice %arg7[%rem3A_509, %dma_start3A_666] : memref<40x128xi32, #tpu.memory_space<vmem>> -> memref<1x128xi32, #tpu.memory_space<vmem>>
        %dma_start3A_668 = tpu.memref_squeeze %dma_start3A_667 : memref<1x128xi32, #tpu.memory_space<vmem>> -> memref<128xi32, #tpu.memory_space<vmem>>
        %dma_start3A_669 = arith.constant 0 : i32
        %dma_start3A_670 = arith.constant 0 : i32
        %dma_start3A_671 = tpu.memref_slice %arg9[%dma_start3A_669, %dma_start3A_670] : memref<10240x128xf32, #tpu.memory_space<vmem_shared>> -> memref<10240x128xf32, #tpu.memory_space<vmem_shared>>
        tpu.enqueue_indirect_dma source(%dma_start3A_665 : memref<128x128xf32, #tpu.memory_space<vmem>>) target(%dma_start3A_671 : memref<10240x128xf32, #tpu.memory_space<vmem_shared>>) offsets(%dma_start3A_668 : memref<128xi32, #tpu.memory_space<vmem>>) semaphore(%run_scoped3A_661 : memref<!tpu.dma_semaphore, #tpu.memory_space<semaphore_mem>>) {add = true}
        %dma_wait3A_672 = arith.constant 0 : i32
        %dma_wait3A_673 = arith.constant 0 : i32
        %dma_wait3A_674 = tpu.memref_slice %arg8[%run_scoped3A_510, %dma_wait3A_672, %dma_wait3A_673] : memref<2x128x128xf32, #tpu.memory_space<vmem>> -> memref<1x128x128xf32, #tpu.memory_space<vmem>>
        %dma_wait3A_675 = tpu.memref_squeeze %dma_wait3A_674 : memref<1x128x128xf32, #tpu.memory_space<vmem>> -> memref<128x128xf32, #tpu.memory_space<vmem>>
        %dma_wait3A_676 = arith.constant 0 : i32
        %dma_wait3A_677 = tpu.memref_slice %arg7[%rem3A_509, %dma_wait3A_676] : memref<40x128xi32, #tpu.memory_space<vmem>> -> memref<1x128xi32, #tpu.memory_space<vmem>>
        %dma_wait3A_678 = tpu.memref_squeeze %dma_wait3A_677 : memref<1x128xi32, #tpu.memory_space<vmem>> -> memref<128xi32, #tpu.memory_space<vmem>>
        %dma_wait3A_679 = arith.constant 0 : i32
        %dma_wait3A_680 = arith.constant 0 : i32
        %dma_wait3A_681 = tpu.memref_slice %arg9[%dma_wait3A_679, %dma_wait3A_680] : memref<10240x128xf32, #tpu.memory_space<vmem_shared>> -> memref<10240x128xf32, #tpu.memory_space<vmem_shared>>
        tpu.wait_indirect_dma semaphore(%run_scoped3A_661 : memref<!tpu.dma_semaphore, #tpu.memory_space<semaphore_mem>>) src(%dma_wait3A_675 : memref<128x128xf32, #tpu.memory_space<vmem>>) dst(%dma_wait3A_681 : memref<10240x128xf32, #tpu.memory_space<vmem_shared>>)
        tpu.yield
      }) : () -> ()
      %add3A_511 = arith.constant 2 : i32
      %add3A_512 = arith.addi %add3A_461, %add3A_511 : i32
      %dma_start3A_513 = arith.constant 0 : i32
      %dma_start3A_514 = arith.constant 0 : i32
      %dma_start3A_515 = arith.constant 0 : i32
      %dma_start3A_516 = arith.constant 0 : i32
      %dma_start3A_517 = arith.constant 0 : i32
      %dma_start3A_518 = tpu.memref_slice %arg8[%dma_start3A_513, %dma_start3A_516, %dma_start3A_517] : memref<2x128x128xf32, #tpu.memory_space<vmem>> -> memref<1x128x128xf32, #tpu.memory_space<vmem>>
      %dma_start3A_519 = tpu.memref_squeeze %dma_start3A_518 : memref<1x128x128xf32, #tpu.memory_space<vmem>> -> memref<128x128xf32, #tpu.memory_space<vmem>>
      %dma_start3A_520 = arith.constant 0 : i32
      %dma_start3A_521 = arith.constant 0 : i32
      %dma_start3A_522 = tpu.memref_slice %dma_start3A_519[%dma_start3A_520, %dma_start3A_521] : memref<128x128xf32, #tpu.memory_space<vmem>> -> memref<64x128xf32, #tpu.memory_space<vmem>>
      %dma_start3A_523 = arith.constant 0 : i32
      %dma_start3A_524 = tpu.memref_slice %arg6[%add3A_512, %dma_start3A_523] : memref<80x128xi32, #tpu.memory_space<vmem>> -> memref<1x128xi32, #tpu.memory_space<vmem>>
      %dma_start3A_525 = tpu.memref_squeeze %dma_start3A_524 : memref<1x128xi32, #tpu.memory_space<vmem>> -> memref<128xi32, #tpu.memory_space<vmem>>
      %dma_start3A_526 = arith.constant 0 : i32
      %dma_start3A_527 = tpu.memref_slice %dma_start3A_525[%dma_start3A_526] : memref<128xi32, #tpu.memory_space<vmem>> -> memref<64xi32, #tpu.memory_space<vmem>>
      %dma_start3A_528 = arith.constant 0 : i32
      %dma_start3A_529 = arith.constant 0 : i32
      %dma_start3A_530 = tpu.memref_slice %arg2[%dma_start3A_528, %dma_start3A_529] : memref<10000x128xf32, #tpu.memory_space<hbm>> -> memref<10000x128xf32, #tpu.memory_space<hbm>>
      %dma_start3A_531 = arith.constant 0 : i32
      %dma_start3A_532 = tpu.memref_slice %arg10[%dma_start3A_514, %dma_start3A_531] : memref<2x2x!tpu.dma_semaphore, #tpu.memory_space<semaphore_mem>> -> memref<1x2x!tpu.dma_semaphore, #tpu.memory_space<semaphore_mem>>
      %dma_start3A_533 = tpu.memref_squeeze %dma_start3A_532 : memref<1x2x!tpu.dma_semaphore, #tpu.memory_space<semaphore_mem>> -> memref<2x!tpu.dma_semaphore, #tpu.memory_space<semaphore_mem>>
      %dma_start3A_534 = tpu.memref_slice %dma_start3A_533[%dma_start3A_515] : memref<2x!tpu.dma_semaphore, #tpu.memory_space<semaphore_mem>> -> memref<1x!tpu.dma_semaphore, #tpu.memory_space<semaphore_mem>>
      %dma_start3A_535 = tpu.memref_squeeze %dma_start3A_534 : memref<1x!tpu.dma_semaphore, #tpu.memory_space<semaphore_mem>> -> memref<!tpu.dma_semaphore, #tpu.memory_space<semaphore_mem>>
      tpu.enqueue_indirect_dma source(%dma_start3A_530 : memref<10000x128xf32, #tpu.memory_space<hbm>>) target(%dma_start3A_522 : memref<64x128xf32, #tpu.memory_space<vmem>>) offsets(%dma_start3A_527 : memref<64xi32, #tpu.memory_space<vmem>>) semaphore(%dma_start3A_535 : memref<!tpu.dma_semaphore, #tpu.memory_space<semaphore_mem>>)
      %dma_start3A_536 = arith.constant 0 : i32
      %dma_start3A_537 = arith.constant 0 : i32
      %dma_start3A_538 = arith.constant 1 : i32
      %dma_start3A_539 = arith.constant 0 : i32
      %dma_start3A_540 = arith.constant 0 : i32
      %dma_start3A_541 = tpu.memref_slice %arg8[%dma_start3A_536, %dma_start3A_539, %dma_start3A_540] : memref<2x128x128xf32, #tpu.memory_space<vmem>> -> memref<1x128x128xf32, #tpu.memory_space<vmem>>
      %dma_start3A_542 = tpu.memref_squeeze %dma_start3A_541 : memref<1x128x128xf32, #tpu.memory_space<vmem>> -> memref<128x128xf32, #tpu.memory_space<vmem>>
      %dma_start3A_543 = arith.constant 64 : i32
      %dma_start3A_544 = arith.constant 0 : i32
      %dma_start3A_545 = tpu.memref_slice %dma_start3A_542[%dma_start3A_543, %dma_start3A_544] : memref<128x128xf32, #tpu.memory_space<vmem>> -> memref<64x128xf32, #tpu.memory_space<vmem>>
      %dma_start3A_546 = arith.constant 0 : i32
      %dma_start3A_547 = tpu.memref_slice %arg6[%add3A_512, %dma_start3A_546] : memref<80x128xi32, #tpu.memory_space<vmem>> -> memref<1x128xi32, #tpu.memory_space<vmem>>
      %dma_start3A_548 = tpu.memref_squeeze %dma_start3A_547 : memref<1x128xi32, #tpu.memory_space<vmem>> -> memref<128xi32, #tpu.memory_space<vmem>>
      %dma_start3A_549 = arith.constant 64 : i32
      %dma_start3A_550 = tpu.memref_slice %dma_start3A_548[%dma_start3A_549] : memref<128xi32, #tpu.memory_space<vmem>> -> memref<64xi32, #tpu.memory_space<vmem>>
      %dma_start3A_551 = arith.constant 0 : i32
      %dma_start3A_552 = arith.constant 0 : i32
      %dma_start3A_553 = tpu.memref_slice %arg2[%dma_start3A_551, %dma_start3A_552] : memref<10000x128xf32, #tpu.memory_space<hbm>> -> memref<10000x128xf32, #tpu.memory_space<hbm>>
      %dma_start3A_554 = arith.constant 0 : i32
      %dma_start3A_555 = tpu.memref_slice %arg10[%dma_start3A_537, %dma_start3A_554] : memref<2x2x!tpu.dma_semaphore, #tpu.memory_space<semaphore_mem>> -> memref<1x2x!tpu.dma_semaphore, #tpu.memory_space<semaphore_mem>>
      %dma_start3A_556 = tpu.memref_squeeze %dma_start3A_555 : memref<1x2x!tpu.dma_semaphore, #tpu.memory_space<semaphore_mem>> -> memref<2x!tpu.dma_semaphore, #tpu.memory_space<semaphore_mem>>
      %dma_start3A_557 = tpu.memref_slice %dma_start3A_556[%dma_start3A_538] : memref<2x!tpu.dma_semaphore, #tpu.memory_space<semaphore_mem>> -> memref<1x!tpu.dma_semaphore, #tpu.memory_space<semaphore_mem>>
      %dma_start3A_558 = tpu.memref_squeeze %dma_start3A_557 : memref<1x!tpu.dma_semaphore, #tpu.memory_space<semaphore_mem>> -> memref<!tpu.dma_semaphore, #tpu.memory_space<semaphore_mem>>
      tpu.enqueue_indirect_dma source(%dma_start3A_553 : memref<10000x128xf32, #tpu.memory_space<hbm>>) target(%dma_start3A_545 : memref<64x128xf32, #tpu.memory_space<vmem>>) offsets(%dma_start3A_550 : memref<64xi32, #tpu.memory_space<vmem>>) semaphore(%dma_start3A_558 : memref<!tpu.dma_semaphore, #tpu.memory_space<semaphore_mem>>)
      %mul3A_559 = arith.constant 2 : i32
      %mul3A_560 = arith.muli %scan3A_454, %mul3A_559 : i32
      %add3A_561 = arith.constant 1 : i32
      %add3A_562 = arith.addi %mul3A_560, %add3A_561 : i32
      %dma_wait3A_563 = arith.constant 1 : i32
      %dma_wait3A_564 = arith.constant 1 : i32
      %dma_wait3A_565 = arith.constant 0 : i32
      %dma_wait3A_566 = arith.constant 0 : i32
      %dma_wait3A_567 = arith.constant 0 : i32
      %dma_wait3A_568 = tpu.memref_slice %arg8[%dma_wait3A_563, %dma_wait3A_566, %dma_wait3A_567] : memref<2x128x128xf32, #tpu.memory_space<vmem>> -> memref<1x128x128xf32, #tpu.memory_space<vmem>>
      %dma_wait3A_569 = tpu.memref_squeeze %dma_wait3A_568 : memref<1x128x128xf32, #tpu.memory_space<vmem>> -> memref<128x128xf32, #tpu.memory_space<vmem>>
      %dma_wait3A_570 = arith.constant 0 : i32
      %dma_wait3A_571 = arith.constant 0 : i32
      %dma_wait3A_572 = tpu.memref_slice %dma_wait3A_569[%dma_wait3A_570, %dma_wait3A_571] : memref<128x128xf32, #tpu.memory_space<vmem>> -> memref<64x128xf32, #tpu.memory_space<vmem>>
      %dma_wait3A_573 = arith.constant 0 : i32
      %dma_wait3A_574 = tpu.memref_slice %arg6[%add3A_562, %dma_wait3A_573] : memref<80x128xi32, #tpu.memory_space<vmem>> -> memref<1x128xi32, #tpu.memory_space<vmem>>
      %dma_wait3A_575 = tpu.memref_squeeze %dma_wait3A_574 : memref<1x128xi32, #tpu.memory_space<vmem>> -> memref<128xi32, #tpu.memory_space<vmem>>
      %dma_wait3A_576 = arith.constant 0 : i32
      %dma_wait3A_577 = tpu.memref_slice %dma_wait3A_575[%dma_wait3A_576] : memref<128xi32, #tpu.memory_space<vmem>> -> memref<64xi32, #tpu.memory_space<vmem>>
      %dma_wait3A_578 = arith.constant 0 : i32
      %dma_wait3A_579 = arith.constant 0 : i32
      %dma_wait3A_580 = tpu.memref_slice %arg2[%dma_wait3A_578, %dma_wait3A_579] : memref<10000x128xf32, #tpu.memory_space<hbm>> -> memref<10000x128xf32, #tpu.memory_space<hbm>>
      %dma_wait3A_581 = arith.constant 0 : i32
      %dma_wait3A_582 = tpu.memref_slice %arg10[%dma_wait3A_564, %dma_wait3A_581] : memref<2x2x!tpu.dma_semaphore, #tpu.memory_space<semaphore_mem>> -> memref<1x2x!tpu.dma_semaphore, #tpu.memory_space<semaphore_mem>>
      %dma_wait3A_583 = tpu.memref_squeeze %dma_wait3A_582 : memref<1x2x!tpu.dma_semaphore, #tpu.memory_space<semaphore_mem>> -> memref<2x!tpu.dma_semaphore, #tpu.memory_space<semaphore_mem>>
      %dma_wait3A_584 = tpu.memref_slice %dma_wait3A_583[%dma_wait3A_565] : memref<2x!tpu.dma_semaphore, #tpu.memory_space<semaphore_mem>> -> memref<1x!tpu.dma_semaphore, #tpu.memory_space<semaphore_mem>>
      %dma_wait3A_585 = tpu.memref_squeeze %dma_wait3A_584 : memref<1x!tpu.dma_semaphore, #tpu.memory_space<semaphore_mem>> -> memref<!tpu.dma_semaphore, #tpu.memory_space<semaphore_mem>>
      tpu.wait_indirect_dma semaphore(%dma_wait3A_585 : memref<!tpu.dma_semaphore, #tpu.memory_space<semaphore_mem>>) src(%dma_wait3A_580 : memref<10000x128xf32, #tpu.memory_space<hbm>>) dst(%dma_wait3A_572 : memref<64x128xf32, #tpu.memory_space<vmem>>)
      %dma_wait3A_586 = arith.constant 1 : i32
      %dma_wait3A_587 = arith.constant 1 : i32
      %dma_wait3A_588 = arith.constant 1 : i32
      %dma_wait3A_589 = arith.constant 0 : i32
      %dma_wait3A_590 = arith.constant 0 : i32
      %dma_wait3A_591 = tpu.memref_slice %arg8[%dma_wait3A_586, %dma_wait3A_589, %dma_wait3A_590] : memref<2x128x128xf32, #tpu.memory_space<vmem>> -> memref<1x128x128xf32, #tpu.memory_space<vmem>>
      %dma_wait3A_592 = tpu.memref_squeeze %dma_wait3A_591 : memref<1x128x128xf32, #tpu.memory_space<vmem>> -> memref<128x128xf32, #tpu.memory_space<vmem>>
      %dma_wait3A_593 = arith.constant 64 : i32
      %dma_wait3A_594 = arith.constant 0 : i32
      %dma_wait3A_595 = tpu.memref_slice %dma_wait3A_592[%dma_wait3A_593, %dma_wait3A_594] : memref<128x128xf32, #tpu.memory_space<vmem>> -> memref<64x128xf32, #tpu.memory_space<vmem>>
      %dma_wait3A_596 = arith.constant 0 : i32
      %dma_wait3A_597 = tpu.memref_slice %arg6[%add3A_562, %dma_wait3A_596] : memref<80x128xi32, #tpu.memory_space<vmem>> -> memref<1x128xi32, #tpu.memory_space<vmem>>
      %dma_wait3A_598 = tpu.memref_squeeze %dma_wait3A_597 : memref<1x128xi32, #tpu.memory_space<vmem>> -> memref<128xi32, #tpu.memory_space<vmem>>
      %dma_wait3A_599 = arith.constant 64 : i32
      %dma_wait3A_600 = tpu.memref_slice %dma_wait3A_598[%dma_wait3A_599] : memref<128xi32, #tpu.memory_space<vmem>> -> memref<64xi32, #tpu.memory_space<vmem>>
      %dma_wait3A_601 = arith.constant 0 : i32
      %dma_wait3A_602 = arith.constant 0 : i32
      %dma_wait3A_603 = tpu.memref_slice %arg2[%dma_wait3A_601, %dma_wait3A_602] : memref<10000x128xf32, #tpu.memory_space<hbm>> -> memref<10000x128xf32, #tpu.memory_space<hbm>>
      %dma_wait3A_604 = arith.constant 0 : i32
      %dma_wait3A_605 = tpu.memref_slice %arg10[%dma_wait3A_587, %dma_wait3A_604] : memref<2x2x!tpu.dma_semaphore, #tpu.memory_space<semaphore_mem>> -> memref<1x2x!tpu.dma_semaphore, #tpu.memory_space<semaphore_mem>>
      %dma_wait3A_606 = tpu.memref_squeeze %dma_wait3A_605 : memref<1x2x!tpu.dma_semaphore, #tpu.memory_space<semaphore_mem>> -> memref<2x!tpu.dma_semaphore, #tpu.memory_space<semaphore_mem>>
      %dma_wait3A_607 = tpu.memref_slice %dma_wait3A_606[%dma_wait3A_588] : memref<2x!tpu.dma_semaphore, #tpu.memory_space<semaphore_mem>> -> memref<1x!tpu.dma_semaphore, #tpu.memory_space<semaphore_mem>>
      %dma_wait3A_608 = tpu.memref_squeeze %dma_wait3A_607 : memref<1x!tpu.dma_semaphore, #tpu.memory_space<semaphore_mem>> -> memref<!tpu.dma_semaphore, #tpu.memory_space<semaphore_mem>>
      tpu.wait_indirect_dma semaphore(%dma_wait3A_608 : memref<!tpu.dma_semaphore, #tpu.memory_space<semaphore_mem>>) src(%dma_wait3A_603 : memref<10000x128xf32, #tpu.memory_space<hbm>>) dst(%dma_wait3A_595 : memref<64x128xf32, #tpu.memory_space<vmem>>)
      %rem3A_609 = arith.constant 40 : i32
      %rem3A_610 = arith.remsi %add3A_562, %rem3A_609 : i32
      %run_scoped3A_611 = arith.constant 1 : i32
      "tpu.region"() ({
        %run_scoped3A_661 = tpu.sem_alloc : memref<!tpu.dma_semaphore, #tpu.memory_space<semaphore_mem>>
        %dma_start3A_662 = arith.constant 0 : i32
        %dma_start3A_663 = arith.constant 0 : i32
        %dma_start3A_664 = tpu.memref_slice %arg8[%run_scoped3A_611, %dma_start3A_662, %dma_start3A_663] : memref<2x128x128xf32, #tpu.memory_space<vmem>> -> memref<1x128x128xf32, #tpu.memory_space<vmem>>
        %dma_start3A_665 = tpu.memref_squeeze %dma_start3A_664 : memref<1x128x128xf32, #tpu.memory_space<vmem>> -> memref<128x128xf32, #tpu.memory_space<vmem>>
        %dma_start3A_666 = arith.constant 0 : i32
        %dma_start3A_667 = tpu.memref_slice %arg7[%rem3A_610, %dma_start3A_666] : memref<40x128xi32, #tpu.memory_space<vmem>> -> memref<1x128xi32, #tpu.memory_space<vmem>>
        %dma_start3A_668 = tpu.memref_squeeze %dma_start3A_667 : memref<1x128xi32, #tpu.memory_space<vmem>> -> memref<128xi32, #tpu.memory_space<vmem>>
        %dma_start3A_669 = arith.constant 0 : i32
        %dma_start3A_670 = arith.constant 0 : i32
        %dma_start3A_671 = tpu.memref_slice %arg9[%dma_start3A_669, %dma_start3A_670] : memref<10240x128xf32, #tpu.memory_space<vmem_shared>> -> memref<10240x128xf32, #tpu.memory_space<vmem_shared>>
        tpu.enqueue_indirect_dma source(%dma_start3A_665 : memref<128x128xf32, #tpu.memory_space<vmem>>) target(%dma_start3A_671 : memref<10240x128xf32, #tpu.memory_space<vmem_shared>>) offsets(%dma_start3A_668 : memref<128xi32, #tpu.memory_space<vmem>>) semaphore(%run_scoped3A_661 : memref<!tpu.dma_semaphore, #tpu.memory_space<semaphore_mem>>) {add = true}
        %dma_wait3A_672 = arith.constant 0 : i32
        %dma_wait3A_673 = arith.constant 0 : i32
        %dma_wait3A_674 = tpu.memref_slice %arg8[%run_scoped3A_611, %dma_wait3A_672, %dma_wait3A_673] : memref<2x128x128xf32, #tpu.memory_space<vmem>> -> memref<1x128x128xf32, #tpu.memory_space<vmem>>
        %dma_wait3A_675 = tpu.memref_squeeze %dma_wait3A_674 : memref<1x128x128xf32, #tpu.memory_space<vmem>> -> memref<128x128xf32, #tpu.memory_space<vmem>>
        %dma_wait3A_676 = arith.constant 0 : i32
        %dma_wait3A_677 = tpu.memref_slice %arg7[%rem3A_610, %dma_wait3A_676] : memref<40x128xi32, #tpu.memory_space<vmem>> -> memref<1x128xi32, #tpu.memory_space<vmem>>
        %dma_wait3A_678 = tpu.memref_squeeze %dma_wait3A_677 : memref<1x128xi32, #tpu.memory_space<vmem>> -> memref<128xi32, #tpu.memory_space<vmem>>
        %dma_wait3A_679 = arith.constant 0 : i32
        %dma_wait3A_680 = arith.constant 0 : i32
        %dma_wait3A_681 = tpu.memref_slice %arg9[%dma_wait3A_679, %dma_wait3A_680] : memref<10240x128xf32, #tpu.memory_space<vmem_shared>> -> memref<10240x128xf32, #tpu.memory_space<vmem_shared>>
        tpu.wait_indirect_dma semaphore(%run_scoped3A_661 : memref<!tpu.dma_semaphore, #tpu.memory_space<semaphore_mem>>) src(%dma_wait3A_675 : memref<128x128xf32, #tpu.memory_space<vmem>>) dst(%dma_wait3A_681 : memref<10240x128xf32, #tpu.memory_space<vmem_shared>>)
        tpu.yield
      }) : () -> ()
      %add3A_612 = arith.constant 2 : i32
      %add3A_613 = arith.addi %add3A_562, %add3A_612 : i32
      %dma_start3A_614 = arith.constant 1 : i32
      %dma_start3A_615 = arith.constant 1 : i32
      %dma_start3A_616 = arith.constant 0 : i32
      %dma_start3A_617 = arith.constant 0 : i32
      %dma_start3A_618 = arith.constant 0 : i32
      %dma_start3A_619 = tpu.memref_slice %arg8[%dma_start3A_614, %dma_start3A_617, %dma_start3A_618] : memref<2x128x128xf32, #tpu.memory_space<vmem>> -> memref<1x128x128xf32, #tpu.memory_space<vmem>>
      %dma_start3A_620 = tpu.memref_squeeze %dma_start3A_619 : memref<1x128x128xf32, #tpu.memory_space<vmem>> -> memref<128x128xf32, #tpu.memory_space<vmem>>
      %dma_start3A_621 = arith.constant 0 : i32
      %dma_start3A_622 = arith.constant 0 : i32
      %dma_start3A_623 = tpu.memref_slice %dma_start3A_620[%dma_start3A_621, %dma_start3A_622] : memref<128x128xf32, #tpu.memory_space<vmem>> -> memref<64x128xf32, #tpu.memory_space<vmem>>
      %dma_start3A_624 = arith.constant 0 : i32
      %dma_start3A_625 = tpu.memref_slice %arg6[%add3A_613, %dma_start3A_624] : memref<80x128xi32, #tpu.memory_space<vmem>> -> memref<1x128xi32, #tpu.memory_space<vmem>>
      %dma_start3A_626 = tpu.memref_squeeze %dma_start3A_625 : memref<1x128xi32, #tpu.memory_space<vmem>> -> memref<128xi32, #tpu.memory_space<vmem>>
      %dma_start3A_627 = arith.constant 0 : i32
      %dma_start3A_628 = tpu.memref_slice %dma_start3A_626[%dma_start3A_627] : memref<128xi32, #tpu.memory_space<vmem>> -> memref<64xi32, #tpu.memory_space<vmem>>
      %dma_start3A_629 = arith.constant 0 : i32
      %dma_start3A_630 = arith.constant 0 : i32
      %dma_start3A_631 = tpu.memref_slice %arg2[%dma_start3A_629, %dma_start3A_630] : memref<10000x128xf32, #tpu.memory_space<hbm>> -> memref<10000x128xf32, #tpu.memory_space<hbm>>
      %dma_start3A_632 = arith.constant 0 : i32
      %dma_start3A_633 = tpu.memref_slice %arg10[%dma_start3A_615, %dma_start3A_632] : memref<2x2x!tpu.dma_semaphore, #tpu.memory_space<semaphore_mem>> -> memref<1x2x!tpu.dma_semaphore, #tpu.memory_space<semaphore_mem>>
      %dma_start3A_634 = tpu.memref_squeeze %dma_start3A_633 : memref<1x2x!tpu.dma_semaphore, #tpu.memory_space<semaphore_mem>> -> memref<2x!tpu.dma_semaphore, #tpu.memory_space<semaphore_mem>>
      %dma_start3A_635 = tpu.memref_slice %dma_start3A_634[%dma_start3A_616] : memref<2x!tpu.dma_semaphore, #tpu.memory_space<semaphore_mem>> -> memref<1x!tpu.dma_semaphore, #tpu.memory_space<semaphore_mem>>
      %dma_start3A_636 = tpu.memref_squeeze %dma_start3A_635 : memref<1x!tpu.dma_semaphore, #tpu.memory_space<semaphore_mem>> -> memref<!tpu.dma_semaphore, #tpu.memory_space<semaphore_mem>>
      tpu.enqueue_indirect_dma source(%dma_start3A_631 : memref<10000x128xf32, #tpu.memory_space<hbm>>) target(%dma_start3A_623 : memref<64x128xf32, #tpu.memory_space<vmem>>) offsets(%dma_start3A_628 : memref<64xi32, #tpu.memory_space<vmem>>) semaphore(%dma_start3A_636 : memref<!tpu.dma_semaphore, #tpu.memory_space<semaphore_mem>>)
      %dma_start3A_637 = arith.constant 1 : i32
      %dma_start3A_638 = arith.constant 1 : i32
      %dma_start3A_639 = arith.constant 1 : i32
      %dma_start3A_640 = arith.constant 0 : i32
      %dma_start3A_641 = arith.constant 0 : i32
      %dma_start3A_642 = tpu.memref_slice %arg8[%dma_start3A_637, %dma_start3A_640, %dma_start3A_641] : memref<2x128x128xf32, #tpu.memory_space<vmem>> -> memref<1x128x128xf32, #tpu.memory_space<vmem>>
      %dma_start3A_643 = tpu.memref_squeeze %dma_start3A_642 : memref<1x128x128xf32, #tpu.memory_space<vmem>> -> memref<128x128xf32, #tpu.memory_space<vmem>>
      %dma_start3A_644 = arith.constant 64 : i32
      %dma_start3A_645 = arith.constant 0 : i32
      %dma_start3A_646 = tpu.memref_slice %dma_start3A_643[%dma_start3A_644, %dma_start3A_645] : memref<128x128xf32, #tpu.memory_space<vmem>> -> memref<64x128xf32, #tpu.memory_space<vmem>>
      %dma_start3A_647 = arith.constant 0 : i32
      %dma_start3A_648 = tpu.memref_slice %arg6[%add3A_613, %dma_start3A_647] : memref<80x128xi32, #tpu.memory_space<vmem>> -> memref<1x128xi32, #tpu.memory_space<vmem>>
      %dma_start3A_649 = tpu.memref_squeeze %dma_start3A_648 : memref<1x128xi32, #tpu.memory_space<vmem>> -> memref<128xi32, #tpu.memory_space<vmem>>
      %dma_start3A_650 = arith.constant 64 : i32
      %dma_start3A_651 = tpu.memref_slice %dma_start3A_649[%dma_start3A_650] : memref<128xi32, #tpu.memory_space<vmem>> -> memref<64xi32, #tpu.memory_space<vmem>>
      %dma_start3A_652 = arith.constant 0 : i32
      %dma_start3A_653 = arith.constant 0 : i32
      %dma_start3A_654 = tpu.memref_slice %arg2[%dma_start3A_652, %dma_start3A_653] : memref<10000x128xf32, #tpu.memory_space<hbm>> -> memref<10000x128xf32, #tpu.memory_space<hbm>>
      %dma_start3A_655 = arith.constant 0 : i32
      %dma_start3A_656 = tpu.memref_slice %arg10[%dma_start3A_638, %dma_start3A_655] : memref<2x2x!tpu.dma_semaphore, #tpu.memory_space<semaphore_mem>> -> memref<1x2x!tpu.dma_semaphore, #tpu.memory_space<semaphore_mem>>
      %dma_start3A_657 = tpu.memref_squeeze %dma_start3A_656 : memref<1x2x!tpu.dma_semaphore, #tpu.memory_space<semaphore_mem>> -> memref<2x!tpu.dma_semaphore, #tpu.memory_space<semaphore_mem>>
      %dma_start3A_658 = tpu.memref_slice %dma_start3A_657[%dma_start3A_639] : memref<2x!tpu.dma_semaphore, #tpu.memory_space<semaphore_mem>> -> memref<1x!tpu.dma_semaphore, #tpu.memory_space<semaphore_mem>>
      %dma_start3A_659 = tpu.memref_squeeze %dma_start3A_658 : memref<1x!tpu.dma_semaphore, #tpu.memory_space<semaphore_mem>> -> memref<!tpu.dma_semaphore, #tpu.memory_space<semaphore_mem>>
      tpu.enqueue_indirect_dma source(%dma_start3A_654 : memref<10000x128xf32, #tpu.memory_space<hbm>>) target(%dma_start3A_646 : memref<64x128xf32, #tpu.memory_space<vmem>>) offsets(%dma_start3A_651 : memref<64xi32, #tpu.memory_space<vmem>>) semaphore(%dma_start3A_659 : memref<!tpu.dma_semaphore, #tpu.memory_space<semaphore_mem>>)
      %scan3A_660 = arith.constant 0 : i32
      scf.yield %scan3A_660 : i32
    }
    %scan3A_348 = arith.constant 39 : i32
    %dma_wait3A_349 = arith.constant 78 : i32
    %dma_wait3A_350 = arith.constant 0 : i32
    %dma_wait3A_351 = arith.constant 0 : i32
    %dma_wait3A_352 = arith.constant 0 : i32
    %dma_wait3A_353 = arith.constant 0 : i32
    %dma_wait3A_354 = arith.constant 0 : i32
    %dma_wait3A_355 = tpu.memref_slice %arg8[%dma_wait3A_350, %dma_wait3A_353, %dma_wait3A_354] : memref<2x128x128xf32, #tpu.memory_space<vmem>> -> memref<1x128x128xf32, #tpu.memory_space<vmem>>
    %dma_wait3A_356 = tpu.memref_squeeze %dma_wait3A_355 : memref<1x128x128xf32, #tpu.memory_space<vmem>> -> memref<128x128xf32, #tpu.memory_space<vmem>>
    %dma_wait3A_357 = arith.constant 0 : i32
    %dma_wait3A_358 = arith.constant 0 : i32
    %dma_wait3A_359 = tpu.memref_slice %dma_wait3A_356[%dma_wait3A_357, %dma_wait3A_358] : memref<128x128xf32, #tpu.memory_space<vmem>> -> memref<64x128xf32, #tpu.memory_space<vmem>>
    %dma_wait3A_360 = arith.constant 0 : i32
    %dma_wait3A_361 = tpu.memref_slice %arg6[%dma_wait3A_349, %dma_wait3A_360] : memref<80x128xi32, #tpu.memory_space<vmem>> -> memref<1x128xi32, #tpu.memory_space<vmem>>
    %dma_wait3A_362 = tpu.memref_squeeze %dma_wait3A_361 : memref<1x128xi32, #tpu.memory_space<vmem>> -> memref<128xi32, #tpu.memory_space<vmem>>
    %dma_wait3A_363 = arith.constant 0 : i32
    %dma_wait3A_364 = tpu.memref_slice %dma_wait3A_362[%dma_wait3A_363] : memref<128xi32, #tpu.memory_space<vmem>> -> memref<64xi32, #tpu.memory_space<vmem>>
    %dma_wait3A_365 = arith.constant 0 : i32
    %dma_wait3A_366 = arith.constant 0 : i32
    %dma_wait3A_367 = tpu.memref_slice %arg2[%dma_wait3A_365, %dma_wait3A_366] : memref<10000x128xf32, #tpu.memory_space<hbm>> -> memref<10000x128xf32, #tpu.memory_space<hbm>>
    %dma_wait3A_368 = arith.constant 0 : i32
    %dma_wait3A_369 = tpu.memref_slice %arg10[%dma_wait3A_351, %dma_wait3A_368] : memref<2x2x!tpu.dma_semaphore, #tpu.memory_space<semaphore_mem>> -> memref<1x2x!tpu.dma_semaphore, #tpu.memory_space<semaphore_mem>>
    %dma_wait3A_370 = tpu.memref_squeeze %dma_wait3A_369 : memref<1x2x!tpu.dma_semaphore, #tpu.memory_space<semaphore_mem>> -> memref<2x!tpu.dma_semaphore, #tpu.memory_space<semaphore_mem>>
    %dma_wait3A_371 = tpu.memref_slice %dma_wait3A_370[%dma_wait3A_352] : memref<2x!tpu.dma_semaphore, #tpu.memory_space<semaphore_mem>> -> memref<1x!tpu.dma_semaphore, #tpu.memory_space<semaphore_mem>>
    %dma_wait3A_372 = tpu.memref_squeeze %dma_wait3A_371 : memref<1x!tpu.dma_semaphore, #tpu.memory_space<semaphore_mem>> -> memref<!tpu.dma_semaphore, #tpu.memory_space<semaphore_mem>>
    tpu.wait_indirect_dma semaphore(%dma_wait3A_372 : memref<!tpu.dma_semaphore, #tpu.memory_space<semaphore_mem>>) src(%dma_wait3A_367 : memref<10000x128xf32, #tpu.memory_space<hbm>>) dst(%dma_wait3A_359 : memref<64x128xf32, #tpu.memory_space<vmem>>)
    %dma_wait3A_373 = arith.constant 78 : i32
    %dma_wait3A_374 = arith.constant 0 : i32
    %dma_wait3A_375 = arith.constant 0 : i32
    %dma_wait3A_376 = arith.constant 1 : i32
    %dma_wait3A_377 = arith.constant 0 : i32
    %dma_wait3A_378 = arith.constant 0 : i32
    %dma_wait3A_379 = tpu.memref_slice %arg8[%dma_wait3A_374, %dma_wait3A_377, %dma_wait3A_378] : memref<2x128x128xf32, #tpu.memory_space<vmem>> -> memref<1x128x128xf32, #tpu.memory_space<vmem>>
    %dma_wait3A_380 = tpu.memref_squeeze %dma_wait3A_379 : memref<1x128x128xf32, #tpu.memory_space<vmem>> -> memref<128x128xf32, #tpu.memory_space<vmem>>
    %dma_wait3A_381 = arith.constant 64 : i32
    %dma_wait3A_382 = arith.constant 0 : i32
    %dma_wait3A_383 = tpu.memref_slice %dma_wait3A_380[%dma_wait3A_381, %dma_wait3A_382] : memref<128x128xf32, #tpu.memory_space<vmem>> -> memref<64x128xf32, #tpu.memory_space<vmem>>
    %dma_wait3A_384 = arith.constant 0 : i32
    %dma_wait3A_385 = tpu.memref_slice %arg6[%dma_wait3A_373, %dma_wait3A_384] : memref<80x128xi32, #tpu.memory_space<vmem>> -> memref<1x128xi32, #tpu.memory_space<vmem>>
    %dma_wait3A_386 = tpu.memref_squeeze %dma_wait3A_385 : memref<1x128xi32, #tpu.memory_space<vmem>> -> memref<128xi32, #tpu.memory_space<vmem>>
    %dma_wait3A_387 = arith.constant 64 : i32
    %dma_wait3A_388 = tpu.memref_slice %dma_wait3A_386[%dma_wait3A_387] : memref<128xi32, #tpu.memory_space<vmem>> -> memref<64xi32, #tpu.memory_space<vmem>>
    %dma_wait3A_389 = arith.constant 0 : i32
    %dma_wait3A_390 = arith.constant 0 : i32
    %dma_wait3A_391 = tpu.memref_slice %arg2[%dma_wait3A_389, %dma_wait3A_390] : memref<10000x128xf32, #tpu.memory_space<hbm>> -> memref<10000x128xf32, #tpu.memory_space<hbm>>
    %dma_wait3A_392 = arith.constant 0 : i32
    %dma_wait3A_393 = tpu.memref_slice %arg10[%dma_wait3A_375, %dma_wait3A_392] : memref<2x2x!tpu.dma_semaphore, #tpu.memory_space<semaphore_mem>> -> memref<1x2x!tpu.dma_semaphore, #tpu.memory_space<semaphore_mem>>
    %dma_wait3A_394 = tpu.memref_squeeze %dma_wait3A_393 : memref<1x2x!tpu.dma_semaphore, #tpu.memory_space<semaphore_mem>> -> memref<2x!tpu.dma_semaphore, #tpu.memory_space<semaphore_mem>>
    %dma_wait3A_395 = tpu.memref_slice %dma_wait3A_394[%dma_wait3A_376] : memref<2x!tpu.dma_semaphore, #tpu.memory_space<semaphore_mem>> -> memref<1x!tpu.dma_semaphore, #tpu.memory_space<semaphore_mem>>
    %dma_wait3A_396 = tpu.memref_squeeze %dma_wait3A_395 : memref<1x!tpu.dma_semaphore, #tpu.memory_space<semaphore_mem>> -> memref<!tpu.dma_semaphore, #tpu.memory_space<semaphore_mem>>
    tpu.wait_indirect_dma semaphore(%dma_wait3A_396 : memref<!tpu.dma_semaphore, #tpu.memory_space<semaphore_mem>>) src(%dma_wait3A_391 : memref<10000x128xf32, #tpu.memory_space<hbm>>) dst(%dma_wait3A_383 : memref<64x128xf32, #tpu.memory_space<vmem>>)
    %rem3A = arith.constant 78 : i32
    %rem3A_397 = arith.constant 40 : i32
    %rem3A_398 = arith.remsi %rem3A, %rem3A_397 : i32
    %run_scoped3A = arith.constant 0 : i32
    "tpu.region"() ({
      %run_scoped3A_454 = tpu.sem_alloc : memref<!tpu.dma_semaphore, #tpu.memory_space<semaphore_mem>>
      %dma_start3A_455 = arith.constant 0 : i32
      %dma_start3A_456 = arith.constant 0 : i32
      %dma_start3A_457 = tpu.memref_slice %arg8[%run_scoped3A, %dma_start3A_455, %dma_start3A_456] : memref<2x128x128xf32, #tpu.memory_space<vmem>> -> memref<1x128x128xf32, #tpu.memory_space<vmem>>
      %dma_start3A_458 = tpu.memref_squeeze %dma_start3A_457 : memref<1x128x128xf32, #tpu.memory_space<vmem>> -> memref<128x128xf32, #tpu.memory_space<vmem>>
      %dma_start3A_459 = arith.constant 0 : i32
      %dma_start3A_460 = tpu.memref_slice %arg7[%rem3A_398, %dma_start3A_459] : memref<40x128xi32, #tpu.memory_space<vmem>> -> memref<1x128xi32, #tpu.memory_space<vmem>>
      %dma_start3A_461 = tpu.memref_squeeze %dma_start3A_460 : memref<1x128xi32, #tpu.memory_space<vmem>> -> memref<128xi32, #tpu.memory_space<vmem>>
      %dma_start3A_462 = arith.constant 0 : i32
      %dma_start3A_463 = arith.constant 0 : i32
      %dma_start3A_464 = tpu.memref_slice %arg9[%dma_start3A_462, %dma_start3A_463] : memref<10240x128xf32, #tpu.memory_space<vmem_shared>> -> memref<10240x128xf32, #tpu.memory_space<vmem_shared>>
      tpu.enqueue_indirect_dma source(%dma_start3A_458 : memref<128x128xf32, #tpu.memory_space<vmem>>) target(%dma_start3A_464 : memref<10240x128xf32, #tpu.memory_space<vmem_shared>>) offsets(%dma_start3A_461 : memref<128xi32, #tpu.memory_space<vmem>>) semaphore(%run_scoped3A_454 : memref<!tpu.dma_semaphore, #tpu.memory_space<semaphore_mem>>) {add = true}
      %dma_wait3A_465 = arith.constant 0 : i32
      %dma_wait3A_466 = arith.constant 0 : i32
      %dma_wait3A_467 = tpu.memref_slice %arg8[%run_scoped3A, %dma_wait3A_465, %dma_wait3A_466] : memref<2x128x128xf32, #tpu.memory_space<vmem>> -> memref<1x128x128xf32, #tpu.memory_space<vmem>>
      %dma_wait3A_468 = tpu.memref_squeeze %dma_wait3A_467 : memref<1x128x128xf32, #tpu.memory_space<vmem>> -> memref<128x128xf32, #tpu.memory_space<vmem>>
      %dma_wait3A_469 = arith.constant 0 : i32
      %dma_wait3A_470 = tpu.memref_slice %arg7[%rem3A_398, %dma_wait3A_469] : memref<40x128xi32, #tpu.memory_space<vmem>> -> memref<1x128xi32, #tpu.memory_space<vmem>>
      %dma_wait3A_471 = tpu.memref_squeeze %dma_wait3A_470 : memref<1x128xi32, #tpu.memory_space<vmem>> -> memref<128xi32, #tpu.memory_space<vmem>>
      %dma_wait3A_472 = arith.constant 0 : i32
      %dma_wait3A_473 = arith.constant 0 : i32
      %dma_wait3A_474 = tpu.memref_slice %arg9[%dma_wait3A_472, %dma_wait3A_473] : memref<10240x128xf32, #tpu.memory_space<vmem_shared>> -> memref<10240x128xf32, #tpu.memory_space<vmem_shared>>
      tpu.wait_indirect_dma semaphore(%run_scoped3A_454 : memref<!tpu.dma_semaphore, #tpu.memory_space<semaphore_mem>>) src(%dma_wait3A_468 : memref<128x128xf32, #tpu.memory_space<vmem>>) dst(%dma_wait3A_474 : memref<10240x128xf32, #tpu.memory_space<vmem_shared>>)
      tpu.yield
    }) : () -> ()
    %dma_wait3A_399 = arith.constant 79 : i32
    %dma_wait3A_400 = arith.constant 1 : i32
    %dma_wait3A_401 = arith.constant 1 : i32
    %dma_wait3A_402 = arith.constant 0 : i32
    %dma_wait3A_403 = arith.constant 0 : i32
    %dma_wait3A_404 = arith.constant 0 : i32
    %dma_wait3A_405 = tpu.memref_slice %arg8[%dma_wait3A_400, %dma_wait3A_403, %dma_wait3A_404] : memref<2x128x128xf32, #tpu.memory_space<vmem>> -> memref<1x128x128xf32, #tpu.memory_space<vmem>>
    %dma_wait3A_406 = tpu.memref_squeeze %dma_wait3A_405 : memref<1x128x128xf32, #tpu.memory_space<vmem>> -> memref<128x128xf32, #tpu.memory_space<vmem>>
    %dma_wait3A_407 = arith.constant 0 : i32
    %dma_wait3A_408 = arith.constant 0 : i32
    %dma_wait3A_409 = tpu.memref_slice %dma_wait3A_406[%dma_wait3A_407, %dma_wait3A_408] : memref<128x128xf32, #tpu.memory_space<vmem>> -> memref<64x128xf32, #tpu.memory_space<vmem>>
    %dma_wait3A_410 = arith.constant 0 : i32
    %dma_wait3A_411 = tpu.memref_slice %arg6[%dma_wait3A_399, %dma_wait3A_410] : memref<80x128xi32, #tpu.memory_space<vmem>> -> memref<1x128xi32, #tpu.memory_space<vmem>>
    %dma_wait3A_412 = tpu.memref_squeeze %dma_wait3A_411 : memref<1x128xi32, #tpu.memory_space<vmem>> -> memref<128xi32, #tpu.memory_space<vmem>>
    %dma_wait3A_413 = arith.constant 0 : i32
    %dma_wait3A_414 = tpu.memref_slice %dma_wait3A_412[%dma_wait3A_413] : memref<128xi32, #tpu.memory_space<vmem>> -> memref<64xi32, #tpu.memory_space<vmem>>
    %dma_wait3A_415 = arith.constant 0 : i32
    %dma_wait3A_416 = arith.constant 0 : i32
    %dma_wait3A_417 = tpu.memref_slice %arg2[%dma_wait3A_415, %dma_wait3A_416] : memref<10000x128xf32, #tpu.memory_space<hbm>> -> memref<10000x128xf32, #tpu.memory_space<hbm>>
    %dma_wait3A_418 = arith.constant 0 : i32
    %dma_wait3A_419 = tpu.memref_slice %arg10[%dma_wait3A_401, %dma_wait3A_418] : memref<2x2x!tpu.dma_semaphore, #tpu.memory_space<semaphore_mem>> -> memref<1x2x!tpu.dma_semaphore, #tpu.memory_space<semaphore_mem>>
    %dma_wait3A_420 = tpu.memref_squeeze %dma_wait3A_419 : memref<1x2x!tpu.dma_semaphore, #tpu.memory_space<semaphore_mem>> -> memref<2x!tpu.dma_semaphore, #tpu.memory_space<semaphore_mem>>
    %dma_wait3A_421 = tpu.memref_slice %dma_wait3A_420[%dma_wait3A_402] : memref<2x!tpu.dma_semaphore, #tpu.memory_space<semaphore_mem>> -> memref<1x!tpu.dma_semaphore, #tpu.memory_space<semaphore_mem>>
    %dma_wait3A_422 = tpu.memref_squeeze %dma_wait3A_421 : memref<1x!tpu.dma_semaphore, #tpu.memory_space<semaphore_mem>> -> memref<!tpu.dma_semaphore, #tpu.memory_space<semaphore_mem>>
    tpu.wait_indirect_dma semaphore(%dma_wait3A_422 : memref<!tpu.dma_semaphore, #tpu.memory_space<semaphore_mem>>) src(%dma_wait3A_417 : memref<10000x128xf32, #tpu.memory_space<hbm>>) dst(%dma_wait3A_409 : memref<64x128xf32, #tpu.memory_space<vmem>>)
    %dma_wait3A_423 = arith.constant 79 : i32
    %dma_wait3A_424 = arith.constant 1 : i32
    %dma_wait3A_425 = arith.constant 1 : i32
    %dma_wait3A_426 = arith.constant 1 : i32
    %dma_wait3A_427 = arith.constant 0 : i32
    %dma_wait3A_428 = arith.constant 0 : i32
    %dma_wait3A_429 = tpu.memref_slice %arg8[%dma_wait3A_424, %dma_wait3A_427, %dma_wait3A_428] : memref<2x128x128xf32, #tpu.memory_space<vmem>> -> memref<1x128x128xf32, #tpu.memory_space<vmem>>
    %dma_wait3A_430 = tpu.memref_squeeze %dma_wait3A_429 : memref<1x128x128xf32, #tpu.memory_space<vmem>> -> memref<128x128xf32, #tpu.memory_space<vmem>>
    %dma_wait3A_431 = arith.constant 64 : i32
    %dma_wait3A_432 = arith.constant 0 : i32
    %dma_wait3A_433 = tpu.memref_slice %dma_wait3A_430[%dma_wait3A_431, %dma_wait3A_432] : memref<128x128xf32, #tpu.memory_space<vmem>> -> memref<64x128xf32, #tpu.memory_space<vmem>>
    %dma_wait3A_434 = arith.constant 0 : i32
    %dma_wait3A_435 = tpu.memref_slice %arg6[%dma_wait3A_423, %dma_wait3A_434] : memref<80x128xi32, #tpu.memory_space<vmem>> -> memref<1x128xi32, #tpu.memory_space<vmem>>
    %dma_wait3A_436 = tpu.memref_squeeze %dma_wait3A_435 : memref<1x128xi32, #tpu.memory_space<vmem>> -> memref<128xi32, #tpu.memory_space<vmem>>
    %dma_wait3A_437 = arith.constant 64 : i32
    %dma_wait3A_438 = tpu.memref_slice %dma_wait3A_436[%dma_wait3A_437] : memref<128xi32, #tpu.memory_space<vmem>> -> memref<64xi32, #tpu.memory_space<vmem>>
    %dma_wait3A_439 = arith.constant 0 : i32
    %dma_wait3A_440 = arith.constant 0 : i32
    %dma_wait3A_441 = tpu.memref_slice %arg2[%dma_wait3A_439, %dma_wait3A_440] : memref<10000x128xf32, #tpu.memory_space<hbm>> -> memref<10000x128xf32, #tpu.memory_space<hbm>>
    %dma_wait3A_442 = arith.constant 0 : i32
    %dma_wait3A_443 = tpu.memref_slice %arg10[%dma_wait3A_425, %dma_wait3A_442] : memref<2x2x!tpu.dma_semaphore, #tpu.memory_space<semaphore_mem>> -> memref<1x2x!tpu.dma_semaphore, #tpu.memory_space<semaphore_mem>>
    %dma_wait3A_444 = tpu.memref_squeeze %dma_wait3A_443 : memref<1x2x!tpu.dma_semaphore, #tpu.memory_space<semaphore_mem>> -> memref<2x!tpu.dma_semaphore, #tpu.memory_space<semaphore_mem>>
    %dma_wait3A_445 = tpu.memref_slice %dma_wait3A_444[%dma_wait3A_426] : memref<2x!tpu.dma_semaphore, #tpu.memory_space<semaphore_mem>> -> memref<1x!tpu.dma_semaphore, #tpu.memory_space<semaphore_mem>>
    %dma_wait3A_446 = tpu.memref_squeeze %dma_wait3A_445 : memref<1x!tpu.dma_semaphore, #tpu.memory_space<semaphore_mem>> -> memref<!tpu.dma_semaphore, #tpu.memory_space<semaphore_mem>>
    tpu.wait_indirect_dma semaphore(%dma_wait3A_446 : memref<!tpu.dma_semaphore, #tpu.memory_space<semaphore_mem>>) src(%dma_wait3A_441 : memref<10000x128xf32, #tpu.memory_space<hbm>>) dst(%dma_wait3A_433 : memref<64x128xf32, #tpu.memory_space<vmem>>)
    %rem3A_447 = arith.constant 79 : i32
    %rem3A_448 = arith.constant 40 : i32
    %rem3A_449 = arith.remsi %rem3A_447, %rem3A_448 : i32
    %run_scoped3A_450 = arith.constant 1 : i32
    "tpu.region"() ({
      %run_scoped3A_454 = tpu.sem_alloc : memref<!tpu.dma_semaphore, #tpu.memory_space<semaphore_mem>>
      %dma_start3A_455 = arith.constant 0 : i32
      %dma_start3A_456 = arith.constant 0 : i32
      %dma_start3A_457 = tpu.memref_slice %arg8[%run_scoped3A_450, %dma_start3A_455, %dma_start3A_456] : memref<2x128x128xf32, #tpu.memory_space<vmem>> -> memref<1x128x128xf32, #tpu.memory_space<vmem>>
      %dma_start3A_458 = tpu.memref_squeeze %dma_start3A_457 : memref<1x128x128xf32, #tpu.memory_space<vmem>> -> memref<128x128xf32, #tpu.memory_space<vmem>>
      %dma_start3A_459 = arith.constant 0 : i32
      %dma_start3A_460 = tpu.memref_slice %arg7[%rem3A_449, %dma_start3A_459] : memref<40x128xi32, #tpu.memory_space<vmem>> -> memref<1x128xi32, #tpu.memory_space<vmem>>
      %dma_start3A_461 = tpu.memref_squeeze %dma_start3A_460 : memref<1x128xi32, #tpu.memory_space<vmem>> -> memref<128xi32, #tpu.memory_space<vmem>>
      %dma_start3A_462 = arith.constant 0 : i32
      %dma_start3A_463 = arith.constant 0 : i32
      %dma_start3A_464 = tpu.memref_slice %arg9[%dma_start3A_462, %dma_start3A_463] : memref<10240x128xf32, #tpu.memory_space<vmem_shared>> -> memref<10240x128xf32, #tpu.memory_space<vmem_shared>>
      tpu.enqueue_indirect_dma source(%dma_start3A_458 : memref<128x128xf32, #tpu.memory_space<vmem>>) target(%dma_start3A_464 : memref<10240x128xf32, #tpu.memory_space<vmem_shared>>) offsets(%dma_start3A_461 : memref<128xi32, #tpu.memory_space<vmem>>) semaphore(%run_scoped3A_454 : memref<!tpu.dma_semaphore, #tpu.memory_space<semaphore_mem>>) {add = true}
      %dma_wait3A_465 = arith.constant 0 : i32
      %dma_wait3A_466 = arith.constant 0 : i32
      %dma_wait3A_467 = tpu.memref_slice %arg8[%run_scoped3A_450, %dma_wait3A_465, %dma_wait3A_466] : memref<2x128x128xf32, #tpu.memory_space<vmem>> -> memref<1x128x128xf32, #tpu.memory_space<vmem>>
      %dma_wait3A_468 = tpu.memref_squeeze %dma_wait3A_467 : memref<1x128x128xf32, #tpu.memory_space<vmem>> -> memref<128x128xf32, #tpu.memory_space<vmem>>
      %dma_wait3A_469 = arith.constant 0 : i32
      %dma_wait3A_470 = tpu.memref_slice %arg7[%rem3A_449, %dma_wait3A_469] : memref<40x128xi32, #tpu.memory_space<vmem>> -> memref<1x128xi32, #tpu.memory_space<vmem>>
      %dma_wait3A_471 = tpu.memref_squeeze %dma_wait3A_470 : memref<1x128xi32, #tpu.memory_space<vmem>> -> memref<128xi32, #tpu.memory_space<vmem>>
      %dma_wait3A_472 = arith.constant 0 : i32
      %dma_wait3A_473 = arith.constant 0 : i32
      %dma_wait3A_474 = tpu.memref_slice %arg9[%dma_wait3A_472, %dma_wait3A_473] : memref<10240x128xf32, #tpu.memory_space<vmem_shared>> -> memref<10240x128xf32, #tpu.memory_space<vmem_shared>>
      tpu.wait_indirect_dma semaphore(%run_scoped3A_454 : memref<!tpu.dma_semaphore, #tpu.memory_space<semaphore_mem>>) src(%dma_wait3A_468 : memref<128x128xf32, #tpu.memory_space<vmem>>) dst(%dma_wait3A_474 : memref<10240x128xf32, #tpu.memory_space<vmem_shared>>)
      tpu.yield
    }) : () -> ()
    %barrier3A_451 = arith.constant 0 : index
    tpu.barrier barrier_id(%barrier3A_451)
    %mul3A_452 = arith.constant 640 : i32
    %mul3A_453 = arith.muli %arg1, %mul3A_452 : i32
    "tpu.region"() ({
      %run_scoped3A_454 = tpu.sem_alloc : memref<!tpu.dma_semaphore, #tpu.memory_space<semaphore_mem>>
      %dma_start3A_455 = arith.constant 0 : i32
      %dma_start3A_456 = arith.constant 0 : i32
      %dma_start3A_457 = tpu.memref_slice %arg5[%arg0, %dma_start3A_455, %dma_start3A_456] : memref<2x10240x128xf32, #tpu.memory_space<hbm>> -> memref<1x10240x128xf32, #tpu.memory_space<hbm>>
      %dma_start3A_458 = tpu.memref_squeeze %dma_start3A_457 : memref<1x10240x128xf32, #tpu.memory_space<hbm>> -> memref<10240x128xf32, #tpu.memory_space<hbm>>
      %dma_start3A_459 = arith.constant 0 : i32
      %dma_start3A_460 = tpu.memref_slice %dma_start3A_458[%mul3A_453, %dma_start3A_459] : memref<10240x128xf32, #tpu.memory_space<hbm>> -> memref<640x128xf32, #tpu.memory_space<hbm>>
      %dma_start3A_461 = arith.constant 0 : i32
      %dma_start3A_462 = tpu.memref_slice %arg9[%mul3A_453, %dma_start3A_461] : memref<10240x128xf32, #tpu.memory_space<vmem_shared>> -> memref<640x128xf32, #tpu.memory_space<vmem_shared>>
      tpu.enqueue_dma source(%dma_start3A_462 : memref<640x128xf32, #tpu.memory_space<vmem_shared>>) target(%dma_start3A_460 : memref<640x128xf32, #tpu.memory_space<hbm>>) target_semaphore(%run_scoped3A_454 : memref<!tpu.dma_semaphore, #tpu.memory_space<semaphore_mem>>)
      %dma_wait3A_463 = arith.constant 0 : i32
      %dma_wait3A_464 = arith.constant 0 : i32
      %dma_wait3A_465 = tpu.memref_slice %arg5[%arg0, %dma_wait3A_463, %dma_wait3A_464] : memref<2x10240x128xf32, #tpu.memory_space<hbm>> -> memref<1x10240x128xf32, #tpu.memory_space<hbm>>
      %dma_wait3A_466 = tpu.memref_squeeze %dma_wait3A_465 : memref<1x10240x128xf32, #tpu.memory_space<hbm>> -> memref<10240x128xf32, #tpu.memory_space<hbm>>
      %dma_wait3A_467 = arith.constant 0 : i32
      %dma_wait3A_468 = tpu.memref_slice %dma_wait3A_466[%mul3A_453, %dma_wait3A_467] : memref<10240x128xf32, #tpu.memory_space<hbm>> -> memref<640x128xf32, #tpu.memory_space<hbm>>
      %dma_wait3A_469 = arith.constant 0 : i32
      %dma_wait3A_470 = tpu.memref_slice %arg9[%mul3A_453, %dma_wait3A_469] : memref<10240x128xf32, #tpu.memory_space<vmem_shared>> -> memref<640x128xf32, #tpu.memory_space<vmem_shared>>
      tpu.wait_dma2 semaphore(%run_scoped3A_454 : memref<!tpu.dma_semaphore, #tpu.memory_space<semaphore_mem>>) src(%dma_wait3A_470 : memref<640x128xf32, #tpu.memory_space<vmem_shared>>) dst(%dma_wait3A_468 : memref<640x128xf32, #tpu.memory_space<hbm>>)
      tpu.yield
    }) : () -> ()
    return
  }
}

#map = affine_map<(d0, d1) -> (0, 0)>
#map1 = affine_map<(d0, d1) -> (0, 0, 0)>
module attributes {stable_mosaic.version = 14 : i64} {
  func.func @_sc_aggregate(%arg0: i32, %arg1: i32, %arg2: memref<10000x128xf32, #tpu.memory_space<hbm>>, %arg3: memref<32x80x128xi32, #tpu.memory_space<hbm>>, %arg4: memref<32x80x128xi32, #tpu.memory_space<hbm>>, %arg5: memref<2x10240x128xf32, #tpu.memory_space<hbm>>, %arg6: memref<80x128xi32, #tpu.memory_space<vmem>>, %arg7: memref<40x128xi32, #tpu.memory_space<vmem>>, %arg8: memref<2x128x128xf32, #tpu.memory_space<vmem>>, %arg9: memref<10240x128xf32, #tpu.memory_space<vmem_shared>>, %arg10: memref<2x2x!tpu.dma_semaphore, #tpu.memory_space<semaphore_mem>>) attributes {dimension_semantics = [#tpu.dimension_semantics<core_parallel>, #tpu.dimension_semantics<subcore_parallel>], iteration_bounds = array<i64: 2, 16>, scalar_prefetch = 0 : i64, scratch_operands = 5 : i64, tpu.core_type = #tpu.core_type<sc_vector_subcore>, window_params = [{transform_indices = #map}, {transform_indices = #map1}, {transform_indices = #map1}, {transform_indices = #map1}]} {
    %mul3A = arith.constant 2 : i32
    %mul3A_0 = arith.muli %arg1, %mul3A : i32
    %add3A = arith.addi %mul3A_0, %arg0 : i32
    "tpu.region"() ({
      %run_scoped3A_454 = tpu.sem_alloc : memref<!tpu.dma_semaphore, #tpu.memory_space<semaphore_mem>>
      %dma_start3A_455 = arith.constant 0 : i32
      %dma_start3A_456 = arith.constant 0 : i32
      %dma_start3A_457 = tpu.memref_slice %arg3[%add3A, %dma_start3A_455, %dma_start3A_456] : memref<32x80x128xi32, #tpu.memory_space<hbm>> -> memref<1x80x128xi32, #tpu.memory_space<hbm>>
      %dma_start3A_458 = tpu.memref_squeeze %dma_start3A_457 : memref<1x80x128xi32, #tpu.memory_space<hbm>> -> memref<80x128xi32, #tpu.memory_space<hbm>>
      %dma_start3A_459 = arith.constant 0 : i32
      %dma_start3A_460 = arith.constant 0 : i32
      %dma_start3A_461 = tpu.memref_slice %arg3[%add3A, %dma_start3A_459, %dma_start3A_460] : memref<32x80x128xi32, #tpu.memory_space<hbm>> -> memref<1x80x128xi32, #tpu.memory_space<hbm>>
      %dma_start3A_462 = tpu.memref_squeeze %dma_start3A_461 : memref<1x80x128xi32, #tpu.memory_space<hbm>> -> memref<80x128xi32, #tpu.memory_space<hbm>>
      tpu.enqueue_dma source(%dma_start3A_462 : memref<80x128xi32, #tpu.memory_space<hbm>>) target(%arg6 : memref<80x128xi32, #tpu.memory_space<vmem>>) target_semaphore(%run_scoped3A_454 : memref<!tpu.dma_semaphore, #tpu.memory_space<semaphore_mem>>)
      %dma_wait3A_463 = arith.constant 0 : i32
      %dma_wait3A_464 = arith.constant 0 : i32
      %dma_wait3A_465 = tpu.memref_slice %arg3[%add3A, %dma_wait3A_463, %dma_wait3A_464] : memref<32x80x128xi32, #tpu.memory_space<hbm>> -> memref<1x80x128xi32, #tpu.memory_space<hbm>>
      %dma_wait3A_466 = tpu.memref_squeeze %dma_wait3A_465 : memref<1x80x128xi32, #tpu.memory_space<hbm>> -> memref<80x128xi32, #tpu.memory_space<hbm>>
      %dma_wait3A_467 = arith.constant 0 : i32
      %dma_wait3A_468 = arith.constant 0 : i32
      %dma_wait3A_469 = tpu.memref_slice %arg3[%add3A, %dma_wait3A_467, %dma_wait3A_468] : memref<32x80x128xi32, #tpu.memory_space<hbm>> -> memref<1x80x128xi32, #tpu.memory_space<hbm>>
      %dma_wait3A_470 = tpu.memref_squeeze %dma_wait3A_469 : memref<1x80x128xi32, #tpu.memory_space<hbm>> -> memref<80x128xi32, #tpu.memory_space<hbm>>
      tpu.wait_dma2 semaphore(%run_scoped3A_454 : memref<!tpu.dma_semaphore, #tpu.memory_space<semaphore_mem>>) src(%dma_wait3A_470 : memref<80x128xi32, #tpu.memory_space<hbm>>) dst(%arg6 : memref<80x128xi32, #tpu.memory_space<vmem>>)
      tpu.yield
    }) : () -> ()
    "tpu.region"() ({
      %run_scoped3A_454 = tpu.sem_alloc : memref<!tpu.dma_semaphore, #tpu.memory_space<semaphore_mem>>
      %dma_start3A_455 = arith.constant 0 : i32
      %dma_start3A_456 = arith.constant 0 : i32
      %dma_start3A_457 = tpu.memref_slice %arg4[%add3A, %dma_start3A_455, %dma_start3A_456] : memref<32x80x128xi32, #tpu.memory_space<hbm>> -> memref<1x80x128xi32, #tpu.memory_space<hbm>>
      %dma_start3A_458 = tpu.memref_squeeze %dma_start3A_457 : memref<1x80x128xi32, #tpu.memory_space<hbm>> -> memref<80x128xi32, #tpu.memory_space<hbm>>
      %dma_start3A_459 = arith.constant 0 : i32
      %dma_start3A_460 = arith.constant 0 : i32
      %dma_start3A_461 = tpu.memref_slice %dma_start3A_458[%dma_start3A_459, %dma_start3A_460] : memref<80x128xi32, #tpu.memory_space<hbm>> -> memref<40x128xi32, #tpu.memory_space<hbm>>
      %dma_start3A_462 = arith.constant 0 : i32
      %dma_start3A_463 = arith.constant 0 : i32
      %dma_start3A_464 = tpu.memref_slice %arg4[%add3A, %dma_start3A_462, %dma_start3A_463] : memref<32x80x128xi32, #tpu.memory_space<hbm>> -> memref<1x80x128xi32, #tpu.memory_space<hbm>>
      %dma_start3A_465 = tpu.memref_squeeze %dma_start3A_464 : memref<1x80x128xi32, #tpu.memory_space<hbm>> -> memref<80x128xi32, #tpu.memory_space<hbm>>
      %dma_start3A_466 = arith.constant 0 : i32
      %dma_start3A_467 = arith.constant 0 : i32
      %dma_start3A_468 = tpu.memref_slice %dma_start3A_465[%dma_start3A_466, %dma_start3A_467] : memref<80x128xi32, #tpu.memory_space<hbm>> -> memref<40x128xi32, #tpu.memory_space<hbm>>
      tpu.enqueue_dma source(%dma_start3A_468 : memref<40x128xi32, #tpu.memory_space<hbm>>) target(%arg7 : memref<40x128xi32, #tpu.memory_space<vmem>>) target_semaphore(%run_scoped3A_454 : memref<!tpu.dma_semaphore, #tpu.memory_space<semaphore_mem>>)
      %dma_wait3A_469 = arith.constant 0 : i32
      %dma_wait3A_470 = arith.constant 0 : i32
      %dma_wait3A_471 = tpu.memref_slice %arg4[%add3A, %dma_wait3A_469, %dma_wait3A_470] : memref<32x80x128xi32, #tpu.memory_space<hbm>> -> memref<1x80x128xi32, #tpu.memory_space<hbm>>
      %dma_wait3A_472 = tpu.memref_squeeze %dma_wait3A_471 : memref<1x80x128xi32, #tpu.memory_space<hbm>> -> memref<80x128xi32, #tpu.memory_space<hbm>>
      %dma_wait3A_473 = arith.constant 0 : i32
      %dma_wait3A_474 = arith.constant 0 : i32
      %dma_wait3A_475 = tpu.memref_slice %dma_wait3A_472[%dma_wait3A_473, %dma_wait3A_474] : memref<80x128xi32, #tpu.memory_space<hbm>> -> memref<40x128xi32, #tpu.memory_space<hbm>>
      %dma_wait3A_476 = arith.constant 0 : i32
      %dma_wait3A_477 = arith.constant 0 : i32
      %dma_wait3A_478 = tpu.memref_slice %arg4[%add3A, %dma_wait3A_476, %dma_wait3A_477] : memref<32x80x128xi32, #tpu.memory_space<hbm>> -> memref<1x80x128xi32, #tpu.memory_space<hbm>>
      %dma_wait3A_479 = tpu.memref_squeeze %dma_wait3A_478 : memref<1x80x128xi32, #tpu.memory_space<hbm>> -> memref<80x128xi32, #tpu.memory_space<hbm>>
      %dma_wait3A_480 = arith.constant 0 : i32
      %dma_wait3A_481 = arith.constant 0 : i32
      %dma_wait3A_482 = tpu.memref_slice %dma_wait3A_479[%dma_wait3A_480, %dma_wait3A_481] : memref<80x128xi32, #tpu.memory_space<hbm>> -> memref<40x128xi32, #tpu.memory_space<hbm>>
      tpu.wait_dma2 semaphore(%run_scoped3A_454 : memref<!tpu.dma_semaphore, #tpu.memory_space<semaphore_mem>>) src(%dma_wait3A_482 : memref<40x128xi32, #tpu.memory_space<hbm>>) dst(%arg7 : memref<40x128xi32, #tpu.memory_space<vmem>>)
      tpu.yield
    }) : () -> ()
    %dma_start3A = arith.constant 1 : i32
    %dma_start3A_1 = arith.constant 1 : i32
    %dma_start3A_2 = arith.constant 1 : i32
    %dma_start3A_3 = arith.constant 0 : i32
    %dma_start3A_4 = arith.constant 0 : i32
    %dma_start3A_5 = arith.constant 0 : i32
    %dma_start3A_6 = tpu.memref_slice %arg8[%dma_start3A_1, %dma_start3A_4, %dma_start3A_5] : memref<2x128x128xf32, #tpu.memory_space<vmem>> -> memref<1x128x128xf32, #tpu.memory_space<vmem>>
    %dma_start3A_7 = tpu.memref_squeeze %dma_start3A_6 : memref<1x128x128xf32, #tpu.memory_space<vmem>> -> memref<128x128xf32, #tpu.memory_space<vmem>>
    %dma_start3A_8 = arith.constant 0 : i32
    %dma_start3A_9 = arith.constant 0 : i32
    %dma_start3A_10 = tpu.memref_slice %dma_start3A_7[%dma_start3A_8, %dma_start3A_9] : memref<128x128xf32, #tpu.memory_space<vmem>> -> memref<64x128xf32, #tpu.memory_space<vmem>>
    %dma_start3A_11 = arith.constant 0 : i32
    %dma_start3A_12 = tpu.memref_slice %arg6[%dma_start3A, %dma_start3A_11] : memref<80x128xi32, #tpu.memory_space<vmem>> -> memref<1x128xi32, #tpu.memory_space<vmem>>
    %dma_start3A_13 = tpu.memref_squeeze %dma_start3A_12 : memref<1x128xi32, #tpu.memory_space<vmem>> -> memref<128xi32, #tpu.memory_space<vmem>>
    %dma_start3A_14 = arith.constant 0 : i32
    %dma_start3A_15 = tpu.memref_slice %dma_start3A_13[%dma_start3A_14] : memref<128xi32, #tpu.memory_space<vmem>> -> memref<64xi32, #tpu.memory_space<vmem>>
    %dma_start3A_16 = arith.constant 0 : i32
    %dma_start3A_17 = arith.constant 0 : i32
    %dma_start3A_18 = tpu.memref_slice %arg2[%dma_start3A_16, %dma_start3A_17] : memref<10000x128xf32, #tpu.memory_space<hbm>> -> memref<10000x128xf32, #tpu.memory_space<hbm>>
    %dma_start3A_19 = arith.constant 0 : i32
    %dma_start3A_20 = tpu.memref_slice %arg10[%dma_start3A_2, %dma_start3A_19] : memref<2x2x!tpu.dma_semaphore, #tpu.memory_space<semaphore_mem>> -> memref<1x2x!tpu.dma_semaphore, #tpu.memory_space<semaphore_mem>>
    %dma_start3A_21 = tpu.memref_squeeze %dma_start3A_20 : memref<1x2x!tpu.dma_semaphore, #tpu.memory_space<semaphore_mem>> -> memref<2x!tpu.dma_semaphore, #tpu.memory_space<semaphore_mem>>
    %dma_start3A_22 = tpu.memref_slice %dma_start3A_21[%dma_start3A_3] : memref<2x!tpu.dma_semaphore, #tpu.memory_space<semaphore_mem>> -> memref<1x!tpu.dma_semaphore, #tpu.memory_space<semaphore_mem>>
    %dma_start3A_23 = tpu.memref_squeeze %dma_start3A_22 : memref<1x!tpu.dma_semaphore, #tpu.memory_space<semaphore_mem>> -> memref<!tpu.dma_semaphore, #tpu.memory_space<semaphore_mem>>
    tpu.enqueue_indirect_dma source(%dma_start3A_18 : memref<10000x128xf32, #tpu.memory_space<hbm>>) target(%dma_start3A_10 : memref<64x128xf32, #tpu.memory_space<vmem>>) offsets(%dma_start3A_15 : memref<64xi32, #tpu.memory_space<vmem>>) semaphore(%dma_start3A_23 : memref<!tpu.dma_semaphore, #tpu.memory_space<semaphore_mem>>)
    %dma_start3A_24 = arith.constant 1 : i32
    %dma_start3A_25 = arith.constant 1 : i32
    %dma_start3A_26 = arith.constant 1 : i32
    %dma_start3A_27 = arith.constant 1 : i32
    %dma_start3A_28 = arith.constant 0 : i32
    %dma_start3A_29 = arith.constant 0 : i32
    %dma_start3A_30 = tpu.memref_slice %arg8[%dma_start3A_25, %dma_start3A_28, %dma_start3A_29] : memref<2x128x128xf32, #tpu.memory_space<vmem>> -> memref<1x128x128xf32, #tpu.memory_space<vmem>>
    %dma_start3A_31 = tpu.memref_squeeze %dma_start3A_30 : memref<1x128x128xf32, #tpu.memory_space<vmem>> -> memref<128x128xf32, #tpu.memory_space<vmem>>
    %dma_start3A_32 = arith.constant 64 : i32
    %dma_start3A_33 = arith.constant 0 : i32
    %dma_start3A_34 = tpu.memref_slice %dma_start3A_31[%dma_start3A_32, %dma_start3A_33] : memref<128x128xf32, #tpu.memory_space<vmem>> -> memref<64x128xf32, #tpu.memory_space<vmem>>
    %dma_start3A_35 = arith.constant 0 : i32
    %dma_start3A_36 = tpu.memref_slice %arg6[%dma_start3A_24, %dma_start3A_35] : memref<80x128xi32, #tpu.memory_space<vmem>> -> memref<1x128xi32, #tpu.memory_space<vmem>>
    %dma_start3A_37 = tpu.memref_squeeze %dma_start3A_36 : memref<1x128xi32, #tpu.memory_space<vmem>> -> memref<128xi32, #tpu.memory_space<vmem>>
    %dma_start3A_38 = arith.constant 64 : i32
    %dma_start3A_39 = tpu.memref_slice %dma_start3A_37[%dma_start3A_38] : memref<128xi32, #tpu.memory_space<vmem>> -> memref<64xi32, #tpu.memory_space<vmem>>
    %dma_start3A_40 = arith.constant 0 : i32
    %dma_start3A_41 = arith.constant 0 : i32
    %dma_start3A_42 = tpu.memref_slice %arg2[%dma_start3A_40, %dma_start3A_41] : memref<10000x128xf32, #tpu.memory_space<hbm>> -> memref<10000x128xf32, #tpu.memory_space<hbm>>
    %dma_start3A_43 = arith.constant 0 : i32
    %dma_start3A_44 = tpu.memref_slice %arg10[%dma_start3A_26, %dma_start3A_43] : memref<2x2x!tpu.dma_semaphore, #tpu.memory_space<semaphore_mem>> -> memref<1x2x!tpu.dma_semaphore, #tpu.memory_space<semaphore_mem>>
    %dma_start3A_45 = tpu.memref_squeeze %dma_start3A_44 : memref<1x2x!tpu.dma_semaphore, #tpu.memory_space<semaphore_mem>> -> memref<2x!tpu.dma_semaphore, #tpu.memory_space<semaphore_mem>>
    %dma_start3A_46 = tpu.memref_slice %dma_start3A_45[%dma_start3A_27] : memref<2x!tpu.dma_semaphore, #tpu.memory_space<semaphore_mem>> -> memref<1x!tpu.dma_semaphore, #tpu.memory_space<semaphore_mem>>
    %dma_start3A_47 = tpu.memref_squeeze %dma_start3A_46 : memref<1x!tpu.dma_semaphore, #tpu.memory_space<semaphore_mem>> -> memref<!tpu.dma_semaphore, #tpu.memory_space<semaphore_mem>>
    tpu.enqueue_indirect_dma source(%dma_start3A_42 : memref<10000x128xf32, #tpu.memory_space<hbm>>) target(%dma_start3A_34 : memref<64x128xf32, #tpu.memory_space<vmem>>) offsets(%dma_start3A_39 : memref<64xi32, #tpu.memory_space<vmem>>) semaphore(%dma_start3A_47 : memref<!tpu.dma_semaphore, #tpu.memory_space<semaphore_mem>>)
    %broadcast_in_dim3A = arith.constant 0.000000e+00 : f32
    %broadcast_in_dim3A_48 = vector.broadcast %broadcast_in_dim3A : f32 to vector<16xf32>
    %scan3A = arith.constant 0 : i32
    %scan3A_49 = arith.constant 0 : i32
    %scan3A_50 = arith.constant 128 : i32
    %scan3A_51 = arith.addi %scan3A_49, %scan3A_50 : i32
    %scan3A_52 = arith.constant 1 : i32
    %scan3A_53 = scf.for %scan3A_454 = %scan3A_49 to %scan3A_51 step %scan3A_52 iter_args(%scan3A_455 = %scan3A) -> (i32)  : i32 {
      %swap3A = arith.constant 0 : i32
      %swap3A_456 = arith.index_cast %swap3A : i32 to index
      %swap3A_457 = arith.index_cast %scan3A_454 : i32 to index
      %swap3A_458 = arith.constant 0 : index
      %swap3A_459 = tpu.vector_load %arg8[%swap3A_456, %swap3A_457, %swap3A_458] {strides = array<i32>} : memref<2x128x128xf32, #tpu.memory_space<vmem>>, vector<1x1x16xf32>,
      %swap3A_460 = vector.shape_cast %swap3A_459 : vector<1x1x16xf32> to vector<16xf32>
      %swap3A_461 = vector.shape_cast %broadcast_in_dim3A_48 : vector<16xf32> to vector<1x1x16xf32>
      tpu.vector_store %arg8[%swap3A_456, %swap3A_457, %swap3A_458], %swap3A_461 {strides = array<i32>} : memref<2x128x128xf32, #tpu.memory_space<vmem>>, vector<1x1x16xf32>,
      %swap3A_462 = arith.constant 0 : i32
      %swap3A_463 = arith.index_cast %swap3A_462 : i32 to index
      %swap3A_464 = arith.index_cast %scan3A_454 : i32 to index
      %swap3A_465 = arith.constant 16 : index
      %swap3A_466 = tpu.vector_load %arg8[%swap3A_463, %swap3A_464, %swap3A_465] {strides = array<i32>} : memref<2x128x128xf32, #tpu.memory_space<vmem>>, vector<1x1x16xf32>,
      %swap3A_467 = vector.shape_cast %swap3A_466 : vector<1x1x16xf32> to vector<16xf32>
      %swap3A_468 = vector.shape_cast %broadcast_in_dim3A_48 : vector<16xf32> to vector<1x1x16xf32>
      tpu.vector_store %arg8[%swap3A_463, %swap3A_464, %swap3A_465], %swap3A_468 {strides = array<i32>} : memref<2x128x128xf32, #tpu.memory_space<vmem>>, vector<1x1x16xf32>,
      %swap3A_469 = arith.constant 0 : i32
      %swap3A_470 = arith.index_cast %swap3A_469 : i32 to index
      %swap3A_471 = arith.index_cast %scan3A_454 : i32 to index
      %swap3A_472 = arith.constant 32 : index
      %swap3A_473 = tpu.vector_load %arg8[%swap3A_470, %swap3A_471, %swap3A_472] {strides = array<i32>} : memref<2x128x128xf32, #tpu.memory_space<vmem>>, vector<1x1x16xf32>,
      %swap3A_474 = vector.shape_cast %swap3A_473 : vector<1x1x16xf32> to vector<16xf32>
      %swap3A_475 = vector.shape_cast %broadcast_in_dim3A_48 : vector<16xf32> to vector<1x1x16xf32>
      tpu.vector_store %arg8[%swap3A_470, %swap3A_471, %swap3A_472], %swap3A_475 {strides = array<i32>} : memref<2x128x128xf32, #tpu.memory_space<vmem>>, vector<1x1x16xf32>,
      %swap3A_476 = arith.constant 0 : i32
      %swap3A_477 = arith.index_cast %swap3A_476 : i32 to index
      %swap3A_478 = arith.index_cast %scan3A_454 : i32 to index
      %swap3A_479 = arith.constant 48 : index
      %swap3A_480 = tpu.vector_load %arg8[%swap3A_477, %swap3A_478, %swap3A_479] {strides = array<i32>} : memref<2x128x128xf32, #tpu.memory_space<vmem>>, vector<1x1x16xf32>,
      %swap3A_481 = vector.shape_cast %swap3A_480 : vector<1x1x16xf32> to vector<16xf32>
      %swap3A_482 = vector.shape_cast %broadcast_in_dim3A_48 : vector<16xf32> to vector<1x1x16xf32>
      tpu.vector_store %arg8[%swap3A_477, %swap3A_478, %swap3A_479], %swap3A_482 {strides = array<i32>} : memref<2x128x128xf32, #tpu.memory_space<vmem>>, vector<1x1x16xf32>,
      %swap3A_483 = arith.constant 0 : i32
      %swap3A_484 = arith.index_cast %swap3A_483 : i32 to index
      %swap3A_485 = arith.index_cast %scan3A_454 : i32 to index
      %swap3A_486 = arith.constant 64 : index
      %swap3A_487 = tpu.vector_load %arg8[%swap3A_484, %swap3A_485, %swap3A_486] {strides = array<i32>} : memref<2x128x128xf32, #tpu.memory_space<vmem>>, vector<1x1x16xf32>,
      %swap3A_488 = vector.shape_cast %swap3A_487 : vector<1x1x16xf32> to vector<16xf32>
      %swap3A_489 = vector.shape_cast %broadcast_in_dim3A_48 : vector<16xf32> to vector<1x1x16xf32>
      tpu.vector_store %arg8[%swap3A_484, %swap3A_485, %swap3A_486], %swap3A_489 {strides = array<i32>} : memref<2x128x128xf32, #tpu.memory_space<vmem>>, vector<1x1x16xf32>,
      %swap3A_490 = arith.constant 0 : i32
      %swap3A_491 = arith.index_cast %swap3A_490 : i32 to index
      %swap3A_492 = arith.index_cast %scan3A_454 : i32 to index
      %swap3A_493 = arith.constant 80 : index
      %swap3A_494 = tpu.vector_load %arg8[%swap3A_491, %swap3A_492, %swap3A_493] {strides = array<i32>} : memref<2x128x128xf32, #tpu.memory_space<vmem>>, vector<1x1x16xf32>,
      %swap3A_495 = vector.shape_cast %swap3A_494 : vector<1x1x16xf32> to vector<16xf32>
      %swap3A_496 = vector.shape_cast %broadcast_in_dim3A_48 : vector<16xf32> to vector<1x1x16xf32>
      tpu.vector_store %arg8[%swap3A_491, %swap3A_492, %swap3A_493], %swap3A_496 {strides = array<i32>} : memref<2x128x128xf32, #tpu.memory_space<vmem>>, vector<1x1x16xf32>,
      %swap3A_497 = arith.constant 0 : i32
      %swap3A_498 = arith.index_cast %swap3A_497 : i32 to index
      %swap3A_499 = arith.index_cast %scan3A_454 : i32 to index
      %swap3A_500 = arith.constant 96 : index
      %swap3A_501 = tpu.vector_load %arg8[%swap3A_498, %swap3A_499, %swap3A_500] {strides = array<i32>} : memref<2x128x128xf32, #tpu.memory_space<vmem>>, vector<1x1x16xf32>,
      %swap3A_502 = vector.shape_cast %swap3A_501 : vector<1x1x16xf32> to vector<16xf32>
      %swap3A_503 = vector.shape_cast %broadcast_in_dim3A_48 : vector<16xf32> to vector<1x1x16xf32>
      tpu.vector_store %arg8[%swap3A_498, %swap3A_499, %swap3A_500], %swap3A_503 {strides = array<i32>} : memref<2x128x128xf32, #tpu.memory_space<vmem>>, vector<1x1x16xf32>,
      %swap3A_504 = arith.constant 0 : i32
      %swap3A_505 = arith.index_cast %swap3A_504 : i32 to index
      %swap3A_506 = arith.index_cast %scan3A_454 : i32 to index
      %swap3A_507 = arith.constant 112 : index
      %swap3A_508 = tpu.vector_load %arg8[%swap3A_505, %swap3A_506, %swap3A_507] {strides = array<i32>} : memref<2x128x128xf32, #tpu.memory_space<vmem>>, vector<1x1x16xf32>,
      %swap3A_509 = vector.shape_cast %swap3A_508 : vector<1x1x16xf32> to vector<16xf32>
      %swap3A_510 = vector.shape_cast %broadcast_in_dim3A_48 : vector<16xf32> to vector<1x1x16xf32>
      tpu.vector_store %arg8[%swap3A_505, %swap3A_506, %swap3A_507], %swap3A_510 {strides = array<i32>} : memref<2x128x128xf32, #tpu.memory_space<vmem>>, vector<1x1x16xf32>,
      %scan3A_511 = arith.constant 0 : i32
      scf.yield %scan3A_511 : i32
    }
    %scan3A_54 = arith.constant 128 : i32
    %mul3A_55 = arith.constant 640 : i32
    %mul3A_56 = arith.muli %arg1, %mul3A_55 : i32
    %add3A_57 = arith.constant 0 : i32
    %add3A_58 = arith.addi %mul3A_56, %add3A_57 : i32
    %dma_start3A_59 = arith.constant 0 : i32
    %dma_start3A_60 = arith.constant 0 : i32
    %dma_start3A_61 = arith.constant 0 : i32
    %dma_start3A_62 = arith.constant 0 : i32
    %dma_start3A_63 = arith.constant 0 : i32
    %dma_start3A_64 = tpu.memref_slice %arg8[%dma_start3A_59, %dma_start3A_62, %dma_start3A_63] : memref<2x128x128xf32, #tpu.memory_space<vmem>> -> memref<1x128x128xf32, #tpu.memory_space<vmem>>
    %dma_start3A_65 = tpu.memref_squeeze %dma_start3A_64 : memref<1x128x128xf32, #tpu.memory_space<vmem>> -> memref<128x128xf32, #tpu.memory_space<vmem>>
    %dma_start3A_66 = arith.constant 0 : i32
    %dma_start3A_67 = tpu.memref_slice %arg9[%add3A_58, %dma_start3A_66] : memref<10240x128xf32, #tpu.memory_space<vmem_shared>> -> memref<128x128xf32, #tpu.memory_space<vmem_shared>>
    %dma_start3A_68 = arith.constant 0 : i32
    %dma_start3A_69 = tpu.memref_slice %arg10[%dma_start3A_60, %dma_start3A_68] : memref<2x2x!tpu.dma_semaphore, #tpu.memory_space<semaphore_mem>> -> memref<1x2x!tpu.dma_semaphore, #tpu.memory_space<semaphore_mem>>
    %dma_start3A_70 = tpu.memref_squeeze %dma_start3A_69 : memref<1x2x!tpu.dma_semaphore, #tpu.memory_space<semaphore_mem>> -> memref<2x!tpu.dma_semaphore, #tpu.memory_space<semaphore_mem>>
    %dma_start3A_71 = tpu.memref_slice %dma_start3A_70[%dma_start3A_61] : memref<2x!tpu.dma_semaphore, #tpu.memory_space<semaphore_mem>> -> memref<1x!tpu.dma_semaphore, #tpu.memory_space<semaphore_mem>>
    %dma_start3A_72 = tpu.memref_squeeze %dma_start3A_71 : memref<1x!tpu.dma_semaphore, #tpu.memory_space<semaphore_mem>> -> memref<!tpu.dma_semaphore, #tpu.memory_space<semaphore_mem>>
    %dma_start3A_73 = arith.constant 0 : i32
    %dma_start3A_74 = tpu.memref_slice %arg9[%add3A_58, %dma_start3A_73] : memref<10240x128xf32, #tpu.memory_space<vmem_shared>> -> memref<128x128xf32, #tpu.memory_space<vmem_shared>>
    %dma_start3A_75 = arith.constant 0 : i32
    %dma_start3A_76 = arith.constant 0 : i32
    %dma_start3A_77 = tpu.memref_slice %arg8[%dma_start3A_59, %dma_start3A_75, %dma_start3A_76] : memref<2x128x128xf32, #tpu.memory_space<vmem>> -> memref<1x128x128xf32, #tpu.memory_space<vmem>>
    %dma_start3A_78 = tpu.memref_squeeze %dma_start3A_77 : memref<1x128x128xf32, #tpu.memory_space<vmem>> -> memref<128x128xf32, #tpu.memory_space<vmem>>
    tpu.enqueue_dma source(%dma_start3A_78 : memref<128x128xf32, #tpu.memory_space<vmem>>) target(%dma_start3A_74 : memref<128x128xf32, #tpu.memory_space<vmem_shared>>) target_semaphore(%dma_start3A_72 : memref<!tpu.dma_semaphore, #tpu.memory_space<semaphore_mem>>)
    %mul3A_79 = arith.constant 640 : i32
    %mul3A_80 = arith.muli %arg1, %mul3A_79 : i32
    %add3A_81 = arith.constant 128 : i32
    %add3A_82 = arith.addi %mul3A_80, %add3A_81 : i32
    %dma_start3A_83 = arith.constant 0 : i32
    %dma_start3A_84 = arith.constant 0 : i32
    %dma_start3A_85 = arith.constant 0 : i32
    %dma_start3A_86 = arith.constant 0 : i32
    %dma_start3A_87 = arith.constant 0 : i32
    %dma_start3A_88 = tpu.memref_slice %arg8[%dma_start3A_83, %dma_start3A_86, %dma_start3A_87] : memref<2x128x128xf32, #tpu.memory_space<vmem>> -> memref<1x128x128xf32, #tpu.memory_space<vmem>>
    %dma_start3A_89 = tpu.memref_squeeze %dma_start3A_88 : memref<1x128x128xf32, #tpu.memory_space<vmem>> -> memref<128x128xf32, #tpu.memory_space<vmem>>
    %dma_start3A_90 = arith.constant 0 : i32
    %dma_start3A_91 = tpu.memref_slice %arg9[%add3A_82, %dma_start3A_90] : memref<10240x128xf32, #tpu.memory_space<vmem_shared>> -> memref<128x128xf32, #tpu.memory_space<vmem_shared>>
    %dma_start3A_92 = arith.constant 0 : i32
    %dma_start3A_93 = tpu.memref_slice %arg10[%dma_start3A_84, %dma_start3A_92] : memref<2x2x!tpu.dma_semaphore, #tpu.memory_space<semaphore_mem>> -> memref<1x2x!tpu.dma_semaphore, #tpu.memory_space<semaphore_mem>>
    %dma_start3A_94 = tpu.memref_squeeze %dma_start3A_93 : memref<1x2x!tpu.dma_semaphore, #tpu.memory_space<semaphore_mem>> -> memref<2x!tpu.dma_semaphore, #tpu.memory_space<semaphore_mem>>
    %dma_start3A_95 = tpu.memref_slice %dma_start3A_94[%dma_start3A_85] : memref<2x!tpu.dma_semaphore, #tpu.memory_space<semaphore_mem>> -> memref<1x!tpu.dma_semaphore, #tpu.memory_space<semaphore_mem>>
    %dma_start3A_96 = tpu.memref_squeeze %dma_start3A_95 : memref<1x!tpu.dma_semaphore, #tpu.memory_space<semaphore_mem>> -> memref<!tpu.dma_semaphore, #tpu.memory_space<semaphore_mem>>
    %dma_start3A_97 = arith.constant 0 : i32
    %dma_start3A_98 = tpu.memref_slice %arg9[%add3A_82, %dma_start3A_97] : memref<10240x128xf32, #tpu.memory_space<vmem_shared>> -> memref<128x128xf32, #tpu.memory_space<vmem_shared>>
    %dma_start3A_99 = arith.constant 0 : i32
    %dma_start3A_100 = arith.constant 0 : i32
    %dma_start3A_101 = tpu.memref_slice %arg8[%dma_start3A_83, %dma_start3A_99, %dma_start3A_100] : memref<2x128x128xf32, #tpu.memory_space<vmem>> -> memref<1x128x128xf32, #tpu.memory_space<vmem>>
    %dma_start3A_102 = tpu.memref_squeeze %dma_start3A_101 : memref<1x128x128xf32, #tpu.memory_space<vmem>> -> memref<128x128xf32, #tpu.memory_space<vmem>>
    tpu.enqueue_dma source(%dma_start3A_102 : memref<128x128xf32, #tpu.memory_space<vmem>>) target(%dma_start3A_98 : memref<128x128xf32, #tpu.memory_space<vmem_shared>>) target_semaphore(%dma_start3A_96 : memref<!tpu.dma_semaphore, #tpu.memory_space<semaphore_mem>>)
    %mul3A_103 = arith.constant 640 : i32
    %mul3A_104 = arith.muli %arg1, %mul3A_103 : i32
    %add3A_105 = arith.constant 256 : i32
    %add3A_106 = arith.addi %mul3A_104, %add3A_105 : i32
    %dma_start3A_107 = arith.constant 0 : i32
    %dma_start3A_108 = arith.constant 0 : i32
    %dma_start3A_109 = arith.constant 0 : i32
    %dma_start3A_110 = arith.constant 0 : i32
    %dma_start3A_111 = arith.constant 0 : i32
    %dma_start3A_112 = tpu.memref_slice %arg8[%dma_start3A_107, %dma_start3A_110, %dma_start3A_111] : memref<2x128x128xf32, #tpu.memory_space<vmem>> -> memref<1x128x128xf32, #tpu.memory_space<vmem>>
    %dma_start3A_113 = tpu.memref_squeeze %dma_start3A_112 : memref<1x128x128xf32, #tpu.memory_space<vmem>> -> memref<128x128xf32, #tpu.memory_space<vmem>>
    %dma_start3A_114 = arith.constant 0 : i32
    %dma_start3A_115 = tpu.memref_slice %arg9[%add3A_106, %dma_start3A_114] : memref<10240x128xf32, #tpu.memory_space<vmem_shared>> -> memref<128x128xf32, #tpu.memory_space<vmem_shared>>
    %dma_start3A_116 = arith.constant 0 : i32
    %dma_start3A_117 = tpu.memref_slice %arg10[%dma_start3A_108, %dma_start3A_116] : memref<2x2x!tpu.dma_semaphore, #tpu.memory_space<semaphore_mem>> -> memref<1x2x!tpu.dma_semaphore, #tpu.memory_space<semaphore_mem>>
    %dma_start3A_118 = tpu.memref_squeeze %dma_start3A_117 : memref<1x2x!tpu.dma_semaphore, #tpu.memory_space<semaphore_mem>> -> memref<2x!tpu.dma_semaphore, #tpu.memory_space<semaphore_mem>>
    %dma_start3A_119 = tpu.memref_slice %dma_start3A_118[%dma_start3A_109] : memref<2x!tpu.dma_semaphore, #tpu.memory_space<semaphore_mem>> -> memref<1x!tpu.dma_semaphore, #tpu.memory_space<semaphore_mem>>
    %dma_start3A_120 = tpu.memref_squeeze %dma_start3A_119 : memref<1x!tpu.dma_semaphore, #tpu.memory_space<semaphore_mem>> -> memref<!tpu.dma_semaphore, #tpu.memory_space<semaphore_mem>>
    %dma_start3A_121 = arith.constant 0 : i32
    %dma_start3A_122 = tpu.memref_slice %arg9[%add3A_106, %dma_start3A_121] : memref<10240x128xf32, #tpu.memory_space<vmem_shared>> -> memref<128x128xf32, #tpu.memory_space<vmem_shared>>
    %dma_start3A_123 = arith.constant 0 : i32
    %dma_start3A_124 = arith.constant 0 : i32
    %dma_start3A_125 = tpu.memref_slice %arg8[%dma_start3A_107, %dma_start3A_123, %dma_start3A_124] : memref<2x128x128xf32, #tpu.memory_space<vmem>> -> memref<1x128x128xf32, #tpu.memory_space<vmem>>
    %dma_start3A_126 = tpu.memref_squeeze %dma_start3A_125 : memref<1x128x128xf32, #tpu.memory_space<vmem>> -> memref<128x128xf32, #tpu.memory_space<vmem>>
    tpu.enqueue_dma source(%dma_start3A_126 : memref<128x128xf32, #tpu.memory_space<vmem>>) target(%dma_start3A_122 : memref<128x128xf32, #tpu.memory_space<vmem_shared>>) target_semaphore(%dma_start3A_120 : memref<!tpu.dma_semaphore, #tpu.memory_space<semaphore_mem>>)
    %mul3A_127 = arith.constant 640 : i32
    %mul3A_128 = arith.muli %arg1, %mul3A_127 : i32
    %add3A_129 = arith.constant 384 : i32
    %add3A_130 = arith.addi %mul3A_128, %add3A_129 : i32
    %dma_start3A_131 = arith.constant 0 : i32
    %dma_start3A_132 = arith.constant 0 : i32
    %dma_start3A_133 = arith.constant 0 : i32
    %dma_start3A_134 = arith.constant 0 : i32
    %dma_start3A_135 = arith.constant 0 : i32
    %dma_start3A_136 = tpu.memref_slice %arg8[%dma_start3A_131, %dma_start3A_134, %dma_start3A_135] : memref<2x128x128xf32, #tpu.memory_space<vmem>> -> memref<1x128x128xf32, #tpu.memory_space<vmem>>
    %dma_start3A_137 = tpu.memref_squeeze %dma_start3A_136 : memref<1x128x128xf32, #tpu.memory_space<vmem>> -> memref<128x128xf32, #tpu.memory_space<vmem>>
    %dma_start3A_138 = arith.constant 0 : i32
    %dma_start3A_139 = tpu.memref_slice %arg9[%add3A_130, %dma_start3A_138] : memref<10240x128xf32, #tpu.memory_space<vmem_shared>> -> memref<128x128xf32, #tpu.memory_space<vmem_shared>>
    %dma_start3A_140 = arith.constant 0 : i32
    %dma_start3A_141 = tpu.memref_slice %arg10[%dma_start3A_132, %dma_start3A_140] : memref<2x2x!tpu.dma_semaphore, #tpu.memory_space<semaphore_mem>> -> memref<1x2x!tpu.dma_semaphore, #tpu.memory_space<semaphore_mem>>
    %dma_start3A_142 = tpu.memref_squeeze %dma_start3A_141 : memref<1x2x!tpu.dma_semaphore, #tpu.memory_space<semaphore_mem>> -> memref<2x!tpu.dma_semaphore, #tpu.memory_space<semaphore_mem>>
    %dma_start3A_143 = tpu.memref_slice %dma_start3A_142[%dma_start3A_133] : memref<2x!tpu.dma_semaphore, #tpu.memory_space<semaphore_mem>> -> memref<1x!tpu.dma_semaphore, #tpu.memory_space<semaphore_mem>>
    %dma_start3A_144 = tpu.memref_squeeze %dma_start3A_143 : memref<1x!tpu.dma_semaphore, #tpu.memory_space<semaphore_mem>> -> memref<!tpu.dma_semaphore, #tpu.memory_space<semaphore_mem>>
    %dma_start3A_145 = arith.constant 0 : i32
    %dma_start3A_146 = tpu.memref_slice %arg9[%add3A_130, %dma_start3A_145] : memref<10240x128xf32, #tpu.memory_space<vmem_shared>> -> memref<128x128xf32, #tpu.memory_space<vmem_shared>>
    %dma_start3A_147 = arith.constant 0 : i32
    %dma_start3A_148 = arith.constant 0 : i32
    %dma_start3A_149 = tpu.memref_slice %arg8[%dma_start3A_131, %dma_start3A_147, %dma_start3A_148] : memref<2x128x128xf32, #tpu.memory_space<vmem>> -> memref<1x128x128xf32, #tpu.memory_space<vmem>>
    %dma_start3A_150 = tpu.memref_squeeze %dma_start3A_149 : memref<1x128x128xf32, #tpu.memory_space<vmem>> -> memref<128x128xf32, #tpu.memory_space<vmem>>
    tpu.enqueue_dma source(%dma_start3A_150 : memref<128x128xf32, #tpu.memory_space<vmem>>) target(%dma_start3A_146 : memref<128x128xf32, #tpu.memory_space<vmem_shared>>) target_semaphore(%dma_start3A_144 : memref<!tpu.dma_semaphore, #tpu.memory_space<semaphore_mem>>)
    %mul3A_151 = arith.constant 640 : i32
    %mul3A_152 = arith.muli %arg1, %mul3A_151 : i32
    %add3A_153 = arith.constant 512 : i32
    %add3A_154 = arith.addi %mul3A_152, %add3A_153 : i32
    %dma_start3A_155 = arith.constant 0 : i32
    %dma_start3A_156 = arith.constant 0 : i32
    %dma_start3A_157 = arith.constant 0 : i32
    %dma_start3A_158 = arith.constant 0 : i32
    %dma_start3A_159 = arith.constant 0 : i32
    %dma_start3A_160 = tpu.memref_slice %arg8[%dma_start3A_155, %dma_start3A_158, %dma_start3A_159] : memref<2x128x128xf32, #tpu.memory_space<vmem>> -> memref<1x128x128xf32, #tpu.memory_space<vmem>>
    %dma_start3A_161 = tpu.memref_squeeze %dma_start3A_160 : memref<1x128x128xf32, #tpu.memory_space<vmem>> -> memref<128x128xf32, #tpu.memory_space<vmem>>
    %dma_start3A_162 = arith.constant 0 : i32
    %dma_start3A_163 = tpu.memref_slice %arg9[%add3A_154, %dma_start3A_162] : memref<10240x128xf32, #tpu.memory_space<vmem_shared>> -> memref<128x128xf32, #tpu.memory_space<vmem_shared>>
    %dma_start3A_164 = arith.constant 0 : i32
    %dma_start3A_165 = tpu.memref_slice %arg10[%dma_start3A_156, %dma_start3A_164] : memref<2x2x!tpu.dma_semaphore, #tpu.memory_space<semaphore_mem>> -> memref<1x2x!tpu.dma_semaphore, #tpu.memory_space<semaphore_mem>>
    %dma_start3A_166 = tpu.memref_squeeze %dma_start3A_165 : memref<1x2x!tpu.dma_semaphore, #tpu.memory_space<semaphore_mem>> -> memref<2x!tpu.dma_semaphore, #tpu.memory_space<semaphore_mem>>
    %dma_start3A_167 = tpu.memref_slice %dma_start3A_166[%dma_start3A_157] : memref<2x!tpu.dma_semaphore, #tpu.memory_space<semaphore_mem>> -> memref<1x!tpu.dma_semaphore, #tpu.memory_space<semaphore_mem>>
    %dma_start3A_168 = tpu.memref_squeeze %dma_start3A_167 : memref<1x!tpu.dma_semaphore, #tpu.memory_space<semaphore_mem>> -> memref<!tpu.dma_semaphore, #tpu.memory_space<semaphore_mem>>
    %dma_start3A_169 = arith.constant 0 : i32
    %dma_start3A_170 = tpu.memref_slice %arg9[%add3A_154, %dma_start3A_169] : memref<10240x128xf32, #tpu.memory_space<vmem_shared>> -> memref<128x128xf32, #tpu.memory_space<vmem_shared>>
    %dma_start3A_171 = arith.constant 0 : i32
    %dma_start3A_172 = arith.constant 0 : i32
    %dma_start3A_173 = tpu.memref_slice %arg8[%dma_start3A_155, %dma_start3A_171, %dma_start3A_172] : memref<2x128x128xf32, #tpu.memory_space<vmem>> -> memref<1x128x128xf32, #tpu.memory_space<vmem>>
    %dma_start3A_174 = tpu.memref_squeeze %dma_start3A_173 : memref<1x128x128xf32, #tpu.memory_space<vmem>> -> memref<128x128xf32, #tpu.memory_space<vmem>>
    tpu.enqueue_dma source(%dma_start3A_174 : memref<128x128xf32, #tpu.memory_space<vmem>>) target(%dma_start3A_170 : memref<128x128xf32, #tpu.memory_space<vmem_shared>>) target_semaphore(%dma_start3A_168 : memref<!tpu.dma_semaphore, #tpu.memory_space<semaphore_mem>>)
    %mul3A_175 = arith.constant 640 : i32
    %mul3A_176 = arith.muli %arg1, %mul3A_175 : i32
    %add3A_177 = arith.constant 0 : i32
    %add3A_178 = arith.addi %mul3A_176, %add3A_177 : i32
    %dma_wait3A = arith.constant 0 : i32
    %dma_wait3A_179 = arith.constant 0 : i32
    %dma_wait3A_180 = arith.constant 0 : i32
    %dma_wait3A_181 = arith.constant 0 : i32
    %dma_wait3A_182 = arith.constant 0 : i32
    %dma_wait3A_183 = tpu.memref_slice %arg8[%dma_wait3A, %dma_wait3A_181, %dma_wait3A_182] : memref<2x128x128xf32, #tpu.memory_space<vmem>> -> memref<1x128x128xf32, #tpu.memory_space<vmem>>
    %dma_wait3A_184 = tpu.memref_squeeze %dma_wait3A_183 : memref<1x128x128xf32, #tpu.memory_space<vmem>> -> memref<128x128xf32, #tpu.memory_space<vmem>>
    %dma_wait3A_185 = arith.constant 0 : i32
    %dma_wait3A_186 = tpu.memref_slice %arg9[%add3A_178, %dma_wait3A_185] : memref<10240x128xf32, #tpu.memory_space<vmem_shared>> -> memref<128x128xf32, #tpu.memory_space<vmem_shared>>
    %dma_wait3A_187 = arith.constant 0 : i32
    %dma_wait3A_188 = tpu.memref_slice %arg10[%dma_wait3A_179, %dma_wait3A_187] : memref<2x2x!tpu.dma_semaphore, #tpu.memory_space<semaphore_mem>> -> memref<1x2x!tpu.dma_semaphore, #tpu.memory_space<semaphore_mem>>
    %dma_wait3A_189 = tpu.memref_squeeze %dma_wait3A_188 : memref<1x2x!tpu.dma_semaphore, #tpu.memory_space<semaphore_mem>> -> memref<2x!tpu.dma_semaphore, #tpu.memory_space<semaphore_mem>>
    %dma_wait3A_190 = tpu.memref_slice %dma_wait3A_189[%dma_wait3A_180] : memref<2x!tpu.dma_semaphore, #tpu.memory_space<semaphore_mem>> -> memref<1x!tpu.dma_semaphore, #tpu.memory_space<semaphore_mem>>
    %dma_wait3A_191 = tpu.memref_squeeze %dma_wait3A_190 : memref<1x!tpu.dma_semaphore, #tpu.memory_space<semaphore_mem>> -> memref<!tpu.dma_semaphore, #tpu.memory_space<semaphore_mem>>
    %dma_wait3A_192 = arith.constant 0 : i32
    %dma_wait3A_193 = tpu.memref_slice %arg9[%add3A_178, %dma_wait3A_192] : memref<10240x128xf32, #tpu.memory_space<vmem_shared>> -> memref<128x128xf32, #tpu.memory_space<vmem_shared>>
    %dma_wait3A_194 = arith.constant 0 : i32
    %dma_wait3A_195 = arith.constant 0 : i32
    %dma_wait3A_196 = tpu.memref_slice %arg8[%dma_wait3A, %dma_wait3A_194, %dma_wait3A_195] : memref<2x128x128xf32, #tpu.memory_space<vmem>> -> memref<1x128x128xf32, #tpu.memory_space<vmem>>
    %dma_wait3A_197 = tpu.memref_squeeze %dma_wait3A_196 : memref<1x128x128xf32, #tpu.memory_space<vmem>> -> memref<128x128xf32, #tpu.memory_space<vmem>>
    tpu.wait_dma2 semaphore(%dma_wait3A_191 : memref<!tpu.dma_semaphore, #tpu.memory_space<semaphore_mem>>) src(%dma_wait3A_197 : memref<128x128xf32, #tpu.memory_space<vmem>>) dst(%dma_wait3A_193 : memref<128x128xf32, #tpu.memory_space<vmem_shared>>)
    %mul3A_198 = arith.constant 640 : i32
    %mul3A_199 = arith.muli %arg1, %mul3A_198 : i32
    %add3A_200 = arith.constant 128 : i32
    %add3A_201 = arith.addi %mul3A_199, %add3A_200 : i32
    %dma_wait3A_202 = arith.constant 0 : i32
    %dma_wait3A_203 = arith.constant 0 : i32
    %dma_wait3A_204 = arith.constant 0 : i32
    %dma_wait3A_205 = arith.constant 0 : i32
    %dma_wait3A_206 = arith.constant 0 : i32
    %dma_wait3A_207 = tpu.memref_slice %arg8[%dma_wait3A_202, %dma_wait3A_205, %dma_wait3A_206] : memref<2x128x128xf32, #tpu.memory_space<vmem>> -> memref<1x128x128xf32, #tpu.memory_space<vmem>>
    %dma_wait3A_208 = tpu.memref_squeeze %dma_wait3A_207 : memref<1x128x128xf32, #tpu.memory_space<vmem>> -> memref<128x128xf32, #tpu.memory_space<vmem>>
    %dma_wait3A_209 = arith.constant 0 : i32
    %dma_wait3A_210 = tpu.memref_slice %arg9[%add3A_201, %dma_wait3A_209] : memref<10240x128xf32, #tpu.memory_space<vmem_shared>> -> memref<128x128xf32, #tpu.memory_space<vmem_shared>>
    %dma_wait3A_211 = arith.constant 0 : i32
    %dma_wait3A_212 = tpu.memref_slice %arg10[%dma_wait3A_203, %dma_wait3A_211] : memref<2x2x!tpu.dma_semaphore, #tpu.memory_space<semaphore_mem>> -> memref<1x2x!tpu.dma_semaphore, #tpu.memory_space<semaphore_mem>>
    %dma_wait3A_213 = tpu.memref_squeeze %dma_wait3A_212 : memref<1x2x!tpu.dma_semaphore, #tpu.memory_space<semaphore_mem>> -> memref<2x!tpu.dma_semaphore, #tpu.memory_space<semaphore_mem>>
    %dma_wait3A_214 = tpu.memref_slice %dma_wait3A_213[%dma_wait3A_204] : memref<2x!tpu.dma_semaphore, #tpu.memory_space<semaphore_mem>> -> memref<1x!tpu.dma_semaphore, #tpu.memory_space<semaphore_mem>>
    %dma_wait3A_215 = tpu.memref_squeeze %dma_wait3A_214 : memref<1x!tpu.dma_semaphore, #tpu.memory_space<semaphore_mem>> -> memref<!tpu.dma_semaphore, #tpu.memory_space<semaphore_mem>>
    %dma_wait3A_216 = arith.constant 0 : i32
    %dma_wait3A_217 = tpu.memref_slice %arg9[%add3A_201, %dma_wait3A_216] : memref<10240x128xf32, #tpu.memory_space<vmem_shared>> -> memref<128x128xf32, #tpu.memory_space<vmem_shared>>
    %dma_wait3A_218 = arith.constant 0 : i32
    %dma_wait3A_219 = arith.constant 0 : i32
    %dma_wait3A_220 = tpu.memref_slice %arg8[%dma_wait3A_202, %dma_wait3A_218, %dma_wait3A_219] : memref<2x128x128xf32, #tpu.memory_space<vmem>> -> memref<1x128x128xf32, #tpu.memory_space<vmem>>
    %dma_wait3A_221 = tpu.memref_squeeze %dma_wait3A_220 : memref<1x128x128xf32, #tpu.memory_space<vmem>> -> memref<128x128xf32, #tpu.memory_space<vmem>>
    tpu.wait_dma2 semaphore(%dma_wait3A_215 : memref<!tpu.dma_semaphore, #tpu.memory_space<semaphore_mem>>) src(%dma_wait3A_221 : memref<128x128xf32, #tpu.memory_space<vmem>>) dst(%dma_wait3A_217 : memref<128x128xf32, #tpu.memory_space<vmem_shared>>)
    %mul3A_222 = arith.constant 640 : i32
    %mul3A_223 = arith.muli %arg1, %mul3A_222 : i32
    %add3A_224 = arith.constant 256 : i32
    %add3A_225 = arith.addi %mul3A_223, %add3A_224 : i32
    %dma_wait3A_226 = arith.constant 0 : i32
    %dma_wait3A_227 = arith.constant 0 : i32
    %dma_wait3A_228 = arith.constant 0 : i32
    %dma_wait3A_229 = arith.constant 0 : i32
    %dma_wait3A_230 = arith.constant 0 : i32
    %dma_wait3A_231 = tpu.memref_slice %arg8[%dma_wait3A_226, %dma_wait3A_229, %dma_wait3A_230] : memref<2x128x128xf32, #tpu.memory_space<vmem>> -> memref<1x128x128xf32, #tpu.memory_space<vmem>>
    %dma_wait3A_232 = tpu.memref_squeeze %dma_wait3A_231 : memref<1x128x128xf32, #tpu.memory_space<vmem>> -> memref<128x128xf32, #tpu.memory_space<vmem>>
    %dma_wait3A_233 = arith.constant 0 : i32
    %dma_wait3A_234 = tpu.memref_slice %arg9[%add3A_225, %dma_wait3A_233] : memref<10240x128xf32, #tpu.memory_space<vmem_shared>> -> memref<128x128xf32, #tpu.memory_space<vmem_shared>>
    %dma_wait3A_235 = arith.constant 0 : i32
    %dma_wait3A_236 = tpu.memref_slice %arg10[%dma_wait3A_227, %dma_wait3A_235] : memref<2x2x!tpu.dma_semaphore, #tpu.memory_space<semaphore_mem>> -> memref<1x2x!tpu.dma_semaphore, #tpu.memory_space<semaphore_mem>>
    %dma_wait3A_237 = tpu.memref_squeeze %dma_wait3A_236 : memref<1x2x!tpu.dma_semaphore, #tpu.memory_space<semaphore_mem>> -> memref<2x!tpu.dma_semaphore, #tpu.memory_space<semaphore_mem>>
    %dma_wait3A_238 = tpu.memref_slice %dma_wait3A_237[%dma_wait3A_228] : memref<2x!tpu.dma_semaphore, #tpu.memory_space<semaphore_mem>> -> memref<1x!tpu.dma_semaphore, #tpu.memory_space<semaphore_mem>>
    %dma_wait3A_239 = tpu.memref_squeeze %dma_wait3A_238 : memref<1x!tpu.dma_semaphore, #tpu.memory_space<semaphore_mem>> -> memref<!tpu.dma_semaphore, #tpu.memory_space<semaphore_mem>>
    %dma_wait3A_240 = arith.constant 0 : i32
    %dma_wait3A_241 = tpu.memref_slice %arg9[%add3A_225, %dma_wait3A_240] : memref<10240x128xf32, #tpu.memory_space<vmem_shared>> -> memref<128x128xf32, #tpu.memory_space<vmem_shared>>
    %dma_wait3A_242 = arith.constant 0 : i32
    %dma_wait3A_243 = arith.constant 0 : i32
    %dma_wait3A_244 = tpu.memref_slice %arg8[%dma_wait3A_226, %dma_wait3A_242, %dma_wait3A_243] : memref<2x128x128xf32, #tpu.memory_space<vmem>> -> memref<1x128x128xf32, #tpu.memory_space<vmem>>
    %dma_wait3A_245 = tpu.memref_squeeze %dma_wait3A_244 : memref<1x128x128xf32, #tpu.memory_space<vmem>> -> memref<128x128xf32, #tpu.memory_space<vmem>>
    tpu.wait_dma2 semaphore(%dma_wait3A_239 : memref<!tpu.dma_semaphore, #tpu.memory_space<semaphore_mem>>) src(%dma_wait3A_245 : memref<128x128xf32, #tpu.memory_space<vmem>>) dst(%dma_wait3A_241 : memref<128x128xf32, #tpu.memory_space<vmem_shared>>)
    %mul3A_246 = arith.constant 640 : i32
    %mul3A_247 = arith.muli %arg1, %mul3A_246 : i32
    %add3A_248 = arith.constant 384 : i32
    %add3A_249 = arith.addi %mul3A_247, %add3A_248 : i32
    %dma_wait3A_250 = arith.constant 0 : i32
    %dma_wait3A_251 = arith.constant 0 : i32
    %dma_wait3A_252 = arith.constant 0 : i32
    %dma_wait3A_253 = arith.constant 0 : i32
    %dma_wait3A_254 = arith.constant 0 : i32
    %dma_wait3A_255 = tpu.memref_slice %arg8[%dma_wait3A_250, %dma_wait3A_253, %dma_wait3A_254] : memref<2x128x128xf32, #tpu.memory_space<vmem>> -> memref<1x128x128xf32, #tpu.memory_space<vmem>>
    %dma_wait3A_256 = tpu.memref_squeeze %dma_wait3A_255 : memref<1x128x128xf32, #tpu.memory_space<vmem>> -> memref<128x128xf32, #tpu.memory_space<vmem>>
    %dma_wait3A_257 = arith.constant 0 : i32
    %dma_wait3A_258 = tpu.memref_slice %arg9[%add3A_249, %dma_wait3A_257] : memref<10240x128xf32, #tpu.memory_space<vmem_shared>> -> memref<128x128xf32, #tpu.memory_space<vmem_shared>>
    %dma_wait3A_259 = arith.constant 0 : i32
    %dma_wait3A_260 = tpu.memref_slice %arg10[%dma_wait3A_251, %dma_wait3A_259] : memref<2x2x!tpu.dma_semaphore, #tpu.memory_space<semaphore_mem>> -> memref<1x2x!tpu.dma_semaphore, #tpu.memory_space<semaphore_mem>>
    %dma_wait3A_261 = tpu.memref_squeeze %dma_wait3A_260 : memref<1x2x!tpu.dma_semaphore, #tpu.memory_space<semaphore_mem>> -> memref<2x!tpu.dma_semaphore, #tpu.memory_space<semaphore_mem>>
    %dma_wait3A_262 = tpu.memref_slice %dma_wait3A_261[%dma_wait3A_252] : memref<2x!tpu.dma_semaphore, #tpu.memory_space<semaphore_mem>> -> memref<1x!tpu.dma_semaphore, #tpu.memory_space<semaphore_mem>>
    %dma_wait3A_263 = tpu.memref_squeeze %dma_wait3A_262 : memref<1x!tpu.dma_semaphore, #tpu.memory_space<semaphore_mem>> -> memref<!tpu.dma_semaphore, #tpu.memory_space<semaphore_mem>>
    %dma_wait3A_264 = arith.constant 0 : i32
    %dma_wait3A_265 = tpu.memref_slice %arg9[%add3A_249, %dma_wait3A_264] : memref<10240x128xf32, #tpu.memory_space<vmem_shared>> -> memref<128x128xf32, #tpu.memory_space<vmem_shared>>
    %dma_wait3A_266 = arith.constant 0 : i32
    %dma_wait3A_267 = arith.constant 0 : i32
    %dma_wait3A_268 = tpu.memref_slice %arg8[%dma_wait3A_250, %dma_wait3A_266, %dma_wait3A_267] : memref<2x128x128xf32, #tpu.memory_space<vmem>> -> memref<1x128x128xf32, #tpu.memory_space<vmem>>
    %dma_wait3A_269 = tpu.memref_squeeze %dma_wait3A_268 : memref<1x128x128xf32, #tpu.memory_space<vmem>> -> memref<128x128xf32, #tpu.memory_space<vmem>>
    tpu.wait_dma2 semaphore(%dma_wait3A_263 : memref<!tpu.dma_semaphore, #tpu.memory_space<semaphore_mem>>) src(%dma_wait3A_269 : memref<128x128xf32, #tpu.memory_space<vmem>>) dst(%dma_wait3A_265 : memref<128x128xf32, #tpu.memory_space<vmem_shared>>)
    %mul3A_270 = arith.constant 640 : i32
    %mul3A_271 = arith.muli %arg1, %mul3A_270 : i32
    %add3A_272 = arith.constant 512 : i32
    %add3A_273 = arith.addi %mul3A_271, %add3A_272 : i32
    %dma_wait3A_274 = arith.constant 0 : i32
    %dma_wait3A_275 = arith.constant 0 : i32
    %dma_wait3A_276 = arith.constant 0 : i32
    %dma_wait3A_277 = arith.constant 0 : i32
    %dma_wait3A_278 = arith.constant 0 : i32
    %dma_wait3A_279 = tpu.memref_slice %arg8[%dma_wait3A_274, %dma_wait3A_277, %dma_wait3A_278] : memref<2x128x128xf32, #tpu.memory_space<vmem>> -> memref<1x128x128xf32, #tpu.memory_space<vmem>>
    %dma_wait3A_280 = tpu.memref_squeeze %dma_wait3A_279 : memref<1x128x128xf32, #tpu.memory_space<vmem>> -> memref<128x128xf32, #tpu.memory_space<vmem>>
    %dma_wait3A_281 = arith.constant 0 : i32
    %dma_wait3A_282 = tpu.memref_slice %arg9[%add3A_273, %dma_wait3A_281] : memref<10240x128xf32, #tpu.memory_space<vmem_shared>> -> memref<128x128xf32, #tpu.memory_space<vmem_shared>>
    %dma_wait3A_283 = arith.constant 0 : i32
    %dma_wait3A_284 = tpu.memref_slice %arg10[%dma_wait3A_275, %dma_wait3A_283] : memref<2x2x!tpu.dma_semaphore, #tpu.memory_space<semaphore_mem>> -> memref<1x2x!tpu.dma_semaphore, #tpu.memory_space<semaphore_mem>>
    %dma_wait3A_285 = tpu.memref_squeeze %dma_wait3A_284 : memref<1x2x!tpu.dma_semaphore, #tpu.memory_space<semaphore_mem>> -> memref<2x!tpu.dma_semaphore, #tpu.memory_space<semaphore_mem>>
    %dma_wait3A_286 = tpu.memref_slice %dma_wait3A_285[%dma_wait3A_276] : memref<2x!tpu.dma_semaphore, #tpu.memory_space<semaphore_mem>> -> memref<1x!tpu.dma_semaphore, #tpu.memory_space<semaphore_mem>>
    %dma_wait3A_287 = tpu.memref_squeeze %dma_wait3A_286 : memref<1x!tpu.dma_semaphore, #tpu.memory_space<semaphore_mem>> -> memref<!tpu.dma_semaphore, #tpu.memory_space<semaphore_mem>>
    %dma_wait3A_288 = arith.constant 0 : i32
    %dma_wait3A_289 = tpu.memref_slice %arg9[%add3A_273, %dma_wait3A_288] : memref<10240x128xf32, #tpu.memory_space<vmem_shared>> -> memref<128x128xf32, #tpu.memory_space<vmem_shared>>
    %dma_wait3A_290 = arith.constant 0 : i32
    %dma_wait3A_291 = arith.constant 0 : i32
    %dma_wait3A_292 = tpu.memref_slice %arg8[%dma_wait3A_274, %dma_wait3A_290, %dma_wait3A_291] : memref<2x128x128xf32, #tpu.memory_space<vmem>> -> memref<1x128x128xf32, #tpu.memory_space<vmem>>
    %dma_wait3A_293 = tpu.memref_squeeze %dma_wait3A_292 : memref<1x128x128xf32, #tpu.memory_space<vmem>> -> memref<128x128xf32, #tpu.memory_space<vmem>>
    tpu.wait_dma2 semaphore(%dma_wait3A_287 : memref<!tpu.dma_semaphore, #tpu.memory_space<semaphore_mem>>) src(%dma_wait3A_293 : memref<128x128xf32, #tpu.memory_space<vmem>>) dst(%dma_wait3A_289 : memref<128x128xf32, #tpu.memory_space<vmem_shared>>)
    %barrier3A = arith.constant 0 : index
    tpu.barrier barrier_id(%barrier3A)
    %dma_start3A_294 = arith.constant 0 : i32
    %dma_start3A_295 = arith.constant 0 : i32
    %dma_start3A_296 = arith.constant 0 : i32
    %dma_start3A_297 = arith.constant 0 : i32
    %dma_start3A_298 = arith.constant 0 : i32
    %dma_start3A_299 = arith.constant 0 : i32
    %dma_start3A_300 = tpu.memref_slice %arg8[%dma_start3A_295, %dma_start3A_298, %dma_start3A_299] : memref<2x128x128xf32, #tpu.memory_space<vmem>> -> memref<1x128x128xf32, #tpu.memory_space<vmem>>
    %dma_start3A_301 = tpu.memref_squeeze %dma_start3A_300 : memref<1x128x128xf32, #tpu.memory_space<vmem>> -> memref<128x128xf32, #tpu.memory_space<vmem>>
    %dma_start3A_302 = arith.constant 0 : i32
    %dma_start3A_303 = arith.constant 0 : i32
    %dma_start3A_304 = tpu.memref_slice %dma_start3A_301[%dma_start3A_302, %dma_start3A_303] : memref<128x128xf32, #tpu.memory_space<vmem>> -> memref<64x128xf32, #tpu.memory_space<vmem>>
    %dma_start3A_305 = arith.constant 0 : i32
    %dma_start3A_306 = tpu.memref_slice %arg6[%dma_start3A_294, %dma_start3A_305] : memref<80x128xi32, #tpu.memory_space<vmem>> -> memref<1x128xi32, #tpu.memory_space<vmem>>
    %dma_start3A_307 = tpu.memref_squeeze %dma_start3A_306 : memref<1x128xi32, #tpu.memory_space<vmem>> -> memref<128xi32, #tpu.memory_space<vmem>>
    %dma_start3A_308 = arith.constant 0 : i32
    %dma_start3A_309 = tpu.memref_slice %dma_start3A_307[%dma_start3A_308] : memref<128xi32, #tpu.memory_space<vmem>> -> memref<64xi32, #tpu.memory_space<vmem>>
    %dma_start3A_310 = arith.constant 0 : i32
    %dma_start3A_311 = arith.constant 0 : i32
    %dma_start3A_312 = tpu.memref_slice %arg2[%dma_start3A_310, %dma_start3A_311] : memref<10000x128xf32, #tpu.memory_space<hbm>> -> memref<10000x128xf32, #tpu.memory_space<hbm>>
    %dma_start3A_313 = arith.constant 0 : i32
    %dma_start3A_314 = tpu.memref_slice %arg10[%dma_start3A_296, %dma_start3A_313] : memref<2x2x!tpu.dma_semaphore, #tpu.memory_space<semaphore_mem>> -> memref<1x2x!tpu.dma_semaphore, #tpu.memory_space<semaphore_mem>>
    %dma_start3A_315 = tpu.memref_squeeze %dma_start3A_314 : memref<1x2x!tpu.dma_semaphore, #tpu.memory_space<semaphore_mem>> -> memref<2x!tpu.dma_semaphore, #tpu.memory_space<semaphore_mem>>
    %dma_start3A_316 = tpu.memref_slice %dma_start3A_315[%dma_start3A_297] : memref<2x!tpu.dma_semaphore, #tpu.memory_space<semaphore_mem>> -> memref<1x!tpu.dma_semaphore, #tpu.memory_space<semaphore_mem>>
    %dma_start3A_317 = tpu.memref_squeeze %dma_start3A_316 : memref<1x!tpu.dma_semaphore, #tpu.memory_space<semaphore_mem>> -> memref<!tpu.dma_semaphore, #tpu.memory_space<semaphore_mem>>
    tpu.enqueue_indirect_dma source(%dma_start3A_312 : memref<10000x128xf32, #tpu.memory_space<hbm>>) target(%dma_start3A_304 : memref<64x128xf32, #tpu.memory_space<vmem>>) offsets(%dma_start3A_309 : memref<64xi32, #tpu.memory_space<vmem>>) semaphore(%dma_start3A_317 : memref<!tpu.dma_semaphore, #tpu.memory_space<semaphore_mem>>)
    %dma_start3A_318 = arith.constant 0 : i32
    %dma_start3A_319 = arith.constant 0 : i32
    %dma_start3A_320 = arith.constant 0 : i32
    %dma_start3A_321 = arith.constant 1 : i32
    %dma_start3A_322 = arith.constant 0 : i32
    %dma_start3A_323 = arith.constant 0 : i32
    %dma_start3A_324 = tpu.memref_slice %arg8[%dma_start3A_319, %dma_start3A_322, %dma_start3A_323] : memref<2x128x128xf32, #tpu.memory_space<vmem>> -> memref<1x128x128xf32, #tpu.memory_space<vmem>>
    %dma_start3A_325 = tpu.memref_squeeze %dma_start3A_324 : memref<1x128x128xf32, #tpu.memory_space<vmem>> -> memref<128x128xf32, #tpu.memory_space<vmem>>
    %dma_start3A_326 = arith.constant 64 : i32
    %dma_start3A_327 = arith.constant 0 : i32
    %dma_start3A_328 = tpu.memref_slice %dma_start3A_325[%dma_start3A_326, %dma_start3A_327] : memref<128x128xf32, #tpu.memory_space<vmem>> -> memref<64x128xf32, #tpu.memory_space<vmem>>
    %dma_start3A_329 = arith.constant 0 : i32
    %dma_start3A_330 = tpu.memref_slice %arg6[%dma_start3A_318, %dma_start3A_329] : memref<80x128xi32, #tpu.memory_space<vmem>> -> memref<1x128xi32, #tpu.memory_space<vmem>>
    %dma_start3A_331 = tpu.memref_squeeze %dma_start3A_330 : memref<1x128xi32, #tpu.memory_space<vmem>> -> memref<128xi32, #tpu.memory_space<vmem>>
    %dma_start3A_332 = arith.constant 64 : i32
    %dma_start3A_333 = tpu.memref_slice %dma_start3A_331[%dma_start3A_332] : memref<128xi32, #tpu.memory_space<vmem>> -> memref<64xi32, #tpu.memory_space<vmem>>
    %dma_start3A_334 = arith.constant 0 : i32
    %dma_start3A_335 = arith.constant 0 : i32
    %dma_start3A_336 = tpu.memref_slice %arg2[%dma_start3A_334, %dma_start3A_335] : memref<10000x128xf32, #tpu.memory_space<hbm>> -> memref<10000x128xf32, #tpu.memory_space<hbm>>
    %dma_start3A_337 = arith.constant 0 : i32
    %dma_start3A_338 = tpu.memref_slice %arg10[%dma_start3A_320, %dma_start3A_337] : memref<2x2x!tpu.dma_semaphore, #tpu.memory_space<semaphore_mem>> -> memref<1x2x!tpu.dma_semaphore, #tpu.memory_space<semaphore_mem>>
    %dma_start3A_339 = tpu.memref_squeeze %dma_start3A_338 : memref<1x2x!tpu.dma_semaphore, #tpu.memory_space<semaphore_mem>> -> memref<2x!tpu.dma_semaphore, #tpu.memory_space<semaphore_mem>>
    %dma_start3A_340 = tpu.memref_slice %dma_start3A_339[%dma_start3A_321] : memref<2x!tpu.dma_semaphore, #tpu.memory_space<semaphore_mem>> -> memref<1x!tpu.dma_semaphore, #tpu.memory_space<semaphore_mem>>
    %dma_start3A_341 = tpu.memref_squeeze %dma_start3A_340 : memref<1x!tpu.dma_semaphore, #tpu.memory_space<semaphore_mem>> -> memref<!tpu.dma_semaphore, #tpu.memory_space<semaphore_mem>>
    tpu.enqueue_indirect_dma source(%dma_start3A_336 : memref<10000x128xf32, #tpu.memory_space<hbm>>) target(%dma_start3A_328 : memref<64x128xf32, #tpu.memory_space<vmem>>) offsets(%dma_start3A_333 : memref<64xi32, #tpu.memory_space<vmem>>) semaphore(%dma_start3A_341 : memref<!tpu.dma_semaphore, #tpu.memory_space<semaphore_mem>>)
    %scan3A_342 = arith.constant 0 : i32
    %scan3A_343 = arith.constant 0 : i32
    %scan3A_344 = arith.constant 39 : i32
    %scan3A_345 = arith.addi %scan3A_343, %scan3A_344 : i32
    %scan3A_346 = arith.constant 1 : i32
    %scan3A_347 = scf.for %scan3A_454 = %scan3A_343 to %scan3A_345 step %scan3A_346 iter_args(%scan3A_455 = %scan3A_342) -> (i32)  : i32 {
      %eq3A = arith.constant 20 : i32
      %eq3A_456 = arith.cmpi eq, %scan3A_454, %eq3A : i32
      %convert_element_type3A = arith.extui %eq3A_456 : i1 to i32
      %cond3A = arith.constant 0 : i32
      %cond3A_457 = arith.cmpi ne, %convert_element_type3A, %cond3A : i32
      scf.if %cond3A_457 {
        "tpu.region"() ({
          %run_scoped3A_661 = tpu.sem_alloc : memref<!tpu.dma_semaphore, #tpu.memory_space<semaphore_mem>>
          %dma_start3A_662 = arith.constant 0 : i32
          %dma_start3A_663 = arith.constant 0 : i32
          %dma_start3A_664 = tpu.memref_slice %arg4[%add3A, %dma_start3A_662, %dma_start3A_663] : memref<32x80x128xi32, #tpu.memory_space<hbm>> -> memref<1x80x128xi32, #tpu.memory_space<hbm>>
          %dma_start3A_665 = tpu.memref_squeeze %dma_start3A_664 : memref<1x80x128xi32, #tpu.memory_space<hbm>> -> memref<80x128xi32, #tpu.memory_space<hbm>>
          %dma_start3A_666 = arith.constant 40 : i32
          %dma_start3A_667 = arith.constant 0 : i32
          %dma_start3A_668 = tpu.memref_slice %dma_start3A_665[%dma_start3A_666, %dma_start3A_667] : memref<80x128xi32, #tpu.memory_space<hbm>> -> memref<40x128xi32, #tpu.memory_space<hbm>>
          %dma_start3A_669 = arith.constant 0 : i32
          %dma_start3A_670 = arith.constant 0 : i32
          %dma_start3A_671 = tpu.memref_slice %arg4[%add3A, %dma_start3A_669, %dma_start3A_670] : memref<32x80x128xi32, #tpu.memory_space<hbm>> -> memref<1x80x128xi32, #tpu.memory_space<hbm>>
          %dma_start3A_672 = tpu.memref_squeeze %dma_start3A_671 : memref<1x80x128xi32, #tpu.memory_space<hbm>> -> memref<80x128xi32, #tpu.memory_space<hbm>>
          %dma_start3A_673 = arith.constant 40 : i32
          %dma_start3A_674 = arith.constant 0 : i32
          %dma_start3A_675 = tpu.memref_slice %dma_start3A_672[%dma_start3A_673, %dma_start3A_674] : memref<80x128xi32, #tpu.memory_space<hbm>> -> memref<40x128xi32, #tpu.memory_space<hbm>>
          tpu.enqueue_dma source(%dma_start3A_675 : memref<40x128xi32, #tpu.memory_space<hbm>>) target(%arg7 : memref<40x128xi32, #tpu.memory_space<vmem>>) target_semaphore(%run_scoped3A_661 : memref<!tpu.dma_semaphore, #tpu.memory_space<semaphore_mem>>)
          %dma_wait3A_676 = arith.constant 0 : i32
          %dma_wait3A_677 = arith.constant 0 : i32
          %dma_wait3A_678 = tpu.memref_slice %arg4[%add3A, %dma_wait3A_676, %dma_wait3A_677] : memref<32x80x128xi32, #tpu.memory_space<hbm>> -> memref<1x80x128xi32, #tpu.memory_space<hbm>>
          %dma_wait3A_679 = tpu.memref_squeeze %dma_wait3A_678 : memref<1x80x128xi32, #tpu.memory_space<hbm>> -> memref<80x128xi32, #tpu.memory_space<hbm>>
          %dma_wait3A_680 = arith.constant 40 : i32
          %dma_wait3A_681 = arith.constant 0 : i32
          %dma_wait3A_682 = tpu.memref_slice %dma_wait3A_679[%dma_wait3A_680, %dma_wait3A_681] : memref<80x128xi32, #tpu.memory_space<hbm>> -> memref<40x128xi32, #tpu.memory_space<hbm>>
          %dma_wait3A_683 = arith.constant 0 : i32
          %dma_wait3A_684 = arith.constant 0 : i32
          %dma_wait3A_685 = tpu.memref_slice %arg4[%add3A, %dma_wait3A_683, %dma_wait3A_684] : memref<32x80x128xi32, #tpu.memory_space<hbm>> -> memref<1x80x128xi32, #tpu.memory_space<hbm>>
          %dma_wait3A_686 = tpu.memref_squeeze %dma_wait3A_685 : memref<1x80x128xi32, #tpu.memory_space<hbm>> -> memref<80x128xi32, #tpu.memory_space<hbm>>
          %dma_wait3A_687 = arith.constant 40 : i32
          %dma_wait3A_688 = arith.constant 0 : i32
          %dma_wait3A_689 = tpu.memref_slice %dma_wait3A_686[%dma_wait3A_687, %dma_wait3A_688] : memref<80x128xi32, #tpu.memory_space<hbm>> -> memref<40x128xi32, #tpu.memory_space<hbm>>
          tpu.wait_dma2 semaphore(%run_scoped3A_661 : memref<!tpu.dma_semaphore, #tpu.memory_space<semaphore_mem>>) src(%dma_wait3A_689 : memref<40x128xi32, #tpu.memory_space<hbm>>) dst(%arg7 : memref<40x128xi32, #tpu.memory_space<vmem>>)
          tpu.yield
        }) : () -> ()
      } else {
      }
      %mul3A_458 = arith.constant 2 : i32
      %mul3A_459 = arith.muli %scan3A_454, %mul3A_458 : i32
      %add3A_460 = arith.constant 0 : i32
      %add3A_461 = arith.addi %mul3A_459, %add3A_460 : i32
      %dma_wait3A_462 = arith.constant 0 : i32
      %dma_wait3A_463 = arith.constant 0 : i32
      %dma_wait3A_464 = arith.constant 0 : i32
      %dma_wait3A_465 = arith.constant 0 : i32
      %dma_wait3A_466 = arith.constant 0 : i32
      %dma_wait3A_467 = tpu.memref_slice %arg8[%dma_wait3A_462, %dma_wait3A_465, %dma_wait3A_466] : memref<2x128x128xf32, #tpu.memory_space<vmem>> -> memref<1x128x128xf32, #tpu.memory_space<vmem>>
      %dma_wait3A_468 = tpu.memref_squeeze %dma_wait3A_467 : memref<1x128x128xf32, #tpu.memory_space<vmem>> -> memref<128x128xf32, #tpu.memory_space<vmem>>
      %dma_wait3A_469 = arith.constant 0 : i32
      %dma_wait3A_470 = arith.constant 0 : i32
      %dma_wait3A_471 = tpu.memref_slice %dma_wait3A_468[%dma_wait3A_469, %dma_wait3A_470] : memref<128x128xf32, #tpu.memory_space<vmem>> -> memref<64x128xf32, #tpu.memory_space<vmem>>
      %dma_wait3A_472 = arith.constant 0 : i32
      %dma_wait3A_473 = tpu.memref_slice %arg6[%add3A_461, %dma_wait3A_472] : memref<80x128xi32, #tpu.memory_space<vmem>> -> memref<1x128xi32, #tpu.memory_space<vmem>>
      %dma_wait3A_474 = tpu.memref_squeeze %dma_wait3A_473 : memref<1x128xi32, #tpu.memory_space<vmem>> -> memref<128xi32, #tpu.memory_space<vmem>>
      %dma_wait3A_475 = arith.constant 0 : i32
      %dma_wait3A_476 = tpu.memref_slice %dma_wait3A_474[%dma_wait3A_475] : memref<128xi32, #tpu.memory_space<vmem>> -> memref<64xi32, #tpu.memory_space<vmem>>
      %dma_wait3A_477 = arith.constant 0 : i32
      %dma_wait3A_478 = arith.constant 0 : i32
      %dma_wait3A_479 = tpu.memref_slice %arg2[%dma_wait3A_477, %dma_wait3A_478] : memref<10000x128xf32, #tpu.memory_space<hbm>> -> memref<10000x128xf32, #tpu.memory_space<hbm>>
      %dma_wait3A_480 = arith.constant 0 : i32
      %dma_wait3A_481 = tpu.memref_slice %arg10[%dma_wait3A_463, %dma_wait3A_480] : memref<2x2x!tpu.dma_semaphore, #tpu.memory_space<semaphore_mem>> -> memref<1x2x!tpu.dma_semaphore, #tpu.memory_space<semaphore_mem>>
      %dma_wait3A_482 = tpu.memref_squeeze %dma_wait3A_481 : memref<1x2x!tpu.dma_semaphore, #tpu.memory_space<semaphore_mem>> -> memref<2x!tpu.dma_semaphore, #tpu.memory_space<semaphore_mem>>
      %dma_wait3A_483 = tpu.memref_slice %dma_wait3A_482[%dma_wait3A_464] : memref<2x!tpu.dma_semaphore, #tpu.memory_space<semaphore_mem>> -> memref<1x!tpu.dma_semaphore, #tpu.memory_space<semaphore_mem>>
      %dma_wait3A_484 = tpu.memref_squeeze %dma_wait3A_483 : memref<1x!tpu.dma_semaphore, #tpu.memory_space<semaphore_mem>> -> memref<!tpu.dma_semaphore, #tpu.memory_space<semaphore_mem>>
      tpu.wait_indirect_dma semaphore(%dma_wait3A_484 : memref<!tpu.dma_semaphore, #tpu.memory_space<semaphore_mem>>) src(%dma_wait3A_479 : memref<10000x128xf32, #tpu.memory_space<hbm>>) dst(%dma_wait3A_471 : memref<64x128xf32, #tpu.memory_space<vmem>>)
      %dma_wait3A_485 = arith.constant 0 : i32
      %dma_wait3A_486 = arith.constant 0 : i32
      %dma_wait3A_487 = arith.constant 1 : i32
      %dma_wait3A_488 = arith.constant 0 : i32
      %dma_wait3A_489 = arith.constant 0 : i32
      %dma_wait3A_490 = tpu.memref_slice %arg8[%dma_wait3A_485, %dma_wait3A_488, %dma_wait3A_489] : memref<2x128x128xf32, #tpu.memory_space<vmem>> -> memref<1x128x128xf32, #tpu.memory_space<vmem>>
      %dma_wait3A_491 = tpu.memref_squeeze %dma_wait3A_490 : memref<1x128x128xf32, #tpu.memory_space<vmem>> -> memref<128x128xf32, #tpu.memory_space<vmem>>
      %dma_wait3A_492 = arith.constant 64 : i32
      %dma_wait3A_493 = arith.constant 0 : i32
      %dma_wait3A_494 = tpu.memref_slice %dma_wait3A_491[%dma_wait3A_492, %dma_wait3A_493] : memref<128x128xf32, #tpu.memory_space<vmem>> -> memref<64x128xf32, #tpu.memory_space<vmem>>
      %dma_wait3A_495 = arith.constant 0 : i32
      %dma_wait3A_496 = tpu.memref_slice %arg6[%add3A_461, %dma_wait3A_495] : memref<80x128xi32, #tpu.memory_space<vmem>> -> memref<1x128xi32, #tpu.memory_space<vmem>>
      %dma_wait3A_497 = tpu.memref_squeeze %dma_wait3A_496 : memref<1x128xi32, #tpu.memory_space<vmem>> -> memref<128xi32, #tpu.memory_space<vmem>>
      %dma_wait3A_498 = arith.constant 64 : i32
      %dma_wait3A_499 = tpu.memref_slice %dma_wait3A_497[%dma_wait3A_498] : memref<128xi32, #tpu.memory_space<vmem>> -> memref<64xi32, #tpu.memory_space<vmem>>
      %dma_wait3A_500 = arith.constant 0 : i32
      %dma_wait3A_501 = arith.constant 0 : i32
      %dma_wait3A_502 = tpu.memref_slice %arg2[%dma_wait3A_500, %dma_wait3A_501] : memref<10000x128xf32, #tpu.memory_space<hbm>> -> memref<10000x128xf32, #tpu.memory_space<hbm>>
      %dma_wait3A_503 = arith.constant 0 : i32
      %dma_wait3A_504 = tpu.memref_slice %arg10[%dma_wait3A_486, %dma_wait3A_503] : memref<2x2x!tpu.dma_semaphore, #tpu.memory_space<semaphore_mem>> -> memref<1x2x!tpu.dma_semaphore, #tpu.memory_space<semaphore_mem>>
      %dma_wait3A_505 = tpu.memref_squeeze %dma_wait3A_504 : memref<1x2x!tpu.dma_semaphore, #tpu.memory_space<semaphore_mem>> -> memref<2x!tpu.dma_semaphore, #tpu.memory_space<semaphore_mem>>
      %dma_wait3A_506 = tpu.memref_slice %dma_wait3A_505[%dma_wait3A_487] : memref<2x!tpu.dma_semaphore, #tpu.memory_space<semaphore_mem>> -> memref<1x!tpu.dma_semaphore, #tpu.memory_space<semaphore_mem>>
      %dma_wait3A_507 = tpu.memref_squeeze %dma_wait3A_506 : memref<1x!tpu.dma_semaphore, #tpu.memory_space<semaphore_mem>> -> memref<!tpu.dma_semaphore, #tpu.memory_space<semaphore_mem>>
      tpu.wait_indirect_dma semaphore(%dma_wait3A_507 : memref<!tpu.dma_semaphore, #tpu.memory_space<semaphore_mem>>) src(%dma_wait3A_502 : memref<10000x128xf32, #tpu.memory_space<hbm>>) dst(%dma_wait3A_494 : memref<64x128xf32, #tpu.memory_space<vmem>>)
      %rem3A_508 = arith.constant 40 : i32
      %rem3A_509 = arith.remsi %add3A_461, %rem3A_508 : i32
      %run_scoped3A_510 = arith.constant 0 : i32
      "tpu.region"() ({
        %run_scoped3A_661 = tpu.sem_alloc : memref<!tpu.dma_semaphore, #tpu.memory_space<semaphore_mem>>
        %dma_start3A_662 = arith.constant 0 : i32
        %dma_start3A_663 = arith.constant 0 : i32
        %dma_start3A_664 = tpu.memref_slice %arg8[%run_scoped3A_510, %dma_start3A_662, %dma_start3A_663] : memref<2x128x128xf32, #tpu.memory_space<vmem>> -> memref<1x128x128xf32, #tpu.memory_space<vmem>>
        %dma_start3A_665 = tpu.memref_squeeze %dma_start3A_664 : memref<1x128x128xf32, #tpu.memory_space<vmem>> -> memref<128x128xf32, #tpu.memory_space<vmem>>
        %dma_start3A_666 = arith.constant 0 : i32
        %dma_start3A_667 = tpu.memref_slice %arg7[%rem3A_509, %dma_start3A_666] : memref<40x128xi32, #tpu.memory_space<vmem>> -> memref<1x128xi32, #tpu.memory_space<vmem>>
        %dma_start3A_668 = tpu.memref_squeeze %dma_start3A_667 : memref<1x128xi32, #tpu.memory_space<vmem>> -> memref<128xi32, #tpu.memory_space<vmem>>
        %dma_start3A_669 = arith.constant 0 : i32
        %dma_start3A_670 = arith.constant 0 : i32
        %dma_start3A_671 = tpu.memref_slice %arg9[%dma_start3A_669, %dma_start3A_670] : memref<10240x128xf32, #tpu.memory_space<vmem_shared>> -> memref<10240x128xf32, #tpu.memory_space<vmem_shared>>
        tpu.enqueue_indirect_dma source(%dma_start3A_665 : memref<128x128xf32, #tpu.memory_space<vmem>>) target(%dma_start3A_671 : memref<10240x128xf32, #tpu.memory_space<vmem_shared>>) offsets(%dma_start3A_668 : memref<128xi32, #tpu.memory_space<vmem>>) semaphore(%run_scoped3A_661 : memref<!tpu.dma_semaphore, #tpu.memory_space<semaphore_mem>>) {add = true}
        %dma_wait3A_672 = arith.constant 0 : i32
        %dma_wait3A_673 = arith.constant 0 : i32
        %dma_wait3A_674 = tpu.memref_slice %arg8[%run_scoped3A_510, %dma_wait3A_672, %dma_wait3A_673] : memref<2x128x128xf32, #tpu.memory_space<vmem>> -> memref<1x128x128xf32, #tpu.memory_space<vmem>>
        %dma_wait3A_675 = tpu.memref_squeeze %dma_wait3A_674 : memref<1x128x128xf32, #tpu.memory_space<vmem>> -> memref<128x128xf32, #tpu.memory_space<vmem>>
        %dma_wait3A_676 = arith.constant 0 : i32
        %dma_wait3A_677 = tpu.memref_slice %arg7[%rem3A_509, %dma_wait3A_676] : memref<40x128xi32, #tpu.memory_space<vmem>> -> memref<1x128xi32, #tpu.memory_space<vmem>>
        %dma_wait3A_678 = tpu.memref_squeeze %dma_wait3A_677 : memref<1x128xi32, #tpu.memory_space<vmem>> -> memref<128xi32, #tpu.memory_space<vmem>>
        %dma_wait3A_679 = arith.constant 0 : i32
        %dma_wait3A_680 = arith.constant 0 : i32
        %dma_wait3A_681 = tpu.memref_slice %arg9[%dma_wait3A_679, %dma_wait3A_680] : memref<10240x128xf32, #tpu.memory_space<vmem_shared>> -> memref<10240x128xf32, #tpu.memory_space<vmem_shared>>
        tpu.wait_indirect_dma semaphore(%run_scoped3A_661 : memref<!tpu.dma_semaphore, #tpu.memory_space<semaphore_mem>>) src(%dma_wait3A_675 : memref<128x128xf32, #tpu.memory_space<vmem>>) dst(%dma_wait3A_681 : memref<10240x128xf32, #tpu.memory_space<vmem_shared>>)
        tpu.yield
      }) : () -> ()
      %add3A_511 = arith.constant 2 : i32
      %add3A_512 = arith.addi %add3A_461, %add3A_511 : i32
      %dma_start3A_513 = arith.constant 0 : i32
      %dma_start3A_514 = arith.constant 0 : i32
      %dma_start3A_515 = arith.constant 0 : i32
      %dma_start3A_516 = arith.constant 0 : i32
      %dma_start3A_517 = arith.constant 0 : i32
      %dma_start3A_518 = tpu.memref_slice %arg8[%dma_start3A_513, %dma_start3A_516, %dma_start3A_517] : memref<2x128x128xf32, #tpu.memory_space<vmem>> -> memref<1x128x128xf32, #tpu.memory_space<vmem>>
      %dma_start3A_519 = tpu.memref_squeeze %dma_start3A_518 : memref<1x128x128xf32, #tpu.memory_space<vmem>> -> memref<128x128xf32, #tpu.memory_space<vmem>>
      %dma_start3A_520 = arith.constant 0 : i32
      %dma_start3A_521 = arith.constant 0 : i32
      %dma_start3A_522 = tpu.memref_slice %dma_start3A_519[%dma_start3A_520, %dma_start3A_521] : memref<128x128xf32, #tpu.memory_space<vmem>> -> memref<64x128xf32, #tpu.memory_space<vmem>>
      %dma_start3A_523 = arith.constant 0 : i32
      %dma_start3A_524 = tpu.memref_slice %arg6[%add3A_512, %dma_start3A_523] : memref<80x128xi32, #tpu.memory_space<vmem>> -> memref<1x128xi32, #tpu.memory_space<vmem>>
      %dma_start3A_525 = tpu.memref_squeeze %dma_start3A_524 : memref<1x128xi32, #tpu.memory_space<vmem>> -> memref<128xi32, #tpu.memory_space<vmem>>
      %dma_start3A_526 = arith.constant 0 : i32
      %dma_start3A_527 = tpu.memref_slice %dma_start3A_525[%dma_start3A_526] : memref<128xi32, #tpu.memory_space<vmem>> -> memref<64xi32, #tpu.memory_space<vmem>>
      %dma_start3A_528 = arith.constant 0 : i32
      %dma_start3A_529 = arith.constant 0 : i32
      %dma_start3A_530 = tpu.memref_slice %arg2[%dma_start3A_528, %dma_start3A_529] : memref<10000x128xf32, #tpu.memory_space<hbm>> -> memref<10000x128xf32, #tpu.memory_space<hbm>>
      %dma_start3A_531 = arith.constant 0 : i32
      %dma_start3A_532 = tpu.memref_slice %arg10[%dma_start3A_514, %dma_start3A_531] : memref<2x2x!tpu.dma_semaphore, #tpu.memory_space<semaphore_mem>> -> memref<1x2x!tpu.dma_semaphore, #tpu.memory_space<semaphore_mem>>
      %dma_start3A_533 = tpu.memref_squeeze %dma_start3A_532 : memref<1x2x!tpu.dma_semaphore, #tpu.memory_space<semaphore_mem>> -> memref<2x!tpu.dma_semaphore, #tpu.memory_space<semaphore_mem>>
      %dma_start3A_534 = tpu.memref_slice %dma_start3A_533[%dma_start3A_515] : memref<2x!tpu.dma_semaphore, #tpu.memory_space<semaphore_mem>> -> memref<1x!tpu.dma_semaphore, #tpu.memory_space<semaphore_mem>>
      %dma_start3A_535 = tpu.memref_squeeze %dma_start3A_534 : memref<1x!tpu.dma_semaphore, #tpu.memory_space<semaphore_mem>> -> memref<!tpu.dma_semaphore, #tpu.memory_space<semaphore_mem>>
      tpu.enqueue_indirect_dma source(%dma_start3A_530 : memref<10000x128xf32, #tpu.memory_space<hbm>>) target(%dma_start3A_522 : memref<64x128xf32, #tpu.memory_space<vmem>>) offsets(%dma_start3A_527 : memref<64xi32, #tpu.memory_space<vmem>>) semaphore(%dma_start3A_535 : memref<!tpu.dma_semaphore, #tpu.memory_space<semaphore_mem>>)
      %dma_start3A_536 = arith.constant 0 : i32
      %dma_start3A_537 = arith.constant 0 : i32
      %dma_start3A_538 = arith.constant 1 : i32
      %dma_start3A_539 = arith.constant 0 : i32
      %dma_start3A_540 = arith.constant 0 : i32
      %dma_start3A_541 = tpu.memref_slice %arg8[%dma_start3A_536, %dma_start3A_539, %dma_start3A_540] : memref<2x128x128xf32, #tpu.memory_space<vmem>> -> memref<1x128x128xf32, #tpu.memory_space<vmem>>
      %dma_start3A_542 = tpu.memref_squeeze %dma_start3A_541 : memref<1x128x128xf32, #tpu.memory_space<vmem>> -> memref<128x128xf32, #tpu.memory_space<vmem>>
      %dma_start3A_543 = arith.constant 64 : i32
      %dma_start3A_544 = arith.constant 0 : i32
      %dma_start3A_545 = tpu.memref_slice %dma_start3A_542[%dma_start3A_543, %dma_start3A_544] : memref<128x128xf32, #tpu.memory_space<vmem>> -> memref<64x128xf32, #tpu.memory_space<vmem>>
      %dma_start3A_546 = arith.constant 0 : i32
      %dma_start3A_547 = tpu.memref_slice %arg6[%add3A_512, %dma_start3A_546] : memref<80x128xi32, #tpu.memory_space<vmem>> -> memref<1x128xi32, #tpu.memory_space<vmem>>
      %dma_start3A_548 = tpu.memref_squeeze %dma_start3A_547 : memref<1x128xi32, #tpu.memory_space<vmem>> -> memref<128xi32, #tpu.memory_space<vmem>>
      %dma_start3A_549 = arith.constant 64 : i32
      %dma_start3A_550 = tpu.memref_slice %dma_start3A_548[%dma_start3A_549] : memref<128xi32, #tpu.memory_space<vmem>> -> memref<64xi32, #tpu.memory_space<vmem>>
      %dma_start3A_551 = arith.constant 0 : i32
      %dma_start3A_552 = arith.constant 0 : i32
      %dma_start3A_553 = tpu.memref_slice %arg2[%dma_start3A_551, %dma_start3A_552] : memref<10000x128xf32, #tpu.memory_space<hbm>> -> memref<10000x128xf32, #tpu.memory_space<hbm>>
      %dma_start3A_554 = arith.constant 0 : i32
      %dma_start3A_555 = tpu.memref_slice %arg10[%dma_start3A_537, %dma_start3A_554] : memref<2x2x!tpu.dma_semaphore, #tpu.memory_space<semaphore_mem>> -> memref<1x2x!tpu.dma_semaphore, #tpu.memory_space<semaphore_mem>>
      %dma_start3A_556 = tpu.memref_squeeze %dma_start3A_555 : memref<1x2x!tpu.dma_semaphore, #tpu.memory_space<semaphore_mem>> -> memref<2x!tpu.dma_semaphore, #tpu.memory_space<semaphore_mem>>
      %dma_start3A_557 = tpu.memref_slice %dma_start3A_556[%dma_start3A_538] : memref<2x!tpu.dma_semaphore, #tpu.memory_space<semaphore_mem>> -> memref<1x!tpu.dma_semaphore, #tpu.memory_space<semaphore_mem>>
      %dma_start3A_558 = tpu.memref_squeeze %dma_start3A_557 : memref<1x!tpu.dma_semaphore, #tpu.memory_space<semaphore_mem>> -> memref<!tpu.dma_semaphore, #tpu.memory_space<semaphore_mem>>
      tpu.enqueue_indirect_dma source(%dma_start3A_553 : memref<10000x128xf32, #tpu.memory_space<hbm>>) target(%dma_start3A_545 : memref<64x128xf32, #tpu.memory_space<vmem>>) offsets(%dma_start3A_550 : memref<64xi32, #tpu.memory_space<vmem>>) semaphore(%dma_start3A_558 : memref<!tpu.dma_semaphore, #tpu.memory_space<semaphore_mem>>)
      %mul3A_559 = arith.constant 2 : i32
      %mul3A_560 = arith.muli %scan3A_454, %mul3A_559 : i32
      %add3A_561 = arith.constant 1 : i32
      %add3A_562 = arith.addi %mul3A_560, %add3A_561 : i32
      %dma_wait3A_563 = arith.constant 1 : i32
      %dma_wait3A_564 = arith.constant 1 : i32
      %dma_wait3A_565 = arith.constant 0 : i32
      %dma_wait3A_566 = arith.constant 0 : i32
      %dma_wait3A_567 = arith.constant 0 : i32
      %dma_wait3A_568 = tpu.memref_slice %arg8[%dma_wait3A_563, %dma_wait3A_566, %dma_wait3A_567] : memref<2x128x128xf32, #tpu.memory_space<vmem>> -> memref<1x128x128xf32, #tpu.memory_space<vmem>>
      %dma_wait3A_569 = tpu.memref_squeeze %dma_wait3A_568 : memref<1x128x128xf32, #tpu.memory_space<vmem>> -> memref<128x128xf32, #tpu.memory_space<vmem>>
      %dma_wait3A_570 = arith.constant 0 : i32
      %dma_wait3A_571 = arith.constant 0 : i32
      %dma_wait3A_572 = tpu.memref_slice %dma_wait3A_569[%dma_wait3A_570, %dma_wait3A_571] : memref<128x128xf32, #tpu.memory_space<vmem>> -> memref<64x128xf32, #tpu.memory_space<vmem>>
      %dma_wait3A_573 = arith.constant 0 : i32
      %dma_wait3A_574 = tpu.memref_slice %arg6[%add3A_562, %dma_wait3A_573] : memref<80x128xi32, #tpu.memory_space<vmem>> -> memref<1x128xi32, #tpu.memory_space<vmem>>
      %dma_wait3A_575 = tpu.memref_squeeze %dma_wait3A_574 : memref<1x128xi32, #tpu.memory_space<vmem>> -> memref<128xi32, #tpu.memory_space<vmem>>
      %dma_wait3A_576 = arith.constant 0 : i32
      %dma_wait3A_577 = tpu.memref_slice %dma_wait3A_575[%dma_wait3A_576] : memref<128xi32, #tpu.memory_space<vmem>> -> memref<64xi32, #tpu.memory_space<vmem>>
      %dma_wait3A_578 = arith.constant 0 : i32
      %dma_wait3A_579 = arith.constant 0 : i32
      %dma_wait3A_580 = tpu.memref_slice %arg2[%dma_wait3A_578, %dma_wait3A_579] : memref<10000x128xf32, #tpu.memory_space<hbm>> -> memref<10000x128xf32, #tpu.memory_space<hbm>>
      %dma_wait3A_581 = arith.constant 0 : i32
      %dma_wait3A_582 = tpu.memref_slice %arg10[%dma_wait3A_564, %dma_wait3A_581] : memref<2x2x!tpu.dma_semaphore, #tpu.memory_space<semaphore_mem>> -> memref<1x2x!tpu.dma_semaphore, #tpu.memory_space<semaphore_mem>>
      %dma_wait3A_583 = tpu.memref_squeeze %dma_wait3A_582 : memref<1x2x!tpu.dma_semaphore, #tpu.memory_space<semaphore_mem>> -> memref<2x!tpu.dma_semaphore, #tpu.memory_space<semaphore_mem>>
      %dma_wait3A_584 = tpu.memref_slice %dma_wait3A_583[%dma_wait3A_565] : memref<2x!tpu.dma_semaphore, #tpu.memory_space<semaphore_mem>> -> memref<1x!tpu.dma_semaphore, #tpu.memory_space<semaphore_mem>>
      %dma_wait3A_585 = tpu.memref_squeeze %dma_wait3A_584 : memref<1x!tpu.dma_semaphore, #tpu.memory_space<semaphore_mem>> -> memref<!tpu.dma_semaphore, #tpu.memory_space<semaphore_mem>>
      tpu.wait_indirect_dma semaphore(%dma_wait3A_585 : memref<!tpu.dma_semaphore, #tpu.memory_space<semaphore_mem>>) src(%dma_wait3A_580 : memref<10000x128xf32, #tpu.memory_space<hbm>>) dst(%dma_wait3A_572 : memref<64x128xf32, #tpu.memory_space<vmem>>)
      %dma_wait3A_586 = arith.constant 1 : i32
      %dma_wait3A_587 = arith.constant 1 : i32
      %dma_wait3A_588 = arith.constant 1 : i32
      %dma_wait3A_589 = arith.constant 0 : i32
      %dma_wait3A_590 = arith.constant 0 : i32
      %dma_wait3A_591 = tpu.memref_slice %arg8[%dma_wait3A_586, %dma_wait3A_589, %dma_wait3A_590] : memref<2x128x128xf32, #tpu.memory_space<vmem>> -> memref<1x128x128xf32, #tpu.memory_space<vmem>>
      %dma_wait3A_592 = tpu.memref_squeeze %dma_wait3A_591 : memref<1x128x128xf32, #tpu.memory_space<vmem>> -> memref<128x128xf32, #tpu.memory_space<vmem>>
      %dma_wait3A_593 = arith.constant 64 : i32
      %dma_wait3A_594 = arith.constant 0 : i32
      %dma_wait3A_595 = tpu.memref_slice %dma_wait3A_592[%dma_wait3A_593, %dma_wait3A_594] : memref<128x128xf32, #tpu.memory_space<vmem>> -> memref<64x128xf32, #tpu.memory_space<vmem>>
      %dma_wait3A_596 = arith.constant 0 : i32
      %dma_wait3A_597 = tpu.memref_slice %arg6[%add3A_562, %dma_wait3A_596] : memref<80x128xi32, #tpu.memory_space<vmem>> -> memref<1x128xi32, #tpu.memory_space<vmem>>
      %dma_wait3A_598 = tpu.memref_squeeze %dma_wait3A_597 : memref<1x128xi32, #tpu.memory_space<vmem>> -> memref<128xi32, #tpu.memory_space<vmem>>
      %dma_wait3A_599 = arith.constant 64 : i32
      %dma_wait3A_600 = tpu.memref_slice %dma_wait3A_598[%dma_wait3A_599] : memref<128xi32, #tpu.memory_space<vmem>> -> memref<64xi32, #tpu.memory_space<vmem>>
      %dma_wait3A_601 = arith.constant 0 : i32
      %dma_wait3A_602 = arith.constant 0 : i32
      %dma_wait3A_603 = tpu.memref_slice %arg2[%dma_wait3A_601, %dma_wait3A_602] : memref<10000x128xf32, #tpu.memory_space<hbm>> -> memref<10000x128xf32, #tpu.memory_space<hbm>>
      %dma_wait3A_604 = arith.constant 0 : i32
      %dma_wait3A_605 = tpu.memref_slice %arg10[%dma_wait3A_587, %dma_wait3A_604] : memref<2x2x!tpu.dma_semaphore, #tpu.memory_space<semaphore_mem>> -> memref<1x2x!tpu.dma_semaphore, #tpu.memory_space<semaphore_mem>>
      %dma_wait3A_606 = tpu.memref_squeeze %dma_wait3A_605 : memref<1x2x!tpu.dma_semaphore, #tpu.memory_space<semaphore_mem>> -> memref<2x!tpu.dma_semaphore, #tpu.memory_space<semaphore_mem>>
      %dma_wait3A_607 = tpu.memref_slice %dma_wait3A_606[%dma_wait3A_588] : memref<2x!tpu.dma_semaphore, #tpu.memory_space<semaphore_mem>> -> memref<1x!tpu.dma_semaphore, #tpu.memory_space<semaphore_mem>>
      %dma_wait3A_608 = tpu.memref_squeeze %dma_wait3A_607 : memref<1x!tpu.dma_semaphore, #tpu.memory_space<semaphore_mem>> -> memref<!tpu.dma_semaphore, #tpu.memory_space<semaphore_mem>>
      tpu.wait_indirect_dma semaphore(%dma_wait3A_608 : memref<!tpu.dma_semaphore, #tpu.memory_space<semaphore_mem>>) src(%dma_wait3A_603 : memref<10000x128xf32, #tpu.memory_space<hbm>>) dst(%dma_wait3A_595 : memref<64x128xf32, #tpu.memory_space<vmem>>)
      %rem3A_609 = arith.constant 40 : i32
      %rem3A_610 = arith.remsi %add3A_562, %rem3A_609 : i32
      %run_scoped3A_611 = arith.constant 1 : i32
      "tpu.region"() ({
        %run_scoped3A_661 = tpu.sem_alloc : memref<!tpu.dma_semaphore, #tpu.memory_space<semaphore_mem>>
        %dma_start3A_662 = arith.constant 0 : i32
        %dma_start3A_663 = arith.constant 0 : i32
        %dma_start3A_664 = tpu.memref_slice %arg8[%run_scoped3A_611, %dma_start3A_662, %dma_start3A_663] : memref<2x128x128xf32, #tpu.memory_space<vmem>> -> memref<1x128x128xf32, #tpu.memory_space<vmem>>
        %dma_start3A_665 = tpu.memref_squeeze %dma_start3A_664 : memref<1x128x128xf32, #tpu.memory_space<vmem>> -> memref<128x128xf32, #tpu.memory_space<vmem>>
        %dma_start3A_666 = arith.constant 0 : i32
        %dma_start3A_667 = tpu.memref_slice %arg7[%rem3A_610, %dma_start3A_666] : memref<40x128xi32, #tpu.memory_space<vmem>> -> memref<1x128xi32, #tpu.memory_space<vmem>>
        %dma_start3A_668 = tpu.memref_squeeze %dma_start3A_667 : memref<1x128xi32, #tpu.memory_space<vmem>> -> memref<128xi32, #tpu.memory_space<vmem>>
        %dma_start3A_669 = arith.constant 0 : i32
        %dma_start3A_670 = arith.constant 0 : i32
        %dma_start3A_671 = tpu.memref_slice %arg9[%dma_start3A_669, %dma_start3A_670] : memref<10240x128xf32, #tpu.memory_space<vmem_shared>> -> memref<10240x128xf32, #tpu.memory_space<vmem_shared>>
        tpu.enqueue_indirect_dma source(%dma_start3A_665 : memref<128x128xf32, #tpu.memory_space<vmem>>) target(%dma_start3A_671 : memref<10240x128xf32, #tpu.memory_space<vmem_shared>>) offsets(%dma_start3A_668 : memref<128xi32, #tpu.memory_space<vmem>>) semaphore(%run_scoped3A_661 : memref<!tpu.dma_semaphore, #tpu.memory_space<semaphore_mem>>) {add = true}
        %dma_wait3A_672 = arith.constant 0 : i32
        %dma_wait3A_673 = arith.constant 0 : i32
        %dma_wait3A_674 = tpu.memref_slice %arg8[%run_scoped3A_611, %dma_wait3A_672, %dma_wait3A_673] : memref<2x128x128xf32, #tpu.memory_space<vmem>> -> memref<1x128x128xf32, #tpu.memory_space<vmem>>
        %dma_wait3A_675 = tpu.memref_squeeze %dma_wait3A_674 : memref<1x128x128xf32, #tpu.memory_space<vmem>> -> memref<128x128xf32, #tpu.memory_space<vmem>>
        %dma_wait3A_676 = arith.constant 0 : i32
        %dma_wait3A_677 = tpu.memref_slice %arg7[%rem3A_610, %dma_wait3A_676] : memref<40x128xi32, #tpu.memory_space<vmem>> -> memref<1x128xi32, #tpu.memory_space<vmem>>
        %dma_wait3A_678 = tpu.memref_squeeze %dma_wait3A_677 : memref<1x128xi32, #tpu.memory_space<vmem>> -> memref<128xi32, #tpu.memory_space<vmem>>
        %dma_wait3A_679 = arith.constant 0 : i32
        %dma_wait3A_680 = arith.constant 0 : i32
        %dma_wait3A_681 = tpu.memref_slice %arg9[%dma_wait3A_679, %dma_wait3A_680] : memref<10240x128xf32, #tpu.memory_space<vmem_shared>> -> memref<10240x128xf32, #tpu.memory_space<vmem_shared>>
        tpu.wait_indirect_dma semaphore(%run_scoped3A_661 : memref<!tpu.dma_semaphore, #tpu.memory_space<semaphore_mem>>) src(%dma_wait3A_675 : memref<128x128xf32, #tpu.memory_space<vmem>>) dst(%dma_wait3A_681 : memref<10240x128xf32, #tpu.memory_space<vmem_shared>>)
        tpu.yield
      }) : () -> ()
      %add3A_612 = arith.constant 2 : i32
      %add3A_613 = arith.addi %add3A_562, %add3A_612 : i32
      %dma_start3A_614 = arith.constant 1 : i32
      %dma_start3A_615 = arith.constant 1 : i32
      %dma_start3A_616 = arith.constant 0 : i32
      %dma_start3A_617 = arith.constant 0 : i32
      %dma_start3A_618 = arith.constant 0 : i32
      %dma_start3A_619 = tpu.memref_slice %arg8[%dma_start3A_614, %dma_start3A_617, %dma_start3A_618] : memref<2x128x128xf32, #tpu.memory_space<vmem>> -> memref<1x128x128xf32, #tpu.memory_space<vmem>>
      %dma_start3A_620 = tpu.memref_squeeze %dma_start3A_619 : memref<1x128x128xf32, #tpu.memory_space<vmem>> -> memref<128x128xf32, #tpu.memory_space<vmem>>
      %dma_start3A_621 = arith.constant 0 : i32
      %dma_start3A_622 = arith.constant 0 : i32
      %dma_start3A_623 = tpu.memref_slice %dma_start3A_620[%dma_start3A_621, %dma_start3A_622] : memref<128x128xf32, #tpu.memory_space<vmem>> -> memref<64x128xf32, #tpu.memory_space<vmem>>
      %dma_start3A_624 = arith.constant 0 : i32
      %dma_start3A_625 = tpu.memref_slice %arg6[%add3A_613, %dma_start3A_624] : memref<80x128xi32, #tpu.memory_space<vmem>> -> memref<1x128xi32, #tpu.memory_space<vmem>>
      %dma_start3A_626 = tpu.memref_squeeze %dma_start3A_625 : memref<1x128xi32, #tpu.memory_space<vmem>> -> memref<128xi32, #tpu.memory_space<vmem>>
      %dma_start3A_627 = arith.constant 0 : i32
      %dma_start3A_628 = tpu.memref_slice %dma_start3A_626[%dma_start3A_627] : memref<128xi32, #tpu.memory_space<vmem>> -> memref<64xi32, #tpu.memory_space<vmem>>
      %dma_start3A_629 = arith.constant 0 : i32
      %dma_start3A_630 = arith.constant 0 : i32
      %dma_start3A_631 = tpu.memref_slice %arg2[%dma_start3A_629, %dma_start3A_630] : memref<10000x128xf32, #tpu.memory_space<hbm>> -> memref<10000x128xf32, #tpu.memory_space<hbm>>
      %dma_start3A_632 = arith.constant 0 : i32
      %dma_start3A_633 = tpu.memref_slice %arg10[%dma_start3A_615, %dma_start3A_632] : memref<2x2x!tpu.dma_semaphore, #tpu.memory_space<semaphore_mem>> -> memref<1x2x!tpu.dma_semaphore, #tpu.memory_space<semaphore_mem>>
      %dma_start3A_634 = tpu.memref_squeeze %dma_start3A_633 : memref<1x2x!tpu.dma_semaphore, #tpu.memory_space<semaphore_mem>> -> memref<2x!tpu.dma_semaphore, #tpu.memory_space<semaphore_mem>>
      %dma_start3A_635 = tpu.memref_slice %dma_start3A_634[%dma_start3A_616] : memref<2x!tpu.dma_semaphore, #tpu.memory_space<semaphore_mem>> -> memref<1x!tpu.dma_semaphore, #tpu.memory_space<semaphore_mem>>
      %dma_start3A_636 = tpu.memref_squeeze %dma_start3A_635 : memref<1x!tpu.dma_semaphore, #tpu.memory_space<semaphore_mem>> -> memref<!tpu.dma_semaphore, #tpu.memory_space<semaphore_mem>>
      tpu.enqueue_indirect_dma source(%dma_start3A_631 : memref<10000x128xf32, #tpu.memory_space<hbm>>) target(%dma_start3A_623 : memref<64x128xf32, #tpu.memory_space<vmem>>) offsets(%dma_start3A_628 : memref<64xi32, #tpu.memory_space<vmem>>) semaphore(%dma_start3A_636 : memref<!tpu.dma_semaphore, #tpu.memory_space<semaphore_mem>>)
      %dma_start3A_637 = arith.constant 1 : i32
      %dma_start3A_638 = arith.constant 1 : i32
      %dma_start3A_639 = arith.constant 1 : i32
      %dma_start3A_640 = arith.constant 0 : i32
      %dma_start3A_641 = arith.constant 0 : i32
      %dma_start3A_642 = tpu.memref_slice %arg8[%dma_start3A_637, %dma_start3A_640, %dma_start3A_641] : memref<2x128x128xf32, #tpu.memory_space<vmem>> -> memref<1x128x128xf32, #tpu.memory_space<vmem>>
      %dma_start3A_643 = tpu.memref_squeeze %dma_start3A_642 : memref<1x128x128xf32, #tpu.memory_space<vmem>> -> memref<128x128xf32, #tpu.memory_space<vmem>>
      %dma_start3A_644 = arith.constant 64 : i32
      %dma_start3A_645 = arith.constant 0 : i32
      %dma_start3A_646 = tpu.memref_slice %dma_start3A_643[%dma_start3A_644, %dma_start3A_645] : memref<128x128xf32, #tpu.memory_space<vmem>> -> memref<64x128xf32, #tpu.memory_space<vmem>>
      %dma_start3A_647 = arith.constant 0 : i32
      %dma_start3A_648 = tpu.memref_slice %arg6[%add3A_613, %dma_start3A_647] : memref<80x128xi32, #tpu.memory_space<vmem>> -> memref<1x128xi32, #tpu.memory_space<vmem>>
      %dma_start3A_649 = tpu.memref_squeeze %dma_start3A_648 : memref<1x128xi32, #tpu.memory_space<vmem>> -> memref<128xi32, #tpu.memory_space<vmem>>
      %dma_start3A_650 = arith.constant 64 : i32
      %dma_start3A_651 = tpu.memref_slice %dma_start3A_649[%dma_start3A_650] : memref<128xi32, #tpu.memory_space<vmem>> -> memref<64xi32, #tpu.memory_space<vmem>>
      %dma_start3A_652 = arith.constant 0 : i32
      %dma_start3A_653 = arith.constant 0 : i32
      %dma_start3A_654 = tpu.memref_slice %arg2[%dma_start3A_652, %dma_start3A_653] : memref<10000x128xf32, #tpu.memory_space<hbm>> -> memref<10000x128xf32, #tpu.memory_space<hbm>>
      %dma_start3A_655 = arith.constant 0 : i32
      %dma_start3A_656 = tpu.memref_slice %arg10[%dma_start3A_638, %dma_start3A_655] : memref<2x2x!tpu.dma_semaphore, #tpu.memory_space<semaphore_mem>> -> memref<1x2x!tpu.dma_semaphore, #tpu.memory_space<semaphore_mem>>
      %dma_start3A_657 = tpu.memref_squeeze %dma_start3A_656 : memref<1x2x!tpu.dma_semaphore, #tpu.memory_space<semaphore_mem>> -> memref<2x!tpu.dma_semaphore, #tpu.memory_space<semaphore_mem>>
      %dma_start3A_658 = tpu.memref_slice %dma_start3A_657[%dma_start3A_639] : memref<2x!tpu.dma_semaphore, #tpu.memory_space<semaphore_mem>> -> memref<1x!tpu.dma_semaphore, #tpu.memory_space<semaphore_mem>>
      %dma_start3A_659 = tpu.memref_squeeze %dma_start3A_658 : memref<1x!tpu.dma_semaphore, #tpu.memory_space<semaphore_mem>> -> memref<!tpu.dma_semaphore, #tpu.memory_space<semaphore_mem>>
      tpu.enqueue_indirect_dma source(%dma_start3A_654 : memref<10000x128xf32, #tpu.memory_space<hbm>>) target(%dma_start3A_646 : memref<64x128xf32, #tpu.memory_space<vmem>>) offsets(%dma_start3A_651 : memref<64xi32, #tpu.memory_space<vmem>>) semaphore(%dma_start3A_659 : memref<!tpu.dma_semaphore, #tpu.memory_space<semaphore_mem>>)
      %scan3A_660 = arith.constant 0 : i32
      scf.yield %scan3A_660 : i32
    }
    %scan3A_348 = arith.constant 39 : i32
    %dma_wait3A_349 = arith.constant 78 : i32
    %dma_wait3A_350 = arith.constant 0 : i32
    %dma_wait3A_351 = arith.constant 0 : i32
    %dma_wait3A_352 = arith.constant 0 : i32
    %dma_wait3A_353 = arith.constant 0 : i32
    %dma_wait3A_354 = arith.constant 0 : i32
    %dma_wait3A_355 = tpu.memref_slice %arg8[%dma_wait3A_350, %dma_wait3A_353, %dma_wait3A_354] : memref<2x128x128xf32, #tpu.memory_space<vmem>> -> memref<1x128x128xf32, #tpu.memory_space<vmem>>
    %dma_wait3A_356 = tpu.memref_squeeze %dma_wait3A_355 : memref<1x128x128xf32, #tpu.memory_space<vmem>> -> memref<128x128xf32, #tpu.memory_space<vmem>>
    %dma_wait3A_357 = arith.constant 0 : i32
    %dma_wait3A_358 = arith.constant 0 : i32
    %dma_wait3A_359 = tpu.memref_slice %dma_wait3A_356[%dma_wait3A_357, %dma_wait3A_358] : memref<128x128xf32, #tpu.memory_space<vmem>> -> memref<64x128xf32, #tpu.memory_space<vmem>>
    %dma_wait3A_360 = arith.constant 0 : i32
    %dma_wait3A_361 = tpu.memref_slice %arg6[%dma_wait3A_349, %dma_wait3A_360] : memref<80x128xi32, #tpu.memory_space<vmem>> -> memref<1x128xi32, #tpu.memory_space<vmem>>
    %dma_wait3A_362 = tpu.memref_squeeze %dma_wait3A_361 : memref<1x128xi32, #tpu.memory_space<vmem>> -> memref<128xi32, #tpu.memory_space<vmem>>
    %dma_wait3A_363 = arith.constant 0 : i32
    %dma_wait3A_364 = tpu.memref_slice %dma_wait3A_362[%dma_wait3A_363] : memref<128xi32, #tpu.memory_space<vmem>> -> memref<64xi32, #tpu.memory_space<vmem>>
    %dma_wait3A_365 = arith.constant 0 : i32
    %dma_wait3A_366 = arith.constant 0 : i32
    %dma_wait3A_367 = tpu.memref_slice %arg2[%dma_wait3A_365, %dma_wait3A_366] : memref<10000x128xf32, #tpu.memory_space<hbm>> -> memref<10000x128xf32, #tpu.memory_space<hbm>>
    %dma_wait3A_368 = arith.constant 0 : i32
    %dma_wait3A_369 = tpu.memref_slice %arg10[%dma_wait3A_351, %dma_wait3A_368] : memref<2x2x!tpu.dma_semaphore, #tpu.memory_space<semaphore_mem>> -> memref<1x2x!tpu.dma_semaphore, #tpu.memory_space<semaphore_mem>>
    %dma_wait3A_370 = tpu.memref_squeeze %dma_wait3A_369 : memref<1x2x!tpu.dma_semaphore, #tpu.memory_space<semaphore_mem>> -> memref<2x!tpu.dma_semaphore, #tpu.memory_space<semaphore_mem>>
    %dma_wait3A_371 = tpu.memref_slice %dma_wait3A_370[%dma_wait3A_352] : memref<2x!tpu.dma_semaphore, #tpu.memory_space<semaphore_mem>> -> memref<1x!tpu.dma_semaphore, #tpu.memory_space<semaphore_mem>>
    %dma_wait3A_372 = tpu.memref_squeeze %dma_wait3A_371 : memref<1x!tpu.dma_semaphore, #tpu.memory_space<semaphore_mem>> -> memref<!tpu.dma_semaphore, #tpu.memory_space<semaphore_mem>>
    tpu.wait_indirect_dma semaphore(%dma_wait3A_372 : memref<!tpu.dma_semaphore, #tpu.memory_space<semaphore_mem>>) src(%dma_wait3A_367 : memref<10000x128xf32, #tpu.memory_space<hbm>>) dst(%dma_wait3A_359 : memref<64x128xf32, #tpu.memory_space<vmem>>)
    %dma_wait3A_373 = arith.constant 78 : i32
    %dma_wait3A_374 = arith.constant 0 : i32
    %dma_wait3A_375 = arith.constant 0 : i32
    %dma_wait3A_376 = arith.constant 1 : i32
    %dma_wait3A_377 = arith.constant 0 : i32
    %dma_wait3A_378 = arith.constant 0 : i32
    %dma_wait3A_379 = tpu.memref_slice %arg8[%dma_wait3A_374, %dma_wait3A_377, %dma_wait3A_378] : memref<2x128x128xf32, #tpu.memory_space<vmem>> -> memref<1x128x128xf32, #tpu.memory_space<vmem>>
    %dma_wait3A_380 = tpu.memref_squeeze %dma_wait3A_379 : memref<1x128x128xf32, #tpu.memory_space<vmem>> -> memref<128x128xf32, #tpu.memory_space<vmem>>
    %dma_wait3A_381 = arith.constant 64 : i32
    %dma_wait3A_382 = arith.constant 0 : i32
    %dma_wait3A_383 = tpu.memref_slice %dma_wait3A_380[%dma_wait3A_381, %dma_wait3A_382] : memref<128x128xf32, #tpu.memory_space<vmem>> -> memref<64x128xf32, #tpu.memory_space<vmem>>
    %dma_wait3A_384 = arith.constant 0 : i32
    %dma_wait3A_385 = tpu.memref_slice %arg6[%dma_wait3A_373, %dma_wait3A_384] : memref<80x128xi32, #tpu.memory_space<vmem>> -> memref<1x128xi32, #tpu.memory_space<vmem>>
    %dma_wait3A_386 = tpu.memref_squeeze %dma_wait3A_385 : memref<1x128xi32, #tpu.memory_space<vmem>> -> memref<128xi32, #tpu.memory_space<vmem>>
    %dma_wait3A_387 = arith.constant 64 : i32
    %dma_wait3A_388 = tpu.memref_slice %dma_wait3A_386[%dma_wait3A_387] : memref<128xi32, #tpu.memory_space<vmem>> -> memref<64xi32, #tpu.memory_space<vmem>>
    %dma_wait3A_389 = arith.constant 0 : i32
    %dma_wait3A_390 = arith.constant 0 : i32
    %dma_wait3A_391 = tpu.memref_slice %arg2[%dma_wait3A_389, %dma_wait3A_390] : memref<10000x128xf32, #tpu.memory_space<hbm>> -> memref<10000x128xf32, #tpu.memory_space<hbm>>
    %dma_wait3A_392 = arith.constant 0 : i32
    %dma_wait3A_393 = tpu.memref_slice %arg10[%dma_wait3A_375, %dma_wait3A_392] : memref<2x2x!tpu.dma_semaphore, #tpu.memory_space<semaphore_mem>> -> memref<1x2x!tpu.dma_semaphore, #tpu.memory_space<semaphore_mem>>
    %dma_wait3A_394 = tpu.memref_squeeze %dma_wait3A_393 : memref<1x2x!tpu.dma_semaphore, #tpu.memory_space<semaphore_mem>> -> memref<2x!tpu.dma_semaphore, #tpu.memory_space<semaphore_mem>>
    %dma_wait3A_395 = tpu.memref_slice %dma_wait3A_394[%dma_wait3A_376] : memref<2x!tpu.dma_semaphore, #tpu.memory_space<semaphore_mem>> -> memref<1x!tpu.dma_semaphore, #tpu.memory_space<semaphore_mem>>
    %dma_wait3A_396 = tpu.memref_squeeze %dma_wait3A_395 : memref<1x!tpu.dma_semaphore, #tpu.memory_space<semaphore_mem>> -> memref<!tpu.dma_semaphore, #tpu.memory_space<semaphore_mem>>
    tpu.wait_indirect_dma semaphore(%dma_wait3A_396 : memref<!tpu.dma_semaphore, #tpu.memory_space<semaphore_mem>>) src(%dma_wait3A_391 : memref<10000x128xf32, #tpu.memory_space<hbm>>) dst(%dma_wait3A_383 : memref<64x128xf32, #tpu.memory_space<vmem>>)
    %rem3A = arith.constant 78 : i32
    %rem3A_397 = arith.constant 40 : i32
    %rem3A_398 = arith.remsi %rem3A, %rem3A_397 : i32
    %run_scoped3A = arith.constant 0 : i32
    "tpu.region"() ({
      %run_scoped3A_454 = tpu.sem_alloc : memref<!tpu.dma_semaphore, #tpu.memory_space<semaphore_mem>>
      %dma_start3A_455 = arith.constant 0 : i32
      %dma_start3A_456 = arith.constant 0 : i32
      %dma_start3A_457 = tpu.memref_slice %arg8[%run_scoped3A, %dma_start3A_455, %dma_start3A_456] : memref<2x128x128xf32, #tpu.memory_space<vmem>> -> memref<1x128x128xf32, #tpu.memory_space<vmem>>
      %dma_start3A_458 = tpu.memref_squeeze %dma_start3A_457 : memref<1x128x128xf32, #tpu.memory_space<vmem>> -> memref<128x128xf32, #tpu.memory_space<vmem>>
      %dma_start3A_459 = arith.constant 0 : i32
      %dma_start3A_460 = tpu.memref_slice %arg7[%rem3A_398, %dma_start3A_459] : memref<40x128xi32, #tpu.memory_space<vmem>> -> memref<1x128xi32, #tpu.memory_space<vmem>>
      %dma_start3A_461 = tpu.memref_squeeze %dma_start3A_460 : memref<1x128xi32, #tpu.memory_space<vmem>> -> memref<128xi32, #tpu.memory_space<vmem>>
      %dma_start3A_462 = arith.constant 0 : i32
      %dma_start3A_463 = arith.constant 0 : i32
      %dma_start3A_464 = tpu.memref_slice %arg9[%dma_start3A_462, %dma_start3A_463] : memref<10240x128xf32, #tpu.memory_space<vmem_shared>> -> memref<10240x128xf32, #tpu.memory_space<vmem_shared>>
      tpu.enqueue_indirect_dma source(%dma_start3A_458 : memref<128x128xf32, #tpu.memory_space<vmem>>) target(%dma_start3A_464 : memref<10240x128xf32, #tpu.memory_space<vmem_shared>>) offsets(%dma_start3A_461 : memref<128xi32, #tpu.memory_space<vmem>>) semaphore(%run_scoped3A_454 : memref<!tpu.dma_semaphore, #tpu.memory_space<semaphore_mem>>) {add = true}
      %dma_wait3A_465 = arith.constant 0 : i32
      %dma_wait3A_466 = arith.constant 0 : i32
      %dma_wait3A_467 = tpu.memref_slice %arg8[%run_scoped3A, %dma_wait3A_465, %dma_wait3A_466] : memref<2x128x128xf32, #tpu.memory_space<vmem>> -> memref<1x128x128xf32, #tpu.memory_space<vmem>>
      %dma_wait3A_468 = tpu.memref_squeeze %dma_wait3A_467 : memref<1x128x128xf32, #tpu.memory_space<vmem>> -> memref<128x128xf32, #tpu.memory_space<vmem>>
      %dma_wait3A_469 = arith.constant 0 : i32
      %dma_wait3A_470 = tpu.memref_slice %arg7[%rem3A_398, %dma_wait3A_469] : memref<40x128xi32, #tpu.memory_space<vmem>> -> memref<1x128xi32, #tpu.memory_space<vmem>>
      %dma_wait3A_471 = tpu.memref_squeeze %dma_wait3A_470 : memref<1x128xi32, #tpu.memory_space<vmem>> -> memref<128xi32, #tpu.memory_space<vmem>>
      %dma_wait3A_472 = arith.constant 0 : i32
      %dma_wait3A_473 = arith.constant 0 : i32
      %dma_wait3A_474 = tpu.memref_slice %arg9[%dma_wait3A_472, %dma_wait3A_473] : memref<10240x128xf32, #tpu.memory_space<vmem_shared>> -> memref<10240x128xf32, #tpu.memory_space<vmem_shared>>
      tpu.wait_indirect_dma semaphore(%run_scoped3A_454 : memref<!tpu.dma_semaphore, #tpu.memory_space<semaphore_mem>>) src(%dma_wait3A_468 : memref<128x128xf32, #tpu.memory_space<vmem>>) dst(%dma_wait3A_474 : memref<10240x128xf32, #tpu.memory_space<vmem_shared>>)
      tpu.yield
    }) : () -> ()
    %dma_wait3A_399 = arith.constant 79 : i32
    %dma_wait3A_400 = arith.constant 1 : i32
    %dma_wait3A_401 = arith.constant 1 : i32
    %dma_wait3A_402 = arith.constant 0 : i32
    %dma_wait3A_403 = arith.constant 0 : i32
    %dma_wait3A_404 = arith.constant 0 : i32
    %dma_wait3A_405 = tpu.memref_slice %arg8[%dma_wait3A_400, %dma_wait3A_403, %dma_wait3A_404] : memref<2x128x128xf32, #tpu.memory_space<vmem>> -> memref<1x128x128xf32, #tpu.memory_space<vmem>>
    %dma_wait3A_406 = tpu.memref_squeeze %dma_wait3A_405 : memref<1x128x128xf32, #tpu.memory_space<vmem>> -> memref<128x128xf32, #tpu.memory_space<vmem>>
    %dma_wait3A_407 = arith.constant 0 : i32
    %dma_wait3A_408 = arith.constant 0 : i32
    %dma_wait3A_409 = tpu.memref_slice %dma_wait3A_406[%dma_wait3A_407, %dma_wait3A_408] : memref<128x128xf32, #tpu.memory_space<vmem>> -> memref<64x128xf32, #tpu.memory_space<vmem>>
    %dma_wait3A_410 = arith.constant 0 : i32
    %dma_wait3A_411 = tpu.memref_slice %arg6[%dma_wait3A_399, %dma_wait3A_410] : memref<80x128xi32, #tpu.memory_space<vmem>> -> memref<1x128xi32, #tpu.memory_space<vmem>>
    %dma_wait3A_412 = tpu.memref_squeeze %dma_wait3A_411 : memref<1x128xi32, #tpu.memory_space<vmem>> -> memref<128xi32, #tpu.memory_space<vmem>>
    %dma_wait3A_413 = arith.constant 0 : i32
    %dma_wait3A_414 = tpu.memref_slice %dma_wait3A_412[%dma_wait3A_413] : memref<128xi32, #tpu.memory_space<vmem>> -> memref<64xi32, #tpu.memory_space<vmem>>
    %dma_wait3A_415 = arith.constant 0 : i32
    %dma_wait3A_416 = arith.constant 0 : i32
    %dma_wait3A_417 = tpu.memref_slice %arg2[%dma_wait3A_415, %dma_wait3A_416] : memref<10000x128xf32, #tpu.memory_space<hbm>> -> memref<10000x128xf32, #tpu.memory_space<hbm>>
    %dma_wait3A_418 = arith.constant 0 : i32
    %dma_wait3A_419 = tpu.memref_slice %arg10[%dma_wait3A_401, %dma_wait3A_418] : memref<2x2x!tpu.dma_semaphore, #tpu.memory_space<semaphore_mem>> -> memref<1x2x!tpu.dma_semaphore, #tpu.memory_space<semaphore_mem>>
    %dma_wait3A_420 = tpu.memref_squeeze %dma_wait3A_419 : memref<1x2x!tpu.dma_semaphore, #tpu.memory_space<semaphore_mem>> -> memref<2x!tpu.dma_semaphore, #tpu.memory_space<semaphore_mem>>
    %dma_wait3A_421 = tpu.memref_slice %dma_wait3A_420[%dma_wait3A_402] : memref<2x!tpu.dma_semaphore, #tpu.memory_space<semaphore_mem>> -> memref<1x!tpu.dma_semaphore, #tpu.memory_space<semaphore_mem>>
    %dma_wait3A_422 = tpu.memref_squeeze %dma_wait3A_421 : memref<1x!tpu.dma_semaphore, #tpu.memory_space<semaphore_mem>> -> memref<!tpu.dma_semaphore, #tpu.memory_space<semaphore_mem>>
    tpu.wait_indirect_dma semaphore(%dma_wait3A_422 : memref<!tpu.dma_semaphore, #tpu.memory_space<semaphore_mem>>) src(%dma_wait3A_417 : memref<10000x128xf32, #tpu.memory_space<hbm>>) dst(%dma_wait3A_409 : memref<64x128xf32, #tpu.memory_space<vmem>>)
    %dma_wait3A_423 = arith.constant 79 : i32
    %dma_wait3A_424 = arith.constant 1 : i32
    %dma_wait3A_425 = arith.constant 1 : i32
    %dma_wait3A_426 = arith.constant 1 : i32
    %dma_wait3A_427 = arith.constant 0 : i32
    %dma_wait3A_428 = arith.constant 0 : i32
    %dma_wait3A_429 = tpu.memref_slice %arg8[%dma_wait3A_424, %dma_wait3A_427, %dma_wait3A_428] : memref<2x128x128xf32, #tpu.memory_space<vmem>> -> memref<1x128x128xf32, #tpu.memory_space<vmem>>
    %dma_wait3A_430 = tpu.memref_squeeze %dma_wait3A_429 : memref<1x128x128xf32, #tpu.memory_space<vmem>> -> memref<128x128xf32, #tpu.memory_space<vmem>>
    %dma_wait3A_431 = arith.constant 64 : i32
    %dma_wait3A_432 = arith.constant 0 : i32
    %dma_wait3A_433 = tpu.memref_slice %dma_wait3A_430[%dma_wait3A_431, %dma_wait3A_432] : memref<128x128xf32, #tpu.memory_space<vmem>> -> memref<64x128xf32, #tpu.memory_space<vmem>>
    %dma_wait3A_434 = arith.constant 0 : i32
    %dma_wait3A_435 = tpu.memref_slice %arg6[%dma_wait3A_423, %dma_wait3A_434] : memref<80x128xi32, #tpu.memory_space<vmem>> -> memref<1x128xi32, #tpu.memory_space<vmem>>
    %dma_wait3A_436 = tpu.memref_squeeze %dma_wait3A_435 : memref<1x128xi32, #tpu.memory_space<vmem>> -> memref<128xi32, #tpu.memory_space<vmem>>
    %dma_wait3A_437 = arith.constant 64 : i32
    %dma_wait3A_438 = tpu.memref_slice %dma_wait3A_436[%dma_wait3A_437] : memref<128xi32, #tpu.memory_space<vmem>> -> memref<64xi32, #tpu.memory_space<vmem>>
    %dma_wait3A_439 = arith.constant 0 : i32
    %dma_wait3A_440 = arith.constant 0 : i32
    %dma_wait3A_441 = tpu.memref_slice %arg2[%dma_wait3A_439, %dma_wait3A_440] : memref<10000x128xf32, #tpu.memory_space<hbm>> -> memref<10000x128xf32, #tpu.memory_space<hbm>>
    %dma_wait3A_442 = arith.constant 0 : i32
    %dma_wait3A_443 = tpu.memref_slice %arg10[%dma_wait3A_425, %dma_wait3A_442] : memref<2x2x!tpu.dma_semaphore, #tpu.memory_space<semaphore_mem>> -> memref<1x2x!tpu.dma_semaphore, #tpu.memory_space<semaphore_mem>>
    %dma_wait3A_444 = tpu.memref_squeeze %dma_wait3A_443 : memref<1x2x!tpu.dma_semaphore, #tpu.memory_space<semaphore_mem>> -> memref<2x!tpu.dma_semaphore, #tpu.memory_space<semaphore_mem>>
    %dma_wait3A_445 = tpu.memref_slice %dma_wait3A_444[%dma_wait3A_426] : memref<2x!tpu.dma_semaphore, #tpu.memory_space<semaphore_mem>> -> memref<1x!tpu.dma_semaphore, #tpu.memory_space<semaphore_mem>>
    %dma_wait3A_446 = tpu.memref_squeeze %dma_wait3A_445 : memref<1x!tpu.dma_semaphore, #tpu.memory_space<semaphore_mem>> -> memref<!tpu.dma_semaphore, #tpu.memory_space<semaphore_mem>>
    tpu.wait_indirect_dma semaphore(%dma_wait3A_446 : memref<!tpu.dma_semaphore, #tpu.memory_space<semaphore_mem>>) src(%dma_wait3A_441 : memref<10000x128xf32, #tpu.memory_space<hbm>>) dst(%dma_wait3A_433 : memref<64x128xf32, #tpu.memory_space<vmem>>)
    %rem3A_447 = arith.constant 79 : i32
    %rem3A_448 = arith.constant 40 : i32
    %rem3A_449 = arith.remsi %rem3A_447, %rem3A_448 : i32
    %run_scoped3A_450 = arith.constant 1 : i32
    "tpu.region"() ({
      %run_scoped3A_454 = tpu.sem_alloc : memref<!tpu.dma_semaphore, #tpu.memory_space<semaphore_mem>>
      %dma_start3A_455 = arith.constant 0 : i32
      %dma_start3A_456 = arith.constant 0 : i32
      %dma_start3A_457 = tpu.memref_slice %arg8[%run_scoped3A_450, %dma_start3A_455, %dma_start3A_456] : memref<2x128x128xf32, #tpu.memory_space<vmem>> -> memref<1x128x128xf32, #tpu.memory_space<vmem>>
      %dma_start3A_458 = tpu.memref_squeeze %dma_start3A_457 : memref<1x128x128xf32, #tpu.memory_space<vmem>> -> memref<128x128xf32, #tpu.memory_space<vmem>>
      %dma_start3A_459 = arith.constant 0 : i32
      %dma_start3A_460 = tpu.memref_slice %arg7[%rem3A_449, %dma_start3A_459] : memref<40x128xi32, #tpu.memory_space<vmem>> -> memref<1x128xi32, #tpu.memory_space<vmem>>
      %dma_start3A_461 = tpu.memref_squeeze %dma_start3A_460 : memref<1x128xi32, #tpu.memory_space<vmem>> -> memref<128xi32, #tpu.memory_space<vmem>>
      %dma_start3A_462 = arith.constant 0 : i32
      %dma_start3A_463 = arith.constant 0 : i32
      %dma_start3A_464 = tpu.memref_slice %arg9[%dma_start3A_462, %dma_start3A_463] : memref<10240x128xf32, #tpu.memory_space<vmem_shared>> -> memref<10240x128xf32, #tpu.memory_space<vmem_shared>>
      tpu.enqueue_indirect_dma source(%dma_start3A_458 : memref<128x128xf32, #tpu.memory_space<vmem>>) target(%dma_start3A_464 : memref<10240x128xf32, #tpu.memory_space<vmem_shared>>) offsets(%dma_start3A_461 : memref<128xi32, #tpu.memory_space<vmem>>) semaphore(%run_scoped3A_454 : memref<!tpu.dma_semaphore, #tpu.memory_space<semaphore_mem>>) {add = true}
      %dma_wait3A_465 = arith.constant 0 : i32
      %dma_wait3A_466 = arith.constant 0 : i32
      %dma_wait3A_467 = tpu.memref_slice %arg8[%run_scoped3A_450, %dma_wait3A_465, %dma_wait3A_466] : memref<2x128x128xf32, #tpu.memory_space<vmem>> -> memref<1x128x128xf32, #tpu.memory_space<vmem>>
      %dma_wait3A_468 = tpu.memref_squeeze %dma_wait3A_467 : memref<1x128x128xf32, #tpu.memory_space<vmem>> -> memref<128x128xf32, #tpu.memory_space<vmem>>
      %dma_wait3A_469 = arith.constant 0 : i32
      %dma_wait3A_470 = tpu.memref_slice %arg7[%rem3A_449, %dma_wait3A_469] : memref<40x128xi32, #tpu.memory_space<vmem>> -> memref<1x128xi32, #tpu.memory_space<vmem>>
      %dma_wait3A_471 = tpu.memref_squeeze %dma_wait3A_470 : memref<1x128xi32, #tpu.memory_space<vmem>> -> memref<128xi32, #tpu.memory_space<vmem>>
      %dma_wait3A_472 = arith.constant 0 : i32
      %dma_wait3A_473 = arith.constant 0 : i32
      %dma_wait3A_474 = tpu.memref_slice %arg9[%dma_wait3A_472, %dma_wait3A_473] : memref<10240x128xf32, #tpu.memory_space<vmem_shared>> -> memref<10240x128xf32, #tpu.memory_space<vmem_shared>>
      tpu.wait_indirect_dma semaphore(%run_scoped3A_454 : memref<!tpu.dma_semaphore, #tpu.memory_space<semaphore_mem>>) src(%dma_wait3A_468 : memref<128x128xf32, #tpu.memory_space<vmem>>) dst(%dma_wait3A_474 : memref<10240x128xf32, #tpu.memory_space<vmem_shared>>)
      tpu.yield
    }) : () -> ()
    %barrier3A_451 = arith.constant 0 : index
    tpu.barrier barrier_id(%barrier3A_451)
    %mul3A_452 = arith.constant 640 : i32
    %mul3A_453 = arith.muli %arg1, %mul3A_452 : i32
    "tpu.region"() ({
      %run_scoped3A_454 = tpu.sem_alloc : memref<!tpu.dma_semaphore, #tpu.memory_space<semaphore_mem>>
      %dma_start3A_455 = arith.constant 0 : i32
      %dma_start3A_456 = arith.constant 0 : i32
      %dma_start3A_457 = tpu.memref_slice %arg5[%arg0, %dma_start3A_455, %dma_start3A_456] : memref<2x10240x128xf32, #tpu.memory_space<hbm>> -> memref<1x10240x128xf32, #tpu.memory_space<hbm>>
      %dma_start3A_458 = tpu.memref_squeeze %dma_start3A_457 : memref<1x10240x128xf32, #tpu.memory_space<hbm>> -> memref<10240x128xf32, #tpu.memory_space<hbm>>
      %dma_start3A_459 = arith.constant 0 : i32
      %dma_start3A_460 = tpu.memref_slice %dma_start3A_458[%mul3A_453, %dma_start3A_459] : memref<10240x128xf32, #tpu.memory_space<hbm>> -> memref<640x128xf32, #tpu.memory_space<hbm>>
      %dma_start3A_461 = arith.constant 0 : i32
      %dma_start3A_462 = tpu.memref_slice %arg9[%mul3A_453, %dma_start3A_461] : memref<10240x128xf32, #tpu.memory_space<vmem_shared>> -> memref<640x128xf32, #tpu.memory_space<vmem_shared>>
      tpu.enqueue_dma source(%dma_start3A_462 : memref<640x128xf32, #tpu.memory_space<vmem_shared>>) target(%dma_start3A_460 : memref<640x128xf32, #tpu.memory_space<hbm>>) target_semaphore(%run_scoped3A_454 : memref<!tpu.dma_semaphore, #tpu.memory_space<semaphore_mem>>)
      %dma_wait3A_463 = arith.constant 0 : i32
      %dma_wait3A_464 = arith.constant 0 : i32
      %dma_wait3A_465 = tpu.memref_slice %arg5[%arg0, %dma_wait3A_463, %dma_wait3A_464] : memref<2x10240x128xf32, #tpu.memory_space<hbm>> -> memref<1x10240x128xf32, #tpu.memory_space<hbm>>
      %dma_wait3A_466 = tpu.memref_squeeze %dma_wait3A_465 : memref<1x10240x128xf32, #tpu.memory_space<hbm>> -> memref<10240x128xf32, #tpu.memory_space<hbm>>
      %dma_wait3A_467 = arith.constant 0 : i32
      %dma_wait3A_468 = tpu.memref_slice %dma_wait3A_466[%mul3A_453, %dma_wait3A_467] : memref<10240x128xf32, #tpu.memory_space<hbm>> -> memref<640x128xf32, #tpu.memory_space<hbm>>
      %dma_wait3A_469 = arith.constant 0 : i32
      %dma_wait3A_470 = tpu.memref_slice %arg9[%mul3A_453, %dma_wait3A_469] : memref<10240x128xf32, #tpu.memory_space<vmem_shared>> -> memref<640x128xf32, #tpu.memory_space<vmem_shared>>
      tpu.wait_dma2 semaphore(%run_scoped3A_454 : memref<!tpu.dma_semaphore, #tpu.memory_space<semaphore_mem>>) src(%dma_wait3A_470 : memref<640x128xf32, #tpu.memory_space<vmem_shared>>) dst(%dma_wait3A_468 : memref<640x128xf32, #tpu.memory_space<hbm>>)
      tpu.yield
    }) : () -> ()
    return
  }
}

module attributes {stable_mosaic.version = 14 : i64} {
  func.func @_mlp_body(%arg0: i32, %arg1: memref<1000x128xf32, #tpu.memory_space<vmem>>, %arg2: memref<2x1000x128xf32, #tpu.memory_space<vmem>>, %arg3: memref<128x128xf32, #tpu.memory_space<vmem>>, %arg4: memref<1x128xf32, #tpu.memory_space<vmem>>, %arg5: memref<128x128xf32, #tpu.memory_space<vmem>>, %arg6: memref<1x128xf32, #tpu.memory_space<vmem>>, %arg7: memref<1000x128xf32, #tpu.memory_space<vmem>>) attributes {dimension_semantics = [#tpu.dimension_semantics<arbitrary>], iteration_bounds = array<i64: 10>, scalar_prefetch = 0 : i64, scratch_operands = 0 : i64, tpu.core_type = #tpu.core_type<tc>, window_params = [{transform_indices = @transform_0, window_bounds = array<i64: 1000, 128>}, {transform_indices = @transform_1, window_bounds = array<i64: 2, 1000, 128>}, {pipeline_mode = #tpu.pipeline_mode<synchronous>, transform_indices = @transform_2, window_bounds = array<i64: 128, 128>}, {pipeline_mode = #tpu.pipeline_mode<synchronous>, transform_indices = @transform_3, window_bounds = array<i64: 1, 128>}, {pipeline_mode = #tpu.pipeline_mode<synchronous>, transform_indices = @transform_4, window_bounds = array<i64: 128, 128>}, {pipeline_mode = #tpu.pipeline_mode<synchronous>, transform_indices = @transform_5, window_bounds = array<i64: 1, 128>}, {transform_indices = @transform_6, window_bounds = array<i64: 1000, 128>}]} {
    %get3A = arith.constant 0 : index
    %get3A_0 = arith.constant 0 : index
    %get3A_1 = vector.load %arg1[%get3A, %get3A_0] : memref<1000x128xf32, #tpu.memory_space<vmem>>, vector<1000x128xf32>
    %get3A_2 = arith.constant 0 : index
    %get3A_3 = arith.constant 0 : index
    %get3A_4 = arith.constant 0 : index
    %get3A_5 = vector.load %arg2[%get3A_2, %get3A_3, %get3A_4] : memref<2x1000x128xf32, #tpu.memory_space<vmem>>, vector<1x1000x128xf32>
    %get3A_6 = vector.shape_cast %get3A_5 : vector<1x1000x128xf32> to vector<1000x128xf32>
    %add3A = arith.addf %get3A_1, %get3A_6 : vector<1000x128xf32>
    %get3A_7 = arith.constant 1 : index
    %get3A_8 = arith.constant 0 : index
    %get3A_9 = arith.constant 0 : index
    %get3A_10 = vector.load %arg2[%get3A_7, %get3A_8, %get3A_9] : memref<2x1000x128xf32, #tpu.memory_space<vmem>>, vector<1x1000x128xf32>
    %get3A_11 = vector.shape_cast %get3A_10 : vector<1x1000x128xf32> to vector<1000x128xf32>
    %add3A_12 = arith.addf %add3A, %get3A_11 : vector<1000x128xf32>
    %get3A_13 = arith.constant 0 : index
    %get3A_14 = arith.constant 0 : index
    %get3A_15 = vector.load %arg3[%get3A_13, %get3A_14] : memref<128x128xf32, #tpu.memory_space<vmem>>, vector<128x128xf32>
    %dot_general3A = arith.constant dense<0.000000e+00> : vector<1000x128xf32>
    %dot_general3A_16 = tpu.matmul %add3A_12, %get3A_15, %dot_general3A {dimension_numbers = #tpu.dot_dimension_numbers<[1], [0], [0], [1], [0, 0, 1, 1], [], []>, transpose_lhs_hint = false} : vector<1000x128xf32>, vector<128x128xf32>, vector<1000x128xf32> -> vector<1000x128xf32>
    %get3A_17 = arith.constant 0 : index
    %get3A_18 = arith.constant 0 : index
    %get3A_19 = vector.load %arg4[%get3A_17, %get3A_18] : memref<1x128xf32, #tpu.memory_space<vmem>>, vector<1x128xf32>
    %add3A_20 = vector.broadcast %get3A_19 : vector<1x128xf32> to vector<1000x128xf32>
    %add3A_21 = arith.addf %dot_general3A_16, %add3A_20 : vector<1000x128xf32>
    %max3A = arith.constant 0.000000e+00 : f32
    %max3A_22 = vector.broadcast %max3A : f32 to vector<1000x128xf32>
    %max3A_23 = arith.maximumf %add3A_21, %max3A_22 : vector<1000x128xf32>
    %get3A_24 = arith.constant 0 : index
    %get3A_25 = arith.constant 0 : index
    %get3A_26 = vector.load %arg5[%get3A_24, %get3A_25] : memref<128x128xf32, #tpu.memory_space<vmem>>, vector<128x128xf32>
    %dot_general3A_27 = arith.constant dense<0.000000e+00> : vector<1000x128xf32>
    %dot_general3A_28 = tpu.matmul %max3A_23, %get3A_26, %dot_general3A_27 {dimension_numbers = #tpu.dot_dimension_numbers<[1], [0], [0], [1], [0, 0, 1, 1], [], []>, transpose_lhs_hint = false} : vector<1000x128xf32>, vector<128x128xf32>, vector<1000x128xf32> -> vector<1000x128xf32>
    %get3A_29 = arith.constant 0 : index
    %get3A_30 = arith.constant 0 : index
    %get3A_31 = vector.load %arg6[%get3A_29, %get3A_30] : memref<1x128xf32, #tpu.memory_space<vmem>>, vector<1x128xf32>
    %add3A_32 = vector.broadcast %get3A_31 : vector<1x128xf32> to vector<1000x128xf32>
    %add3A_33 = arith.addf %dot_general3A_28, %add3A_32 : vector<1000x128xf32>
    %max3A_34 = arith.constant 0.000000e+00 : f32
    %max3A_35 = vector.broadcast %max3A_34 : f32 to vector<1000x128xf32>
    %max3A_36 = arith.maximumf %add3A_33, %max3A_35 : vector<1000x128xf32>
    %swap3A = arith.constant 0 : index
    %swap3A_37 = arith.constant 0 : index
    %swap3A_38 = vector.load %arg7[%swap3A, %swap3A_37] : memref<1000x128xf32, #tpu.memory_space<vmem>>, vector<1000x128xf32>
    tpu.vector_store %arg7[%swap3A, %swap3A_37], %max3A_36 {strides = array<i32>} : memref<1000x128xf32, #tpu.memory_space<vmem>>, vector<1000x128xf32>,
    return
  }
  func.func @transform_0(%arg0: i32) -> (i32, i32) {
    %c0_i32 = arith.constant 0 : i32
    %c0_i32_0 = arith.constant 0 : i32
    return %arg0, %c0_i32 : i32, i32
  }
  func.func @transform_1(%arg0: i32) -> (i32, i32, i32) {
    %c0_i32 = arith.constant 0 : i32
    %c0_i32_0 = arith.constant 0 : i32
    %c0_i32_1 = arith.constant 0 : i32
    return %c0_i32, %arg0, %c0_i32_0 : i32, i32, i32
  }
  func.func @transform_2(%arg0: i32) -> (i32, i32) {
    %c0_i32 = arith.constant 0 : i32
    %c0_i32_0 = arith.constant 0 : i32
    %c0_i32_1 = arith.constant 0 : i32
    return %c0_i32, %c0_i32_0 : i32, i32
  }
  func.func @transform_3(%arg0: i32) -> (i32, i32) {
    %c0_i32 = arith.constant 0 : i32
    %c0_i32_0 = arith.constant 0 : i32
    %c0_i32_1 = arith.constant 0 : i32
    return %c0_i32, %c0_i32_0 : i32, i32
  }
  func.func @transform_4(%arg0: i32) -> (i32, i32) {
    %c0_i32 = arith.constant 0 : i32
    %c0_i32_0 = arith.constant 0 : i32
    %c0_i32_1 = arith.constant 0 : i32
    return %c0_i32, %c0_i32_0 : i32, i32
  }
  func.func @transform_5(%arg0: i32) -> (i32, i32) {
    %c0_i32 = arith.constant 0 : i32
    %c0_i32_0 = arith.constant 0 : i32
    %c0_i32_1 = arith.constant 0 : i32
    return %c0_i32, %c0_i32_0 : i32, i32
  }
  func.func @transform_6(%arg0: i32) -> (i32, i32) {
    %c0_i32 = arith.constant 0 : i32
    %c0_i32_0 = arith.constant 0 : i32
    return %arg0, %c0_i32 : i32, i32
  }
}

module attributes {stable_mosaic.version = 14 : i64} {
  func.func @_pool_body(%arg0: i32, %arg1: memref<1000x128xf32, #tpu.memory_space<vmem>>, %arg2: memref<1x1x1000xi32, #tpu.memory_space<vmem>>, %arg3: memref<128x128xf32, #tpu.memory_space<vmem>>, %arg4: memref<1x128xf32, #tpu.memory_space<vmem>>, %arg5: memref<128x128xf32, #tpu.memory_space<vmem>>, %arg6: memref<1x128xf32, #tpu.memory_space<vmem>>, %arg7: memref<128x128xf32, #tpu.memory_space<vmem>>, %arg8: memref<128x128xf32, #tpu.memory_space<vmem>>) attributes {dimension_semantics = [#tpu.dimension_semantics<arbitrary>], iteration_bounds = array<i64: 10>, scalar_prefetch = 0 : i64, scratch_operands = 1 : i64, tpu.core_type = #tpu.core_type<tc>, window_params = [{transform_indices = @transform_0, window_bounds = array<i64: 1000, 128>}, {transform_indices = @transform_1, window_bounds = array<i64: 1, 1, 1000>}, {pipeline_mode = #tpu.pipeline_mode<synchronous>, transform_indices = @transform_2, window_bounds = array<i64: 128, 128>}, {pipeline_mode = #tpu.pipeline_mode<synchronous>, transform_indices = @transform_3, window_bounds = array<i64: 1, 128>}, {pipeline_mode = #tpu.pipeline_mode<synchronous>, transform_indices = @transform_4, window_bounds = array<i64: 128, 128>}, {pipeline_mode = #tpu.pipeline_mode<synchronous>, transform_indices = @transform_5, window_bounds = array<i64: 1, 128>}, {pipeline_mode = #tpu.pipeline_mode<synchronous>, transform_indices = @transform_6, window_bounds = array<i64: 128, 128>}]} {
    %eq3A = arith.constant 0 : i32
    %eq3A_0 = arith.cmpi eq, %arg0, %eq3A : i32
    %convert_element_type3A = arith.extui %eq3A_0 : i1 to i32
    %cond3A = arith.constant 0 : i32
    %cond3A_1 = arith.cmpi ne, %convert_element_type3A, %cond3A : i32
    scf.if %cond3A_1 {
      %broadcast_in_dim3A_24 = arith.constant 0.000000e+00 : f32
      %broadcast_in_dim3A_25 = vector.broadcast %broadcast_in_dim3A_24 : f32 to vector<128x128xf32>
      %swap3A_26 = arith.constant 0 : index
      %swap3A_27 = arith.constant 0 : index
      %swap3A_28 = vector.load %arg8[%swap3A_26, %swap3A_27] : memref<128x128xf32, #tpu.memory_space<vmem>>, vector<128x128xf32>
      tpu.vector_store %arg8[%swap3A_26, %swap3A_27], %broadcast_in_dim3A_25 {strides = array<i32>} : memref<128x128xf32, #tpu.memory_space<vmem>>, vector<128x128xf32>,
    } else {
    }
    %get3A = arith.constant 0 : index
    %get3A_2 = arith.constant 0 : index
    %get3A_3 = arith.constant 0 : index
    %get3A_4 = vector.load %arg2[%get3A, %get3A_2, %get3A_3] : memref<1x1x1000xi32, #tpu.memory_space<vmem>>, vector<1x1x1000xi32>
    %get3A_5 = vector.shape_cast %get3A_4 : vector<1x1x1000xi32> to vector<1000xi32>
    %iota3A = tpu.iota {dimensions = array<i32: 0>} : vector<128x1000xi32>
    %broadcast_in_dim3A = vector.shape_cast %get3A_5 : vector<1000xi32> to vector<1x1000xi32>
    %eq3A_6 = vector.broadcast %broadcast_in_dim3A : vector<1x1000xi32> to vector<128x1000xi32>
    %eq3A_7 = arith.cmpi eq, %eq3A_6, %iota3A : vector<128x1000xi32>
    %convert_element_type3A_8 = arith.extui %eq3A_7 : vector<128x1000xi1> to vector<128x1000xi32>
    %convert_element_type3A_9 = arith.sitofp %convert_element_type3A_8 : vector<128x1000xi32> to vector<128x1000xf32>
    %get3A_10 = arith.constant 0 : index
    %get3A_11 = arith.constant 0 : index
    %get3A_12 = vector.load %arg8[%get3A_10, %get3A_11] : memref<128x128xf32, #tpu.memory_space<vmem>>, vector<128x128xf32>
    %get3A_13 = arith.constant 0 : index
    %get3A_14 = arith.constant 0 : index
    %get3A_15 = vector.load %arg1[%get3A_13, %get3A_14] : memref<1000x128xf32, #tpu.memory_space<vmem>>, vector<1000x128xf32>
    %dot_general3A = arith.constant dense<0.000000e+00> : vector<128x128xf32>
    %dot_general3A_16 = tpu.matmul %convert_element_type3A_9, %get3A_15, %dot_general3A {dimension_numbers = #tpu.dot_dimension_numbers<[1], [0], [0], [1], [0, 0, 1, 1], [], []>, transpose_lhs_hint = false} : vector<128x1000xf32>, vector<1000x128xf32>, vector<128x128xf32> -> vector<128x128xf32>
    %add3A = arith.addf %get3A_12, %dot_general3A_16 : vector<128x128xf32>
    %swap3A = arith.constant 0 : index
    %swap3A_17 = arith.constant 0 : index
    %swap3A_18 = vector.load %arg8[%swap3A, %swap3A_17] : memref<128x128xf32, #tpu.memory_space<vmem>>, vector<128x128xf32>
    tpu.vector_store %arg8[%swap3A, %swap3A_17], %add3A {strides = array<i32>} : memref<128x128xf32, #tpu.memory_space<vmem>>, vector<128x128xf32>,
    %eq3A_19 = arith.constant 9 : i32
    %eq3A_20 = arith.cmpi eq, %arg0, %eq3A_19 : i32
    %convert_element_type3A_21 = arith.extui %eq3A_20 : i1 to i32
    %cond3A_22 = arith.constant 0 : i32
    %cond3A_23 = arith.cmpi ne, %convert_element_type3A_21, %cond3A_22 : i32
    scf.if %cond3A_23 {
      %get3A_24 = arith.constant 0 : index
      %get3A_25 = arith.constant 0 : index
      %get3A_26 = vector.load %arg8[%get3A_24, %get3A_25] : memref<128x128xf32, #tpu.memory_space<vmem>>, vector<128x128xf32>
      %get3A_27 = arith.constant 0 : index
      %get3A_28 = arith.constant 0 : index
      %get3A_29 = vector.load %arg3[%get3A_27, %get3A_28] : memref<128x128xf32, #tpu.memory_space<vmem>>, vector<128x128xf32>
      %dot_general3A_30 = arith.constant dense<0.000000e+00> : vector<128x128xf32>
      %dot_general3A_31 = tpu.matmul %get3A_26, %get3A_29, %dot_general3A_30 {dimension_numbers = #tpu.dot_dimension_numbers<[1], [0], [0], [1], [0, 0, 1, 1], [], []>, transpose_lhs_hint = false} : vector<128x128xf32>, vector<128x128xf32>, vector<128x128xf32> -> vector<128x128xf32>
      %get3A_32 = arith.constant 0 : index
      %get3A_33 = arith.constant 0 : index
      %get3A_34 = vector.load %arg4[%get3A_32, %get3A_33] : memref<1x128xf32, #tpu.memory_space<vmem>>, vector<1x128xf32>
      %add3A_35 = vector.broadcast %get3A_34 : vector<1x128xf32> to vector<128x128xf32>
      %add3A_36 = arith.addf %dot_general3A_31, %add3A_35 : vector<128x128xf32>
      %max3A = arith.constant 0.000000e+00 : f32
      %max3A_37 = vector.broadcast %max3A : f32 to vector<128x128xf32>
      %max3A_38 = arith.maximumf %add3A_36, %max3A_37 : vector<128x128xf32>
      %get3A_39 = arith.constant 0 : index
      %get3A_40 = arith.constant 0 : index
      %get3A_41 = vector.load %arg5[%get3A_39, %get3A_40] : memref<128x128xf32, #tpu.memory_space<vmem>>, vector<128x128xf32>
      %dot_general3A_42 = arith.constant dense<0.000000e+00> : vector<128x128xf32>
      %dot_general3A_43 = tpu.matmul %max3A_38, %get3A_41, %dot_general3A_42 {dimension_numbers = #tpu.dot_dimension_numbers<[1], [0], [0], [1], [0, 0, 1, 1], [], []>, transpose_lhs_hint = false} : vector<128x128xf32>, vector<128x128xf32>, vector<128x128xf32> -> vector<128x128xf32>
      %get3A_44 = arith.constant 0 : index
      %get3A_45 = arith.constant 0 : index
      %get3A_46 = vector.load %arg6[%get3A_44, %get3A_45] : memref<1x128xf32, #tpu.memory_space<vmem>>, vector<1x128xf32>
      %add3A_47 = vector.broadcast %get3A_46 : vector<1x128xf32> to vector<128x128xf32>
      %add3A_48 = arith.addf %dot_general3A_43, %add3A_47 : vector<128x128xf32>
      %reduce_max3A = arith.constant dense<0xFF800000> : vector<128xf32>
      %reduce_max3A_49 = vector.multi_reduction <maximumf>, %add3A_48, %reduce_max3A [1] : vector<128x128xf32> to vector<128xf32>
      %broadcast_in_dim3A_50 = vector.shape_cast %reduce_max3A_49 : vector<128xf32> to vector<128x1xf32>
      %sub3A = vector.broadcast %broadcast_in_dim3A_50 : vector<128x1xf32> to vector<128x128xf32>
      %sub3A_51 = arith.subf %add3A_48, %sub3A : vector<128x128xf32>
      %exp3A = math.exp %sub3A_51 : vector<128x128xf32>
      %reduce_sum3A = arith.constant dense<0.000000e+00> : vector<128xf32>
      %reduce_sum3A_52 = vector.multi_reduction <add>, %exp3A, %reduce_sum3A [1] : vector<128x128xf32> to vector<128xf32>
      %broadcast_in_dim3A_53 = vector.shape_cast %reduce_sum3A_52 : vector<128xf32> to vector<128x1xf32>
      %log3A = math.log %broadcast_in_dim3A_53 : vector<128x1xf32>
      %add3A_54 = arith.addf %log3A, %broadcast_in_dim3A_50 : vector<128x1xf32>
      %sub3A_55 = vector.broadcast %add3A_54 : vector<128x1xf32> to vector<128x128xf32>
      %sub3A_56 = arith.subf %add3A_48, %sub3A_55 : vector<128x128xf32>
      %swap3A_57 = arith.constant 0 : index
      %swap3A_58 = arith.constant 0 : index
      %swap3A_59 = vector.load %arg7[%swap3A_57, %swap3A_58] : memref<128x128xf32, #tpu.memory_space<vmem>>, vector<128x128xf32>
      tpu.vector_store %arg7[%swap3A_57, %swap3A_58], %sub3A_56 {strides = array<i32>} : memref<128x128xf32, #tpu.memory_space<vmem>>, vector<128x128xf32>,
    } else {
    }
    return
  }
  func.func @transform_0(%arg0: i32) -> (i32, i32) {
    %c0_i32 = arith.constant 0 : i32
    %c0_i32_0 = arith.constant 0 : i32
    return %arg0, %c0_i32 : i32, i32
  }
  func.func @transform_1(%arg0: i32) -> (i32, i32, i32) {
    %c0_i32 = arith.constant 0 : i32
    %c0_i32_0 = arith.constant 0 : i32
    %c0_i32_1 = arith.constant 0 : i32
    return %arg0, %c0_i32, %c0_i32_0 : i32, i32, i32
  }
  func.func @transform_2(%arg0: i32) -> (i32, i32) {
    %c0_i32 = arith.constant 0 : i32
    %c0_i32_0 = arith.constant 0 : i32
    %c0_i32_1 = arith.constant 0 : i32
    return %c0_i32, %c0_i32_0 : i32, i32
  }
  func.func @transform_3(%arg0: i32) -> (i32, i32) {
    %c0_i32 = arith.constant 0 : i32
    %c0_i32_0 = arith.constant 0 : i32
    %c0_i32_1 = arith.constant 0 : i32
    return %c0_i32, %c0_i32_0 : i32, i32
  }
  func.func @transform_4(%arg0: i32) -> (i32, i32) {
    %c0_i32 = arith.constant 0 : i32
    %c0_i32_0 = arith.constant 0 : i32
    %c0_i32_1 = arith.constant 0 : i32
    return %c0_i32, %c0_i32_0 : i32, i32
  }
  func.func @transform_5(%arg0: i32) -> (i32, i32) {
    %c0_i32 = arith.constant 0 : i32
    %c0_i32_0 = arith.constant 0 : i32
    %c0_i32_1 = arith.constant 0 : i32
    return %c0_i32, %c0_i32_0 : i32, i32
  }
  func.func @transform_6(%arg0: i32) -> (i32, i32) {
    %c0_i32 = arith.constant 0 : i32
    %c0_i32_0 = arith.constant 0 : i32
    %c0_i32_1 = arith.constant 0 : i32
    return %c0_i32, %c0_i32_0 : i32, i32
  }
}

</mosaic_0001>

<sc_bundles>
// kernel: kernel.12.cloned.1.call-start
scs
__scs_entry_jumppad:
0x0: {  	(pc) =	sbr.rel $0x88, $3  }
0x1: {  	(tag) =	ssettag $0x0;
	lr =	simm.s32 $0x1  }
0x2: {  	[smem:$0x3F8E] =	sst lr;
	_ =	strace $0xD0000000  }
0x3: {  	_ = 	snop  }
0x4: {  	_ = 	snop  }
0x5: {  	_ = 	snop  }
0x6: {  	_ = 	snop  }
0x7: {  	_ = 	snop  }
__scs_overlays_trampoline_lowered:
0x8: {  	[smem:$0x3F9D] =	sst s0  }
0x9: {  	[smem:$0x3F9E] =	sst s1  }
0xa: {  	[smem:$0x3F9F] =	sst s2  }
0xb: {  	[smem:$0x3FA0] =	sst s3  }
0xc: {  	[smem:$0x3FA1] =	sst s4  }
0xd: {  	[smem:$0x3FA2] =	sst s5  }
0xe: {  	[smem:$0x3FA3] =	sst s6  }
0xf: {  	[smem:$0x3FA4] =	sst s7  }
0x10: {  	[smem:$0x3FA5] =	sst s8  }
0x11: {  	[smem:$0x3FA6] =	sst s9;
	s0 =	simm.s32 @!p0 $0x0  }
0x12: {  	s1 =	sld [smem:$0x3F8C];
	s0 =	simm.s32 @p0 $0x1  }
0x13: {  	[smem:$0x3FA7] =	sst s0;
	s0 =	simm.s32 @!p1 $0x0  }
0x14: {  	s2 =	sld [smem:$0x3F8B];
	s0 =	simm.s32 @p1 $0x1  }
0x15: {  	[smem:$0x3FA8] =	sst s0;
	s0 =	simm.s32 @!p2 $0x0  }
0x16: {  	s3 =	sld [smem:$0x3FDB];
	s0 =	simm.s32 @p2 $0x1  }
0x17: {  	s4 =	simm.s32 $0x1BF5;
	[smem:$0x3FAA] =	sst s0  }
0x18: {  	s0 =	sld [smem:$0x3F8D];
	_ =	swait.ge [sflag:s4], $0x0  }
0x19: {  	s7 =	sld [smem:$0x3F8E]  }
0x1a: {  	s8 =	sadd.s32 $0xFFFFE003, lr  }
0x1b: {  	s9 =	sadd.s32 $0xFFFFFEF7, lr;
	s5 =	simm.s32 $0xFFFFFFFF;
	p2 =	slt.u32 s8, $0xFFFFF086  }
0x1c: {  	p1 =	slt.u32 s9, $0xF7A;
	s5 =	simm.s32 @!p2 $0x0  }
0x1d: {  	s5 =	simm.s32 @p1 $0x1;
	p0 =	seq.s32 s7, s2  }
0x1e: {  	s7 =	smul.u32 @!p0 $0xF7A, s2;
	p2 =	seq.s32 @!p0 s5, $0x0  }
0x1f: {  	s9 =	smul.u32 $0xF7A, s1;
	s8 =	simm.s32 @!p0 $0x1BF5;
	p2 =	por !p2, p0  }
0x20: {  	[sflag:s8] =	ssyncset.s32 @!p0 $0xFFFFF086;
	s6 =	sadd.s32 @!p0 s3, s7;
	s7 =	simm.s32 @!p0 $0x108  }
0x21: {  	s3 =	sadd.s32 s3, s9;
	s6 =	sadd.s32 @!p0 $0x88, s6;
	s7 =	simm.s32 @p2 $0x1082  }
0x22: {  	[simem:s7], [sflag:s8] =	dma.local @!p0 [hbm:s6], $0xF7A  }
0x23: {  	s9 =	sor.u32 $0xD0000000, s2;
	s6 =	simm.s32 $0x108;
	_ =	swait.ge @!p0 [sflag:s8], $0x0  }
0x24: {  	s3 =	sadd.s32 $0x88, s3;
	s6 =	simm.s32 @!p1 $0x1082;
	[sflag:s4] =	ssyncset.s32 $0xFFFFF086  }
0x25: {  	[simem:s6], [sflag:s4] =	dma.local [hbm:s3], $0xF7A  }
0x26: {  	[smem:$0x3F8E] =	sst s1;
	(tag) =	ssettag s2;
	_ =	strace s9  }
0x27: {  	s1 =	sld [smem:$0x3F9E]  }
0x28: {  	s2 =	sld [smem:$0x3F9F]  }
0x29: {  	s4 =	sld [smem:$0x3FA1]  }
0x2a: {  	p0 =	seq.s32 s5, $0x0;
	s5 =	sld [smem:$0x3FA2]  }
0x2b: {  	s6 =	sld [smem:$0x3FA3]  }
0x2c: {  	s7 =	sld [smem:$0x3FA4]  }
0x2d: {  	s3 =	simm.s32 $0x108;
	s8 =	sld [smem:$0x3FA5]  }
0x2e: {  	s3 =	simm.s32 @!p0 $0x1082;
	s9 =	sld [smem:$0x3FA6]  }
0x2f: {  	lr =	sadd.s32 s0, s3;
	s0 =	sld [smem:$0x3F9D]  }
0x30: {  	s3 =	sld [smem:$0x3FA0]  }
0x31: {  	[smem:$0x3FA9] =	sst s10  }
0x32: {  	s10 =	sld [smem:$0x3FA7];
	_ =	sdelay $0x3  }
0x33: {  	p0 =	seq.s32 s10, $0x1;
	s10 =	sld [smem:$0x3FA9];
	_ =	sdelay $0x3  }
0x34: {  	[smem:$0x3FA9] =	sst s10  }
0x35: {  	s10 =	sld [smem:$0x3FA8];
	_ =	sdelay $0x3  }
0x36: {  	p1 =	seq.s32 s10, $0x1;
	s10 =	sld [smem:$0x3FA9];
	_ =	sdelay $0x3  }
0x37: {  	[smem:$0x3FA9] =	sst s10  }
0x38: {  	s10 =	sld [smem:$0x3FAA]  }
0x39: {  	_ = 	snop;
	(pc) =	sbr.ind lr, $3  }
0x3a: {  	_ = 	snop  }
0x3b: {  	_ = 	snop  }
0x3c: {  	p2 =	seq.s32 s10, $0x1;
	s10 =	sld [smem:$0x3FA9]  }
0x3d: {  	_ =	shalt  }
0x3e: {  	_ =	shalt  }
0x3f: {  	_ =	shalt  }
0x40: {  	_ =	shalt  }
0x41: {  	_ =	shalt  }
0x42: {  	_ =	shalt  }
0x43: {  	_ =	shalt  }
0x44: {  	_ =	shalt  }
0x45: {  	_ =	shalt  }
0x46: {  	_ =	shalt  }
0x47: {  	_ =	shalt  }
0x48: {  	_ =	shalt  }
0x49: {  	_ =	shalt  }
0x4a: {  	_ =	shalt  }
0x4b: {  	_ =	shalt  }
0x4c: {  	_ =	shalt  }
0x4d: {  	_ =	shalt  }
0x4e: {  	_ =	shalt  }
0x4f: {  	_ =	shalt  }
0x50: {  	_ =	shalt  }
0x51: {  	_ =	shalt  }
0x52: {  	_ =	shalt  }
0x53: {  	_ =	shalt  }
0x54: {  	_ =	shalt  }
0x55: {  	_ =	shalt  }
0x56: {  	_ =	shalt  }
0x57: {  	_ =	shalt  }
0x58: {  	_ =	shalt  }
0x59: {  	_ =	shalt  }
0x5a: {  	_ =	shalt  }
0x5b: {  	_ =	shalt  }
0x5c: {  	_ =	shalt  }
0x5d: {  	_ =	shalt  }
0x5e: {  	_ =	shalt  }
0x5f: {  	_ =	shalt  }
0x60: {  	_ =	shalt  }
0x61: {  	_ =	shalt  }
0x62: {  	_ =	shalt  }
0x63: {  	_ =	shalt  }
0x64: {  	_ =	shalt  }
0x65: {  	_ =	shalt  }
0x66: {  	_ =	shalt  }
0x67: {  	_ =	shalt  }
0x68: {  	_ =	shalt  }
0x69: {  	_ =	shalt  }
0x6a: {  	_ =	shalt  }
0x6b: {  	_ =	shalt  }
0x6c: {  	_ =	shalt  }
0x6d: {  	_ =	shalt  }
0x6e: {  	_ =	shalt  }
0x6f: {  	_ =	shalt  }
0x70: {  	_ =	shalt  }
0x71: {  	_ =	shalt  }
0x72: {  	_ =	shalt  }
0x73: {  	_ =	shalt  }
0x74: {  	_ =	shalt  }
0x75: {  	_ =	shalt  }
0x76: {  	_ =	shalt  }
0x77: {  	_ =	shalt  }
0x78: {  	_ =	shalt  }
0x79: {  	_ =	shalt  }
0x7a: {  	_ =	shalt  }
0x7b: {  	_ =	shalt  }
0x7c: {  	_ =	shalt  }
0x7d: {  	_ =	shalt  }
0x7e: {  	_ =	shalt  }
0x7f: {  	_ =	shalt  }
0x80: {  	_ =	shalt  }
0x81: {  	_ =	shalt  }
0x82: {  	_ =	shalt  }
0x83: {  	_ =	shalt  }
0x84: {  	_ =	shalt  }
0x85: {  	_ =	shalt  }
0x86: {  	_ =	shalt  }
0x87: {  	_ =	shalt  }
.Lfunc_end0:
.L_simem_size_0:
called_computation.1_lowered:
.L_overlay_start_0:
0x88: {  	s2 =	sld [smem:$0x3FD9]  }
0x89: {  	s3 =	sld [smem:$0x3FFE];
	_ =	sdelay $0x1  }
0x8a: {  	s1 =	srdreg.scid  }
0x8b: {  	s0 =	sand.u32 $0x1, s1  }
0x8c: {  	s16 =	sshll.u32 s0, $0xA;
	s2 =	sadd.s32 s3, s2  }
0x8d: {  	s2 =	sadd.s32 s2, s16  }
0x8e: {  	[smem:$0x3FB5] =	sst s2  }
0x8f: {  	_ = 	snop  }
0x90: {  	(tm) =	ssettm $0x1  }
0x91: {  	s17 =	sld [smem:$0x3FFB];
	_ =	sdelay $0x3  }
0x92: {  	_ =	strace s17  }
0x93: {  	s2 =	sld [smem:$0x3FFC];
	_ =	sdelay $0x3  }
0x94: {  	_ =	strace s2  }
0x95: {  	s2 =	sld [smem:$0x3FFD];
	_ =	sdelay $0x3  }
0x96: {  	_ =	strace s2  }
0x97: {  	_ =	strace $0x8FFFFFFF  }
0x98: {  	s18 =	sld [smem:$0x3FDB];
	_ =	sdelay $0x1  }
0x99: {  	s19 =	simm.s32 $_scs_section_size  }
0x9a: {  	s4 =	simm.s32 $_size__tile_overlayer_lowered;
	s5 =	simm.s32 $_tile_overlayer_lowered  }
0x9b: {  	s22 =	simm.s32 $0x1BFF;
	s21 =	sshll.u32 s5, $0x1;
	s2 =	sadd.s32 s19, s18  }
0x9c: {  	s6 =	simm.s32 $0x0;
	s20 =	sshll.u32 s4, $0x1;
	s4 =	sadd.s32 s21, s2  }
0x9d: {  	[timem:s6], [sflag:s22] =	dma.local [hbm:s4], s20  }
0x9e: {  	_ =	swait.ge [sflag:s22], s20  }
0x9f: {  	s3 =	ssub.s32 $0x0, s20;
	[sflag:s22] =	ssyncset.done $0x0  }
0xa0: {  	[sflag:s22] =	ssyncadd.s32 s3;
	_ =	sdelay $0x1  }
0xa1: {  	s23 =	simm.s32 $0x1B8B  }
0xa2: {  	_ =	swait.ge [sflag:s23], $0x1  }
0xa3: {  	[sflag:s23] =	ssyncset.done $0x0  }
0xa4: {  	s25 =	simm.s32 $0x1B8E;
	s24 =	sld [smem:$0x3FFE];
	[sflag:s23] =	ssyncadd.s32 $0xFFFFFFFF  }
0xa5: {  	s26 =	simm.s32 $execute0_lowered;
	[smem:$0x3FD2] =	sst s25  }
0xa6: {  	s4 =	sshll.u32 s26, $0x1;
	_ =	strace $0x80000049;
	[dreg:$0x1] =	wrdreg $0xFFFFFFFF  }
0xa7: {  	s28 =	simm.s32 $_size_execute0_lowered;
	s2 =	sadd.s32 s2, s4;
	[dreg:$0x0] =	wrdreg $0x0  }
0xa8: {  	s4 =	sshll.u32 s28, $0x1;
	[dreg:$0x2] =	wrdreg s2  }
0xa9: {  	[dreg:$0x3] =	wrdreg s4  }
0xaa: {  	[dreg:$0x4] =	wrdreg $0xC0  }
0xab: {  	_ =	task [dreg:s6], $0x5FFFF  }
0xac: {  	[dreg:$0x1] =	wrdreg $0xFFFFFFFF  }
0xad: {  	[dreg:$0x0] =	wrdreg $0x60  }
0xae: {  	[dreg:$0x2] =	wrdreg s24  }
0xaf: {  	[dreg:$0x3] =	wrdreg $0xBC000  }
0xb0: {  	[dreg:$0x4] =	wrdreg $0x9  }
0xb1: {  	_ =	task.clear_ibuf [dreg:s6], $0x5FFFF;
	_ =	strace $0x90000049  }
0xb2: {  	s29 =	simm.s32 $0x9;
	_ =	strace $0x8000004B  }
0xb3: {  	_ =	swait.ge [sflag:s29], $0x1  }
0xb4: {  	[sflag:s29] =	ssyncadd.s32 $0xFFFFFFFF  }
0xb5: {  	_ =	strace $0x9000004B  }
0xb6: {  	_ =	sfence  }
0xb7: {  	s30 =	sld [smem:$0x0];
	_ =	sdelay $0x2  }
0xb8: {  	s31 =	sshll.u32 s1, $0xD;
	s1 =	sshrl.u32 s1, $0x2  }
0xb9: {  	s3 =	sand.u32 $0x4000, s31;
	s1 =	sadd.s32 s1, s30  }
0xba: {  	s0 =	sor.u32 s3, s0;
	s1 =	sshll.u32 s1, $0x11  }
0xbb: {  	s0 =	sor.u32 s1, s0  }
0xbc: {  	s0 =	sadd.s32 $0x8F2B, s0  }
0xbd: {  	[sflag:s0] =	ssyncadd.remote.s32 $0x1  }
0xbe: {  	_ =	sfence.sel $0xFFFF  }
0xbf: {  	[dreg:$0x0] =	wrdreg $0xFFFFFFFF;
	(pc) =	sbr.abs _section_cstart, $3  }
0xc0: {  	[dreg:$0x1] =	wrdreg $0xFFFFFFFF  }
0xc1: {  	_ =	task.clear_ibuf [dreg:s6], $0x2FFFF;
	_ =	strace $0x9FFFFFFF  }
0xc2: {  	(tm) =	ssettm $0x7FFFFFFF  }
0xc3: {  	_ =	shalt  }
tec
execute0_lowered:
.L_overlay_start_1:
0x0: {  	(tag) =	ssettag $0x1  }
0x1: {  	s0 =	srdreg.scid;
	s1 =	rddreg [dreg:$0x0]  }
0x2: {  	s12 =	stileid.u32;
	s2 =	rddreg [dreg:$0x1]  }
0x3: {  	s25 =	simm.s32 $0x0;
	s13 =	simm.s32 $0x5;
	s15 =	simm.s32 $0x40  }
0x4: {  	s16 =	simm.s32 $0x80;
	s17 =	simm.s32 $0x7C00;
	s19 =	simm.s32 $0x9C00  }
0x5: {  	s20 =	simm.s32 $0x3C00;
	s21 =	simm.s32 $0x5C00;
	s22 =	simm.s32 $0x1  }
0x6: {  	s23 =	simm.s32 $0x2;
	s30 =	simm.s32 $0x0;
	s0 =	sand.u32 $0x1, s0  }
0x7: {  	s3 =	sshll.u32 s12, $0x1;
	[smem:$0x7FF] =	sst s25;
	s7 =	smul.u32 $0x50000, s12  }
0x8: {  	s14 =	smul.u32 $0x2800, s12;
	s25 =	simm.s32 $0x3;
	s4 =	sor.u32 s0, s3  }
0x9: {  	s6 =	smul.u32 $0x28000, s0;
	_ =	strace $0x8000004A;
	s0 =	ssub.s32 $0x2, s0  }
0xa: {  	s5 =	smul.u32 $0x500, s4;
	s4 =	sadd.s32 $0x17E00, s1;
	s26 =	sshrl.u32 s0, $0x1  }
0xb: {  	s28 =	sshrl.u32 s7, $0x2;
	s0 =	ssub.s32 s0, s26;
	s26 =	simm.s32 $0x4  }
0xc: {  	s8 =	sadd.s32 s5, s1;
	s1 =	sadd.s32 s6, s1;
	s6 =	sadd.s32 s28, s2  }
0xd: {  	s12 =	smax.u32 s0, $0x1;
	s29 =	sadd.s32 $0x3E00, s8;
	s7 =	sadd.s32 $0xDE00, s8  }
0xe: {  	s8 =	sadd.s32 $0x4000, s6;
	s9 =	sadd.s32 $0x8000, s6;
	s10 =	sadd.s32 $0xC000, s6  }
0xf: {  	s1 =	sadd.s32 $0x3F000, s1;
	[dreg:$0x4] =	wrdreg s29;
	s31 =	sadd.s32 $0x280, s7  }
0x10: {  	v0 =	vimm.f32 $0.0e+00;
	s11 =	sadd.s32 $0x10000, s6;
	s24 =	sadd.s32 s14, s1;
	[dreg:$0x3] =	wrdreg s31  }
.LBB2_1:
0x11: {  	s0 =	simm.s32 $0x0;
	s1 =	rddreg [dreg:$0x4]  }
0x12: {  	[tilespmem:s0], [sflag:$0x5] =	stream.linear.gather [hbm4b:s1+s0], $0x2800, $0x38;
	[tilespmem:$0x1FC00] =	vst v63  }
0x13: {  	_ =	swait.ge [sflag:s13], $0x2800  }
0x14: {  	[sflag:s13] =	ssyncset.done $0x0  }
0x15: {  	s29 =	simm.s32 $0x2800;
	[sflag:s13] =	ssyncadd.s32 $0xFFFFD800  }
0x16: {  	[tilespmem:s29], [sflag:$0x5] =	stream.linear.gather [hbm4b:s7+s0], $0x1400, $0x38;
	[tilespmem:$0x1FC00] =	vst v63  }
0x17: {  	_ =	swait.ge [sflag:s13], $0x1400  }
0x18: {  	[sflag:s13] =	ssyncset.done $0x0  }
0x19: {  	[sflag:s13] =	ssyncadd.s32 $0xFFFFEC00  }
0x1a: {  	[tilespmem:s17], [sflag:$0x3] =	stream.indirect.gather [hbm4b:s4+s15], $0x80, s16, s15, $0xb8;
	[tilespmem:$0x1FC00] =	vst v63  }
0x1b: {  	s31 =	simm.s32 $0xC0;
	s14 =	simm.s32 $0x200;
	s1 =	simm.s32 $0x0  }
0x1c: {  	[tilespmem:s19], [sflag:$0x4] =	stream.indirect.gather [hbm4b:s4+s15], $0x80, s31, s15, $0xb8;
	[tilespmem:$0x1FC00] =	vst v63  }
.LBB2_2:
0x1d: {  	p0 =	sne.s32 s14, $0xFE00;
	[tilespmem:s1+$0x3C70] =	vst v0  }
0x1e: {  	[tilespmem:s1+$0x3C00] =	vst v0  }
0x1f: {  	[tilespmem:s1+$0x3C10] =	vst v0  }
.Ltmp0:
0x20: {  	[tilespmem:s1+$0x3C20] =	vst v0;
	(pc) =	sbr.rel @p0 .LBB2_2-.Ltmp0, $4  }
0x21: {  	[tilespmem:s1+$0x3C30] =	vst v0  }
0x22: {  	[tilespmem:s1+$0x3C40] =	vst v0  }
0x23: {  	[tilespmem:s1+$0x3C50] =	vst v0  }
0x24: {  	[tilespmem:s1+$0x3C60] =	vst v0;
	s1 =	sshra.s32 s14, $0x2;
	s14 =	sadd.s32 $0x200, s14  }
0x25: {  	[tilespmem:s1+$0x3C70] =	vst v0  }
0x26: {  	[tilespmem:s1+$0x3C00] =	vst v0  }
0x27: {  	[tilespmem:s1+$0x3C10] =	vst v0  }
0x28: {  	[tilespmem:s1+$0x3C20] =	vst v0  }
0x29: {  	[tilespmem:s1+$0x3C30] =	vst v0  }
0x2a: {  	[tilespmem:s1+$0x3C40] =	vst v0  }
0x2b: {  	[tilespmem:s1+$0x3C50] =	vst v0  }
0x2c: {  	[tilespmem:s1+$0x3C60] =	vst v0  }
0x2d: {  	[spmem:s6] =	stream.linear.scatter [tilespmem:s20], [sflag:$0x1], $0x4000, $0x38;
	[tilespmem:$0x1FC00] =	vst v63  }
0x2e: {  	_ = 	snop  }
0x2f: {  	[spmem:s8] =	stream.linear.scatter [tilespmem:s20], [sflag:$0x1], $0x4000, $0x38;
	[tilespmem:$0x1FC00] =	vst v63  }
0x30: {  	_ = 	snop  }
0x31: {  	[spmem:s9] =	stream.linear.scatter [tilespmem:s20], [sflag:$0x1], $0x4000, $0x38;
	[tilespmem:$0x1FC00] =	vst v63  }
0x32: {  	_ = 	snop  }
0x33: {  	[spmem:s10] =	stream.linear.scatter [tilespmem:s20], [sflag:$0x1], $0x4000, $0x38;
	[tilespmem:$0x1FC00] =	vst v63  }
0x34: {  	s0 =	simm.s32 $0x1  }
0x35: {  	[spmem:s11] =	stream.linear.scatter [tilespmem:s20], [sflag:$0x1], $0x4000, $0x38;
	[tilespmem:$0x1FC00] =	vst v63  }
0x36: {  	_ =	swait.ge [sflag:s0], $0x4000  }
0x37: {  	[sflag:s0] =	ssyncset.done $0x0  }
0x38: {  	[sflag:s0] =	ssyncadd.s32 $0xFFFFC000  }
0x39: {  	_ =	swait.ge [sflag:s0], $0x4000  }
0x3a: {  	[sflag:s0] =	ssyncset.done $0x0  }
0x3b: {  	[sflag:s0] =	ssyncadd.s32 $0xFFFFC000  }
0x3c: {  	_ =	swait.ge [sflag:s0], $0x4000  }
0x3d: {  	[sflag:s0] =	ssyncset.done $0x0  }
0x3e: {  	[sflag:s0] =	ssyncadd.s32 $0xFFFFC000  }
0x3f: {  	_ =	swait.ge [sflag:s0], $0x4000  }
0x40: {  	[sflag:s0] =	ssyncset.done $0x0  }
0x41: {  	[sflag:s0] =	ssyncadd.s32 $0xFFFFC000  }
0x42: {  	_ =	swait.ge [sflag:s0], $0x4000  }
0x43: {  	[sflag:s0] =	ssyncset.done $0x0  }
0x44: {  	p0 =	por $0x1, $0x1;
	[sflag:s0] =	ssyncadd.s32 $0xFFFFC000  }
0x45: {  	s1 =	simm.s32 $0x0;
	p0 =	por p0, p0;
	[bflag:$0x0] =	sbarrier.arrive $0xFFFF  }
0x46: {  	[tilespmem:s20], [sflag:$0x1] =	stream.indirect.gather [hbm4b:s4+s15], $0x80, s1, s15, $0xb8;
	[tilespmem:$0x1FC00] =	vst v63  }
0x47: {  	s18 =	simm.s32 @!p0 $0x0  }
0x48: {  	[tilespmem:s21], [sflag:$0x2] =	stream.indirect.gather [hbm4b:s4+s15], $0x80, s15, s15, $0xb8;
	[tilespmem:$0x1FC00] =	vst v63  }
0x49: {  	s28 =	simm.s32 @!p0 $0x2800;
	s31 =	simm.s32 @!p0 $0x5;
	s14 =	rddreg [dreg:$0x3]  }
0x4a: {  	[tilespmem:s28], [sflag:$0x5] =	stream.linear.gather @!p0 [hbm4b:s14+s18], $0x1400, $0x38;
	[tilespmem:$0x1FC00] =	vst v63  }
0x4b: {  	_ =	swait.ge @!p0 [sflag:s31], $0x1400  }
0x4c: {  	[sflag:s31] =	ssyncset.done @!p0 $0x0  }
0x4d: {  	[sflag:s31] =	ssyncadd.s32 @!p0 $0xFFFFEC00  }
0x4e: {  	_ =	swait.ge [sflag:s22], $0x2000  }
0x4f: {  	[sflag:s22] =	ssyncset.done $0x0  }
0x50: {  	s14 =	simm.s32 $0xFFFFB000;
	p0 =	por $0x1, $0x1;
	[sflag:s22] =	ssyncadd.s32 $0xFFFFE000  }
0x51: {  	s14 =	smov.u32 @p0 s1;
	_ =	swait.ge [sflag:s23], $0x2000  }
0x52: {  	s1 =	sshra.s32 s14, $0x2;
	[sflag:s23] =	ssyncset.done $0x0  }
0x53: {  	s1 =	sadd.s32 $0x2800, s1;
	[sflag:s23] =	ssyncadd.s32 $0xFFFFE000  }
0x54: {  	[spmem:s2] =	stream.indirect.scatter.add.f32 [tilespmem:s20], [sflag:$0x5], $0x80, s1, s16, $0xb8;
	[tilespmem:$0x1FC00] =	vst v63  }
0x55: {  	_ =	swait.ge [sflag:s13], $0x4000  }
0x56: {  	[sflag:s13] =	ssyncset.done $0x0  }
0x57: {  	s14 =	simm.s32 $0x100;
	[sflag:s13] =	ssyncadd.s32 $0xFFFFC000  }
0x58: {  	[tilespmem:s20], [sflag:$0x1] =	stream.indirect.gather [hbm4b:s4+s15], $0x80, s14, s15, $0xb8;
	[tilespmem:$0x1FC00] =	vst v63  }
0x59: {  	s18 =	simm.s32 $0x140  }
0x5a: {  	[tilespmem:s21], [sflag:$0x2] =	stream.indirect.gather [hbm4b:s4+s15], $0x80, s18, s15, $0xb8;
	[tilespmem:$0x1FC00] =	vst v63  }
0x5b: {  	_ =	swait.ge [sflag:s25], $0x2000  }
0x5c: {  	s1 =	simm.s32 $0xFFFFFFD9;
	[sflag:s25] =	ssyncset.done $0x0  }
0x5d: {  	s1 =	smov.u32 @p0 s0;
	[sflag:s25] =	ssyncadd.s32 $0xFFFFE000  }
0x5e: {  	p6 =	por $0x1, $0x1;
	s0 =	sshll.u32 s1, $0x7;
	_ =	swait.ge [sflag:s26], $0x2000  }
0x5f: {  	s29 =	simm.s32 $0x180;
	s0 =	sand.u32 $0x3FFFFF80, s0;
	[sflag:s26] =	ssyncset.done $0x0  }
0x60: {  	s28 =	simm.s32 $0x1C0;
	s0 =	sadd.s32 $0x2800, s0;
	[sflag:s26] =	ssyncadd.s32 $0xFFFFE000  }
0x61: {  	[spmem:s2] =	stream.indirect.scatter.add.f32 [tilespmem:s17], [sflag:$0x5], $0x80, s0, s16, $0xb8;
	[tilespmem:$0x1FC00] =	vst v63  }
0x62: {  	s31 =	simm.s32 $0x3;
	p0 =	por p6, p6;
	_ =	swait.ge [sflag:s13], $0x4000  }
0x63: {  	s1 =	simm.s32 $0x400;
	s14 =	simm.s32 $0x1;
	[sflag:s13] =	ssyncset.done $0x0  }
0x64: {  	s18 =	simm.s32 $0x800;
	s0 =	rddreg [dreg:$0x3];
	[sflag:s13] =	ssyncadd.s32 $0xFFFFC000  }
0x65: {  	[tilespmem:s17], [sflag:$0x3] =	stream.indirect.gather [hbm4b:s4+s15], $0x80, s29, s15, $0xb8;
	[tilespmem:$0x1FC00] =	vst v63  }
.LBB2_4:
0x66: {  	[tilespmem:s19], [sflag:$0x4] =	stream.indirect.gather [hbm4b:s4+s15], $0x80, s28, s15, $0xb8;
	[tilespmem:$0x1FC00] =	vst v63  }
0x67: {  	s29 =	simm.s32 @!p0 $0x0;
	s3 =	simm.s32 @!p0 $0x2800;
	s5 =	simm.s32 @!p0 $0x5  }
0x68: {  	[tilespmem:s3], [sflag:$0x5] =	stream.linear.gather @!p0 [hbm4b:s0+s29], $0x1400, $0x38;
	[tilespmem:$0x1FC00] =	vst v63  }
0x69: {  	_ =	swait.ge @!p0 [sflag:s5], $0x1400  }
0x6a: {  	[sflag:s5] =	ssyncset.done @!p0 $0x0  }
0x6b: {  	[sflag:s5] =	ssyncadd.s32 @!p0 $0xFFFFEC00  }
0x6c: {  	s28 =	smov.u32 s18;
	_ =	swait.ge [sflag:s22], $0x2000  }
0x6d: {  	p2 =	sne.s32 s28, $0x5000;
	s3 =	sadd.s32 $0xFFFFB000, s1;
	[sflag:s22] =	ssyncset.done $0x0  }
0x6e: {  	p0 =	por p2, p2;
	p2 =	slt.u32 s14, $0x14;
	[sflag:s22] =	ssyncadd.s32 $0xFFFFE000  }
0x6f: {  	s3 =	smov.u32 @p2 s1;
	_ =	swait.ge [sflag:s23], $0x2000  }
0x70: {  	s3 =	sshra.s32 s3, $0x2;
	[sflag:s23] =	ssyncset.done $0x0  }
0x71: {  	s3 =	sadd.s32 $0x2800, s3;
	[sflag:s23] =	ssyncadd.s32 $0xFFFFE000  }
0x72: {  	[spmem:s2] =	stream.indirect.scatter.add.f32 [tilespmem:s20], [sflag:$0x5], $0x80, s3, s16, $0xb8;
	[tilespmem:$0x1FC00] =	vst v63  }
0x73: {  	_ =	swait.ge [sflag:s13], $0x4000  }
0x74: {  	s3 =	sshra.s32 s1, $0x2;
	[sflag:s13] =	ssyncset.done $0x0  }
0x75: {  	s29 =	sadd.s32 $0x100, s3;
	[sflag:s13] =	ssyncadd.s32 $0xFFFFC000  }
0x76: {  	[tilespmem:s20], [sflag:$0x1] =	stream.indirect.gather [hbm4b:s4+s15], $0x80, s29, s15, $0xb8;
	[tilespmem:$0x1FC00] =	vst v63  }
0x77: {  	s29 =	sadd.s32 $0x140, s3  }
0x78: {  	[tilespmem:s21], [sflag:$0x2] =	stream.indirect.gather [hbm4b:s4+s15], $0x80, s29, s15, $0xb8;
	[tilespmem:$0x1FC00] =	vst v63  }
0x79: {  	_ =	swait.ge [sflag:s25], $0x2000  }
0x7a: {  	s0 =	sadd.s32 $0xFFFFFFD8, s31;
	[sflag:s25] =	ssyncset.done $0x0  }
0x7b: {  	s0 =	smov.u32 @p2 s31;
	[sflag:s25] =	ssyncadd.s32 $0xFFFFE000  }
0x7c: {  	s0 =	sshll.u32 s0, $0x7;
	_ =	swait.ge [sflag:s26], $0x2000  }
0x7d: {  	s18 =	sadd.s32 $0x400, s18;
	s0 =	sand.u32 $0x3FFFFF80, s0;
	[sflag:s26] =	ssyncset.done $0x0  }
0x7e: {  	p1 =	sne.s32 s18, $0x9C00;
	s0 =	sadd.s32 $0x2800, s0;
	[sflag:s26] =	ssyncadd.s32 $0xFFFFE000  }
0x7f: {  	[spmem:s2] =	stream.indirect.scatter.add.f32 [tilespmem:s17], [sflag:$0x5], $0x80, s0, s16, $0xb8;
	[tilespmem:$0x1FC00] =	vst v63  }
.Ltmp1:
0x80: {  	_ = 	snop;
	(pc) =	sbr.rel @p1 .LBB2_4-.Ltmp1, $4  }
0x81: {  	s14 =	sadd.s32 $0x1, s14;
	s31 =	sadd.s32 $0x2, s31;
	_ =	swait.ge [sflag:s13], $0x4000  }
0x82: {  	s1 =	smov.u32 s28;
	s28 =	sadd.s32 $0x1C0, s3;
	[sflag:s13] =	ssyncset.done $0x0  }
0x83: {  	s29 =	sadd.s32 $0x180, s3;
	s0 =	rddreg [dreg:$0x3];
	[sflag:s13] =	ssyncadd.s32 $0xFFFFC000  }
0x84: {  	[tilespmem:s17], [sflag:$0x3] =	stream.indirect.gather [hbm4b:s4+s15], $0x80, s29, s15, $0xb8;
	[tilespmem:$0x1FC00] =	vst v63  }
0x85: {  	[tilespmem:s19], [sflag:$0x4] =	stream.indirect.gather [hbm4b:s4+s15], $0x80, s28, s15, $0xb8;
	[tilespmem:$0x1FC00] =	vst v63  }
0x86: {  	s3 =	simm.s32 @!p0 $0x0;
	s5 =	simm.s32 @!p0 $0x2800  }
0x87: {  	[tilespmem:s5], [sflag:$0x5] =	stream.linear.gather @!p0 [hbm4b:s0+s3], $0x1400, $0x38;
	[tilespmem:$0x1FC00] =	vst v63  }
0x88: {  	s0 =	simm.s32 @!p0 $0x5  }
0x89: {  	_ =	swait.ge @!p0 [sflag:s0], $0x1400  }
0x8a: {  	[sflag:s0] =	ssyncset.done @!p0 $0x0  }
0x8b: {  	[sflag:s0] =	ssyncadd.s32 @!p0 $0xFFFFEC00  }
0x8c: {  	_ =	swait.ge [sflag:s22], $0x2000  }
0x8d: {  	[sflag:s22] =	ssyncset.done $0x0  }
0x8e: {  	p0 =	slt.u32 s14, $0x14;
	s0 =	sadd.s32 $0xFFFFB000, s1;
	[sflag:s22] =	ssyncadd.s32 $0xFFFFE000  }
0x8f: {  	s0 =	smov.u32 @p0 s1;
	_ =	swait.ge [sflag:s23], $0x2000  }
0x90: {  	s0 =	sshra.s32 s0, $0x2;
	[sflag:s23] =	ssyncset.done $0x0  }
0x91: {  	s0 =	sadd.s32 $0x2800, s0;
	[sflag:s23] =	ssyncadd.s32 $0xFFFFE000  }
0x92: {  	[spmem:s2] =	stream.indirect.scatter.add.f32 [tilespmem:s20], [sflag:$0x5], $0x80, s0, s16, $0xb8;
	[tilespmem:$0x1FC00] =	vst v63  }
0x93: {  	_ =	swait.ge [sflag:s13], $0x4000  }
0x94: {  	s3 =	sshra.s32 s1, $0x2;
	[sflag:s13] =	ssyncset.done $0x0  }
0x95: {  	s1 =	sadd.s32 $0x100, s3;
	[sflag:s13] =	ssyncadd.s32 $0xFFFFC000  }
0x96: {  	[tilespmem:s20], [sflag:$0x1] =	stream.indirect.gather [hbm4b:s4+s15], $0x80, s1, s15, $0xb8;
	[tilespmem:$0x1FC00] =	vst v63  }
0x97: {  	s5 =	sadd.s32 $0x140, s3  }
0x98: {  	[tilespmem:s21], [sflag:$0x2] =	stream.indirect.gather [hbm4b:s4+s15], $0x80, s5, s15, $0xb8;
	[tilespmem:$0x1FC00] =	vst v63  }
0x99: {  	_ =	swait.ge [sflag:s25], $0x2000  }
0x9a: {  	s1 =	sadd.s32 $0xFFFFFFD8, s31;
	[sflag:s25] =	ssyncset.done $0x0  }
0x9b: {  	s1 =	smov.u32 @p0 s31;
	[sflag:s25] =	ssyncadd.s32 $0xFFFFE000  }
0x9c: {  	s1 =	sshll.u32 s1, $0x7;
	_ =	swait.ge [sflag:s26], $0x2000  }
0x9d: {  	s1 =	sand.u32 $0x3FFFFF80, s1;
	[sflag:s26] =	ssyncset.done $0x0  }
0x9e: {  	s1 =	sadd.s32 $0x2800, s1;
	[sflag:s26] =	ssyncadd.s32 $0xFFFFE000  }
0x9f: {  	[spmem:s2] =	stream.indirect.scatter.add.f32 [tilespmem:s17], [sflag:$0x5], $0x80, s1, s16, $0xb8;
	[tilespmem:$0x1FC00] =	vst v63  }
0xa0: {  	_ =	swait.ge [sflag:s13], $0x4000  }
0xa1: {  	[sflag:s13] =	ssyncset.done $0x0  }
0xa2: {  	s14 =	sadd.s32 $0x180, s3;
	[sflag:s13] =	ssyncadd.s32 $0xFFFFC000  }
0xa3: {  	[tilespmem:s17], [sflag:$0x3] =	stream.indirect.gather [hbm4b:s4+s15], $0x80, s14, s15, $0xb8;
	[tilespmem:$0x1FC00] =	vst v63  }
0xa4: {  	s0 =	sadd.s32 $0x1C0, s3  }
0xa5: {  	[tilespmem:s19], [sflag:$0x4] =	stream.indirect.gather [hbm4b:s4+s15], $0x80, s0, s15, $0xb8;
	[tilespmem:$0x1FC00] =	vst v63  }
0xa6: {  	_ =	swait.ge [sflag:s22], $0x2000  }
0xa7: {  	[sflag:s22] =	ssyncset.done $0x0  }
0xa8: {  	[sflag:s22] =	ssyncadd.s32 $0xFFFFE000  }
0xa9: {  	_ =	swait.ge [sflag:s23], $0x2000  }
0xaa: {  	[sflag:s23] =	ssyncset.done $0x0  }
0xab: {  	s18 =	simm.s32 $0x3B00;
	[sflag:s23] =	ssyncadd.s32 $0xFFFFE000  }
0xac: {  	[spmem:s2] =	stream.indirect.scatter.add.f32 [tilespmem:s20], [sflag:$0x5], $0x80, s18, s16, $0xb8;
	[tilespmem:$0x1FC00] =	vst v63  }
0xad: {  	_ =	swait.ge [sflag:s13], $0x4000  }
0xae: {  	[sflag:s13] =	ssyncset.done $0x0  }
0xaf: {  	[sflag:s13] =	ssyncadd.s32 $0xFFFFC000  }
0xb0: {  	_ =	swait.ge [sflag:s25], $0x2000  }
0xb1: {  	[sflag:s25] =	ssyncset.done $0x0  }
0xb2: {  	[sflag:s25] =	ssyncadd.s32 $0xFFFFE000  }
0xb3: {  	_ =	swait.ge [sflag:s26], $0x2000  }
0xb4: {  	[sflag:s26] =	ssyncset.done $0x0  }
0xb5: {  	s28 =	simm.s32 $0x3B80;
	[sflag:s26] =	ssyncadd.s32 $0xFFFFE000  }
0xb6: {  	[spmem:s2] =	stream.indirect.scatter.add.f32 [tilespmem:s17], [sflag:$0x5], $0x80, s28, s16, $0xb8;
	[tilespmem:$0x1FC00] =	vst v63  }
0xb7: {  	s29 =	stileid.u32;
	_ =	swait.ge [sflag:s13], $0x4000  }
0xb8: {  	s30 =	sadd.s32 $0x1, s30;
	s31 =	sshrl.u32 s6, $0x3;
	[sflag:s13] =	ssyncset.done $0x0  }
0xb9: {  	p0 =	sne.s32 s30, s12;
	s0 =	sshll.u32 s29, $0x6;
	[sflag:s13] =	ssyncadd.s32 $0xFFFFC000  }
.Ltmp2:
0xba: {  	s0 =	sor.u32 $0x1C05, s0;
	[bflag:$0x0] =	sbarrier.arrive $0xFFFF;
	(pc) =	sbr.rel @p0 .LBB2_1-.Ltmp2, $4  }
0xbb: {  	[hbm:s24], [sflag:s0] =	dma.local [spmem:s31], $0x2800  }
0xbc: {  	_ =	swait.ge [sflag:s13], $0x2800  }
0xbd: {  	[sflag:s13] =	ssyncset.done $0x0  }
0xbe: {  	[sflag:s13] =	ssyncadd.s32 $0xFFFFD800  }
0xbf: {  	_ =	sfence.sel $0x180000  }
0xc0: {  	[bflag:$0x0] =	sbarrier.arrive $0xFFFF  }
0xc1: {  	_ =	strace $0x9000004A  }
0xc2: {  	s0 =	stileid.u32;
	[bflag:$0x2] =	sbarrier.arrive $0xFFFF  }
0xc3: {  	p0 =	sne.s32 s0, $0x0;
	s0 =	rddreg [dreg:$0x2]  }
0xc4: {  	s0 =	sadd.s32 @!p0 $0x100000, s0  }
0xc5: {  	[sflag:s0] =	ssyncadd.tile.s32 @!p0 $0x1;
	_ =	shalt  }
.Lfunc_end2:
_tile_overlayer_lowered:
.L_overlay_start_2:
0xc6: {  	(tag) =	ssettag $0x2  }
0xc7: {  	s0 =	rddreg [dreg:$0x0];
	s2 =	stileid.u32  }
0xc8: {  	s1 =	rddreg [dreg:$0x1];
	p0 =	sne.s32 s2, $0x0  }
0xc9: {  	s3 =	rddreg [dreg:$0x2];
	[bflag:$0x3] =	sbarrier.arrive $0xFFFF;
	s2 =	simm.s32 @!p0 $0x1C05  }
0xca: {  	[timem:s3], [sflag:s2] =	dma.local @!p0 [hbm:s0], s1  }
0xcb: {  	s0 =	simm.s32 @!p0 $0x5  }
0xcc: {  	_ =	swait.ge @!p0 [sflag:s0], s1  }
0xcd: {  	s1 =	ssub.s32 @!p0 $0x0, s1;
	[sflag:s0] =	ssyncset.done @!p0 $0x0  }
0xce: {  	[sflag:s0] =	ssyncadd.s32 @!p0 s1  }
0xcf: {  	[bflag:$0x3] =	sbarrier.arrive $0xFFFF  }
0xd0: {  	_ =	shalt  }

// kernel: kernel.15.cloned.1.call-start
scs
__scs_entry_jumppad:
0x0: {  	(pc) =	sbr.rel $0x88, $3  }
0x1: {  	(tag) =	ssettag $0x0;
	lr =	simm.s32 $0x1  }
0x2: {  	[smem:$0x3F8E] =	sst lr;
	_ =	strace $0xD0000000  }
0x3: {  	_ = 	snop  }
0x4: {  	_ = 	snop  }
0x5: {  	_ = 	snop  }
0x6: {  	_ = 	snop  }
0x7: {  	_ = 	snop  }
__scs_overlays_trampoline_lowered:
0x8: {  	[smem:$0x3F9D] =	sst s0  }
0x9: {  	[smem:$0x3F9E] =	sst s1  }
0xa: {  	[smem:$0x3F9F] =	sst s2  }
0xb: {  	[smem:$0x3FA0] =	sst s3  }
0xc: {  	[smem:$0x3FA1] =	sst s4  }
0xd: {  	[smem:$0x3FA2] =	sst s5  }
0xe: {  	[smem:$0x3FA3] =	sst s6  }
0xf: {  	[smem:$0x3FA4] =	sst s7  }
0x10: {  	[smem:$0x3FA5] =	sst s8  }
0x11: {  	[smem:$0x3FA6] =	sst s9;
	s0 =	simm.s32 @!p0 $0x0  }
0x12: {  	s1 =	sld [smem:$0x3F8C];
	s0 =	simm.s32 @p0 $0x1  }
0x13: {  	[smem:$0x3FA7] =	sst s0;
	s0 =	simm.s32 @!p1 $0x0  }
0x14: {  	s2 =	sld [smem:$0x3F8B];
	s0 =	simm.s32 @p1 $0x1  }
0x15: {  	[smem:$0x3FA8] =	sst s0;
	s0 =	simm.s32 @!p2 $0x0  }
0x16: {  	s3 =	sld [smem:$0x3FDB];
	s0 =	simm.s32 @p2 $0x1  }
0x17: {  	s4 =	simm.s32 $0x1BF5;
	[smem:$0x3FAA] =	sst s0  }
0x18: {  	s0 =	sld [smem:$0x3F8D];
	_ =	swait.ge [sflag:s4], $0x0  }
0x19: {  	s7 =	sld [smem:$0x3F8E]  }
0x1a: {  	s8 =	sadd.s32 $0xFFFFE003, lr  }
0x1b: {  	s9 =	sadd.s32 $0xFFFFFEF7, lr;
	s5 =	simm.s32 $0xFFFFFFFF;
	p2 =	slt.u32 s8, $0xFFFFF086  }
0x1c: {  	p1 =	slt.u32 s9, $0xF7A;
	s5 =	simm.s32 @!p2 $0x0  }
0x1d: {  	s5 =	simm.s32 @p1 $0x1;
	p0 =	seq.s32 s7, s2  }
0x1e: {  	s7 =	smul.u32 @!p0 $0xF7A, s2;
	p2 =	seq.s32 @!p0 s5, $0x0  }
0x1f: {  	s9 =	smul.u32 $0xF7A, s1;
	s8 =	simm.s32 @!p0 $0x1BF5;
	p2 =	por !p2, p0  }
0x20: {  	[sflag:s8] =	ssyncset.s32 @!p0 $0xFFFFF086;
	s6 =	sadd.s32 @!p0 s3, s7;
	s7 =	simm.s32 @!p0 $0x108  }
0x21: {  	s3 =	sadd.s32 s3, s9;
	s6 =	sadd.s32 @!p0 $0x88, s6;
	s7 =	simm.s32 @p2 $0x1082  }
0x22: {  	[simem:s7], [sflag:s8] =	dma.local @!p0 [hbm:s6], $0xF7A  }
0x23: {  	s9 =	sor.u32 $0xD0000000, s2;
	s6 =	simm.s32 $0x108;
	_ =	swait.ge @!p0 [sflag:s8], $0x0  }
0x24: {  	s3 =	sadd.s32 $0x88, s3;
	s6 =	simm.s32 @!p1 $0x1082;
	[sflag:s4] =	ssyncset.s32 $0xFFFFF086  }
0x25: {  	[simem:s6], [sflag:s4] =	dma.local [hbm:s3], $0xF7A  }
0x26: {  	[smem:$0x3F8E] =	sst s1;
	(tag) =	ssettag s2;
	_ =	strace s9  }
0x27: {  	s1 =	sld [smem:$0x3F9E]  }
0x28: {  	s2 =	sld [smem:$0x3F9F]  }
0x29: {  	s4 =	sld [smem:$0x3FA1]  }
0x2a: {  	p0 =	seq.s32 s5, $0x0;
	s5 =	sld [smem:$0x3FA2]  }
0x2b: {  	s6 =	sld [smem:$0x3FA3]  }
0x2c: {  	s7 =	sld [smem:$0x3FA4]  }
0x2d: {  	s3 =	simm.s32 $0x108;
	s8 =	sld [smem:$0x3FA5]  }
0x2e: {  	s3 =	simm.s32 @!p0 $0x1082;
	s9 =	sld [smem:$0x3FA6]  }
0x2f: {  	lr =	sadd.s32 s0, s3;
	s0 =	sld [smem:$0x3F9D]  }
0x30: {  	s3 =	sld [smem:$0x3FA0]  }
0x31: {  	[smem:$0x3FA9] =	sst s10  }
0x32: {  	s10 =	sld [smem:$0x3FA7];
	_ =	sdelay $0x3  }
0x33: {  	p0 =	seq.s32 s10, $0x1;
	s10 =	sld [smem:$0x3FA9];
	_ =	sdelay $0x3  }
0x34: {  	[smem:$0x3FA9] =	sst s10  }
0x35: {  	s10 =	sld [smem:$0x3FA8];
	_ =	sdelay $0x3  }
0x36: {  	p1 =	seq.s32 s10, $0x1;
	s10 =	sld [smem:$0x3FA9];
	_ =	sdelay $0x3  }
0x37: {  	[smem:$0x3FA9] =	sst s10  }
0x38: {  	s10 =	sld [smem:$0x3FAA]  }
0x39: {  	_ = 	snop;
	(pc) =	sbr.ind lr, $3  }
0x3a: {  	_ = 	snop  }
0x3b: {  	_ = 	snop  }
0x3c: {  	p2 =	seq.s32 s10, $0x1;
	s10 =	sld [smem:$0x3FA9]  }
0x3d: {  	_ =	shalt  }
0x3e: {  	_ =	shalt  }
0x3f: {  	_ =	shalt  }
0x40: {  	_ =	shalt  }
0x41: {  	_ =	shalt  }
0x42: {  	_ =	shalt  }
0x43: {  	_ =	shalt  }
0x44: {  	_ =	shalt  }
0x45: {  	_ =	shalt  }
0x46: {  	_ =	shalt  }
0x47: {  	_ =	shalt  }
0x48: {  	_ =	shalt  }
0x49: {  	_ =	shalt  }
0x4a: {  	_ =	shalt  }
0x4b: {  	_ =	shalt  }
0x4c: {  	_ =	shalt  }
0x4d: {  	_ =	shalt  }
0x4e: {  	_ =	shalt  }
0x4f: {  	_ =	shalt  }
0x50: {  	_ =	shalt  }
0x51: {  	_ =	shalt  }
0x52: {  	_ =	shalt  }
0x53: {  	_ =	shalt  }
0x54: {  	_ =	shalt  }
0x55: {  	_ =	shalt  }
0x56: {  	_ =	shalt  }
0x57: {  	_ =	shalt  }
0x58: {  	_ =	shalt  }
0x59: {  	_ =	shalt  }
0x5a: {  	_ =	shalt  }
0x5b: {  	_ =	shalt  }
0x5c: {  	_ =	shalt  }
0x5d: {  	_ =	shalt  }
0x5e: {  	_ =	shalt  }
0x5f: {  	_ =	shalt  }
0x60: {  	_ =	shalt  }
0x61: {  	_ =	shalt  }
0x62: {  	_ =	shalt  }
0x63: {  	_ =	shalt  }
0x64: {  	_ =	shalt  }
0x65: {  	_ =	shalt  }
0x66: {  	_ =	shalt  }
0x67: {  	_ =	shalt  }
0x68: {  	_ =	shalt  }
0x69: {  	_ =	shalt  }
0x6a: {  	_ =	shalt  }
0x6b: {  	_ =	shalt  }
0x6c: {  	_ =	shalt  }
0x6d: {  	_ =	shalt  }
0x6e: {  	_ =	shalt  }
0x6f: {  	_ =	shalt  }
0x70: {  	_ =	shalt  }
0x71: {  	_ =	shalt  }
0x72: {  	_ =	shalt  }
0x73: {  	_ =	shalt  }
0x74: {  	_ =	shalt  }
0x75: {  	_ =	shalt  }
0x76: {  	_ =	shalt  }
0x77: {  	_ =	shalt  }
0x78: {  	_ =	shalt  }
0x79: {  	_ =	shalt  }
0x7a: {  	_ =	shalt  }
0x7b: {  	_ =	shalt  }
0x7c: {  	_ =	shalt  }
0x7d: {  	_ =	shalt  }
0x7e: {  	_ =	shalt  }
0x7f: {  	_ =	shalt  }
0x80: {  	_ =	shalt  }
0x81: {  	_ =	shalt  }
0x82: {  	_ =	shalt  }
0x83: {  	_ =	shalt  }
0x84: {  	_ =	shalt  }
0x85: {  	_ =	shalt  }
0x86: {  	_ =	shalt  }
0x87: {  	_ =	shalt  }
.Lfunc_end0:
.L_simem_size_0:
called_computation.2_lowered:
.L_overlay_start_0:
0x88: {  	s2 =	sld [smem:$0x3FD9]  }
0x89: {  	s3 =	sld [smem:$0x3FFE];
	_ =	sdelay $0x1  }
0x8a: {  	s1 =	srdreg.scid  }
0x8b: {  	s0 =	sand.u32 $0x1, s1  }
0x8c: {  	s16 =	sshll.u32 s0, $0xA;
	s2 =	sadd.s32 s3, s2  }
0x8d: {  	s2 =	sadd.s32 s2, s16  }
0x8e: {  	[smem:$0x3FB5] =	sst s2  }
0x8f: {  	_ = 	snop  }
0x90: {  	(tm) =	ssettm $0x1  }
0x91: {  	s17 =	sld [smem:$0x3FFB];
	_ =	sdelay $0x3  }
0x92: {  	_ =	strace s17  }
0x93: {  	s2 =	sld [smem:$0x3FFC];
	_ =	sdelay $0x3  }
0x94: {  	_ =	strace s2  }
0x95: {  	s2 =	sld [smem:$0x3FFD];
	_ =	sdelay $0x3  }
0x96: {  	_ =	strace s2  }
0x97: {  	_ =	strace $0x8FFFFFFF  }
0x98: {  	s18 =	sld [smem:$0x3FDB];
	_ =	sdelay $0x1  }
0x99: {  	s19 =	simm.s32 $_scs_section_size  }
0x9a: {  	s4 =	simm.s32 $_size__tile_overlayer_lowered;
	s5 =	simm.s32 $_tile_overlayer_lowered  }
0x9b: {  	s22 =	simm.s32 $0x1BFF;
	s21 =	sshll.u32 s5, $0x1;
	s2 =	sadd.s32 s19, s18  }
0x9c: {  	s6 =	simm.s32 $0x0;
	s20 =	sshll.u32 s4, $0x1;
	s4 =	sadd.s32 s21, s2  }
0x9d: {  	[timem:s6], [sflag:s22] =	dma.local [hbm:s4], s20  }
0x9e: {  	_ =	swait.ge [sflag:s22], s20  }
0x9f: {  	s3 =	ssub.s32 $0x0, s20;
	[sflag:s22] =	ssyncset.done $0x0  }
0xa0: {  	[sflag:s22] =	ssyncadd.s32 s3;
	_ =	sdelay $0x1  }
0xa1: {  	s23 =	simm.s32 $0x1B8B  }
0xa2: {  	_ =	swait.ge [sflag:s23], $0x1  }
0xa3: {  	[sflag:s23] =	ssyncset.done $0x0  }
0xa4: {  	s25 =	simm.s32 $0x1B8E;
	s24 =	sld [smem:$0x3FFE];
	[sflag:s23] =	ssyncadd.s32 $0xFFFFFFFF  }
0xa5: {  	s26 =	simm.s32 $execute0_lowered;
	[smem:$0x3FD2] =	sst s25  }
0xa6: {  	s4 =	sshll.u32 s26, $0x1;
	_ =	strace $0x8000004C;
	[dreg:$0x1] =	wrdreg $0xFFFFFFFF  }
0xa7: {  	s28 =	simm.s32 $_size_execute0_lowered;
	s2 =	sadd.s32 s2, s4;
	[dreg:$0x0] =	wrdreg $0x0  }
0xa8: {  	s4 =	sshll.u32 s28, $0x1;
	[dreg:$0x2] =	wrdreg s2  }
0xa9: {  	[dreg:$0x3] =	wrdreg s4  }
0xaa: {  	[dreg:$0x4] =	wrdreg $0xC0  }
0xab: {  	_ =	task [dreg:s6], $0x5FFFF  }
0xac: {  	[dreg:$0x1] =	wrdreg $0xFFFFFFFF  }
0xad: {  	[dreg:$0x0] =	wrdreg $0x60  }
0xae: {  	[dreg:$0x2] =	wrdreg s24  }
0xaf: {  	[dreg:$0x3] =	wrdreg $0xBC000  }
0xb0: {  	[dreg:$0x4] =	wrdreg $0x9  }
0xb1: {  	_ =	task.clear_ibuf [dreg:s6], $0x5FFFF;
	_ =	strace $0x9000004C  }
0xb2: {  	s29 =	simm.s32 $0x9;
	_ =	strace $0x8000004E  }
0xb3: {  	_ =	swait.ge [sflag:s29], $0x1  }
0xb4: {  	[sflag:s29] =	ssyncadd.s32 $0xFFFFFFFF  }
0xb5: {  	_ =	strace $0x9000004E  }
0xb6: {  	_ =	sfence  }
0xb7: {  	s30 =	sld [smem:$0x0];
	_ =	sdelay $0x2  }
0xb8: {  	s31 =	sshll.u32 s1, $0xD;
	s1 =	sshrl.u32 s1, $0x2  }
0xb9: {  	s3 =	sand.u32 $0x4000, s31;
	s1 =	sadd.s32 s1, s30  }
0xba: {  	s0 =	sor.u32 s3, s0;
	s1 =	sshll.u32 s1, $0x11  }
0xbb: {  	s0 =	sor.u32 s1, s0  }
0xbc: {  	s0 =	sadd.s32 $0x8F2B, s0  }
0xbd: {  	[sflag:s0] =	ssyncadd.remote.s32 $0x1  }
0xbe: {  	_ =	sfence.sel $0xFFFF  }
0xbf: {  	[dreg:$0x0] =	wrdreg $0xFFFFFFFF;
	(pc) =	sbr.abs _section_cstart, $3  }
0xc0: {  	[dreg:$0x1] =	wrdreg $0xFFFFFFFF  }
0xc1: {  	_ =	task.clear_ibuf [dreg:s6], $0x2FFFF;
	_ =	strace $0x9FFFFFFF  }
0xc2: {  	(tm) =	ssettm $0x7FFFFFFF  }
0xc3: {  	_ =	shalt  }
tec
execute0_lowered:
.L_overlay_start_1:
0x0: {  	(tag) =	ssettag $0x1  }
0x1: {  	s0 =	srdreg.scid;
	s1 =	rddreg [dreg:$0x0]  }
0x2: {  	s12 =	stileid.u32;
	s2 =	rddreg [dreg:$0x1]  }
0x3: {  	s25 =	simm.s32 $0x0;
	s13 =	simm.s32 $0x5;
	s15 =	simm.s32 $0x40  }
0x4: {  	s16 =	simm.s32 $0x80;
	s17 =	simm.s32 $0x7C00;
	s19 =	simm.s32 $0x9C00  }
0x5: {  	s20 =	simm.s32 $0x3C00;
	s21 =	simm.s32 $0x5C00;
	s22 =	simm.s32 $0x1  }
0x6: {  	s23 =	simm.s32 $0x2;
	s30 =	simm.s32 $0x0;
	s0 =	sand.u32 $0x1, s0  }
0x7: {  	s3 =	sshll.u32 s12, $0x1;
	[smem:$0x7FF] =	sst s25;
	s7 =	smul.u32 $0x50000, s12  }
0x8: {  	s14 =	smul.u32 $0x2800, s12;
	s25 =	simm.s32 $0x3;
	s4 =	sor.u32 s0, s3  }
0x9: {  	s6 =	smul.u32 $0x28000, s0;
	_ =	strace $0x8000004D;
	s0 =	ssub.s32 $0x2, s0  }
0xa: {  	s5 =	smul.u32 $0x500, s4;
	s4 =	sadd.s32 $0x17E00, s1;
	s26 =	sshrl.u32 s0, $0x1  }
0xb: {  	s28 =	sshrl.u32 s7, $0x2;
	s0 =	ssub.s32 s0, s26;
	s26 =	simm.s32 $0x4  }
0xc: {  	s8 =	sadd.s32 s5, s1;
	s1 =	sadd.s32 s6, s1;
	s6 =	sadd.s32 s28, s2  }
0xd: {  	s12 =	smax.u32 s0, $0x1;
	s29 =	sadd.s32 $0x3E00, s8;
	s7 =	sadd.s32 $0xDE00, s8  }
0xe: {  	s8 =	sadd.s32 $0x4000, s6;
	s9 =	sadd.s32 $0x8000, s6;
	s10 =	sadd.s32 $0xC000, s6  }
0xf: {  	s1 =	sadd.s32 $0x3F000, s1;
	[dreg:$0x4] =	wrdreg s29;
	s31 =	sadd.s32 $0x280, s7  }
0x10: {  	v0 =	vimm.f32 $0.0e+00;
	s11 =	sadd.s32 $0x10000, s6;
	s24 =	sadd.s32 s14, s1;
	[dreg:$0x3] =	wrdreg s31  }
.LBB2_1:
0x11: {  	s0 =	simm.s32 $0x0;
	s1 =	rddreg [dreg:$0x4]  }
0x12: {  	[tilespmem:s0], [sflag:$0x5] =	stream.linear.gather [hbm4b:s1+s0], $0x2800, $0x38;
	[tilespmem:$0x1FC00] =	vst v63  }
0x13: {  	_ =	swait.ge [sflag:s13], $0x2800  }
0x14: {  	[sflag:s13] =	ssyncset.done $0x0  }
0x15: {  	s29 =	simm.s32 $0x2800;
	[sflag:s13] =	ssyncadd.s32 $0xFFFFD800  }
0x16: {  	[tilespmem:s29], [sflag:$0x5] =	stream.linear.gather [hbm4b:s7+s0], $0x1400, $0x38;
	[tilespmem:$0x1FC00] =	vst v63  }
0x17: {  	_ =	swait.ge [sflag:s13], $0x1400  }
0x18: {  	[sflag:s13] =	ssyncset.done $0x0  }
0x19: {  	[sflag:s13] =	ssyncadd.s32 $0xFFFFEC00  }
0x1a: {  	[tilespmem:s17], [sflag:$0x3] =	stream.indirect.gather [hbm4b:s4+s15], $0x80, s16, s15, $0xb8;
	[tilespmem:$0x1FC00] =	vst v63  }
0x1b: {  	s31 =	simm.s32 $0xC0;
	s14 =	simm.s32 $0x200;
	s1 =	simm.s32 $0x0  }
0x1c: {  	[tilespmem:s19], [sflag:$0x4] =	stream.indirect.gather [hbm4b:s4+s15], $0x80, s31, s15, $0xb8;
	[tilespmem:$0x1FC00] =	vst v63  }
.LBB2_2:
0x1d: {  	p0 =	sne.s32 s14, $0xFE00;
	[tilespmem:s1+$0x3C70] =	vst v0  }
0x1e: {  	[tilespmem:s1+$0x3C00] =	vst v0  }
0x1f: {  	[tilespmem:s1+$0x3C10] =	vst v0  }
.Ltmp0:
0x20: {  	[tilespmem:s1+$0x3C20] =	vst v0;
	(pc) =	sbr.rel @p0 .LBB2_2-.Ltmp0, $4  }
0x21: {  	[tilespmem:s1+$0x3C30] =	vst v0  }
0x22: {  	[tilespmem:s1+$0x3C40] =	vst v0  }
0x23: {  	[tilespmem:s1+$0x3C50] =	vst v0  }
0x24: {  	[tilespmem:s1+$0x3C60] =	vst v0;
	s1 =	sshra.s32 s14, $0x2;
	s14 =	sadd.s32 $0x200, s14  }
0x25: {  	[tilespmem:s1+$0x3C70] =	vst v0  }
0x26: {  	[tilespmem:s1+$0x3C00] =	vst v0  }
0x27: {  	[tilespmem:s1+$0x3C10] =	vst v0  }
0x28: {  	[tilespmem:s1+$0x3C20] =	vst v0  }
0x29: {  	[tilespmem:s1+$0x3C30] =	vst v0  }
0x2a: {  	[tilespmem:s1+$0x3C40] =	vst v0  }
0x2b: {  	[tilespmem:s1+$0x3C50] =	vst v0  }
0x2c: {  	[tilespmem:s1+$0x3C60] =	vst v0  }
0x2d: {  	[spmem:s6] =	stream.linear.scatter [tilespmem:s20], [sflag:$0x1], $0x4000, $0x38;
	[tilespmem:$0x1FC00] =	vst v63  }
0x2e: {  	_ = 	snop  }
0x2f: {  	[spmem:s8] =	stream.linear.scatter [tilespmem:s20], [sflag:$0x1], $0x4000, $0x38;
	[tilespmem:$0x1FC00] =	vst v63  }
0x30: {  	_ = 	snop  }
0x31: {  	[spmem:s9] =	stream.linear.scatter [tilespmem:s20], [sflag:$0x1], $0x4000, $0x38;
	[tilespmem:$0x1FC00] =	vst v63  }
0x32: {  	_ = 	snop  }
0x33: {  	[spmem:s10] =	stream.linear.scatter [tilespmem:s20], [sflag:$0x1], $0x4000, $0x38;
	[tilespmem:$0x1FC00] =	vst v63  }
0x34: {  	s0 =	simm.s32 $0x1  }
0x35: {  	[spmem:s11] =	stream.linear.scatter [tilespmem:s20], [sflag:$0x1], $0x4000, $0x38;
	[tilespmem:$0x1FC00] =	vst v63  }
0x36: {  	_ =	swait.ge [sflag:s0], $0x4000  }
0x37: {  	[sflag:s0] =	ssyncset.done $0x0  }
0x38: {  	[sflag:s0] =	ssyncadd.s32 $0xFFFFC000  }
0x39: {  	_ =	swait.ge [sflag:s0], $0x4000  }
0x3a: {  	[sflag:s0] =	ssyncset.done $0x0  }
0x3b: {  	[sflag:s0] =	ssyncadd.s32 $0xFFFFC000  }
0x3c: {  	_ =	swait.ge [sflag:s0], $0x4000  }
0x3d: {  	[sflag:s0] =	ssyncset.done $0x0  }
0x3e: {  	[sflag:s0] =	ssyncadd.s32 $0xFFFFC000  }
0x3f: {  	_ =	swait.ge [sflag:s0], $0x4000  }
0x40: {  	[sflag:s0] =	ssyncset.done $0x0  }
0x41: {  	[sflag:s0] =	ssyncadd.s32 $0xFFFFC000  }
0x42: {  	_ =	swait.ge [sflag:s0], $0x4000  }
0x43: {  	[sflag:s0] =	ssyncset.done $0x0  }
0x44: {  	p0 =	por $0x1, $0x1;
	[sflag:s0] =	ssyncadd.s32 $0xFFFFC000  }
0x45: {  	s1 =	simm.s32 $0x0;
	p0 =	por p0, p0;
	[bflag:$0x0] =	sbarrier.arrive $0xFFFF  }
0x46: {  	[tilespmem:s20], [sflag:$0x1] =	stream.indirect.gather [hbm4b:s4+s15], $0x80, s1, s15, $0xb8;
	[tilespmem:$0x1FC00] =	vst v63  }
0x47: {  	s18 =	simm.s32 @!p0 $0x0  }
0x48: {  	[tilespmem:s21], [sflag:$0x2] =	stream.indirect.gather [hbm4b:s4+s15], $0x80, s15, s15, $0xb8;
	[tilespmem:$0x1FC00] =	vst v63  }
0x49: {  	s28 =	simm.s32 @!p0 $0x2800;
	s31 =	simm.s32 @!p0 $0x5;
	s14 =	rddreg [dreg:$0x3]  }
0x4a: {  	[tilespmem:s28], [sflag:$0x5] =	stream.linear.gather @!p0 [hbm4b:s14+s18], $0x1400, $0x38;
	[tilespmem:$0x1FC00] =	vst v63  }
0x4b: {  	_ =	swait.ge @!p0 [sflag:s31], $0x1400  }
0x4c: {  	[sflag:s31] =	ssyncset.done @!p0 $0x0  }
0x4d: {  	[sflag:s31] =	ssyncadd.s32 @!p0 $0xFFFFEC00  }
0x4e: {  	_ =	swait.ge [sflag:s22], $0x2000  }
0x4f: {  	[sflag:s22] =	ssyncset.done $0x0  }
0x50: {  	s14 =	simm.s32 $0xFFFFB000;
	p0 =	por $0x1, $0x1;
	[sflag:s22] =	ssyncadd.s32 $0xFFFFE000  }
0x51: {  	s14 =	smov.u32 @p0 s1;
	_ =	swait.ge [sflag:s23], $0x2000  }
0x52: {  	s1 =	sshra.s32 s14, $0x2;
	[sflag:s23] =	ssyncset.done $0x0  }
0x53: {  	s1 =	sadd.s32 $0x2800, s1;
	[sflag:s23] =	ssyncadd.s32 $0xFFFFE000  }
0x54: {  	[spmem:s2] =	stream.indirect.scatter.add.f32 [tilespmem:s20], [sflag:$0x5], $0x80, s1, s16, $0xb8;
	[tilespmem:$0x1FC00] =	vst v63  }
0x55: {  	_ =	swait.ge [sflag:s13], $0x4000  }
0x56: {  	[sflag:s13] =	ssyncset.done $0x0  }
0x57: {  	s14 =	simm.s32 $0x100;
	[sflag:s13] =	ssyncadd.s32 $0xFFFFC000  }
0x58: {  	[tilespmem:s20], [sflag:$0x1] =	stream.indirect.gather [hbm4b:s4+s15], $0x80, s14, s15, $0xb8;
	[tilespmem:$0x1FC00] =	vst v63  }
0x59: {  	s18 =	simm.s32 $0x140  }
0x5a: {  	[tilespmem:s21], [sflag:$0x2] =	stream.indirect.gather [hbm4b:s4+s15], $0x80, s18, s15, $0xb8;
	[tilespmem:$0x1FC00] =	vst v63  }
0x5b: {  	_ =	swait.ge [sflag:s25], $0x2000  }
0x5c: {  	s1 =	simm.s32 $0xFFFFFFD9;
	[sflag:s25] =	ssyncset.done $0x0  }
0x5d: {  	s1 =	smov.u32 @p0 s0;
	[sflag:s25] =	ssyncadd.s32 $0xFFFFE000  }
0x5e: {  	p6 =	por $0x1, $0x1;
	s0 =	sshll.u32 s1, $0x7;
	_ =	swait.ge [sflag:s26], $0x2000  }
0x5f: {  	s29 =	simm.s32 $0x180;
	s0 =	sand.u32 $0x3FFFFF80, s0;
	[sflag:s26] =	ssyncset.done $0x0  }
0x60: {  	s28 =	simm.s32 $0x1C0;
	s0 =	sadd.s32 $0x2800, s0;
	[sflag:s26] =	ssyncadd.s32 $0xFFFFE000  }
0x61: {  	[spmem:s2] =	stream.indirect.scatter.add.f32 [tilespmem:s17], [sflag:$0x5], $0x80, s0, s16, $0xb8;
	[tilespmem:$0x1FC00] =	vst v63  }
0x62: {  	s31 =	simm.s32 $0x3;
	p0 =	por p6, p6;
	_ =	swait.ge [sflag:s13], $0x4000  }
0x63: {  	s1 =	simm.s32 $0x400;
	s14 =	simm.s32 $0x1;
	[sflag:s13] =	ssyncset.done $0x0  }
0x64: {  	s18 =	simm.s32 $0x800;
	s0 =	rddreg [dreg:$0x3];
	[sflag:s13] =	ssyncadd.s32 $0xFFFFC000  }
0x65: {  	[tilespmem:s17], [sflag:$0x3] =	stream.indirect.gather [hbm4b:s4+s15], $0x80, s29, s15, $0xb8;
	[tilespmem:$0x1FC00] =	vst v63  }
.LBB2_4:
0x66: {  	[tilespmem:s19], [sflag:$0x4] =	stream.indirect.gather [hbm4b:s4+s15], $0x80, s28, s15, $0xb8;
	[tilespmem:$0x1FC00] =	vst v63  }
0x67: {  	s29 =	simm.s32 @!p0 $0x0;
	s3 =	simm.s32 @!p0 $0x2800;
	s5 =	simm.s32 @!p0 $0x5  }
0x68: {  	[tilespmem:s3], [sflag:$0x5] =	stream.linear.gather @!p0 [hbm4b:s0+s29], $0x1400, $0x38;
	[tilespmem:$0x1FC00] =	vst v63  }
0x69: {  	_ =	swait.ge @!p0 [sflag:s5], $0x1400  }
0x6a: {  	[sflag:s5] =	ssyncset.done @!p0 $0x0  }
0x6b: {  	[sflag:s5] =	ssyncadd.s32 @!p0 $0xFFFFEC00  }
0x6c: {  	s28 =	smov.u32 s18;
	_ =	swait.ge [sflag:s22], $0x2000  }
0x6d: {  	p2 =	sne.s32 s28, $0x5000;
	s3 =	sadd.s32 $0xFFFFB000, s1;
	[sflag:s22] =	ssyncset.done $0x0  }
0x6e: {  	p0 =	por p2, p2;
	p2 =	slt.u32 s14, $0x14;
	[sflag:s22] =	ssyncadd.s32 $0xFFFFE000  }
0x6f: {  	s3 =	smov.u32 @p2 s1;
	_ =	swait.ge [sflag:s23], $0x2000  }
0x70: {  	s3 =	sshra.s32 s3, $0x2;
	[sflag:s23] =	ssyncset.done $0x0  }
0x71: {  	s3 =	sadd.s32 $0x2800, s3;
	[sflag:s23] =	ssyncadd.s32 $0xFFFFE000  }
0x72: {  	[spmem:s2] =	stream.indirect.scatter.add.f32 [tilespmem:s20], [sflag:$0x5], $0x80, s3, s16, $0xb8;
	[tilespmem:$0x1FC00] =	vst v63  }
0x73: {  	_ =	swait.ge [sflag:s13], $0x4000  }
0x74: {  	s3 =	sshra.s32 s1, $0x2;
	[sflag:s13] =	ssyncset.done $0x0  }
0x75: {  	s29 =	sadd.s32 $0x100, s3;
	[sflag:s13] =	ssyncadd.s32 $0xFFFFC000  }
0x76: {  	[tilespmem:s20], [sflag:$0x1] =	stream.indirect.gather [hbm4b:s4+s15], $0x80, s29, s15, $0xb8;
	[tilespmem:$0x1FC00] =	vst v63  }
0x77: {  	s29 =	sadd.s32 $0x140, s3  }
0x78: {  	[tilespmem:s21], [sflag:$0x2] =	stream.indirect.gather [hbm4b:s4+s15], $0x80, s29, s15, $0xb8;
	[tilespmem:$0x1FC00] =	vst v63  }
0x79: {  	_ =	swait.ge [sflag:s25], $0x2000  }
0x7a: {  	s0 =	sadd.s32 $0xFFFFFFD8, s31;
	[sflag:s25] =	ssyncset.done $0x0  }
0x7b: {  	s0 =	smov.u32 @p2 s31;
	[sflag:s25] =	ssyncadd.s32 $0xFFFFE000  }
0x7c: {  	s0 =	sshll.u32 s0, $0x7;
	_ =	swait.ge [sflag:s26], $0x2000  }
0x7d: {  	s18 =	sadd.s32 $0x400, s18;
	s0 =	sand.u32 $0x3FFFFF80, s0;
	[sflag:s26] =	ssyncset.done $0x0  }
0x7e: {  	p1 =	sne.s32 s18, $0x9C00;
	s0 =	sadd.s32 $0x2800, s0;
	[sflag:s26] =	ssyncadd.s32 $0xFFFFE000  }
0x7f: {  	[spmem:s2] =	stream.indirect.scatter.add.f32 [tilespmem:s17], [sflag:$0x5], $0x80, s0, s16, $0xb8;
	[tilespmem:$0x1FC00] =	vst v63  }
.Ltmp1:
0x80: {  	_ = 	snop;
	(pc) =	sbr.rel @p1 .LBB2_4-.Ltmp1, $4  }
0x81: {  	s14 =	sadd.s32 $0x1, s14;
	s31 =	sadd.s32 $0x2, s31;
	_ =	swait.ge [sflag:s13], $0x4000  }
0x82: {  	s1 =	smov.u32 s28;
	s28 =	sadd.s32 $0x1C0, s3;
	[sflag:s13] =	ssyncset.done $0x0  }
0x83: {  	s29 =	sadd.s32 $0x180, s3;
	s0 =	rddreg [dreg:$0x3];
	[sflag:s13] =	ssyncadd.s32 $0xFFFFC000  }
0x84: {  	[tilespmem:s17], [sflag:$0x3] =	stream.indirect.gather [hbm4b:s4+s15], $0x80, s29, s15, $0xb8;
	[tilespmem:$0x1FC00] =	vst v63  }
0x85: {  	[tilespmem:s19], [sflag:$0x4] =	stream.indirect.gather [hbm4b:s4+s15], $0x80, s28, s15, $0xb8;
	[tilespmem:$0x1FC00] =	vst v63  }
0x86: {  	s3 =	simm.s32 @!p0 $0x0;
	s5 =	simm.s32 @!p0 $0x2800  }
0x87: {  	[tilespmem:s5], [sflag:$0x5] =	stream.linear.gather @!p0 [hbm4b:s0+s3], $0x1400, $0x38;
	[tilespmem:$0x1FC00] =	vst v63  }
0x88: {  	s0 =	simm.s32 @!p0 $0x5  }
0x89: {  	_ =	swait.ge @!p0 [sflag:s0], $0x1400  }
0x8a: {  	[sflag:s0] =	ssyncset.done @!p0 $0x0  }
0x8b: {  	[sflag:s0] =	ssyncadd.s32 @!p0 $0xFFFFEC00  }
0x8c: {  	_ =	swait.ge [sflag:s22], $0x2000  }
0x8d: {  	[sflag:s22] =	ssyncset.done $0x0  }
0x8e: {  	p0 =	slt.u32 s14, $0x14;
	s0 =	sadd.s32 $0xFFFFB000, s1;
	[sflag:s22] =	ssyncadd.s32 $0xFFFFE000  }
0x8f: {  	s0 =	smov.u32 @p0 s1;
	_ =	swait.ge [sflag:s23], $0x2000  }
0x90: {  	s0 =	sshra.s32 s0, $0x2;
	[sflag:s23] =	ssyncset.done $0x0  }
0x91: {  	s0 =	sadd.s32 $0x2800, s0;
	[sflag:s23] =	ssyncadd.s32 $0xFFFFE000  }
0x92: {  	[spmem:s2] =	stream.indirect.scatter.add.f32 [tilespmem:s20], [sflag:$0x5], $0x80, s0, s16, $0xb8;
	[tilespmem:$0x1FC00] =	vst v63  }
0x93: {  	_ =	swait.ge [sflag:s13], $0x4000  }
0x94: {  	s3 =	sshra.s32 s1, $0x2;
	[sflag:s13] =	ssyncset.done $0x0  }
0x95: {  	s1 =	sadd.s32 $0x100, s3;
	[sflag:s13] =	ssyncadd.s32 $0xFFFFC000  }
0x96: {  	[tilespmem:s20], [sflag:$0x1] =	stream.indirect.gather [hbm4b:s4+s15], $0x80, s1, s15, $0xb8;
	[tilespmem:$0x1FC00] =	vst v63  }
0x97: {  	s5 =	sadd.s32 $0x140, s3  }
0x98: {  	[tilespmem:s21], [sflag:$0x2] =	stream.indirect.gather [hbm4b:s4+s15], $0x80, s5, s15, $0xb8;
	[tilespmem:$0x1FC00] =	vst v63  }
0x99: {  	_ =	swait.ge [sflag:s25], $0x2000  }
0x9a: {  	s1 =	sadd.s32 $0xFFFFFFD8, s31;
	[sflag:s25] =	ssyncset.done $0x0  }
0x9b: {  	s1 =	smov.u32 @p0 s31;
	[sflag:s25] =	ssyncadd.s32 $0xFFFFE000  }
0x9c: {  	s1 =	sshll.u32 s1, $0x7;
	_ =	swait.ge [sflag:s26], $0x2000  }
0x9d: {  	s1 =	sand.u32 $0x3FFFFF80, s1;
	[sflag:s26] =	ssyncset.done $0x0  }
0x9e: {  	s1 =	sadd.s32 $0x2800, s1;
	[sflag:s26] =	ssyncadd.s32 $0xFFFFE000  }
0x9f: {  	[spmem:s2] =	stream.indirect.scatter.add.f32 [tilespmem:s17], [sflag:$0x5], $0x80, s1, s16, $0xb8;
	[tilespmem:$0x1FC00] =	vst v63  }
0xa0: {  	_ =	swait.ge [sflag:s13], $0x4000  }
0xa1: {  	[sflag:s13] =	ssyncset.done $0x0  }
0xa2: {  	s14 =	sadd.s32 $0x180, s3;
	[sflag:s13] =	ssyncadd.s32 $0xFFFFC000  }
0xa3: {  	[tilespmem:s17], [sflag:$0x3] =	stream.indirect.gather [hbm4b:s4+s15], $0x80, s14, s15, $0xb8;
	[tilespmem:$0x1FC00] =	vst v63  }
0xa4: {  	s0 =	sadd.s32 $0x1C0, s3  }
0xa5: {  	[tilespmem:s19], [sflag:$0x4] =	stream.indirect.gather [hbm4b:s4+s15], $0x80, s0, s15, $0xb8;
	[tilespmem:$0x1FC00] =	vst v63  }
0xa6: {  	_ =	swait.ge [sflag:s22], $0x2000  }
0xa7: {  	[sflag:s22] =	ssyncset.done $0x0  }
0xa8: {  	[sflag:s22] =	ssyncadd.s32 $0xFFFFE000  }
0xa9: {  	_ =	swait.ge [sflag:s23], $0x2000  }
0xaa: {  	[sflag:s23] =	ssyncset.done $0x0  }
0xab: {  	s18 =	simm.s32 $0x3B00;
	[sflag:s23] =	ssyncadd.s32 $0xFFFFE000  }
0xac: {  	[spmem:s2] =	stream.indirect.scatter.add.f32 [tilespmem:s20], [sflag:$0x5], $0x80, s18, s16, $0xb8;
	[tilespmem:$0x1FC00] =	vst v63  }
0xad: {  	_ =	swait.ge [sflag:s13], $0x4000  }
0xae: {  	[sflag:s13] =	ssyncset.done $0x0  }
0xaf: {  	[sflag:s13] =	ssyncadd.s32 $0xFFFFC000  }
0xb0: {  	_ =	swait.ge [sflag:s25], $0x2000  }
0xb1: {  	[sflag:s25] =	ssyncset.done $0x0  }
0xb2: {  	[sflag:s25] =	ssyncadd.s32 $0xFFFFE000  }
0xb3: {  	_ =	swait.ge [sflag:s26], $0x2000  }
0xb4: {  	[sflag:s26] =	ssyncset.done $0x0  }
0xb5: {  	s28 =	simm.s32 $0x3B80;
	[sflag:s26] =	ssyncadd.s32 $0xFFFFE000  }
0xb6: {  	[spmem:s2] =	stream.indirect.scatter.add.f32 [tilespmem:s17], [sflag:$0x5], $0x80, s28, s16, $0xb8;
	[tilespmem:$0x1FC00] =	vst v63  }
0xb7: {  	s29 =	stileid.u32;
	_ =	swait.ge [sflag:s13], $0x4000  }
0xb8: {  	s30 =	sadd.s32 $0x1, s30;
	s31 =	sshrl.u32 s6, $0x3;
	[sflag:s13] =	ssyncset.done $0x0  }
0xb9: {  	p0 =	sne.s32 s30, s12;
	s0 =	sshll.u32 s29, $0x6;
	[sflag:s13] =	ssyncadd.s32 $0xFFFFC000  }
.Ltmp2:
0xba: {  	s0 =	sor.u32 $0x1C05, s0;
	[bflag:$0x0] =	sbarrier.arrive $0xFFFF;
	(pc) =	sbr.rel @p0 .LBB2_1-.Ltmp2, $4  }
0xbb: {  	[hbm:s24], [sflag:s0] =	dma.local [spmem:s31], $0x2800  }
0xbc: {  	_ =	swait.ge [sflag:s13], $0x2800  }
0xbd: {  	[sflag:s13] =	ssyncset.done $0x0  }
0xbe: {  	[sflag:s13] =	ssyncadd.s32 $0xFFFFD800  }
0xbf: {  	_ =	sfence.sel $0x180000  }
0xc0: {  	[bflag:$0x0] =	sbarrier.arrive $0xFFFF  }
0xc1: {  	_ =	strace $0x9000004D  }
0xc2: {  	s0 =	stileid.u32;
	[bflag:$0x2] =	sbarrier.arrive $0xFFFF  }
0xc3: {  	p0 =	sne.s32 s0, $0x0;
	s0 =	rddreg [dreg:$0x2]  }
0xc4: {  	s0 =	sadd.s32 @!p0 $0x100000, s0  }
0xc5: {  	[sflag:s0] =	ssyncadd.tile.s32 @!p0 $0x1;
	_ =	shalt  }
.Lfunc_end2:
_tile_overlayer_lowered:
.L_overlay_start_2:
0xc6: {  	(tag) =	ssettag $0x2  }
0xc7: {  	s0 =	rddreg [dreg:$0x0];
	s2 =	stileid.u32  }
0xc8: {  	s1 =	rddreg [dreg:$0x1];
	p0 =	sne.s32 s2, $0x0  }
0xc9: {  	s3 =	rddreg [dreg:$0x2];
	[bflag:$0x3] =	sbarrier.arrive $0xFFFF;
	s2 =	simm.s32 @!p0 $0x1C05  }
0xca: {  	[timem:s3], [sflag:s2] =	dma.local @!p0 [hbm:s0], s1  }
0xcb: {  	s0 =	simm.s32 @!p0 $0x5  }
0xcc: {  	_ =	swait.ge @!p0 [sflag:s0], s1  }
0xcd: {  	s1 =	ssub.s32 @!p0 $0x0, s1;
	[sflag:s0] =	ssyncset.done @!p0 $0x0  }
0xce: {  	[sflag:s0] =	ssyncadd.s32 @!p0 s1  }
0xcf: {  	[bflag:$0x3] =	sbarrier.arrive $0xFFFF  }
0xd0: {  	_ =	shalt  }

// kernel: kernel.9.cloned.1.call-start
scs
__scs_entry_jumppad:
0x0: {  	(pc) =	sbr.rel $0x88, $3  }
0x1: {  	(tag) =	ssettag $0x0;
	lr =	simm.s32 $0x1  }
0x2: {  	[smem:$0x3F8E] =	sst lr;
	_ =	strace $0xD0000000  }
0x3: {  	_ = 	snop  }
0x4: {  	_ = 	snop  }
0x5: {  	_ = 	snop  }
0x6: {  	_ = 	snop  }
0x7: {  	_ = 	snop  }
__scs_overlays_trampoline_lowered:
0x8: {  	[smem:$0x3F9D] =	sst s0  }
0x9: {  	[smem:$0x3F9E] =	sst s1  }
0xa: {  	[smem:$0x3F9F] =	sst s2  }
0xb: {  	[smem:$0x3FA0] =	sst s3  }
0xc: {  	[smem:$0x3FA1] =	sst s4  }
0xd: {  	[smem:$0x3FA2] =	sst s5  }
0xe: {  	[smem:$0x3FA3] =	sst s6  }
0xf: {  	[smem:$0x3FA4] =	sst s7  }
0x10: {  	[smem:$0x3FA5] =	sst s8  }
0x11: {  	[smem:$0x3FA6] =	sst s9;
	s0 =	simm.s32 @!p0 $0x0  }
0x12: {  	s1 =	sld [smem:$0x3F8C];
	s0 =	simm.s32 @p0 $0x1  }
0x13: {  	[smem:$0x3FA7] =	sst s0;
	s0 =	simm.s32 @!p1 $0x0  }
0x14: {  	s2 =	sld [smem:$0x3F8B];
	s0 =	simm.s32 @p1 $0x1  }
0x15: {  	[smem:$0x3FA8] =	sst s0;
	s0 =	simm.s32 @!p2 $0x0  }
0x16: {  	s3 =	sld [smem:$0x3FDB];
	s0 =	simm.s32 @p2 $0x1  }
0x17: {  	s4 =	simm.s32 $0x1BF5;
	[smem:$0x3FAA] =	sst s0  }
0x18: {  	s0 =	sld [smem:$0x3F8D];
	_ =	swait.ge [sflag:s4], $0x0  }
0x19: {  	s7 =	sld [smem:$0x3F8E]  }
0x1a: {  	s8 =	sadd.s32 $0xFFFFE003, lr  }
0x1b: {  	s9 =	sadd.s32 $0xFFFFFEF7, lr;
	s5 =	simm.s32 $0xFFFFFFFF;
	p2 =	slt.u32 s8, $0xFFFFF086  }
0x1c: {  	p1 =	slt.u32 s9, $0xF7A;
	s5 =	simm.s32 @!p2 $0x0  }
0x1d: {  	s5 =	simm.s32 @p1 $0x1;
	p0 =	seq.s32 s7, s2  }
0x1e: {  	s7 =	smul.u32 @!p0 $0xF7A, s2;
	p2 =	seq.s32 @!p0 s5, $0x0  }
0x1f: {  	s9 =	smul.u32 $0xF7A, s1;
	s8 =	simm.s32 @!p0 $0x1BF5;
	p2 =	por !p2, p0  }
0x20: {  	[sflag:s8] =	ssyncset.s32 @!p0 $0xFFFFF086;
	s6 =	sadd.s32 @!p0 s3, s7;
	s7 =	simm.s32 @!p0 $0x108  }
0x21: {  	s3 =	sadd.s32 s3, s9;
	s6 =	sadd.s32 @!p0 $0x88, s6;
	s7 =	simm.s32 @p2 $0x1082  }
0x22: {  	[simem:s7], [sflag:s8] =	dma.local @!p0 [hbm:s6], $0xF7A  }
0x23: {  	s9 =	sor.u32 $0xD0000000, s2;
	s6 =	simm.s32 $0x108;
	_ =	swait.ge @!p0 [sflag:s8], $0x0  }
0x24: {  	s3 =	sadd.s32 $0x88, s3;
	s6 =	simm.s32 @!p1 $0x1082;
	[sflag:s4] =	ssyncset.s32 $0xFFFFF086  }
0x25: {  	[simem:s6], [sflag:s4] =	dma.local [hbm:s3], $0xF7A  }
0x26: {  	[smem:$0x3F8E] =	sst s1;
	(tag) =	ssettag s2;
	_ =	strace s9  }
0x27: {  	s1 =	sld [smem:$0x3F9E]  }
0x28: {  	s2 =	sld [smem:$0x3F9F]  }
0x29: {  	s4 =	sld [smem:$0x3FA1]  }
0x2a: {  	p0 =	seq.s32 s5, $0x0;
	s5 =	sld [smem:$0x3FA2]  }
0x2b: {  	s6 =	sld [smem:$0x3FA3]  }
0x2c: {  	s7 =	sld [smem:$0x3FA4]  }
0x2d: {  	s3 =	simm.s32 $0x108;
	s8 =	sld [smem:$0x3FA5]  }
0x2e: {  	s3 =	simm.s32 @!p0 $0x1082;
	s9 =	sld [smem:$0x3FA6]  }
0x2f: {  	lr =	sadd.s32 s0, s3;
	s0 =	sld [smem:$0x3F9D]  }
0x30: {  	s3 =	sld [smem:$0x3FA0]  }
0x31: {  	[smem:$0x3FA9] =	sst s10  }
0x32: {  	s10 =	sld [smem:$0x3FA7];
	_ =	sdelay $0x3  }
0x33: {  	p0 =	seq.s32 s10, $0x1;
	s10 =	sld [smem:$0x3FA9];
	_ =	sdelay $0x3  }
0x34: {  	[smem:$0x3FA9] =	sst s10  }
0x35: {  	s10 =	sld [smem:$0x3FA8];
	_ =	sdelay $0x3  }
0x36: {  	p1 =	seq.s32 s10, $0x1;
	s10 =	sld [smem:$0x3FA9];
	_ =	sdelay $0x3  }
0x37: {  	[smem:$0x3FA9] =	sst s10  }
0x38: {  	s10 =	sld [smem:$0x3FAA]  }
0x39: {  	_ = 	snop;
	(pc) =	sbr.ind lr, $3  }
0x3a: {  	_ = 	snop  }
0x3b: {  	_ = 	snop  }
0x3c: {  	p2 =	seq.s32 s10, $0x1;
	s10 =	sld [smem:$0x3FA9]  }
0x3d: {  	_ =	shalt  }
0x3e: {  	_ =	shalt  }
0x3f: {  	_ =	shalt  }
0x40: {  	_ =	shalt  }
0x41: {  	_ =	shalt  }
0x42: {  	_ =	shalt  }
0x43: {  	_ =	shalt  }
0x44: {  	_ =	shalt  }
0x45: {  	_ =	shalt  }
0x46: {  	_ =	shalt  }
0x47: {  	_ =	shalt  }
0x48: {  	_ =	shalt  }
0x49: {  	_ =	shalt  }
0x4a: {  	_ =	shalt  }
0x4b: {  	_ =	shalt  }
0x4c: {  	_ =	shalt  }
0x4d: {  	_ =	shalt  }
0x4e: {  	_ =	shalt  }
0x4f: {  	_ =	shalt  }
0x50: {  	_ =	shalt  }
0x51: {  	_ =	shalt  }
0x52: {  	_ =	shalt  }
0x53: {  	_ =	shalt  }
0x54: {  	_ =	shalt  }
0x55: {  	_ =	shalt  }
0x56: {  	_ =	shalt  }
0x57: {  	_ =	shalt  }
0x58: {  	_ =	shalt  }
0x59: {  	_ =	shalt  }
0x5a: {  	_ =	shalt  }
0x5b: {  	_ =	shalt  }
0x5c: {  	_ =	shalt  }
0x5d: {  	_ =	shalt  }
0x5e: {  	_ =	shalt  }
0x5f: {  	_ =	shalt  }
0x60: {  	_ =	shalt  }
0x61: {  	_ =	shalt  }
0x62: {  	_ =	shalt  }
0x63: {  	_ =	shalt  }
0x64: {  	_ =	shalt  }
0x65: {  	_ =	shalt  }
0x66: {  	_ =	shalt  }
0x67: {  	_ =	shalt  }
0x68: {  	_ =	shalt  }
0x69: {  	_ =	shalt  }
0x6a: {  	_ =	shalt  }
0x6b: {  	_ =	shalt  }
0x6c: {  	_ =	shalt  }
0x6d: {  	_ =	shalt  }
0x6e: {  	_ =	shalt  }
0x6f: {  	_ =	shalt  }
0x70: {  	_ =	shalt  }
0x71: {  	_ =	shalt  }
0x72: {  	_ =	shalt  }
0x73: {  	_ =	shalt  }
0x74: {  	_ =	shalt  }
0x75: {  	_ =	shalt  }
0x76: {  	_ =	shalt  }
0x77: {  	_ =	shalt  }
0x78: {  	_ =	shalt  }
0x79: {  	_ =	shalt  }
0x7a: {  	_ =	shalt  }
0x7b: {  	_ =	shalt  }
0x7c: {  	_ =	shalt  }
0x7d: {  	_ =	shalt  }
0x7e: {  	_ =	shalt  }
0x7f: {  	_ =	shalt  }
0x80: {  	_ =	shalt  }
0x81: {  	_ =	shalt  }
0x82: {  	_ =	shalt  }
0x83: {  	_ =	shalt  }
0x84: {  	_ =	shalt  }
0x85: {  	_ =	shalt  }
0x86: {  	_ =	shalt  }
0x87: {  	_ =	shalt  }
.Lfunc_end0:
.L_simem_size_0:
called_computation_lowered:
.L_overlay_start_0:
0x88: {  	s2 =	sld [smem:$0x3FD9]  }
0x89: {  	s3 =	sld [smem:$0x3FFE];
	_ =	sdelay $0x1  }
0x8a: {  	s1 =	srdreg.scid  }
0x8b: {  	s0 =	sand.u32 $0x1, s1  }
0x8c: {  	s17 =	sshll.u32 s0, $0xA;
	s2 =	sadd.s32 s3, s2  }
0x8d: {  	s2 =	sadd.s32 s2, s17  }
0x8e: {  	[smem:$0x3FB5] =	sst s2  }
0x8f: {  	_ = 	snop  }
0x90: {  	s2 =	sld [smem:$0x3FC9];
	(tm) =	ssettm $0x1  }
0x91: {  	s18 =	sld [smem:$0x3FFB];
	_ =	sdelay $0x3  }
0x92: {  	_ =	strace s18  }
0x93: {  	s3 =	sld [smem:$0x3FFC];
	_ =	sdelay $0x3  }
0x94: {  	_ =	strace s3  }
0x95: {  	s3 =	sld [smem:$0x3FFD];
	_ =	sdelay $0x3  }
0x96: {  	_ =	strace s3  }
0x97: {  	_ =	strace $0x8FFFFFFF  }
0x98: {  	s19 =	sld [smem:$0x3FDB];
	_ =	sdelay $0x1  }
0x99: {  	s4 =	simm.s32 $_scs_section_size  }
0x9a: {  	s5 =	simm.s32 $_size__tile_overlayer_lowered;
	s6 =	simm.s32 $_tile_overlayer_lowered  }
0x9b: {  	s22 =	simm.s32 $0x1BFF;
	s21 =	sshll.u32 s6, $0x1;
	s3 =	sadd.s32 s4, s19  }
0x9c: {  	s7 =	simm.s32 $0x0;
	s20 =	sshll.u32 s5, $0x1;
	s5 =	sadd.s32 s21, s3  }
0x9d: {  	[timem:s7], [sflag:s22] =	dma.local [hbm:s5], s20  }
0x9e: {  	_ =	swait.ge [sflag:s22], s20  }
0x9f: {  	s4 =	ssub.s32 $0x0, s20;
	[sflag:s22] =	ssyncset.done $0x0  }
0xa0: {  	[sflag:s22] =	ssyncadd.s32 s4;
	_ =	sdelay $0x1  }
0xa1: {  	s23 =	simm.s32 $0x1B8B  }
0xa2: {  	_ =	swait.ge [sflag:s23], $0x1  }
0xa3: {  	[sflag:s23] =	ssyncset.done $0x0  }
0xa4: {  	s25 =	simm.s32 $0x1B8E;
	s24 =	sld [smem:$0x3FFE];
	[sflag:s23] =	ssyncadd.s32 $0xFFFFFFFF  }
0xa5: {  	s26 =	simm.s32 $execute0_lowered;
	[smem:$0x3FD2] =	sst s25  }
0xa6: {  	s5 =	sshll.u32 s26, $0x1;
	_ =	strace $0x80000046;
	[dreg:$0x1] =	wrdreg $0xFFFFFFFF  }
0xa7: {  	s28 =	simm.s32 $_size_execute0_lowered;
	s3 =	sadd.s32 s3, s5;
	[dreg:$0x0] =	wrdreg $0x0  }
0xa8: {  	s5 =	sshll.u32 s28, $0x1;
	[dreg:$0x2] =	wrdreg s3  }
0xa9: {  	[dreg:$0x3] =	wrdreg s5  }
0xaa: {  	[dreg:$0x4] =	wrdreg $0xC0  }
0xab: {  	_ =	task [dreg:s7], $0x5FFFF  }
0xac: {  	[dreg:$0x1] =	wrdreg $0xFFFFFFFF  }
0xad: {  	[dreg:$0x0] =	wrdreg $0x60  }
0xae: {  	[dreg:$0x2] =	wrdreg s2  }
0xaf: {  	[dreg:$0x3] =	wrdreg s24  }
0xb0: {  	[dreg:$0x4] =	wrdreg $0xBC000  }
0xb1: {  	[dreg:$0x5] =	wrdreg $0x9  }
0xb2: {  	_ =	task.clear_ibuf [dreg:s7], $0x6FFFF;
	_ =	strace $0x90000046  }
0xb3: {  	s29 =	simm.s32 $0x9;
	_ =	strace $0x80000048  }
0xb4: {  	_ =	swait.ge [sflag:s29], $0x1  }
0xb5: {  	[sflag:s29] =	ssyncadd.s32 $0xFFFFFFFF  }
0xb6: {  	_ =	strace $0x90000048  }
0xb7: {  	_ =	sfence  }
0xb8: {  	s30 =	sld [smem:$0x0];
	_ =	sdelay $0x2  }
0xb9: {  	s31 =	sshll.u32 s1, $0xD;
	s1 =	sshrl.u32 s1, $0x2  }
0xba: {  	s3 =	sand.u32 $0x4000, s31;
	s1 =	sadd.s32 s1, s30  }
0xbb: {  	s0 =	sor.u32 s3, s0;
	s1 =	sshll.u32 s1, $0x11  }
0xbc: {  	s0 =	sor.u32 s1, s0  }
0xbd: {  	s0 =	sadd.s32 $0x8F2B, s0  }
0xbe: {  	[sflag:s0] =	ssyncadd.remote.s32 $0x1  }
0xbf: {  	_ =	sfence.sel $0xFFFF  }
0xc0: {  	[dreg:$0x0] =	wrdreg $0xFFFFFFFF;
	(pc) =	sbr.abs _section_cstart, $3  }
0xc1: {  	[dreg:$0x1] =	wrdreg $0xFFFFFFFF  }
0xc2: {  	_ =	task.clear_ibuf [dreg:s7], $0x2FFFF;
	_ =	strace $0x9FFFFFFF  }
0xc3: {  	(tm) =	ssettm $0x7FFFFFFF  }
tec
execute0_lowered:
.L_overlay_start_1:
0x0: {  	(tag) =	ssettag $0x1  }
0x1: {  	s0 =	srdreg.scid;
	s1 =	rddreg [dreg:$0x0]  }
0x2: {  	s4 =	stileid.u32;
	s5 =	rddreg [dreg:$0x1]  }
0x3: {  	s3 =	rddreg [dreg:$0x2];
	s7 =	simm.s32 $0x0;
	s13 =	simm.s32 $0x5  }
0x4: {  	s15 =	simm.s32 $0x40;
	s16 =	simm.s32 $0x80;
	s17 =	simm.s32 $0x7C00  }
0x5: {  	s19 =	simm.s32 $0x9C00;
	s20 =	simm.s32 $0x3C00;
	s21 =	simm.s32 $0x5C00  }
0x6: {  	s22 =	simm.s32 $0x1;
	s23 =	simm.s32 $0x2;
	s30 =	simm.s32 $0x0  }
0x7: {  	s0 =	sand.u32 $0x1, s0;
	s2 =	sshll.u32 s4, $0x1;
	s24 =	smul.u32 $0x50000, s4  }
0x8: {  	[smem:$0x7FF] =	sst s7;
	s14 =	smul.u32 $0x2800, s4;
	s2 =	sor.u32 s0, s2  }
0x9: {  	s6 =	smul.u32 $0x28000, s0;
	_ =	strace $0x80000047;
	s0 =	ssub.s32 $0x2, s0  }
0xa: {  	s2 =	smul.u32 $0x500, s2;
	s25 =	sshrl.u32 s0, $0x1;
	s26 =	sshrl.u32 s24, $0x2  }
0xb: {  	s12 =	sadd.s32 s6, s5;
	s0 =	ssub.s32 s0, s25;
	s6 =	sadd.s32 s26, s3  }
0xc: {  	s25 =	simm.s32 $0x3;
	s26 =	simm.s32 $0x4;
	s2 =	sadd.s32 s2, s5  }
0xd: {  	s8 =	sadd.s32 $0x4000, s6;
	s9 =	sadd.s32 $0x8000, s6;
	s10 =	sadd.s32 $0xC000, s6  }
0xe: {  	s11 =	sadd.s32 $0x10000, s6;
	s28 =	sadd.s32 $0x3E00, s2;
	s7 =	sadd.s32 $0xDE00, s2  }
0xf: {  	s29 =	sadd.s32 $0x17E00, s12;
	[dreg:$0x5] =	wrdreg s28;
	s31 =	sadd.s32 $0x280, s7  }
0x10: {  	v0 =	vimm.f32 $0.0e+00;
	s12 =	smax.u32 s0, $0x1;
	s24 =	sadd.s32 s14, s29;
	[dreg:$0x4] =	wrdreg s31  }
.LBB2_1:
0x11: {  	s0 =	simm.s32 $0x0;
	s2 =	rddreg [dreg:$0x5]  }
0x12: {  	[tilespmem:s0], [sflag:$0x5] =	stream.linear.gather [hbm4b:s2+s0], $0x2800, $0x38;
	[tilespmem:$0x1FC00] =	vst v63  }
0x13: {  	_ =	swait.ge [sflag:s13], $0x2800  }
0x14: {  	[sflag:s13] =	ssyncset.done $0x0  }
0x15: {  	s29 =	simm.s32 $0x2800;
	[sflag:s13] =	ssyncadd.s32 $0xFFFFD800  }
0x16: {  	[tilespmem:s29], [sflag:$0x5] =	stream.linear.gather [hbm4b:s7+s0], $0x1400, $0x38;
	[tilespmem:$0x1FC00] =	vst v63  }
0x17: {  	_ =	swait.ge [sflag:s13], $0x1400  }
0x18: {  	[sflag:s13] =	ssyncset.done $0x0  }
0x19: {  	[sflag:s13] =	ssyncadd.s32 $0xFFFFEC00  }
0x1a: {  	[tilespmem:s17], [sflag:$0x3] =	stream.indirect.gather [hbm4b:s1+s15], $0x80, s16, s15, $0xb8;
	[tilespmem:$0x1FC00] =	vst v63  }
0x1b: {  	s31 =	simm.s32 $0xC0;
	s14 =	simm.s32 $0x200;
	s2 =	simm.s32 $0x0  }
0x1c: {  	[tilespmem:s19], [sflag:$0x4] =	stream.indirect.gather [hbm4b:s1+s15], $0x80, s31, s15, $0xb8;
	[tilespmem:$0x1FC00] =	vst v63  }
.LBB2_2:
0x1d: {  	p0 =	sne.s32 s14, $0xFE00;
	[tilespmem:s2+$0x3C70] =	vst v0  }
0x1e: {  	[tilespmem:s2+$0x3C00] =	vst v0  }
0x1f: {  	[tilespmem:s2+$0x3C10] =	vst v0  }
.Ltmp0:
0x20: {  	[tilespmem:s2+$0x3C20] =	vst v0;
	(pc) =	sbr.rel @p0 .LBB2_2-.Ltmp0, $4  }
0x21: {  	[tilespmem:s2+$0x3C30] =	vst v0  }
0x22: {  	[tilespmem:s2+$0x3C40] =	vst v0  }
0x23: {  	[tilespmem:s2+$0x3C50] =	vst v0  }
0x24: {  	[tilespmem:s2+$0x3C60] =	vst v0;
	s2 =	sshra.s32 s14, $0x2;
	s14 =	sadd.s32 $0x200, s14  }
0x25: {  	[tilespmem:s2+$0x3C70] =	vst v0  }
0x26: {  	[tilespmem:s2+$0x3C00] =	vst v0  }
0x27: {  	[tilespmem:s2+$0x3C10] =	vst v0  }
0x28: {  	[tilespmem:s2+$0x3C20] =	vst v0  }
0x29: {  	[tilespmem:s2+$0x3C30] =	vst v0  }
0x2a: {  	[tilespmem:s2+$0x3C40] =	vst v0  }
0x2b: {  	[tilespmem:s2+$0x3C50] =	vst v0  }
0x2c: {  	[tilespmem:s2+$0x3C60] =	vst v0  }
0x2d: {  	[spmem:s6] =	stream.linear.scatter [tilespmem:s20], [sflag:$0x1], $0x4000, $0x38;
	[tilespmem:$0x1FC00] =	vst v63  }
0x2e: {  	_ = 	snop  }
0x2f: {  	[spmem:s8] =	stream.linear.scatter [tilespmem:s20], [sflag:$0x1], $0x4000, $0x38;
	[tilespmem:$0x1FC00] =	vst v63  }
0x30: {  	_ = 	snop  }
0x31: {  	[spmem:s9] =	stream.linear.scatter [tilespmem:s20], [sflag:$0x1], $0x4000, $0x38;
	[tilespmem:$0x1FC00] =	vst v63  }
0x32: {  	_ = 	snop  }
0x33: {  	[spmem:s10] =	stream.linear.scatter [tilespmem:s20], [sflag:$0x1], $0x4000, $0x38;
	[tilespmem:$0x1FC00] =	vst v63  }
0x34: {  	s0 =	simm.s32 $0x1  }
0x35: {  	[spmem:s11] =	stream.linear.scatter [tilespmem:s20], [sflag:$0x1], $0x4000, $0x38;
	[tilespmem:$0x1FC00] =	vst v63  }
0x36: {  	_ =	swait.ge [sflag:s0], $0x4000  }
0x37: {  	[sflag:s0] =	ssyncset.done $0x0  }
0x38: {  	[sflag:s0] =	ssyncadd.s32 $0xFFFFC000  }
0x39: {  	_ =	swait.ge [sflag:s0], $0x4000  }
0x3a: {  	[sflag:s0] =	ssyncset.done $0x0  }
0x3b: {  	[sflag:s0] =	ssyncadd.s32 $0xFFFFC000  }
0x3c: {  	_ =	swait.ge [sflag:s0], $0x4000  }
0x3d: {  	[sflag:s0] =	ssyncset.done $0x0  }
0x3e: {  	[sflag:s0] =	ssyncadd.s32 $0xFFFFC000  }
0x3f: {  	_ =	swait.ge [sflag:s0], $0x4000  }
0x40: {  	[sflag:s0] =	ssyncset.done $0x0  }
0x41: {  	[sflag:s0] =	ssyncadd.s32 $0xFFFFC000  }
0x42: {  	_ =	swait.ge [sflag:s0], $0x4000  }
0x43: {  	[sflag:s0] =	ssyncset.done $0x0  }
0x44: {  	p0 =	por $0x1, $0x1;
	[sflag:s0] =	ssyncadd.s32 $0xFFFFC000  }
0x45: {  	s2 =	simm.s32 $0x0;
	p0 =	por p0, p0;
	[bflag:$0x0] =	sbarrier.arrive $0xFFFF  }
0x46: {  	[tilespmem:s20], [sflag:$0x1] =	stream.indirect.gather [hbm4b:s1+s15], $0x80, s2, s15, $0xb8;
	[tilespmem:$0x1FC00] =	vst v63  }
0x47: {  	s18 =	simm.s32 @!p0 $0x0  }
0x48: {  	[tilespmem:s21], [sflag:$0x2] =	stream.indirect.gather [hbm4b:s1+s15], $0x80, s15, s15, $0xb8;
	[tilespmem:$0x1FC00] =	vst v63  }
0x49: {  	s28 =	simm.s32 @!p0 $0x2800;
	s31 =	simm.s32 @!p0 $0x5;
	s14 =	rddreg [dreg:$0x4]  }
0x4a: {  	[tilespmem:s28], [sflag:$0x5] =	stream.linear.gather @!p0 [hbm4b:s14+s18], $0x1400, $0x38;
	[tilespmem:$0x1FC00] =	vst v63  }
0x4b: {  	_ =	swait.ge @!p0 [sflag:s31], $0x1400  }
0x4c: {  	[sflag:s31] =	ssyncset.done @!p0 $0x0  }
0x4d: {  	[sflag:s31] =	ssyncadd.s32 @!p0 $0xFFFFEC00  }
0x4e: {  	_ =	swait.ge [sflag:s22], $0x2000  }
0x4f: {  	[sflag:s22] =	ssyncset.done $0x0  }
0x50: {  	s14 =	simm.s32 $0xFFFFB000;
	p0 =	por $0x1, $0x1;
	[sflag:s22] =	ssyncadd.s32 $0xFFFFE000  }
0x51: {  	s14 =	smov.u32 @p0 s2;
	_ =	swait.ge [sflag:s23], $0x2000  }
0x52: {  	s2 =	sshra.s32 s14, $0x2;
	[sflag:s23] =	ssyncset.done $0x0  }
0x53: {  	s2 =	sadd.s32 $0x2800, s2;
	[sflag:s23] =	ssyncadd.s32 $0xFFFFE000  }
0x54: {  	[spmem:s3] =	stream.indirect.scatter.add.f32 [tilespmem:s20], [sflag:$0x5], $0x80, s2, s16, $0xb8;
	[tilespmem:$0x1FC00] =	vst v63  }
0x55: {  	_ =	swait.ge [sflag:s13], $0x4000  }
0x56: {  	[sflag:s13] =	ssyncset.done $0x0  }
0x57: {  	s14 =	simm.s32 $0x100;
	[sflag:s13] =	ssyncadd.s32 $0xFFFFC000  }
0x58: {  	[tilespmem:s20], [sflag:$0x1] =	stream.indirect.gather [hbm4b:s1+s15], $0x80, s14, s15, $0xb8;
	[tilespmem:$0x1FC00] =	vst v63  }
0x59: {  	s18 =	simm.s32 $0x140  }
0x5a: {  	[tilespmem:s21], [sflag:$0x2] =	stream.indirect.gather [hbm4b:s1+s15], $0x80, s18, s15, $0xb8;
	[tilespmem:$0x1FC00] =	vst v63  }
0x5b: {  	_ =	swait.ge [sflag:s25], $0x2000  }
0x5c: {  	s2 =	simm.s32 $0xFFFFFFD9;
	[sflag:s25] =	ssyncset.done $0x0  }
0x5d: {  	s2 =	smov.u32 @p0 s0;
	[sflag:s25] =	ssyncadd.s32 $0xFFFFE000  }
0x5e: {  	p6 =	por $0x1, $0x1;
	s0 =	sshll.u32 s2, $0x7;
	_ =	swait.ge [sflag:s26], $0x2000  }
0x5f: {  	s29 =	simm.s32 $0x180;
	s0 =	sand.u32 $0x3FFFFF80, s0;
	[sflag:s26] =	ssyncset.done $0x0  }
0x60: {  	s28 =	simm.s32 $0x1C0;
	s0 =	sadd.s32 $0x2800, s0;
	[sflag:s26] =	ssyncadd.s32 $0xFFFFE000  }
0x61: {  	[spmem:s3] =	stream.indirect.scatter.add.f32 [tilespmem:s17], [sflag:$0x5], $0x80, s0, s16, $0xb8;
	[tilespmem:$0x1FC00] =	vst v63  }
0x62: {  	s31 =	simm.s32 $0x3;
	p0 =	por p6, p6;
	_ =	swait.ge [sflag:s13], $0x4000  }
0x63: {  	s2 =	simm.s32 $0x400;
	s14 =	simm.s32 $0x1;
	[sflag:s13] =	ssyncset.done $0x0  }
0x64: {  	s18 =	simm.s32 $0x800;
	s0 =	rddreg [dreg:$0x4];
	[sflag:s13] =	ssyncadd.s32 $0xFFFFC000  }
0x65: {  	[tilespmem:s17], [sflag:$0x3] =	stream.indirect.gather [hbm4b:s1+s15], $0x80, s29, s15, $0xb8;
	[tilespmem:$0x1FC00] =	vst v63  }
.LBB2_4:
0x66: {  	[tilespmem:s19], [sflag:$0x4] =	stream.indirect.gather [hbm4b:s1+s15], $0x80, s28, s15, $0xb8;
	[tilespmem:$0x1FC00] =	vst v63  }
0x67: {  	s29 =	simm.s32 @!p0 $0x0;
	s4 =	simm.s32 @!p0 $0x2800;
	s5 =	simm.s32 @!p0 $0x5  }
0x68: {  	[tilespmem:s4], [sflag:$0x5] =	stream.linear.gather @!p0 [hbm4b:s0+s29], $0x1400, $0x38;
	[tilespmem:$0x1FC00] =	vst v63  }
0x69: {  	_ =	swait.ge @!p0 [sflag:s5], $0x1400  }
0x6a: {  	[sflag:s5] =	ssyncset.done @!p0 $0x0  }
0x6b: {  	[sflag:s5] =	ssyncadd.s32 @!p0 $0xFFFFEC00  }
0x6c: {  	s28 =	smov.u32 s18;
	_ =	swait.ge [sflag:s22], $0x2000  }
0x6d: {  	p2 =	sne.s32 s28, $0x5000;
	s4 =	sadd.s32 $0xFFFFB000, s2;
	[sflag:s22] =	ssyncset.done $0x0  }
0x6e: {  	p0 =	por p2, p2;
	p2 =	slt.u32 s14, $0x14;
	[sflag:s22] =	ssyncadd.s32 $0xFFFFE000  }
0x6f: {  	s4 =	smov.u32 @p2 s2;
	_ =	swait.ge [sflag:s23], $0x2000  }
0x70: {  	s4 =	sshra.s32 s4, $0x2;
	[sflag:s23] =	ssyncset.done $0x0  }
0x71: {  	s4 =	sadd.s32 $0x2800, s4;
	[sflag:s23] =	ssyncadd.s32 $0xFFFFE000  }
0x72: {  	[spmem:s3] =	stream.indirect.scatter.add.f32 [tilespmem:s20], [sflag:$0x5], $0x80, s4, s16, $0xb8;
	[tilespmem:$0x1FC00] =	vst v63  }
0x73: {  	_ =	swait.ge [sflag:s13], $0x4000  }
0x74: {  	s4 =	sshra.s32 s2, $0x2;
	[sflag:s13] =	ssyncset.done $0x0  }
0x75: {  	s29 =	sadd.s32 $0x100, s4;
	[sflag:s13] =	ssyncadd.s32 $0xFFFFC000  }
0x76: {  	[tilespmem:s20], [sflag:$0x1] =	stream.indirect.gather [hbm4b:s1+s15], $0x80, s29, s15, $0xb8;
	[tilespmem:$0x1FC00] =	vst v63  }
0x77: {  	s29 =	sadd.s32 $0x140, s4  }
0x78: {  	[tilespmem:s21], [sflag:$0x2] =	stream.indirect.gather [hbm4b:s1+s15], $0x80, s29, s15, $0xb8;
	[tilespmem:$0x1FC00] =	vst v63  }
0x79: {  	_ =	swait.ge [sflag:s25], $0x2000  }
0x7a: {  	s0 =	sadd.s32 $0xFFFFFFD8, s31;
	[sflag:s25] =	ssyncset.done $0x0  }
0x7b: {  	s0 =	smov.u32 @p2 s31;
	[sflag:s25] =	ssyncadd.s32 $0xFFFFE000  }
0x7c: {  	s0 =	sshll.u32 s0, $0x7;
	_ =	swait.ge [sflag:s26], $0x2000  }
0x7d: {  	s18 =	sadd.s32 $0x400, s18;
	s0 =	sand.u32 $0x3FFFFF80, s0;
	[sflag:s26] =	ssyncset.done $0x0  }
0x7e: {  	p1 =	sne.s32 s18, $0x9C00;
	s0 =	sadd.s32 $0x2800, s0;
	[sflag:s26] =	ssyncadd.s32 $0xFFFFE000  }
0x7f: {  	[spmem:s3] =	stream.indirect.scatter.add.f32 [tilespmem:s17], [sflag:$0x5], $0x80, s0, s16, $0xb8;
	[tilespmem:$0x1FC00] =	vst v63  }
.Ltmp1:
0x80: {  	_ = 	snop;
	(pc) =	sbr.rel @p1 .LBB2_4-.Ltmp1, $4  }
0x81: {  	s14 =	sadd.s32 $0x1, s14;
	s31 =	sadd.s32 $0x2, s31;
	_ =	swait.ge [sflag:s13], $0x4000  }
0x82: {  	s2 =	smov.u32 s28;
	s28 =	sadd.s32 $0x1C0, s4;
	[sflag:s13] =	ssyncset.done $0x0  }
0x83: {  	s29 =	sadd.s32 $0x180, s4;
	s0 =	rddreg [dreg:$0x4];
	[sflag:s13] =	ssyncadd.s32 $0xFFFFC000  }
0x84: {  	[tilespmem:s17], [sflag:$0x3] =	stream.indirect.gather [hbm4b:s1+s15], $0x80, s29, s15, $0xb8;
	[tilespmem:$0x1FC00] =	vst v63  }
0x85: {  	[tilespmem:s19], [sflag:$0x4] =	stream.indirect.gather [hbm4b:s1+s15], $0x80, s28, s15, $0xb8;
	[tilespmem:$0x1FC00] =	vst v63  }
0x86: {  	s4 =	simm.s32 @!p0 $0x0;
	s5 =	simm.s32 @!p0 $0x2800  }
0x87: {  	[tilespmem:s5], [sflag:$0x5] =	stream.linear.gather @!p0 [hbm4b:s0+s4], $0x1400, $0x38;
	[tilespmem:$0x1FC00] =	vst v63  }
0x88: {  	s0 =	simm.s32 @!p0 $0x5  }
0x89: {  	_ =	swait.ge @!p0 [sflag:s0], $0x1400  }
0x8a: {  	[sflag:s0] =	ssyncset.done @!p0 $0x0  }
0x8b: {  	[sflag:s0] =	ssyncadd.s32 @!p0 $0xFFFFEC00  }
0x8c: {  	_ =	swait.ge [sflag:s22], $0x2000  }
0x8d: {  	[sflag:s22] =	ssyncset.done $0x0  }
0x8e: {  	p0 =	slt.u32 s14, $0x14;
	s0 =	sadd.s32 $0xFFFFB000, s2;
	[sflag:s22] =	ssyncadd.s32 $0xFFFFE000  }
0x8f: {  	s0 =	smov.u32 @p0 s2;
	_ =	swait.ge [sflag:s23], $0x2000  }
0x90: {  	s0 =	sshra.s32 s0, $0x2;
	[sflag:s23] =	ssyncset.done $0x0  }
0x91: {  	s0 =	sadd.s32 $0x2800, s0;
	[sflag:s23] =	ssyncadd.s32 $0xFFFFE000  }
0x92: {  	[spmem:s3] =	stream.indirect.scatter.add.f32 [tilespmem:s20], [sflag:$0x5], $0x80, s0, s16, $0xb8;
	[tilespmem:$0x1FC00] =	vst v63  }
0x93: {  	_ =	swait.ge [sflag:s13], $0x4000  }
0x94: {  	s4 =	sshra.s32 s2, $0x2;
	[sflag:s13] =	ssyncset.done $0x0  }
0x95: {  	s2 =	sadd.s32 $0x100, s4;
	[sflag:s13] =	ssyncadd.s32 $0xFFFFC000  }
0x96: {  	[tilespmem:s20], [sflag:$0x1] =	stream.indirect.gather [hbm4b:s1+s15], $0x80, s2, s15, $0xb8;
	[tilespmem:$0x1FC00] =	vst v63  }
0x97: {  	s5 =	sadd.s32 $0x140, s4  }
0x98: {  	[tilespmem:s21], [sflag:$0x2] =	stream.indirect.gather [hbm4b:s1+s15], $0x80, s5, s15, $0xb8;
	[tilespmem:$0x1FC00] =	vst v63  }
0x99: {  	_ =	swait.ge [sflag:s25], $0x2000  }
0x9a: {  	s2 =	sadd.s32 $0xFFFFFFD8, s31;
	[sflag:s25] =	ssyncset.done $0x0  }
0x9b: {  	s2 =	smov.u32 @p0 s31;
	[sflag:s25] =	ssyncadd.s32 $0xFFFFE000  }
0x9c: {  	s2 =	sshll.u32 s2, $0x7;
	_ =	swait.ge [sflag:s26], $0x2000  }
0x9d: {  	s2 =	sand.u32 $0x3FFFFF80, s2;
	[sflag:s26] =	ssyncset.done $0x0  }
0x9e: {  	s2 =	sadd.s32 $0x2800, s2;
	[sflag:s26] =	ssyncadd.s32 $0xFFFFE000  }
0x9f: {  	[spmem:s3] =	stream.indirect.scatter.add.f32 [tilespmem:s17], [sflag:$0x5], $0x80, s2, s16, $0xb8;
	[tilespmem:$0x1FC00] =	vst v63  }
0xa0: {  	_ =	swait.ge [sflag:s13], $0x4000  }
0xa1: {  	[sflag:s13] =	ssyncset.done $0x0  }
0xa2: {  	s14 =	sadd.s32 $0x180, s4;
	[sflag:s13] =	ssyncadd.s32 $0xFFFFC000  }
0xa3: {  	[tilespmem:s17], [sflag:$0x3] =	stream.indirect.gather [hbm4b:s1+s15], $0x80, s14, s15, $0xb8;
	[tilespmem:$0x1FC00] =	vst v63  }
0xa4: {  	s0 =	sadd.s32 $0x1C0, s4  }
0xa5: {  	[tilespmem:s19], [sflag:$0x4] =	stream.indirect.gather [hbm4b:s1+s15], $0x80, s0, s15, $0xb8;
	[tilespmem:$0x1FC00] =	vst v63  }
0xa6: {  	_ =	swait.ge [sflag:s22], $0x2000  }
0xa7: {  	[sflag:s22] =	ssyncset.done $0x0  }
0xa8: {  	[sflag:s22] =	ssyncadd.s32 $0xFFFFE000  }
0xa9: {  	_ =	swait.ge [sflag:s23], $0x2000  }
0xaa: {  	[sflag:s23] =	ssyncset.done $0x0  }
0xab: {  	s18 =	simm.s32 $0x3B00;
	[sflag:s23] =	ssyncadd.s32 $0xFFFFE000  }
0xac: {  	[spmem:s3] =	stream.indirect.scatter.add.f32 [tilespmem:s20], [sflag:$0x5], $0x80, s18, s16, $0xb8;
	[tilespmem:$0x1FC00] =	vst v63  }
0xad: {  	_ =	swait.ge [sflag:s13], $0x4000  }
0xae: {  	[sflag:s13] =	ssyncset.done $0x0  }
0xaf: {  	[sflag:s13] =	ssyncadd.s32 $0xFFFFC000  }
0xb0: {  	_ =	swait.ge [sflag:s25], $0x2000  }
0xb1: {  	[sflag:s25] =	ssyncset.done $0x0  }
0xb2: {  	[sflag:s25] =	ssyncadd.s32 $0xFFFFE000  }
0xb3: {  	_ =	swait.ge [sflag:s26], $0x2000  }
0xb4: {  	[sflag:s26] =	ssyncset.done $0x0  }
0xb5: {  	s28 =	simm.s32 $0x3B80;
	[sflag:s26] =	ssyncadd.s32 $0xFFFFE000  }
0xb6: {  	[spmem:s3] =	stream.indirect.scatter.add.f32 [tilespmem:s17], [sflag:$0x5], $0x80, s28, s16, $0xb8;
	[tilespmem:$0x1FC00] =	vst v63  }
0xb7: {  	s29 =	stileid.u32;
	_ =	swait.ge [sflag:s13], $0x4000  }
0xb8: {  	s30 =	sadd.s32 $0x1, s30;
	s31 =	sshrl.u32 s6, $0x3;
	[sflag:s13] =	ssyncset.done $0x0  }
0xb9: {  	p0 =	sne.s32 s30, s12;
	s0 =	sshll.u32 s29, $0x6;
	[sflag:s13] =	ssyncadd.s32 $0xFFFFC000  }
.Ltmp2:
0xba: {  	s0 =	sor.u32 $0x1C05, s0;
	[bflag:$0x0] =	sbarrier.arrive $0xFFFF;
	(pc) =	sbr.rel @p0 .LBB2_1-.Ltmp2, $4  }
0xbb: {  	[hbm:s24], [sflag:s0] =	dma.local [spmem:s31], $0x2800  }
0xbc: {  	_ =	swait.ge [sflag:s13], $0x2800  }
0xbd: {  	[sflag:s13] =	ssyncset.done $0x0  }
0xbe: {  	[sflag:s13] =	ssyncadd.s32 $0xFFFFD800  }
0xbf: {  	_ =	sfence.sel $0x180000  }
0xc0: {  	[bflag:$0x0] =	sbarrier.arrive $0xFFFF  }
0xc1: {  	_ =	strace $0x90000047  }
0xc2: {  	s0 =	stileid.u32;
	[bflag:$0x2] =	sbarrier.arrive $0xFFFF  }
0xc3: {  	p0 =	sne.s32 s0, $0x0;
	s0 =	rddreg [dreg:$0x3]  }
0xc4: {  	s0 =	sadd.s32 @!p0 $0x100000, s0  }
0xc5: {  	[sflag:s0] =	ssyncadd.tile.s32 @!p0 $0x1;
	_ =	shalt  }
.Lfunc_end2:
_tile_overlayer_lowered:
.L_overlay_start_2:
0xc6: {  	(tag) =	ssettag $0x2  }
0xc7: {  	s0 =	rddreg [dreg:$0x0];
	s2 =	stileid.u32  }
0xc8: {  	s1 =	rddreg [dreg:$0x1];
	p0 =	sne.s32 s2, $0x0  }
0xc9: {  	s3 =	rddreg [dreg:$0x2];
	[bflag:$0x3] =	sbarrier.arrive $0xFFFF;
	s2 =	simm.s32 @!p0 $0x1C05  }
0xca: {  	[timem:s3], [sflag:s2] =	dma.local @!p0 [hbm:s0], s1  }
0xcb: {  	s0 =	simm.s32 @!p0 $0x5  }
0xcc: {  	_ =	swait.ge @!p0 [sflag:s0], s1  }
0xcd: {  	s1 =	ssub.s32 @!p0 $0x0, s1;
	[sflag:s0] =	ssyncset.done @!p0 $0x0  }
0xce: {  	[sflag:s0] =	ssyncadd.s32 @!p0 s1  }
0xcf: {  	[bflag:$0x3] =	sbarrier.arrive $0xFFFF  }
0xd0: {  	_ =	shalt  }

</sc_bundles>
